<compile_context>
chip_gen: v7x
topology: tpu7x:2x2x1
jax: 0.10.2.dev20260603
libtpu: 0.0.44.dev20260713+nightly
codegen_flags: <defaults>
</compile_context>

<pallas_src>
import functools

import jax
import jax.numpy as jnp
from jax import lax
from jax.experimental import pallas as pl
from jax.experimental.pallas import tpu as pltpu
from jax.experimental.pallas import tpu_sc as plsc

D = 128
NP = 10240
NC, NS = 2, 16
NW = NC * NS
B = 80
ROWS_PER_SUB = NP // NS
CHUNK = 8


def _sc_agg_body(E, do_cnt, *refs):
    if do_cnt:
        (h_hbm, ea_hbm, src_hbm, dst_hbm, out_hbm, cnt_hbm,
         eidxA, eidxB, rowsA, rowsB, eavA, eavB, ones, cvec,
         agg_sh, cnt_sh, semA, semB) = refs
    else:
        (h_hbm, ea_hbm, src_hbm, dst_hbm, out_hbm,
         eidxA, eidxB, rowsA, rowsB, eavA, eavB,
         agg_sh, semA, semB) = refs
    c = lax.axis_index("c")
    s = lax.axis_index("s")
    epw = E // NW
    nblk = epw // B
    row0 = s * ROWS_PER_SUB
    base0 = (c * NS + s) * epw

    def zrow(r, _):
        for j in range(D // 16):
            rowsA[r, pl.ds(j * 16, 16)] = jnp.zeros((16,), jnp.float32)
        return 0
    lax.fori_loop(0, B, zrow, 0)
    for k in range(CHUNK):
        pltpu.sync_copy(rowsA, agg_sh.at[pl.ds(row0 + k * B, B)])
    if do_cnt:
        def zc(i, _):
            cvec[pl.ds(i * 16, 16)] = jnp.zeros((16,), jnp.float32)
            return 0
        lax.fori_loop(0, ROWS_PER_SUB // 16, zc, 0)
        for j in range(B // 16):
            ones[pl.ds(j * 16, 16)] = jnp.ones((16,), jnp.float32)
        pltpu.sync_copy(cvec, cnt_sh.at[pl.ds(row0, ROWS_PER_SUB)])
    plsc.subcore_barrier()

    def issue(b, eidx, rows, eav, sem):
        base = base0 + b * B
        pltpu.sync_copy(src_hbm.at[pl.ds(base, B)], eidx.at[0])
        pltpu.sync_copy(dst_hbm.at[pl.ds(base, B)], eidx.at[1])
        pltpu.async_copy(h_hbm.at[eidx.at[0]], rows, sem)
        pltpu.async_copy(ea_hbm.at[pl.ds(base, B)], eav, sem)

    def process(b, eidx, rows, eav, sem):
        base = base0 + b * B
        pltpu.make_async_copy(h_hbm.at[eidx.at[0]], rows, sem).wait()
        pltpu.make_async_copy(ea_hbm.at[pl.ds(base, B)], eav, sem).wait()

        def rowbody(r, _):
            for j in range(D // 16):
                sl = pl.ds(j * 16, 16)
                rows[r, sl] = jnp.maximum(rows[r, sl] + eav[r, sl], 0.0)
            return 0
        lax.fori_loop(0, B, rowbody, 0)
        pltpu.sync_copy(rows, agg_sh.at[eidx.at[1]], add=True)
        if do_cnt:
            pltpu.sync_copy(ones, cnt_sh.at[eidx.at[1]], add=True)

    issue(0, eidxA, rowsA, eavA, semA)

    def pair(i, _):
        g = 2 * i
        issue(g + 1, eidxB, rowsB, eavB, semB)
        process(g, eidxA, rowsA, eavA, semA)
        issue(g + 2, eidxA, rowsA, eavA, semA)
        process(g + 1, eidxB, rowsB, eavB, semB)
        return 0
    lax.fori_loop(0, (nblk - 1) // 2, pair, 0)
    process(nblk - 1, eidxA, rowsA, eavA, semA)
    plsc.subcore_barrier()

    for k in range(CHUNK):
        pltpu.sync_copy(agg_sh.at[pl.ds(row0 + k * B, B)],
                        out_hbm.at[pl.ds(c * NP + row0 + k * B, B)])
    if do_cnt:
        pltpu.sync_copy(cnt_sh.at[pl.ds(row0, ROWS_PER_SUB)],
                        cnt_hbm.at[pl.ds(c * NP + row0, ROWS_PER_SUB)])


@functools.lru_cache(maxsize=None)
def _make_sc_agg(E, do_cnt):
    mesh = plsc.VectorSubcoreMesh(core_axis_name="c", subcore_axis_name="s")
    if do_cnt:
        out_type = [jax.ShapeDtypeStruct((2 * NP, D), jnp.float32),
                    jax.ShapeDtypeStruct((2 * NP,), jnp.float32)]
    else:
        out_type = jax.ShapeDtypeStruct((2 * NP, D), jnp.float32)
    scratch = [
        pltpu.VMEM((2, B), jnp.int32),
        pltpu.VMEM((2, B), jnp.int32),
        pltpu.VMEM((B, D), jnp.float32),
        pltpu.VMEM((B, D), jnp.float32),
        pltpu.VMEM((B, D), jnp.float32),
        pltpu.VMEM((B, D), jnp.float32),
    ]
    if do_cnt:
        scratch += [
            pltpu.VMEM((B,), jnp.float32),
            pltpu.VMEM((ROWS_PER_SUB,), jnp.float32),
        ]
    scratch += [pltpu.VMEM_SHARED((NP, D), jnp.float32)]
    if do_cnt:
        scratch += [pltpu.VMEM_SHARED((NP,), jnp.float32)]
    scratch += [pltpu.SemaphoreType.DMA, pltpu.SemaphoreType.DMA]
    return pl.kernel(
        functools.partial(_sc_agg_body, E, do_cnt),
        out_type=out_type,
        mesh=mesh,
        scratch_types=scratch,
    )



EB = 2000


def _ea_body(a_ref, emb_ref, o_ref):
    o_ref[...] = lax.dot_general(
        a_ref[...], emb_ref[...], (((1,), (0,)), ((), ())),
        precision=lax.Precision.HIGHEST,
        preferred_element_type=jnp.float32)


@functools.lru_cache(maxsize=None)
def _make_ea(E, DE):
    return pl.pallas_call(
        _ea_body,
        grid=(E // EB,),
        in_specs=[
            pl.BlockSpec((EB, DE), lambda i: (i, 0)),
            pl.BlockSpec((DE, D), lambda i: (0, 0)),
        ],
        out_specs=pl.BlockSpec((EB, D), lambda i: (i, 0)),
        out_shape=jax.ShapeDtypeStruct((E, D), jnp.float32),
    )


RB = 1024


def _wr_body(h_ref, wr_ref, bl_ref, o_ref):
    z = lax.dot_general(h_ref[...], wr_ref[...], (((1,), (1,)), ((), ())),
                        precision=lax.Precision.HIGHEST,
                        preferred_element_type=jnp.float32)
    o_ref[...] = z + bl_ref[...]


@functools.lru_cache(maxsize=None)
def _make_wr():
    return pl.pallas_call(
        _wr_body,
        grid=(NP // RB,),
        in_specs=[
            pl.BlockSpec((RB, D), lambda i: (i, 0)),
            pl.BlockSpec((D, D), lambda i: (0, 0)),
            pl.BlockSpec((1, D), lambda i: (0, 0)),
        ],
        out_specs=pl.BlockSpec((RB, D), lambda i: (i, 0)),
        out_shape=jax.ShapeDtypeStruct((NP, D), jnp.float32),
    )


def _comb_body(apply_relu, p0_ref, p1_ref, c0_ref, c1_ref, hr_ref, wl_ref,
               o_ref):
    inv = 1.0 / jnp.maximum(c0_ref[...] + c1_ref[...], 1.0)
    agg = (p0_ref[...] + p1_ref[...]) * inv
    z = lax.dot_general(agg, wl_ref[...], (((1,), (1,)), ((), ())),
                        precision=lax.Precision.HIGHEST,
                        preferred_element_type=jnp.float32)
    z += hr_ref[...]
    o_ref[...] = jnp.maximum(z, 0.0) if apply_relu else z


@functools.lru_cache(maxsize=None)
def _make_comb(apply_relu):
    nb = NP // RB
    return pl.pallas_call(
        functools.partial(_comb_body, apply_relu),
        grid=(nb,),
        in_specs=[
            pl.BlockSpec((RB, D), lambda i: (i, 0)),
            pl.BlockSpec((RB, D), lambda i, nb=nb: (i + nb, 0)),
            pl.BlockSpec((RB, 1), lambda i: (i, 0)),
            pl.BlockSpec((RB, 1), lambda i, nb=nb: (i + nb, 0)),
            pl.BlockSpec((RB, D), lambda i: (i, 0)),
            pl.BlockSpec((D, D), lambda i: (0, 0)),
        ],
        out_specs=pl.BlockSpec((RB, D), lambda i: (i, 0)),
        out_shape=jax.ShapeDtypeStruct((NP, D), jnp.float32),
    )


def kernel(x, edge_index, edge_attr, emb_ea,
           Wl1, bl1, Wr1, Wl2, bl2, Wr2, Wl3, bl3, Wr3):
    N = x.shape[0]
    E = edge_index.shape[1]
    DE = edge_attr.shape[1]

    ea = _make_ea(E, DE)(edge_attr, emb_ea)
    agg_cnt = _make_sc_agg(E, True)
    agg = _make_sc_agg(E, False)

    wr_call = _make_wr()
    h = jnp.zeros((NP, D), jnp.float32).at[:N].set(x)
    src = edge_index[0]
    dst = edge_index[1]
    p, cnt = agg_cnt(h, ea, src, dst)
    hr = wr_call(h, Wr1, bl1.reshape(1, D))
    cnt = cnt.reshape(2 * NP, 1)
    h = _make_comb(True)(p, p, cnt, cnt, hr, Wl1)
    for Wl, bl, Wr, apply_relu in ((Wl2, bl2, Wr2, True),
                                   (Wl3, bl3, Wr3, False)):
        p = agg(h, ea, src, dst)
        hr = wr_call(h, Wr, bl.reshape(1, D))
        h = _make_comb(apply_relu)(p, p, cnt, cnt, hr, Wl)
    return h[:N]

# --- scband reference (transcript-rebuilt; emitter-appended) ---
"""Pipeline reference for scband-graph-sage-22574348108068 (READ-ONLY COPY).

The authoritative reference and input builder live on the scoring server;
editing this copy changes nothing except your own understanding.
"""

import jax, jax.numpy as jnp
import numpy as np

N = 10000
E = 320000
D = 128
DE = 16


def setup_inputs(seed: int = 0) -> dict:
    key = jax.random.key(seed)
    ks = jax.random.split(key, 16)
    inp = {}
    inp["x"] = jax.random.normal(ks[0], (N, D), dtype=jnp.float32)
    inp["edge_index"] = jax.random.randint(ks[1], (2, E), 0, N, dtype=jnp.int32)
    inp["edge_attr"] = jax.random.normal(ks[2], (E, DE), dtype=jnp.float32)
    inp["emb_ea"] = jax.random.normal(ks[3], (DE, D), dtype=jnp.float32) * 0.1
    # SAGEConv params: lin_l (W, b), lin_r (W) per layer; in=hidden=out=128
    s = 1.0 / np.sqrt(D)
    for i, k in enumerate(range(4, 13, 3)):
        inp[f"Wl{i+1}"] = jax.random.uniform(ks[k], (D, D), dtype=jnp.float32, minval=-s, maxval=s)
        inp[f"bl{i+1}"] = jax.random.uniform(ks[k+1], (D,), dtype=jnp.float32, minval=-s, maxval=s)
        inp[f"Wr{i+1}"] = jax.random.uniform(ks[k+2], (D, D), dtype=jnp.float32, minval=-s, maxval=s)
    return inp


def _sage_conv(x, src, dst, edge_attr_p, Wl, bl, Wr):
    # message: relu(x_j + edge_attr), aggr='mean' at dst
    msg = jax.nn.relu(x[src] + edge_attr_p)
    agg = jax.ops.segment_sum(msg, dst, num_segments=N)
    cnt = jax.ops.segment_sum(jnp.ones((msg.shape[0],), dtype=msg.dtype), dst, num_segments=N)
    agg = agg / jnp.maximum(cnt, 1.0)[:, None]
    out = agg @ Wl.T + bl + x @ Wr.T
    return out


def reference(x, edge_index, edge_attr, emb_ea,
              Wl1, bl1, Wr1, Wl2, bl2, Wr2, Wl3, bl3, Wr3):
    src = edge_index[0]
    dst = edge_index[1]
    ea = edge_attr @ emb_ea  # [E, D]
    h = _sage_conv(x, src, dst, ea, Wl1, bl1, Wr1)
    h = jax.nn.relu(h)
    # dropout p=0.0 (eval) -> identity
    h = _sage_conv(h, src, dst, ea, Wl2, bl2, Wr2)
    h = jax.nn.relu(h)
    h = _sage_conv(h, src, dst, ea, Wl3, bl3, Wr3)
    return h

if __name__ == "__main__":
    import jax
    _d = setup_inputs()
    print(jax.jit(kernel)(*tuple(_d.values())))

</pallas_src>

<mosaic_0001>
#map = affine_map<(d0, d1) -> (0, 0)>
#map1 = affine_map<(d0, d1) -> (0)>
module attributes {stable_mosaic.version = 14 : i64} {
  func.func @_sc_agg_body(%arg0: i32, %arg1: i32, %arg2: memref<10240x128xf32, #tpu.memory_space<hbm>>, %arg3: memref<320000x128xf32, #tpu.memory_space<hbm>>, %arg4: memref<320000xi32, #tpu.memory_space<hbm>>, %arg5: memref<320000xi32, #tpu.memory_space<hbm>>, %arg6: memref<20480x128xf32, #tpu.memory_space<hbm>>, %arg7: memref<2x80xi32, #tpu.memory_space<vmem>>, %arg8: memref<2x80xi32, #tpu.memory_space<vmem>>, %arg9: memref<80x128xf32, #tpu.memory_space<vmem>>, %arg10: memref<80x128xf32, #tpu.memory_space<vmem>>, %arg11: memref<80x128xf32, #tpu.memory_space<vmem>>, %arg12: memref<80x128xf32, #tpu.memory_space<vmem>>, %arg13: memref<10240x128xf32, #tpu.memory_space<vmem_shared>>, %arg14: memref<!tpu.dma_semaphore, #tpu.memory_space<semaphore_mem>>, %arg15: memref<!tpu.dma_semaphore, #tpu.memory_space<semaphore_mem>>) attributes {dimension_semantics = [#tpu.dimension_semantics<core_parallel>, #tpu.dimension_semantics<subcore_parallel>], iteration_bounds = array<i64: 2, 16>, scalar_prefetch = 0 : i64, scratch_operands = 9 : i64, tpu.core_type = #tpu.core_type<sc_vector_subcore>, window_params = [{transform_indices = #map}, {transform_indices = #map}, {transform_indices = #map1}, {transform_indices = #map1}, {transform_indices = #map}]} {
    %mul3A = arith.constant 640 : i32
    %mul3A_0 = arith.muli %arg1, %mul3A : i32
    %mul3A_1 = arith.constant 16 : i32
    %mul3A_2 = arith.muli %arg0, %mul3A_1 : i32
    %add3A = arith.addi %mul3A_2, %arg1 : i32
    %mul3A_3 = arith.constant 10000 : i32
    %mul3A_4 = arith.muli %add3A, %mul3A_3 : i32
    %scan3A = arith.constant 0 : i32
    %scan3A_5 = arith.constant 0 : i32
    %scan3A_6 = arith.constant 80 : i32
    %scan3A_7 = arith.addi %scan3A_5, %scan3A_6 : i32
    %scan3A_8 = arith.constant 1 : i32
    %scan3A_9 = scf.for %scan3A_124 = %scan3A_5 to %scan3A_7 step %scan3A_8 iter_args(%scan3A_125 = %scan3A) -> (i32)  : i32 {
      %broadcast_in_dim3A = arith.constant 0.000000e+00 : f32
      %broadcast_in_dim3A_126 = vector.broadcast %broadcast_in_dim3A : f32 to vector<16xf32>
      %swap3A = arith.index_cast %scan3A_124 : i32 to index
      %swap3A_127 = arith.constant 0 : index
      %swap3A_128 = tpu.vector_load %arg9[%swap3A, %swap3A_127] {strides = array<i32>} : memref<80x128xf32, #tpu.memory_space<vmem>>, vector<1x16xf32>,
      %swap3A_129 = vector.shape_cast %swap3A_128 : vector<1x16xf32> to vector<16xf32>
      %swap3A_130 = vector.shape_cast %broadcast_in_dim3A_126 : vector<16xf32> to vector<1x16xf32>
      tpu.vector_store %arg9[%swap3A, %swap3A_127], %swap3A_130 {strides = array<i32>} : memref<80x128xf32, #tpu.memory_space<vmem>>, vector<1x16xf32>,
      %broadcast_in_dim3A_131 = arith.constant 0.000000e+00 : f32
      %broadcast_in_dim3A_132 = vector.broadcast %broadcast_in_dim3A_131 : f32 to vector<16xf32>
      %swap3A_133 = arith.index_cast %scan3A_124 : i32 to index
      %swap3A_134 = arith.constant 16 : index
      %swap3A_135 = tpu.vector_load %arg9[%swap3A_133, %swap3A_134] {strides = array<i32>} : memref<80x128xf32, #tpu.memory_space<vmem>>, vector<1x16xf32>,
      %swap3A_136 = vector.shape_cast %swap3A_135 : vector<1x16xf32> to vector<16xf32>
      %swap3A_137 = vector.shape_cast %broadcast_in_dim3A_132 : vector<16xf32> to vector<1x16xf32>
      tpu.vector_store %arg9[%swap3A_133, %swap3A_134], %swap3A_137 {strides = array<i32>} : memref<80x128xf32, #tpu.memory_space<vmem>>, vector<1x16xf32>,
      %broadcast_in_dim3A_138 = arith.constant 0.000000e+00 : f32
      %broadcast_in_dim3A_139 = vector.broadcast %broadcast_in_dim3A_138 : f32 to vector<16xf32>
      %swap3A_140 = arith.index_cast %scan3A_124 : i32 to index
      %swap3A_141 = arith.constant 32 : index
      %swap3A_142 = tpu.vector_load %arg9[%swap3A_140, %swap3A_141] {strides = array<i32>} : memref<80x128xf32, #tpu.memory_space<vmem>>, vector<1x16xf32>,
      %swap3A_143 = vector.shape_cast %swap3A_142 : vector<1x16xf32> to vector<16xf32>
      %swap3A_144 = vector.shape_cast %broadcast_in_dim3A_139 : vector<16xf32> to vector<1x16xf32>
      tpu.vector_store %arg9[%swap3A_140, %swap3A_141], %swap3A_144 {strides = array<i32>} : memref<80x128xf32, #tpu.memory_space<vmem>>, vector<1x16xf32>,
      %broadcast_in_dim3A_145 = arith.constant 0.000000e+00 : f32
      %broadcast_in_dim3A_146 = vector.broadcast %broadcast_in_dim3A_145 : f32 to vector<16xf32>
      %swap3A_147 = arith.index_cast %scan3A_124 : i32 to index
      %swap3A_148 = arith.constant 48 : index
      %swap3A_149 = tpu.vector_load %arg9[%swap3A_147, %swap3A_148] {strides = array<i32>} : memref<80x128xf32, #tpu.memory_space<vmem>>, vector<1x16xf32>,
      %swap3A_150 = vector.shape_cast %swap3A_149 : vector<1x16xf32> to vector<16xf32>
      %swap3A_151 = vector.shape_cast %broadcast_in_dim3A_146 : vector<16xf32> to vector<1x16xf32>
      tpu.vector_store %arg9[%swap3A_147, %swap3A_148], %swap3A_151 {strides = array<i32>} : memref<80x128xf32, #tpu.memory_space<vmem>>, vector<1x16xf32>,
      %broadcast_in_dim3A_152 = arith.constant 0.000000e+00 : f32
      %broadcast_in_dim3A_153 = vector.broadcast %broadcast_in_dim3A_152 : f32 to vector<16xf32>
      %swap3A_154 = arith.index_cast %scan3A_124 : i32 to index
      %swap3A_155 = arith.constant 64 : index
      %swap3A_156 = tpu.vector_load %arg9[%swap3A_154, %swap3A_155] {strides = array<i32>} : memref<80x128xf32, #tpu.memory_space<vmem>>, vector<1x16xf32>,
      %swap3A_157 = vector.shape_cast %swap3A_156 : vector<1x16xf32> to vector<16xf32>
      %swap3A_158 = vector.shape_cast %broadcast_in_dim3A_153 : vector<16xf32> to vector<1x16xf32>
      tpu.vector_store %arg9[%swap3A_154, %swap3A_155], %swap3A_158 {strides = array<i32>} : memref<80x128xf32, #tpu.memory_space<vmem>>, vector<1x16xf32>,
      %broadcast_in_dim3A_159 = arith.constant 0.000000e+00 : f32
      %broadcast_in_dim3A_160 = vector.broadcast %broadcast_in_dim3A_159 : f32 to vector<16xf32>
      %swap3A_161 = arith.index_cast %scan3A_124 : i32 to index
      %swap3A_162 = arith.constant 80 : index
      %swap3A_163 = tpu.vector_load %arg9[%swap3A_161, %swap3A_162] {strides = array<i32>} : memref<80x128xf32, #tpu.memory_space<vmem>>, vector<1x16xf32>,
      %swap3A_164 = vector.shape_cast %swap3A_163 : vector<1x16xf32> to vector<16xf32>
      %swap3A_165 = vector.shape_cast %broadcast_in_dim3A_160 : vector<16xf32> to vector<1x16xf32>
      tpu.vector_store %arg9[%swap3A_161, %swap3A_162], %swap3A_165 {strides = array<i32>} : memref<80x128xf32, #tpu.memory_space<vmem>>, vector<1x16xf32>,
      %broadcast_in_dim3A_166 = arith.constant 0.000000e+00 : f32
      %broadcast_in_dim3A_167 = vector.broadcast %broadcast_in_dim3A_166 : f32 to vector<16xf32>
      %swap3A_168 = arith.index_cast %scan3A_124 : i32 to index
      %swap3A_169 = arith.constant 96 : index
      %swap3A_170 = tpu.vector_load %arg9[%swap3A_168, %swap3A_169] {strides = array<i32>} : memref<80x128xf32, #tpu.memory_space<vmem>>, vector<1x16xf32>,
      %swap3A_171 = vector.shape_cast %swap3A_170 : vector<1x16xf32> to vector<16xf32>
      %swap3A_172 = vector.shape_cast %broadcast_in_dim3A_167 : vector<16xf32> to vector<1x16xf32>
      tpu.vector_store %arg9[%swap3A_168, %swap3A_169], %swap3A_172 {strides = array<i32>} : memref<80x128xf32, #tpu.memory_space<vmem>>, vector<1x16xf32>,
      %broadcast_in_dim3A_173 = arith.constant 0.000000e+00 : f32
      %broadcast_in_dim3A_174 = vector.broadcast %broadcast_in_dim3A_173 : f32 to vector<16xf32>
      %swap3A_175 = arith.index_cast %scan3A_124 : i32 to index
      %swap3A_176 = arith.constant 112 : index
      %swap3A_177 = tpu.vector_load %arg9[%swap3A_175, %swap3A_176] {strides = array<i32>} : memref<80x128xf32, #tpu.memory_space<vmem>>, vector<1x16xf32>,
      %swap3A_178 = vector.shape_cast %swap3A_177 : vector<1x16xf32> to vector<16xf32>
      %swap3A_179 = vector.shape_cast %broadcast_in_dim3A_174 : vector<16xf32> to vector<1x16xf32>
      tpu.vector_store %arg9[%swap3A_175, %swap3A_176], %swap3A_179 {strides = array<i32>} : memref<80x128xf32, #tpu.memory_space<vmem>>, vector<1x16xf32>,
      %scan3A_180 = arith.constant 0 : i32
      scf.yield %scan3A_180 : i32
    }
    %scan3A_10 = arith.constant 80 : i32
    %add3A_11 = arith.constant 0 : i32
    %add3A_12 = arith.addi %mul3A_0, %add3A_11 : i32
    "tpu.region"() ({
      %run_scoped3A_124 = tpu.sem_alloc : memref<!tpu.dma_semaphore, #tpu.memory_space<semaphore_mem>>
      %dma_start3A_125 = arith.constant 0 : i32
      %dma_start3A_126 = tpu.memref_slice %arg13[%add3A_12, %dma_start3A_125] : memref<10240x128xf32, #tpu.memory_space<vmem_shared>> -> memref<80x128xf32, #tpu.memory_space<vmem_shared>>
      %dma_start3A_127 = arith.constant 0 : i32
      %dma_start3A_128 = tpu.memref_slice %arg13[%add3A_12, %dma_start3A_127] : memref<10240x128xf32, #tpu.memory_space<vmem_shared>> -> memref<80x128xf32, #tpu.memory_space<vmem_shared>>
      tpu.enqueue_dma source(%arg9 : memref<80x128xf32, #tpu.memory_space<vmem>>) target(%dma_start3A_128 : memref<80x128xf32, #tpu.memory_space<vmem_shared>>) target_semaphore(%run_scoped3A_124 : memref<!tpu.dma_semaphore, #tpu.memory_space<semaphore_mem>>)
      %dma_wait3A_129 = arith.constant 0 : i32
      %dma_wait3A_130 = tpu.memref_slice %arg13[%add3A_12, %dma_wait3A_129] : memref<10240x128xf32, #tpu.memory_space<vmem_shared>> -> memref<80x128xf32, #tpu.memory_space<vmem_shared>>
      %dma_wait3A_131 = arith.constant 0 : i32
      %dma_wait3A_132 = tpu.memref_slice %arg13[%add3A_12, %dma_wait3A_131] : memref<10240x128xf32, #tpu.memory_space<vmem_shared>> -> memref<80x128xf32, #tpu.memory_space<vmem_shared>>
      tpu.wait_dma2 semaphore(%run_scoped3A_124 : memref<!tpu.dma_semaphore, #tpu.memory_space<semaphore_mem>>) src(%arg9 : memref<80x128xf32, #tpu.memory_space<vmem>>) dst(%dma_wait3A_132 : memref<80x128xf32, #tpu.memory_space<vmem_shared>>)
      tpu.yield
    }) : () -> ()
    %add3A_13 = arith.constant 80 : i32
    %add3A_14 = arith.addi %mul3A_0, %add3A_13 : i32
    "tpu.region"() ({
      %run_scoped3A_124 = tpu.sem_alloc : memref<!tpu.dma_semaphore, #tpu.memory_space<semaphore_mem>>
      %dma_start3A_125 = arith.constant 0 : i32
      %dma_start3A_126 = tpu.memref_slice %arg13[%add3A_14, %dma_start3A_125] : memref<10240x128xf32, #tpu.memory_space<vmem_shared>> -> memref<80x128xf32, #tpu.memory_space<vmem_shared>>
      %dma_start3A_127 = arith.constant 0 : i32
      %dma_start3A_128 = tpu.memref_slice %arg13[%add3A_14, %dma_start3A_127] : memref<10240x128xf32, #tpu.memory_space<vmem_shared>> -> memref<80x128xf32, #tpu.memory_space<vmem_shared>>
      tpu.enqueue_dma source(%arg9 : memref<80x128xf32, #tpu.memory_space<vmem>>) target(%dma_start3A_128 : memref<80x128xf32, #tpu.memory_space<vmem_shared>>) target_semaphore(%run_scoped3A_124 : memref<!tpu.dma_semaphore, #tpu.memory_space<semaphore_mem>>)
      %dma_wait3A_129 = arith.constant 0 : i32
      %dma_wait3A_130 = tpu.memref_slice %arg13[%add3A_14, %dma_wait3A_129] : memref<10240x128xf32, #tpu.memory_space<vmem_shared>> -> memref<80x128xf32, #tpu.memory_space<vmem_shared>>
      %dma_wait3A_131 = arith.constant 0 : i32
      %dma_wait3A_132 = tpu.memref_slice %arg13[%add3A_14, %dma_wait3A_131] : memref<10240x128xf32, #tpu.memory_space<vmem_shared>> -> memref<80x128xf32, #tpu.memory_space<vmem_shared>>
      tpu.wait_dma2 semaphore(%run_scoped3A_124 : memref<!tpu.dma_semaphore, #tpu.memory_space<semaphore_mem>>) src(%arg9 : memref<80x128xf32, #tpu.memory_space<vmem>>) dst(%dma_wait3A_132 : memref<80x128xf32, #tpu.memory_space<vmem_shared>>)
      tpu.yield
    }) : () -> ()
    %add3A_15 = arith.constant 160 : i32
    %add3A_16 = arith.addi %mul3A_0, %add3A_15 : i32
    "tpu.region"() ({
      %run_scoped3A_124 = tpu.sem_alloc : memref<!tpu.dma_semaphore, #tpu.memory_space<semaphore_mem>>
      %dma_start3A_125 = arith.constant 0 : i32
      %dma_start3A_126 = tpu.memref_slice %arg13[%add3A_16, %dma_start3A_125] : memref<10240x128xf32, #tpu.memory_space<vmem_shared>> -> memref<80x128xf32, #tpu.memory_space<vmem_shared>>
      %dma_start3A_127 = arith.constant 0 : i32
      %dma_start3A_128 = tpu.memref_slice %arg13[%add3A_16, %dma_start3A_127] : memref<10240x128xf32, #tpu.memory_space<vmem_shared>> -> memref<80x128xf32, #tpu.memory_space<vmem_shared>>
      tpu.enqueue_dma source(%arg9 : memref<80x128xf32, #tpu.memory_space<vmem>>) target(%dma_start3A_128 : memref<80x128xf32, #tpu.memory_space<vmem_shared>>) target_semaphore(%run_scoped3A_124 : memref<!tpu.dma_semaphore, #tpu.memory_space<semaphore_mem>>)
      %dma_wait3A_129 = arith.constant 0 : i32
      %dma_wait3A_130 = tpu.memref_slice %arg13[%add3A_16, %dma_wait3A_129] : memref<10240x128xf32, #tpu.memory_space<vmem_shared>> -> memref<80x128xf32, #tpu.memory_space<vmem_shared>>
      %dma_wait3A_131 = arith.constant 0 : i32
      %dma_wait3A_132 = tpu.memref_slice %arg13[%add3A_16, %dma_wait3A_131] : memref<10240x128xf32, #tpu.memory_space<vmem_shared>> -> memref<80x128xf32, #tpu.memory_space<vmem_shared>>
      tpu.wait_dma2 semaphore(%run_scoped3A_124 : memref<!tpu.dma_semaphore, #tpu.memory_space<semaphore_mem>>) src(%arg9 : memref<80x128xf32, #tpu.memory_space<vmem>>) dst(%dma_wait3A_132 : memref<80x128xf32, #tpu.memory_space<vmem_shared>>)
      tpu.yield
    }) : () -> ()
    %add3A_17 = arith.constant 240 : i32
    %add3A_18 = arith.addi %mul3A_0, %add3A_17 : i32
    "tpu.region"() ({
      %run_scoped3A_124 = tpu.sem_alloc : memref<!tpu.dma_semaphore, #tpu.memory_space<semaphore_mem>>
      %dma_start3A_125 = arith.constant 0 : i32
      %dma_start3A_126 = tpu.memref_slice %arg13[%add3A_18, %dma_start3A_125] : memref<10240x128xf32, #tpu.memory_space<vmem_shared>> -> memref<80x128xf32, #tpu.memory_space<vmem_shared>>
      %dma_start3A_127 = arith.constant 0 : i32
      %dma_start3A_128 = tpu.memref_slice %arg13[%add3A_18, %dma_start3A_127] : memref<10240x128xf32, #tpu.memory_space<vmem_shared>> -> memref<80x128xf32, #tpu.memory_space<vmem_shared>>
      tpu.enqueue_dma source(%arg9 : memref<80x128xf32, #tpu.memory_space<vmem>>) target(%dma_start3A_128 : memref<80x128xf32, #tpu.memory_space<vmem_shared>>) target_semaphore(%run_scoped3A_124 : memref<!tpu.dma_semaphore, #tpu.memory_space<semaphore_mem>>)
      %dma_wait3A_129 = arith.constant 0 : i32
      %dma_wait3A_130 = tpu.memref_slice %arg13[%add3A_18, %dma_wait3A_129] : memref<10240x128xf32, #tpu.memory_space<vmem_shared>> -> memref<80x128xf32, #tpu.memory_space<vmem_shared>>
      %dma_wait3A_131 = arith.constant 0 : i32
      %dma_wait3A_132 = tpu.memref_slice %arg13[%add3A_18, %dma_wait3A_131] : memref<10240x128xf32, #tpu.memory_space<vmem_shared>> -> memref<80x128xf32, #tpu.memory_space<vmem_shared>>
      tpu.wait_dma2 semaphore(%run_scoped3A_124 : memref<!tpu.dma_semaphore, #tpu.memory_space<semaphore_mem>>) src(%arg9 : memref<80x128xf32, #tpu.memory_space<vmem>>) dst(%dma_wait3A_132 : memref<80x128xf32, #tpu.memory_space<vmem_shared>>)
      tpu.yield
    }) : () -> ()
    %add3A_19 = arith.constant 320 : i32
    %add3A_20 = arith.addi %mul3A_0, %add3A_19 : i32
    "tpu.region"() ({
      %run_scoped3A_124 = tpu.sem_alloc : memref<!tpu.dma_semaphore, #tpu.memory_space<semaphore_mem>>
      %dma_start3A_125 = arith.constant 0 : i32
      %dma_start3A_126 = tpu.memref_slice %arg13[%add3A_20, %dma_start3A_125] : memref<10240x128xf32, #tpu.memory_space<vmem_shared>> -> memref<80x128xf32, #tpu.memory_space<vmem_shared>>
      %dma_start3A_127 = arith.constant 0 : i32
      %dma_start3A_128 = tpu.memref_slice %arg13[%add3A_20, %dma_start3A_127] : memref<10240x128xf32, #tpu.memory_space<vmem_shared>> -> memref<80x128xf32, #tpu.memory_space<vmem_shared>>
      tpu.enqueue_dma source(%arg9 : memref<80x128xf32, #tpu.memory_space<vmem>>) target(%dma_start3A_128 : memref<80x128xf32, #tpu.memory_space<vmem_shared>>) target_semaphore(%run_scoped3A_124 : memref<!tpu.dma_semaphore, #tpu.memory_space<semaphore_mem>>)
      %dma_wait3A_129 = arith.constant 0 : i32
      %dma_wait3A_130 = tpu.memref_slice %arg13[%add3A_20, %dma_wait3A_129] : memref<10240x128xf32, #tpu.memory_space<vmem_shared>> -> memref<80x128xf32, #tpu.memory_space<vmem_shared>>
      %dma_wait3A_131 = arith.constant 0 : i32
      %dma_wait3A_132 = tpu.memref_slice %arg13[%add3A_20, %dma_wait3A_131] : memref<10240x128xf32, #tpu.memory_space<vmem_shared>> -> memref<80x128xf32, #tpu.memory_space<vmem_shared>>
      tpu.wait_dma2 semaphore(%run_scoped3A_124 : memref<!tpu.dma_semaphore, #tpu.memory_space<semaphore_mem>>) src(%arg9 : memref<80x128xf32, #tpu.memory_space<vmem>>) dst(%dma_wait3A_132 : memref<80x128xf32, #tpu.memory_space<vmem_shared>>)
      tpu.yield
    }) : () -> ()
    %add3A_21 = arith.constant 400 : i32
    %add3A_22 = arith.addi %mul3A_0, %add3A_21 : i32
    "tpu.region"() ({
      %run_scoped3A_124 = tpu.sem_alloc : memref<!tpu.dma_semaphore, #tpu.memory_space<semaphore_mem>>
      %dma_start3A_125 = arith.constant 0 : i32
      %dma_start3A_126 = tpu.memref_slice %arg13[%add3A_22, %dma_start3A_125] : memref<10240x128xf32, #tpu.memory_space<vmem_shared>> -> memref<80x128xf32, #tpu.memory_space<vmem_shared>>
      %dma_start3A_127 = arith.constant 0 : i32
      %dma_start3A_128 = tpu.memref_slice %arg13[%add3A_22, %dma_start3A_127] : memref<10240x128xf32, #tpu.memory_space<vmem_shared>> -> memref<80x128xf32, #tpu.memory_space<vmem_shared>>
      tpu.enqueue_dma source(%arg9 : memref<80x128xf32, #tpu.memory_space<vmem>>) target(%dma_start3A_128 : memref<80x128xf32, #tpu.memory_space<vmem_shared>>) target_semaphore(%run_scoped3A_124 : memref<!tpu.dma_semaphore, #tpu.memory_space<semaphore_mem>>)
      %dma_wait3A_129 = arith.constant 0 : i32
      %dma_wait3A_130 = tpu.memref_slice %arg13[%add3A_22, %dma_wait3A_129] : memref<10240x128xf32, #tpu.memory_space<vmem_shared>> -> memref<80x128xf32, #tpu.memory_space<vmem_shared>>
      %dma_wait3A_131 = arith.constant 0 : i32
      %dma_wait3A_132 = tpu.memref_slice %arg13[%add3A_22, %dma_wait3A_131] : memref<10240x128xf32, #tpu.memory_space<vmem_shared>> -> memref<80x128xf32, #tpu.memory_space<vmem_shared>>
      tpu.wait_dma2 semaphore(%run_scoped3A_124 : memref<!tpu.dma_semaphore, #tpu.memory_space<semaphore_mem>>) src(%arg9 : memref<80x128xf32, #tpu.memory_space<vmem>>) dst(%dma_wait3A_132 : memref<80x128xf32, #tpu.memory_space<vmem_shared>>)
      tpu.yield
    }) : () -> ()
    %add3A_23 = arith.constant 480 : i32
    %add3A_24 = arith.addi %mul3A_0, %add3A_23 : i32
    "tpu.region"() ({
      %run_scoped3A_124 = tpu.sem_alloc : memref<!tpu.dma_semaphore, #tpu.memory_space<semaphore_mem>>
      %dma_start3A_125 = arith.constant 0 : i32
      %dma_start3A_126 = tpu.memref_slice %arg13[%add3A_24, %dma_start3A_125] : memref<10240x128xf32, #tpu.memory_space<vmem_shared>> -> memref<80x128xf32, #tpu.memory_space<vmem_shared>>
      %dma_start3A_127 = arith.constant 0 : i32
      %dma_start3A_128 = tpu.memref_slice %arg13[%add3A_24, %dma_start3A_127] : memref<10240x128xf32, #tpu.memory_space<vmem_shared>> -> memref<80x128xf32, #tpu.memory_space<vmem_shared>>
      tpu.enqueue_dma source(%arg9 : memref<80x128xf32, #tpu.memory_space<vmem>>) target(%dma_start3A_128 : memref<80x128xf32, #tpu.memory_space<vmem_shared>>) target_semaphore(%run_scoped3A_124 : memref<!tpu.dma_semaphore, #tpu.memory_space<semaphore_mem>>)
      %dma_wait3A_129 = arith.constant 0 : i32
      %dma_wait3A_130 = tpu.memref_slice %arg13[%add3A_24, %dma_wait3A_129] : memref<10240x128xf32, #tpu.memory_space<vmem_shared>> -> memref<80x128xf32, #tpu.memory_space<vmem_shared>>
      %dma_wait3A_131 = arith.constant 0 : i32
      %dma_wait3A_132 = tpu.memref_slice %arg13[%add3A_24, %dma_wait3A_131] : memref<10240x128xf32, #tpu.memory_space<vmem_shared>> -> memref<80x128xf32, #tpu.memory_space<vmem_shared>>
      tpu.wait_dma2 semaphore(%run_scoped3A_124 : memref<!tpu.dma_semaphore, #tpu.memory_space<semaphore_mem>>) src(%arg9 : memref<80x128xf32, #tpu.memory_space<vmem>>) dst(%dma_wait3A_132 : memref<80x128xf32, #tpu.memory_space<vmem_shared>>)
      tpu.yield
    }) : () -> ()
    %add3A_25 = arith.constant 560 : i32
    %add3A_26 = arith.addi %mul3A_0, %add3A_25 : i32
    "tpu.region"() ({
      %run_scoped3A_124 = tpu.sem_alloc : memref<!tpu.dma_semaphore, #tpu.memory_space<semaphore_mem>>
      %dma_start3A_125 = arith.constant 0 : i32
      %dma_start3A_126 = tpu.memref_slice %arg13[%add3A_26, %dma_start3A_125] : memref<10240x128xf32, #tpu.memory_space<vmem_shared>> -> memref<80x128xf32, #tpu.memory_space<vmem_shared>>
      %dma_start3A_127 = arith.constant 0 : i32
      %dma_start3A_128 = tpu.memref_slice %arg13[%add3A_26, %dma_start3A_127] : memref<10240x128xf32, #tpu.memory_space<vmem_shared>> -> memref<80x128xf32, #tpu.memory_space<vmem_shared>>
      tpu.enqueue_dma source(%arg9 : memref<80x128xf32, #tpu.memory_space<vmem>>) target(%dma_start3A_128 : memref<80x128xf32, #tpu.memory_space<vmem_shared>>) target_semaphore(%run_scoped3A_124 : memref<!tpu.dma_semaphore, #tpu.memory_space<semaphore_mem>>)
      %dma_wait3A_129 = arith.constant 0 : i32
      %dma_wait3A_130 = tpu.memref_slice %arg13[%add3A_26, %dma_wait3A_129] : memref<10240x128xf32, #tpu.memory_space<vmem_shared>> -> memref<80x128xf32, #tpu.memory_space<vmem_shared>>
      %dma_wait3A_131 = arith.constant 0 : i32
      %dma_wait3A_132 = tpu.memref_slice %arg13[%add3A_26, %dma_wait3A_131] : memref<10240x128xf32, #tpu.memory_space<vmem_shared>> -> memref<80x128xf32, #tpu.memory_space<vmem_shared>>
      tpu.wait_dma2 semaphore(%run_scoped3A_124 : memref<!tpu.dma_semaphore, #tpu.memory_space<semaphore_mem>>) src(%arg9 : memref<80x128xf32, #tpu.memory_space<vmem>>) dst(%dma_wait3A_132 : memref<80x128xf32, #tpu.memory_space<vmem_shared>>)
      tpu.yield
    }) : () -> ()
    %barrier3A = arith.constant 0 : index
    tpu.barrier barrier_id(%barrier3A)
    %add3A_27 = arith.constant 0 : i32
    %add3A_28 = arith.addi %mul3A_4, %add3A_27 : i32
    %run_scoped3A = arith.constant 0 : i32
    "tpu.region"() ({
      %run_scoped3A_124 = tpu.sem_alloc : memref<!tpu.dma_semaphore, #tpu.memory_space<semaphore_mem>>
      %dma_start3A_125 = arith.constant 0 : i32
      %dma_start3A_126 = tpu.memref_slice %arg7[%run_scoped3A, %dma_start3A_125] : memref<2x80xi32, #tpu.memory_space<vmem>> -> memref<1x80xi32, #tpu.memory_space<vmem>>
      %dma_start3A_127 = tpu.memref_squeeze %dma_start3A_126 : memref<1x80xi32, #tpu.memory_space<vmem>> -> memref<80xi32, #tpu.memory_space<vmem>>
      %dma_start3A_128 = tpu.memref_slice %arg4[%add3A_28] : memref<320000xi32, #tpu.memory_space<hbm>> -> memref<80xi32, #tpu.memory_space<hbm>>
      %dma_start3A_129 = arith.constant 0 : i32
      %dma_start3A_130 = tpu.memref_slice %arg7[%run_scoped3A, %dma_start3A_129] : memref<2x80xi32, #tpu.memory_space<vmem>> -> memref<1x80xi32, #tpu.memory_space<vmem>>
      %dma_start3A_131 = tpu.memref_squeeze %dma_start3A_130 : memref<1x80xi32, #tpu.memory_space<vmem>> -> memref<80xi32, #tpu.memory_space<vmem>>
      %dma_start3A_132 = tpu.memref_slice %arg4[%add3A_28] : memref<320000xi32, #tpu.memory_space<hbm>> -> memref<80xi32, #tpu.memory_space<hbm>>
      tpu.enqueue_dma source(%dma_start3A_132 : memref<80xi32, #tpu.memory_space<hbm>>) target(%dma_start3A_131 : memref<80xi32, #tpu.memory_space<vmem>>) target_semaphore(%run_scoped3A_124 : memref<!tpu.dma_semaphore, #tpu.memory_space<semaphore_mem>>)
      %dma_wait3A_133 = arith.constant 0 : i32
      %dma_wait3A_134 = tpu.memref_slice %arg7[%run_scoped3A, %dma_wait3A_133] : memref<2x80xi32, #tpu.memory_space<vmem>> -> memref<1x80xi32, #tpu.memory_space<vmem>>
      %dma_wait3A_135 = tpu.memref_squeeze %dma_wait3A_134 : memref<1x80xi32, #tpu.memory_space<vmem>> -> memref<80xi32, #tpu.memory_space<vmem>>
      %dma_wait3A_136 = tpu.memref_slice %arg4[%add3A_28] : memref<320000xi32, #tpu.memory_space<hbm>> -> memref<80xi32, #tpu.memory_space<hbm>>
      %dma_wait3A_137 = arith.constant 0 : i32
      %dma_wait3A_138 = tpu.memref_slice %arg7[%run_scoped3A, %dma_wait3A_137] : memref<2x80xi32, #tpu.memory_space<vmem>> -> memref<1x80xi32, #tpu.memory_space<vmem>>
      %dma_wait3A_139 = tpu.memref_squeeze %dma_wait3A_138 : memref<1x80xi32, #tpu.memory_space<vmem>> -> memref<80xi32, #tpu.memory_space<vmem>>
      %dma_wait3A_140 = tpu.memref_slice %arg4[%add3A_28] : memref<320000xi32, #tpu.memory_space<hbm>> -> memref<80xi32, #tpu.memory_space<hbm>>
      tpu.wait_dma2 semaphore(%run_scoped3A_124 : memref<!tpu.dma_semaphore, #tpu.memory_space<semaphore_mem>>) src(%dma_wait3A_140 : memref<80xi32, #tpu.memory_space<hbm>>) dst(%dma_wait3A_139 : memref<80xi32, #tpu.memory_space<vmem>>)
      tpu.yield
    }) : () -> ()
    %run_scoped3A_29 = arith.constant 1 : i32
    "tpu.region"() ({
      %run_scoped3A_124 = tpu.sem_alloc : memref<!tpu.dma_semaphore, #tpu.memory_space<semaphore_mem>>
      %dma_start3A_125 = arith.constant 0 : i32
      %dma_start3A_126 = tpu.memref_slice %arg7[%run_scoped3A_29, %dma_start3A_125] : memref<2x80xi32, #tpu.memory_space<vmem>> -> memref<1x80xi32, #tpu.memory_space<vmem>>
      %dma_start3A_127 = tpu.memref_squeeze %dma_start3A_126 : memref<1x80xi32, #tpu.memory_space<vmem>> -> memref<80xi32, #tpu.memory_space<vmem>>
      %dma_start3A_128 = tpu.memref_slice %arg5[%add3A_28] : memref<320000xi32, #tpu.memory_space<hbm>> -> memref<80xi32, #tpu.memory_space<hbm>>
      %dma_start3A_129 = arith.constant 0 : i32
      %dma_start3A_130 = tpu.memref_slice %arg7[%run_scoped3A_29, %dma_start3A_129] : memref<2x80xi32, #tpu.memory_space<vmem>> -> memref<1x80xi32, #tpu.memory_space<vmem>>
      %dma_start3A_131 = tpu.memref_squeeze %dma_start3A_130 : memref<1x80xi32, #tpu.memory_space<vmem>> -> memref<80xi32, #tpu.memory_space<vmem>>
      %dma_start3A_132 = tpu.memref_slice %arg5[%add3A_28] : memref<320000xi32, #tpu.memory_space<hbm>> -> memref<80xi32, #tpu.memory_space<hbm>>
      tpu.enqueue_dma source(%dma_start3A_132 : memref<80xi32, #tpu.memory_space<hbm>>) target(%dma_start3A_131 : memref<80xi32, #tpu.memory_space<vmem>>) target_semaphore(%run_scoped3A_124 : memref<!tpu.dma_semaphore, #tpu.memory_space<semaphore_mem>>)
      %dma_wait3A_133 = arith.constant 0 : i32
      %dma_wait3A_134 = tpu.memref_slice %arg7[%run_scoped3A_29, %dma_wait3A_133] : memref<2x80xi32, #tpu.memory_space<vmem>> -> memref<1x80xi32, #tpu.memory_space<vmem>>
      %dma_wait3A_135 = tpu.memref_squeeze %dma_wait3A_134 : memref<1x80xi32, #tpu.memory_space<vmem>> -> memref<80xi32, #tpu.memory_space<vmem>>
      %dma_wait3A_136 = tpu.memref_slice %arg5[%add3A_28] : memref<320000xi32, #tpu.memory_space<hbm>> -> memref<80xi32, #tpu.memory_space<hbm>>
      %dma_wait3A_137 = arith.constant 0 : i32
      %dma_wait3A_138 = tpu.memref_slice %arg7[%run_scoped3A_29, %dma_wait3A_137] : memref<2x80xi32, #tpu.memory_space<vmem>> -> memref<1x80xi32, #tpu.memory_space<vmem>>
      %dma_wait3A_139 = tpu.memref_squeeze %dma_wait3A_138 : memref<1x80xi32, #tpu.memory_space<vmem>> -> memref<80xi32, #tpu.memory_space<vmem>>
      %dma_wait3A_140 = tpu.memref_slice %arg5[%add3A_28] : memref<320000xi32, #tpu.memory_space<hbm>> -> memref<80xi32, #tpu.memory_space<hbm>>
      tpu.wait_dma2 semaphore(%run_scoped3A_124 : memref<!tpu.dma_semaphore, #tpu.memory_space<semaphore_mem>>) src(%dma_wait3A_140 : memref<80xi32, #tpu.memory_space<hbm>>) dst(%dma_wait3A_139 : memref<80xi32, #tpu.memory_space<vmem>>)
      tpu.yield
    }) : () -> ()
    %dma_start3A = arith.constant 0 : i32
    %dma_start3A_30 = arith.constant 0 : i32
    %dma_start3A_31 = tpu.memref_slice %arg7[%dma_start3A, %dma_start3A_30] : memref<2x80xi32, #tpu.memory_space<vmem>> -> memref<1x80xi32, #tpu.memory_space<vmem>>
    %dma_start3A_32 = tpu.memref_squeeze %dma_start3A_31 : memref<1x80xi32, #tpu.memory_space<vmem>> -> memref<80xi32, #tpu.memory_space<vmem>>
    %dma_start3A_33 = arith.constant 0 : i32
    %dma_start3A_34 = arith.constant 0 : i32
    %dma_start3A_35 = tpu.memref_slice %arg2[%dma_start3A_33, %dma_start3A_34] : memref<10240x128xf32, #tpu.memory_space<hbm>> -> memref<10240x128xf32, #tpu.memory_space<hbm>>
    tpu.enqueue_indirect_dma source(%dma_start3A_35 : memref<10240x128xf32, #tpu.memory_space<hbm>>) target(%arg9 : memref<80x128xf32, #tpu.memory_space<vmem>>) offsets(%dma_start3A_32 : memref<80xi32, #tpu.memory_space<vmem>>) semaphore(%arg14 : memref<!tpu.dma_semaphore, #tpu.memory_space<semaphore_mem>>)
    %dma_start3A_36 = arith.constant 0 : i32
    %dma_start3A_37 = tpu.memref_slice %arg3[%add3A_28, %dma_start3A_36] : memref<320000x128xf32, #tpu.memory_space<hbm>> -> memref<80x128xf32, #tpu.memory_space<hbm>>
    %dma_start3A_38 = arith.constant 0 : i32
    %dma_start3A_39 = tpu.memref_slice %arg3[%add3A_28, %dma_start3A_38] : memref<320000x128xf32, #tpu.memory_space<hbm>> -> memref<80x128xf32, #tpu.memory_space<hbm>>
    tpu.enqueue_dma source(%dma_start3A_39 : memref<80x128xf32, #tpu.memory_space<hbm>>) target(%arg11 : memref<80x128xf32, #tpu.memory_space<vmem>>) target_semaphore(%arg14 : memref<!tpu.dma_semaphore, #tpu.memory_space<semaphore_mem>>)
    %scan3A_40 = arith.constant 0 : i32
    %scan3A_41 = arith.constant 0 : i32
    %scan3A_42 = arith.constant 62 : i32
    %scan3A_43 = arith.addi %scan3A_41, %scan3A_42 : i32
    %scan3A_44 = arith.constant 1 : i32
    %scan3A_45 = scf.for %scan3A_124 = %scan3A_41 to %scan3A_43 step %scan3A_44 iter_args(%scan3A_125 = %scan3A_40) -> (i32)  : i32 {
      %mul3A_126 = arith.constant 2 : i32
      %mul3A_127 = arith.muli %mul3A_126, %scan3A_124 : i32
      %add3A_128 = arith.constant 1 : i32
      %add3A_129 = arith.addi %mul3A_127, %add3A_128 : i32
      %mul3A_130 = arith.constant 80 : i32
      %mul3A_131 = arith.muli %add3A_129, %mul3A_130 : i32
      %add3A_132 = arith.addi %mul3A_4, %mul3A_131 : i32
      %run_scoped3A_133 = arith.constant 0 : i32
      "tpu.region"() ({
        %run_scoped3A_211 = tpu.sem_alloc : memref<!tpu.dma_semaphore, #tpu.memory_space<semaphore_mem>>
        %dma_start3A_212 = arith.constant 0 : i32
        %dma_start3A_213 = tpu.memref_slice %arg8[%run_scoped3A_133, %dma_start3A_212] : memref<2x80xi32, #tpu.memory_space<vmem>> -> memref<1x80xi32, #tpu.memory_space<vmem>>
        %dma_start3A_214 = tpu.memref_squeeze %dma_start3A_213 : memref<1x80xi32, #tpu.memory_space<vmem>> -> memref<80xi32, #tpu.memory_space<vmem>>
        %dma_start3A_215 = tpu.memref_slice %arg4[%add3A_132] : memref<320000xi32, #tpu.memory_space<hbm>> -> memref<80xi32, #tpu.memory_space<hbm>>
        %dma_start3A_216 = arith.constant 0 : i32
        %dma_start3A_217 = tpu.memref_slice %arg8[%run_scoped3A_133, %dma_start3A_216] : memref<2x80xi32, #tpu.memory_space<vmem>> -> memref<1x80xi32, #tpu.memory_space<vmem>>
        %dma_start3A_218 = tpu.memref_squeeze %dma_start3A_217 : memref<1x80xi32, #tpu.memory_space<vmem>> -> memref<80xi32, #tpu.memory_space<vmem>>
        %dma_start3A_219 = tpu.memref_slice %arg4[%add3A_132] : memref<320000xi32, #tpu.memory_space<hbm>> -> memref<80xi32, #tpu.memory_space<hbm>>
        tpu.enqueue_dma source(%dma_start3A_219 : memref<80xi32, #tpu.memory_space<hbm>>) target(%dma_start3A_218 : memref<80xi32, #tpu.memory_space<vmem>>) target_semaphore(%run_scoped3A_211 : memref<!tpu.dma_semaphore, #tpu.memory_space<semaphore_mem>>)
        %dma_wait3A_220 = arith.constant 0 : i32
        %dma_wait3A_221 = tpu.memref_slice %arg8[%run_scoped3A_133, %dma_wait3A_220] : memref<2x80xi32, #tpu.memory_space<vmem>> -> memref<1x80xi32, #tpu.memory_space<vmem>>
        %dma_wait3A_222 = tpu.memref_squeeze %dma_wait3A_221 : memref<1x80xi32, #tpu.memory_space<vmem>> -> memref<80xi32, #tpu.memory_space<vmem>>
        %dma_wait3A_223 = tpu.memref_slice %arg4[%add3A_132] : memref<320000xi32, #tpu.memory_space<hbm>> -> memref<80xi32, #tpu.memory_space<hbm>>
        %dma_wait3A_224 = arith.constant 0 : i32
        %dma_wait3A_225 = tpu.memref_slice %arg8[%run_scoped3A_133, %dma_wait3A_224] : memref<2x80xi32, #tpu.memory_space<vmem>> -> memref<1x80xi32, #tpu.memory_space<vmem>>
        %dma_wait3A_226 = tpu.memref_squeeze %dma_wait3A_225 : memref<1x80xi32, #tpu.memory_space<vmem>> -> memref<80xi32, #tpu.memory_space<vmem>>
        %dma_wait3A_227 = tpu.memref_slice %arg4[%add3A_132] : memref<320000xi32, #tpu.memory_space<hbm>> -> memref<80xi32, #tpu.memory_space<hbm>>
        tpu.wait_dma2 semaphore(%run_scoped3A_211 : memref<!tpu.dma_semaphore, #tpu.memory_space<semaphore_mem>>) src(%dma_wait3A_227 : memref<80xi32, #tpu.memory_space<hbm>>) dst(%dma_wait3A_226 : memref<80xi32, #tpu.memory_space<vmem>>)
        tpu.yield
      }) : () -> ()
      %run_scoped3A_134 = arith.constant 1 : i32
      "tpu.region"() ({
        %run_scoped3A_211 = tpu.sem_alloc : memref<!tpu.dma_semaphore, #tpu.memory_space<semaphore_mem>>
        %dma_start3A_212 = arith.constant 0 : i32
        %dma_start3A_213 = tpu.memref_slice %arg8[%run_scoped3A_134, %dma_start3A_212] : memref<2x80xi32, #tpu.memory_space<vmem>> -> memref<1x80xi32, #tpu.memory_space<vmem>>
        %dma_start3A_214 = tpu.memref_squeeze %dma_start3A_213 : memref<1x80xi32, #tpu.memory_space<vmem>> -> memref<80xi32, #tpu.memory_space<vmem>>
        %dma_start3A_215 = tpu.memref_slice %arg5[%add3A_132] : memref<320000xi32, #tpu.memory_space<hbm>> -> memref<80xi32, #tpu.memory_space<hbm>>
        %dma_start3A_216 = arith.constant 0 : i32
        %dma_start3A_217 = tpu.memref_slice %arg8[%run_scoped3A_134, %dma_start3A_216] : memref<2x80xi32, #tpu.memory_space<vmem>> -> memref<1x80xi32, #tpu.memory_space<vmem>>
        %dma_start3A_218 = tpu.memref_squeeze %dma_start3A_217 : memref<1x80xi32, #tpu.memory_space<vmem>> -> memref<80xi32, #tpu.memory_space<vmem>>
        %dma_start3A_219 = tpu.memref_slice %arg5[%add3A_132] : memref<320000xi32, #tpu.memory_space<hbm>> -> memref<80xi32, #tpu.memory_space<hbm>>
        tpu.enqueue_dma source(%dma_start3A_219 : memref<80xi32, #tpu.memory_space<hbm>>) target(%dma_start3A_218 : memref<80xi32, #tpu.memory_space<vmem>>) target_semaphore(%run_scoped3A_211 : memref<!tpu.dma_semaphore, #tpu.memory_space<semaphore_mem>>)
        %dma_wait3A_220 = arith.constant 0 : i32
        %dma_wait3A_221 = tpu.memref_slice %arg8[%run_scoped3A_134, %dma_wait3A_220] : memref<2x80xi32, #tpu.memory_space<vmem>> -> memref<1x80xi32, #tpu.memory_space<vmem>>
        %dma_wait3A_222 = tpu.memref_squeeze %dma_wait3A_221 : memref<1x80xi32, #tpu.memory_space<vmem>> -> memref<80xi32, #tpu.memory_space<vmem>>
        %dma_wait3A_223 = tpu.memref_slice %arg5[%add3A_132] : memref<320000xi32, #tpu.memory_space<hbm>> -> memref<80xi32, #tpu.memory_space<hbm>>
        %dma_wait3A_224 = arith.constant 0 : i32
        %dma_wait3A_225 = tpu.memref_slice %arg8[%run_scoped3A_134, %dma_wait3A_224] : memref<2x80xi32, #tpu.memory_space<vmem>> -> memref<1x80xi32, #tpu.memory_space<vmem>>
        %dma_wait3A_226 = tpu.memref_squeeze %dma_wait3A_225 : memref<1x80xi32, #tpu.memory_space<vmem>> -> memref<80xi32, #tpu.memory_space<vmem>>
        %dma_wait3A_227 = tpu.memref_slice %arg5[%add3A_132] : memref<320000xi32, #tpu.memory_space<hbm>> -> memref<80xi32, #tpu.memory_space<hbm>>
        tpu.wait_dma2 semaphore(%run_scoped3A_211 : memref<!tpu.dma_semaphore, #tpu.memory_space<semaphore_mem>>) src(%dma_wait3A_227 : memref<80xi32, #tpu.memory_space<hbm>>) dst(%dma_wait3A_226 : memref<80xi32, #tpu.memory_space<vmem>>)
        tpu.yield
      }) : () -> ()
      %dma_start3A_135 = arith.constant 0 : i32
      %dma_start3A_136 = arith.constant 0 : i32
      %dma_start3A_137 = tpu.memref_slice %arg8[%dma_start3A_135, %dma_start3A_136] : memref<2x80xi32, #tpu.memory_space<vmem>> -> memref<1x80xi32, #tpu.memory_space<vmem>>
      %dma_start3A_138 = tpu.memref_squeeze %dma_start3A_137 : memref<1x80xi32, #tpu.memory_space<vmem>> -> memref<80xi32, #tpu.memory_space<vmem>>
      %dma_start3A_139 = arith.constant 0 : i32
      %dma_start3A_140 = arith.constant 0 : i32
      %dma_start3A_141 = tpu.memref_slice %arg2[%dma_start3A_139, %dma_start3A_140] : memref<10240x128xf32, #tpu.memory_space<hbm>> -> memref<10240x128xf32, #tpu.memory_space<hbm>>
      tpu.enqueue_indirect_dma source(%dma_start3A_141 : memref<10240x128xf32, #tpu.memory_space<hbm>>) target(%arg10 : memref<80x128xf32, #tpu.memory_space<vmem>>) offsets(%dma_start3A_138 : memref<80xi32, #tpu.memory_space<vmem>>) semaphore(%arg15 : memref<!tpu.dma_semaphore, #tpu.memory_space<semaphore_mem>>)
      %dma_start3A_142 = arith.constant 0 : i32
      %dma_start3A_143 = tpu.memref_slice %arg3[%add3A_132, %dma_start3A_142] : memref<320000x128xf32, #tpu.memory_space<hbm>> -> memref<80x128xf32, #tpu.memory_space<hbm>>
      %dma_start3A_144 = arith.constant 0 : i32
      %dma_start3A_145 = tpu.memref_slice %arg3[%add3A_132, %dma_start3A_144] : memref<320000x128xf32, #tpu.memory_space<hbm>> -> memref<80x128xf32, #tpu.memory_space<hbm>>
      tpu.enqueue_dma source(%dma_start3A_145 : memref<80x128xf32, #tpu.memory_space<hbm>>) target(%arg12 : memref<80x128xf32, #tpu.memory_space<vmem>>) target_semaphore(%arg15 : memref<!tpu.dma_semaphore, #tpu.memory_space<semaphore_mem>>)
      %mul3A_146 = arith.constant 80 : i32
      %mul3A_147 = arith.muli %mul3A_127, %mul3A_146 : i32
      %add3A_148 = arith.addi %mul3A_4, %mul3A_147 : i32
      %dma_wait3A_149 = arith.constant 0 : i32
      %dma_wait3A_150 = arith.constant 0 : i32
      %dma_wait3A_151 = tpu.memref_slice %arg7[%dma_wait3A_149, %dma_wait3A_150] : memref<2x80xi32, #tpu.memory_space<vmem>> -> memref<1x80xi32, #tpu.memory_space<vmem>>
      %dma_wait3A_152 = tpu.memref_squeeze %dma_wait3A_151 : memref<1x80xi32, #tpu.memory_space<vmem>> -> memref<80xi32, #tpu.memory_space<vmem>>
      %dma_wait3A_153 = arith.constant 0 : i32
      %dma_wait3A_154 = arith.constant 0 : i32
      %dma_wait3A_155 = tpu.memref_slice %arg2[%dma_wait3A_153, %dma_wait3A_154] : memref<10240x128xf32, #tpu.memory_space<hbm>> -> memref<10240x128xf32, #tpu.memory_space<hbm>>
      tpu.wait_indirect_dma semaphore(%arg14 : memref<!tpu.dma_semaphore, #tpu.memory_space<semaphore_mem>>) src(%dma_wait3A_155 : memref<10240x128xf32, #tpu.memory_space<hbm>>) dst(%arg9 : memref<80x128xf32, #tpu.memory_space<vmem>>)
      %dma_wait3A_156 = arith.constant 0 : i32
      %dma_wait3A_157 = tpu.memref_slice %arg3[%add3A_148, %dma_wait3A_156] : memref<320000x128xf32, #tpu.memory_space<hbm>> -> memref<80x128xf32, #tpu.memory_space<hbm>>
      %dma_wait3A_158 = arith.constant 0 : i32
      %dma_wait3A_159 = tpu.memref_slice %arg3[%add3A_148, %dma_wait3A_158] : memref<320000x128xf32, #tpu.memory_space<hbm>> -> memref<80x128xf32, #tpu.memory_space<hbm>>
      tpu.wait_dma2 semaphore(%arg14 : memref<!tpu.dma_semaphore, #tpu.memory_space<semaphore_mem>>) src(%dma_wait3A_159 : memref<80x128xf32, #tpu.memory_space<hbm>>) dst(%arg11 : memref<80x128xf32, #tpu.memory_space<vmem>>)
      %scan3A_160 = arith.constant 0 : i32
      %scan3A_161 = arith.constant 0 : i32
      %scan3A_162 = arith.constant 80 : i32
      %scan3A_163 = arith.addi %scan3A_161, %scan3A_162 : i32
      %scan3A_164 = arith.constant 1 : i32
      %scan3A_165 = scf.for %scan3A_211 = %scan3A_161 to %scan3A_163 step %scan3A_164 iter_args(%scan3A_212 = %scan3A_160) -> (i32)  : i32 {
        %get3A = arith.index_cast %scan3A_211 : i32 to index
        %get3A_213 = arith.constant 0 : index
        %get3A_214 = tpu.vector_load %arg9[%get3A, %get3A_213] {strides = array<i32>} : memref<80x128xf32, #tpu.memory_space<vmem>>, vector<1x16xf32>,
        %get3A_215 = vector.shape_cast %get3A_214 : vector<1x16xf32> to vector<16xf32>
        %get3A_216 = arith.index_cast %scan3A_211 : i32 to index
        %get3A_217 = arith.constant 0 : index
        %get3A_218 = tpu.vector_load %arg11[%get3A_216, %get3A_217] {strides = array<i32>} : memref<80x128xf32, #tpu.memory_space<vmem>>, vector<1x16xf32>,
        %get3A_219 = vector.shape_cast %get3A_218 : vector<1x16xf32> to vector<16xf32>
        %add3A_220 = arith.addf %get3A_215, %get3A_219 : vector<16xf32>
        %max3A = arith.constant 0.000000e+00 : f32
        %max3A_221 = vector.broadcast %max3A : f32 to vector<16xf32>
        %max3A_222 = arith.maximumf %add3A_220, %max3A_221 : vector<16xf32>
        %swap3A = arith.index_cast %scan3A_211 : i32 to index
        %swap3A_223 = arith.constant 0 : index
        %swap3A_224 = tpu.vector_load %arg9[%swap3A, %swap3A_223] {strides = array<i32>} : memref<80x128xf32, #tpu.memory_space<vmem>>, vector<1x16xf32>,
        %swap3A_225 = vector.shape_cast %swap3A_224 : vector<1x16xf32> to vector<16xf32>
        %swap3A_226 = vector.shape_cast %max3A_222 : vector<16xf32> to vector<1x16xf32>
        tpu.vector_store %arg9[%swap3A, %swap3A_223], %swap3A_226 {strides = array<i32>} : memref<80x128xf32, #tpu.memory_space<vmem>>, vector<1x16xf32>,
        %get3A_227 = arith.index_cast %scan3A_211 : i32 to index
        %get3A_228 = arith.constant 16 : index
        %get3A_229 = tpu.vector_load %arg9[%get3A_227, %get3A_228] {strides = array<i32>} : memref<80x128xf32, #tpu.memory_space<vmem>>, vector<1x16xf32>,
        %get3A_230 = vector.shape_cast %get3A_229 : vector<1x16xf32> to vector<16xf32>
        %get3A_231 = arith.index_cast %scan3A_211 : i32 to index
        %get3A_232 = arith.constant 16 : index
        %get3A_233 = tpu.vector_load %arg11[%get3A_231, %get3A_232] {strides = array<i32>} : memref<80x128xf32, #tpu.memory_space<vmem>>, vector<1x16xf32>,
        %get3A_234 = vector.shape_cast %get3A_233 : vector<1x16xf32> to vector<16xf32>
        %add3A_235 = arith.addf %get3A_230, %get3A_234 : vector<16xf32>
        %max3A_236 = arith.constant 0.000000e+00 : f32
        %max3A_237 = vector.broadcast %max3A_236 : f32 to vector<16xf32>
        %max3A_238 = arith.maximumf %add3A_235, %max3A_237 : vector<16xf32>
        %swap3A_239 = arith.index_cast %scan3A_211 : i32 to index
        %swap3A_240 = arith.constant 16 : index
        %swap3A_241 = tpu.vector_load %arg9[%swap3A_239, %swap3A_240] {strides = array<i32>} : memref<80x128xf32, #tpu.memory_space<vmem>>, vector<1x16xf32>,
        %swap3A_242 = vector.shape_cast %swap3A_241 : vector<1x16xf32> to vector<16xf32>
        %swap3A_243 = vector.shape_cast %max3A_238 : vector<16xf32> to vector<1x16xf32>
        tpu.vector_store %arg9[%swap3A_239, %swap3A_240], %swap3A_243 {strides = array<i32>} : memref<80x128xf32, #tpu.memory_space<vmem>>, vector<1x16xf32>,
        %get3A_244 = arith.index_cast %scan3A_211 : i32 to index
        %get3A_245 = arith.constant 32 : index
        %get3A_246 = tpu.vector_load %arg9[%get3A_244, %get3A_245] {strides = array<i32>} : memref<80x128xf32, #tpu.memory_space<vmem>>, vector<1x16xf32>,
        %get3A_247 = vector.shape_cast %get3A_246 : vector<1x16xf32> to vector<16xf32>
        %get3A_248 = arith.index_cast %scan3A_211 : i32 to index
        %get3A_249 = arith.constant 32 : index
        %get3A_250 = tpu.vector_load %arg11[%get3A_248, %get3A_249] {strides = array<i32>} : memref<80x128xf32, #tpu.memory_space<vmem>>, vector<1x16xf32>,
        %get3A_251 = vector.shape_cast %get3A_250 : vector<1x16xf32> to vector<16xf32>
        %add3A_252 = arith.addf %get3A_247, %get3A_251 : vector<16xf32>
        %max3A_253 = arith.constant 0.000000e+00 : f32
        %max3A_254 = vector.broadcast %max3A_253 : f32 to vector<16xf32>
        %max3A_255 = arith.maximumf %add3A_252, %max3A_254 : vector<16xf32>
        %swap3A_256 = arith.index_cast %scan3A_211 : i32 to index
        %swap3A_257 = arith.constant 32 : index
        %swap3A_258 = tpu.vector_load %arg9[%swap3A_256, %swap3A_257] {strides = array<i32>} : memref<80x128xf32, #tpu.memory_space<vmem>>, vector<1x16xf32>,
        %swap3A_259 = vector.shape_cast %swap3A_258 : vector<1x16xf32> to vector<16xf32>
        %swap3A_260 = vector.shape_cast %max3A_255 : vector<16xf32> to vector<1x16xf32>
        tpu.vector_store %arg9[%swap3A_256, %swap3A_257], %swap3A_260 {strides = array<i32>} : memref<80x128xf32, #tpu.memory_space<vmem>>, vector<1x16xf32>,
        %get3A_261 = arith.index_cast %scan3A_211 : i32 to index
        %get3A_262 = arith.constant 48 : index
        %get3A_263 = tpu.vector_load %arg9[%get3A_261, %get3A_262] {strides = array<i32>} : memref<80x128xf32, #tpu.memory_space<vmem>>, vector<1x16xf32>,
        %get3A_264 = vector.shape_cast %get3A_263 : vector<1x16xf32> to vector<16xf32>
        %get3A_265 = arith.index_cast %scan3A_211 : i32 to index
        %get3A_266 = arith.constant 48 : index
        %get3A_267 = tpu.vector_load %arg11[%get3A_265, %get3A_266] {strides = array<i32>} : memref<80x128xf32, #tpu.memory_space<vmem>>, vector<1x16xf32>,
        %get3A_268 = vector.shape_cast %get3A_267 : vector<1x16xf32> to vector<16xf32>
        %add3A_269 = arith.addf %get3A_264, %get3A_268 : vector<16xf32>
        %max3A_270 = arith.constant 0.000000e+00 : f32
        %max3A_271 = vector.broadcast %max3A_270 : f32 to vector<16xf32>
        %max3A_272 = arith.maximumf %add3A_269, %max3A_271 : vector<16xf32>
        %swap3A_273 = arith.index_cast %scan3A_211 : i32 to index
        %swap3A_274 = arith.constant 48 : index
        %swap3A_275 = tpu.vector_load %arg9[%swap3A_273, %swap3A_274] {strides = array<i32>} : memref<80x128xf32, #tpu.memory_space<vmem>>, vector<1x16xf32>,
        %swap3A_276 = vector.shape_cast %swap3A_275 : vector<1x16xf32> to vector<16xf32>
        %swap3A_277 = vector.shape_cast %max3A_272 : vector<16xf32> to vector<1x16xf32>
        tpu.vector_store %arg9[%swap3A_273, %swap3A_274], %swap3A_277 {strides = array<i32>} : memref<80x128xf32, #tpu.memory_space<vmem>>, vector<1x16xf32>,
        %get3A_278 = arith.index_cast %scan3A_211 : i32 to index
        %get3A_279 = arith.constant 64 : index
        %get3A_280 = tpu.vector_load %arg9[%get3A_278, %get3A_279] {strides = array<i32>} : memref<80x128xf32, #tpu.memory_space<vmem>>, vector<1x16xf32>,
        %get3A_281 = vector.shape_cast %get3A_280 : vector<1x16xf32> to vector<16xf32>
        %get3A_282 = arith.index_cast %scan3A_211 : i32 to index
        %get3A_283 = arith.constant 64 : index
        %get3A_284 = tpu.vector_load %arg11[%get3A_282, %get3A_283] {strides = array<i32>} : memref<80x128xf32, #tpu.memory_space<vmem>>, vector<1x16xf32>,
        %get3A_285 = vector.shape_cast %get3A_284 : vector<1x16xf32> to vector<16xf32>
        %add3A_286 = arith.addf %get3A_281, %get3A_285 : vector<16xf32>
        %max3A_287 = arith.constant 0.000000e+00 : f32
        %max3A_288 = vector.broadcast %max3A_287 : f32 to vector<16xf32>
        %max3A_289 = arith.maximumf %add3A_286, %max3A_288 : vector<16xf32>
        %swap3A_290 = arith.index_cast %scan3A_211 : i32 to index
        %swap3A_291 = arith.constant 64 : index
        %swap3A_292 = tpu.vector_load %arg9[%swap3A_290, %swap3A_291] {strides = array<i32>} : memref<80x128xf32, #tpu.memory_space<vmem>>, vector<1x16xf32>,
        %swap3A_293 = vector.shape_cast %swap3A_292 : vector<1x16xf32> to vector<16xf32>
        %swap3A_294 = vector.shape_cast %max3A_289 : vector<16xf32> to vector<1x16xf32>
        tpu.vector_store %arg9[%swap3A_290, %swap3A_291], %swap3A_294 {strides = array<i32>} : memref<80x128xf32, #tpu.memory_space<vmem>>, vector<1x16xf32>,
        %get3A_295 = arith.index_cast %scan3A_211 : i32 to index
        %get3A_296 = arith.constant 80 : index
        %get3A_297 = tpu.vector_load %arg9[%get3A_295, %get3A_296] {strides = array<i32>} : memref<80x128xf32, #tpu.memory_space<vmem>>, vector<1x16xf32>,
        %get3A_298 = vector.shape_cast %get3A_297 : vector<1x16xf32> to vector<16xf32>
        %get3A_299 = arith.index_cast %scan3A_211 : i32 to index
        %get3A_300 = arith.constant 80 : index
        %get3A_301 = tpu.vector_load %arg11[%get3A_299, %get3A_300] {strides = array<i32>} : memref<80x128xf32, #tpu.memory_space<vmem>>, vector<1x16xf32>,
        %get3A_302 = vector.shape_cast %get3A_301 : vector<1x16xf32> to vector<16xf32>
        %add3A_303 = arith.addf %get3A_298, %get3A_302 : vector<16xf32>
        %max3A_304 = arith.constant 0.000000e+00 : f32
        %max3A_305 = vector.broadcast %max3A_304 : f32 to vector<16xf32>
        %max3A_306 = arith.maximumf %add3A_303, %max3A_305 : vector<16xf32>
        %swap3A_307 = arith.index_cast %scan3A_211 : i32 to index
        %swap3A_308 = arith.constant 80 : index
        %swap3A_309 = tpu.vector_load %arg9[%swap3A_307, %swap3A_308] {strides = array<i32>} : memref<80x128xf32, #tpu.memory_space<vmem>>, vector<1x16xf32>,
        %swap3A_310 = vector.shape_cast %swap3A_309 : vector<1x16xf32> to vector<16xf32>
        %swap3A_311 = vector.shape_cast %max3A_306 : vector<16xf32> to vector<1x16xf32>
        tpu.vector_store %arg9[%swap3A_307, %swap3A_308], %swap3A_311 {strides = array<i32>} : memref<80x128xf32, #tpu.memory_space<vmem>>, vector<1x16xf32>,
        %get3A_312 = arith.index_cast %scan3A_211 : i32 to index
        %get3A_313 = arith.constant 96 : index
        %get3A_314 = tpu.vector_load %arg9[%get3A_312, %get3A_313] {strides = array<i32>} : memref<80x128xf32, #tpu.memory_space<vmem>>, vector<1x16xf32>,
        %get3A_315 = vector.shape_cast %get3A_314 : vector<1x16xf32> to vector<16xf32>
        %get3A_316 = arith.index_cast %scan3A_211 : i32 to index
        %get3A_317 = arith.constant 96 : index
        %get3A_318 = tpu.vector_load %arg11[%get3A_316, %get3A_317] {strides = array<i32>} : memref<80x128xf32, #tpu.memory_space<vmem>>, vector<1x16xf32>,
        %get3A_319 = vector.shape_cast %get3A_318 : vector<1x16xf32> to vector<16xf32>
        %add3A_320 = arith.addf %get3A_315, %get3A_319 : vector<16xf32>
        %max3A_321 = arith.constant 0.000000e+00 : f32
        %max3A_322 = vector.broadcast %max3A_321 : f32 to vector<16xf32>
        %max3A_323 = arith.maximumf %add3A_320, %max3A_322 : vector<16xf32>
        %swap3A_324 = arith.index_cast %scan3A_211 : i32 to index
        %swap3A_325 = arith.constant 96 : index
        %swap3A_326 = tpu.vector_load %arg9[%swap3A_324, %swap3A_325] {strides = array<i32>} : memref<80x128xf32, #tpu.memory_space<vmem>>, vector<1x16xf32>,
        %swap3A_327 = vector.shape_cast %swap3A_326 : vector<1x16xf32> to vector<16xf32>
        %swap3A_328 = vector.shape_cast %max3A_323 : vector<16xf32> to vector<1x16xf32>
        tpu.vector_store %arg9[%swap3A_324, %swap3A_325], %swap3A_328 {strides = array<i32>} : memref<80x128xf32, #tpu.memory_space<vmem>>, vector<1x16xf32>,
        %get3A_329 = arith.index_cast %scan3A_211 : i32 to index
        %get3A_330 = arith.constant 112 : index
        %get3A_331 = tpu.vector_load %arg9[%get3A_329, %get3A_330] {strides = array<i32>} : memref<80x128xf32, #tpu.memory_space<vmem>>, vector<1x16xf32>,
        %get3A_332 = vector.shape_cast %get3A_331 : vector<1x16xf32> to vector<16xf32>
        %get3A_333 = arith.index_cast %scan3A_211 : i32 to index
        %get3A_334 = arith.constant 112 : index
        %get3A_335 = tpu.vector_load %arg11[%get3A_333, %get3A_334] {strides = array<i32>} : memref<80x128xf32, #tpu.memory_space<vmem>>, vector<1x16xf32>,
        %get3A_336 = vector.shape_cast %get3A_335 : vector<1x16xf32> to vector<16xf32>
        %add3A_337 = arith.addf %get3A_332, %get3A_336 : vector<16xf32>
        %max3A_338 = arith.constant 0.000000e+00 : f32
        %max3A_339 = vector.broadcast %max3A_338 : f32 to vector<16xf32>
        %max3A_340 = arith.maximumf %add3A_337, %max3A_339 : vector<16xf32>
        %swap3A_341 = arith.index_cast %scan3A_211 : i32 to index
        %swap3A_342 = arith.constant 112 : index
        %swap3A_343 = tpu.vector_load %arg9[%swap3A_341, %swap3A_342] {strides = array<i32>} : memref<80x128xf32, #tpu.memory_space<vmem>>, vector<1x16xf32>,
        %swap3A_344 = vector.shape_cast %swap3A_343 : vector<1x16xf32> to vector<16xf32>
        %swap3A_345 = vector.shape_cast %max3A_340 : vector<16xf32> to vector<1x16xf32>
        tpu.vector_store %arg9[%swap3A_341, %swap3A_342], %swap3A_345 {strides = array<i32>} : memref<80x128xf32, #tpu.memory_space<vmem>>, vector<1x16xf32>,
        %scan3A_346 = arith.constant 0 : i32
        scf.yield %scan3A_346 : i32
      }
      %scan3A_166 = arith.constant 80 : i32
      %run_scoped3A_167 = arith.constant 1 : i32
      "tpu.region"() ({
        %run_scoped3A_211 = tpu.sem_alloc : memref<!tpu.dma_semaphore, #tpu.memory_space<semaphore_mem>>
        %dma_start3A_212 = arith.constant 0 : i32
        %dma_start3A_213 = tpu.memref_slice %arg7[%run_scoped3A_167, %dma_start3A_212] : memref<2x80xi32, #tpu.memory_space<vmem>> -> memref<1x80xi32, #tpu.memory_space<vmem>>
        %dma_start3A_214 = tpu.memref_squeeze %dma_start3A_213 : memref<1x80xi32, #tpu.memory_space<vmem>> -> memref<80xi32, #tpu.memory_space<vmem>>
        %dma_start3A_215 = arith.constant 0 : i32
        %dma_start3A_216 = arith.constant 0 : i32
        %dma_start3A_217 = tpu.memref_slice %arg13[%dma_start3A_215, %dma_start3A_216] : memref<10240x128xf32, #tpu.memory_space<vmem_shared>> -> memref<10240x128xf32, #tpu.memory_space<vmem_shared>>
        tpu.enqueue_indirect_dma source(%arg9 : memref<80x128xf32, #tpu.memory_space<vmem>>) target(%dma_start3A_217 : memref<10240x128xf32, #tpu.memory_space<vmem_shared>>) offsets(%dma_start3A_214 : memref<80xi32, #tpu.memory_space<vmem>>) semaphore(%run_scoped3A_211 : memref<!tpu.dma_semaphore, #tpu.memory_space<semaphore_mem>>) {add = true}
        %dma_wait3A_218 = arith.constant 0 : i32
        %dma_wait3A_219 = tpu.memref_slice %arg7[%run_scoped3A_167, %dma_wait3A_218] : memref<2x80xi32, #tpu.memory_space<vmem>> -> memref<1x80xi32, #tpu.memory_space<vmem>>
        %dma_wait3A_220 = tpu.memref_squeeze %dma_wait3A_219 : memref<1x80xi32, #tpu.memory_space<vmem>> -> memref<80xi32, #tpu.memory_space<vmem>>
        %dma_wait3A_221 = arith.constant 0 : i32
        %dma_wait3A_222 = arith.constant 0 : i32
        %dma_wait3A_223 = tpu.memref_slice %arg13[%dma_wait3A_221, %dma_wait3A_222] : memref<10240x128xf32, #tpu.memory_space<vmem_shared>> -> memref<10240x128xf32, #tpu.memory_space<vmem_shared>>
        tpu.wait_indirect_dma semaphore(%run_scoped3A_211 : memref<!tpu.dma_semaphore, #tpu.memory_space<semaphore_mem>>) src(%arg9 : memref<80x128xf32, #tpu.memory_space<vmem>>) dst(%dma_wait3A_223 : memref<10240x128xf32, #tpu.memory_space<vmem_shared>>)
        tpu.yield
      }) : () -> ()
      %add3A_168 = arith.constant 2 : i32
      %add3A_169 = arith.addi %mul3A_127, %add3A_168 : i32
      %mul3A_170 = arith.constant 80 : i32
      %mul3A_171 = arith.muli %add3A_169, %mul3A_170 : i32
      %add3A_172 = arith.addi %mul3A_4, %mul3A_171 : i32
      %run_scoped3A_173 = arith.constant 0 : i32
      "tpu.region"() ({
        %run_scoped3A_211 = tpu.sem_alloc : memref<!tpu.dma_semaphore, #tpu.memory_space<semaphore_mem>>
        %dma_start3A_212 = arith.constant 0 : i32
        %dma_start3A_213 = tpu.memref_slice %arg7[%run_scoped3A_173, %dma_start3A_212] : memref<2x80xi32, #tpu.memory_space<vmem>> -> memref<1x80xi32, #tpu.memory_space<vmem>>
        %dma_start3A_214 = tpu.memref_squeeze %dma_start3A_213 : memref<1x80xi32, #tpu.memory_space<vmem>> -> memref<80xi32, #tpu.memory_space<vmem>>
        %dma_start3A_215 = tpu.memref_slice %arg4[%add3A_172] : memref<320000xi32, #tpu.memory_space<hbm>> -> memref<80xi32, #tpu.memory_space<hbm>>
        %dma_start3A_216 = arith.constant 0 : i32
        %dma_start3A_217 = tpu.memref_slice %arg7[%run_scoped3A_173, %dma_start3A_216] : memref<2x80xi32, #tpu.memory_space<vmem>> -> memref<1x80xi32, #tpu.memory_space<vmem>>
        %dma_start3A_218 = tpu.memref_squeeze %dma_start3A_217 : memref<1x80xi32, #tpu.memory_space<vmem>> -> memref<80xi32, #tpu.memory_space<vmem>>
        %dma_start3A_219 = tpu.memref_slice %arg4[%add3A_172] : memref<320000xi32, #tpu.memory_space<hbm>> -> memref<80xi32, #tpu.memory_space<hbm>>
        tpu.enqueue_dma source(%dma_start3A_219 : memref<80xi32, #tpu.memory_space<hbm>>) target(%dma_start3A_218 : memref<80xi32, #tpu.memory_space<vmem>>) target_semaphore(%run_scoped3A_211 : memref<!tpu.dma_semaphore, #tpu.memory_space<semaphore_mem>>)
        %dma_wait3A_220 = arith.constant 0 : i32
        %dma_wait3A_221 = tpu.memref_slice %arg7[%run_scoped3A_173, %dma_wait3A_220] : memref<2x80xi32, #tpu.memory_space<vmem>> -> memref<1x80xi32, #tpu.memory_space<vmem>>
        %dma_wait3A_222 = tpu.memref_squeeze %dma_wait3A_221 : memref<1x80xi32, #tpu.memory_space<vmem>> -> memref<80xi32, #tpu.memory_space<vmem>>
        %dma_wait3A_223 = tpu.memref_slice %arg4[%add3A_172] : memref<320000xi32, #tpu.memory_space<hbm>> -> memref<80xi32, #tpu.memory_space<hbm>>
        %dma_wait3A_224 = arith.constant 0 : i32
        %dma_wait3A_225 = tpu.memref_slice %arg7[%run_scoped3A_173, %dma_wait3A_224] : memref<2x80xi32, #tpu.memory_space<vmem>> -> memref<1x80xi32, #tpu.memory_space<vmem>>
        %dma_wait3A_226 = tpu.memref_squeeze %dma_wait3A_225 : memref<1x80xi32, #tpu.memory_space<vmem>> -> memref<80xi32, #tpu.memory_space<vmem>>
        %dma_wait3A_227 = tpu.memref_slice %arg4[%add3A_172] : memref<320000xi32, #tpu.memory_space<hbm>> -> memref<80xi32, #tpu.memory_space<hbm>>
        tpu.wait_dma2 semaphore(%run_scoped3A_211 : memref<!tpu.dma_semaphore, #tpu.memory_space<semaphore_mem>>) src(%dma_wait3A_227 : memref<80xi32, #tpu.memory_space<hbm>>) dst(%dma_wait3A_226 : memref<80xi32, #tpu.memory_space<vmem>>)
        tpu.yield
      }) : () -> ()
      %run_scoped3A_174 = arith.constant 1 : i32
      "tpu.region"() ({
        %run_scoped3A_211 = tpu.sem_alloc : memref<!tpu.dma_semaphore, #tpu.memory_space<semaphore_mem>>
        %dma_start3A_212 = arith.constant 0 : i32
        %dma_start3A_213 = tpu.memref_slice %arg7[%run_scoped3A_174, %dma_start3A_212] : memref<2x80xi32, #tpu.memory_space<vmem>> -> memref<1x80xi32, #tpu.memory_space<vmem>>
        %dma_start3A_214 = tpu.memref_squeeze %dma_start3A_213 : memref<1x80xi32, #tpu.memory_space<vmem>> -> memref<80xi32, #tpu.memory_space<vmem>>
        %dma_start3A_215 = tpu.memref_slice %arg5[%add3A_172] : memref<320000xi32, #tpu.memory_space<hbm>> -> memref<80xi32, #tpu.memory_space<hbm>>
        %dma_start3A_216 = arith.constant 0 : i32
        %dma_start3A_217 = tpu.memref_slice %arg7[%run_scoped3A_174, %dma_start3A_216] : memref<2x80xi32, #tpu.memory_space<vmem>> -> memref<1x80xi32, #tpu.memory_space<vmem>>
        %dma_start3A_218 = tpu.memref_squeeze %dma_start3A_217 : memref<1x80xi32, #tpu.memory_space<vmem>> -> memref<80xi32, #tpu.memory_space<vmem>>
        %dma_start3A_219 = tpu.memref_slice %arg5[%add3A_172] : memref<320000xi32, #tpu.memory_space<hbm>> -> memref<80xi32, #tpu.memory_space<hbm>>
        tpu.enqueue_dma source(%dma_start3A_219 : memref<80xi32, #tpu.memory_space<hbm>>) target(%dma_start3A_218 : memref<80xi32, #tpu.memory_space<vmem>>) target_semaphore(%run_scoped3A_211 : memref<!tpu.dma_semaphore, #tpu.memory_space<semaphore_mem>>)
        %dma_wait3A_220 = arith.constant 0 : i32
        %dma_wait3A_221 = tpu.memref_slice %arg7[%run_scoped3A_174, %dma_wait3A_220] : memref<2x80xi32, #tpu.memory_space<vmem>> -> memref<1x80xi32, #tpu.memory_space<vmem>>
        %dma_wait3A_222 = tpu.memref_squeeze %dma_wait3A_221 : memref<1x80xi32, #tpu.memory_space<vmem>> -> memref<80xi32, #tpu.memory_space<vmem>>
        %dma_wait3A_223 = tpu.memref_slice %arg5[%add3A_172] : memref<320000xi32, #tpu.memory_space<hbm>> -> memref<80xi32, #tpu.memory_space<hbm>>
        %dma_wait3A_224 = arith.constant 0 : i32
        %dma_wait3A_225 = tpu.memref_slice %arg7[%run_scoped3A_174, %dma_wait3A_224] : memref<2x80xi32, #tpu.memory_space<vmem>> -> memref<1x80xi32, #tpu.memory_space<vmem>>
        %dma_wait3A_226 = tpu.memref_squeeze %dma_wait3A_225 : memref<1x80xi32, #tpu.memory_space<vmem>> -> memref<80xi32, #tpu.memory_space<vmem>>
        %dma_wait3A_227 = tpu.memref_slice %arg5[%add3A_172] : memref<320000xi32, #tpu.memory_space<hbm>> -> memref<80xi32, #tpu.memory_space<hbm>>
        tpu.wait_dma2 semaphore(%run_scoped3A_211 : memref<!tpu.dma_semaphore, #tpu.memory_space<semaphore_mem>>) src(%dma_wait3A_227 : memref<80xi32, #tpu.memory_space<hbm>>) dst(%dma_wait3A_226 : memref<80xi32, #tpu.memory_space<vmem>>)
        tpu.yield
      }) : () -> ()
      %dma_start3A_175 = arith.constant 0 : i32
      %dma_start3A_176 = arith.constant 0 : i32
      %dma_start3A_177 = tpu.memref_slice %arg7[%dma_start3A_175, %dma_start3A_176] : memref<2x80xi32, #tpu.memory_space<vmem>> -> memref<1x80xi32, #tpu.memory_space<vmem>>
      %dma_start3A_178 = tpu.memref_squeeze %dma_start3A_177 : memref<1x80xi32, #tpu.memory_space<vmem>> -> memref<80xi32, #tpu.memory_space<vmem>>
      %dma_start3A_179 = arith.constant 0 : i32
      %dma_start3A_180 = arith.constant 0 : i32
      %dma_start3A_181 = tpu.memref_slice %arg2[%dma_start3A_179, %dma_start3A_180] : memref<10240x128xf32, #tpu.memory_space<hbm>> -> memref<10240x128xf32, #tpu.memory_space<hbm>>
      tpu.enqueue_indirect_dma source(%dma_start3A_181 : memref<10240x128xf32, #tpu.memory_space<hbm>>) target(%arg9 : memref<80x128xf32, #tpu.memory_space<vmem>>) offsets(%dma_start3A_178 : memref<80xi32, #tpu.memory_space<vmem>>) semaphore(%arg14 : memref<!tpu.dma_semaphore, #tpu.memory_space<semaphore_mem>>)
      %dma_start3A_182 = arith.constant 0 : i32
      %dma_start3A_183 = tpu.memref_slice %arg3[%add3A_172, %dma_start3A_182] : memref<320000x128xf32, #tpu.memory_space<hbm>> -> memref<80x128xf32, #tpu.memory_space<hbm>>
      %dma_start3A_184 = arith.constant 0 : i32
      %dma_start3A_185 = tpu.memref_slice %arg3[%add3A_172, %dma_start3A_184] : memref<320000x128xf32, #tpu.memory_space<hbm>> -> memref<80x128xf32, #tpu.memory_space<hbm>>
      tpu.enqueue_dma source(%dma_start3A_185 : memref<80x128xf32, #tpu.memory_space<hbm>>) target(%arg11 : memref<80x128xf32, #tpu.memory_space<vmem>>) target_semaphore(%arg14 : memref<!tpu.dma_semaphore, #tpu.memory_space<semaphore_mem>>)
      %add3A_186 = arith.constant 1 : i32
      %add3A_187 = arith.addi %mul3A_127, %add3A_186 : i32
      %mul3A_188 = arith.constant 80 : i32
      %mul3A_189 = arith.muli %add3A_187, %mul3A_188 : i32
      %add3A_190 = arith.addi %mul3A_4, %mul3A_189 : i32
      %dma_wait3A_191 = arith.constant 0 : i32
      %dma_wait3A_192 = arith.constant 0 : i32
      %dma_wait3A_193 = tpu.memref_slice %arg8[%dma_wait3A_191, %dma_wait3A_192] : memref<2x80xi32, #tpu.memory_space<vmem>> -> memref<1x80xi32, #tpu.memory_space<vmem>>
      %dma_wait3A_194 = tpu.memref_squeeze %dma_wait3A_193 : memref<1x80xi32, #tpu.memory_space<vmem>> -> memref<80xi32, #tpu.memory_space<vmem>>
      %dma_wait3A_195 = arith.constant 0 : i32
      %dma_wait3A_196 = arith.constant 0 : i32
      %dma_wait3A_197 = tpu.memref_slice %arg2[%dma_wait3A_195, %dma_wait3A_196] : memref<10240x128xf32, #tpu.memory_space<hbm>> -> memref<10240x128xf32, #tpu.memory_space<hbm>>
      tpu.wait_indirect_dma semaphore(%arg15 : memref<!tpu.dma_semaphore, #tpu.memory_space<semaphore_mem>>) src(%dma_wait3A_197 : memref<10240x128xf32, #tpu.memory_space<hbm>>) dst(%arg10 : memref<80x128xf32, #tpu.memory_space<vmem>>)
      %dma_wait3A_198 = arith.constant 0 : i32
      %dma_wait3A_199 = tpu.memref_slice %arg3[%add3A_190, %dma_wait3A_198] : memref<320000x128xf32, #tpu.memory_space<hbm>> -> memref<80x128xf32, #tpu.memory_space<hbm>>
      %dma_wait3A_200 = arith.constant 0 : i32
      %dma_wait3A_201 = tpu.memref_slice %arg3[%add3A_190, %dma_wait3A_200] : memref<320000x128xf32, #tpu.memory_space<hbm>> -> memref<80x128xf32, #tpu.memory_space<hbm>>
      tpu.wait_dma2 semaphore(%arg15 : memref<!tpu.dma_semaphore, #tpu.memory_space<semaphore_mem>>) src(%dma_wait3A_201 : memref<80x128xf32, #tpu.memory_space<hbm>>) dst(%arg12 : memref<80x128xf32, #tpu.memory_space<vmem>>)
      %scan3A_202 = arith.constant 0 : i32
      %scan3A_203 = arith.constant 0 : i32
      %scan3A_204 = arith.constant 80 : i32
      %scan3A_205 = arith.addi %scan3A_203, %scan3A_204 : i32
      %scan3A_206 = arith.constant 1 : i32
      %scan3A_207 = scf.for %scan3A_211 = %scan3A_203 to %scan3A_205 step %scan3A_206 iter_args(%scan3A_212 = %scan3A_202) -> (i32)  : i32 {
        %get3A = arith.index_cast %scan3A_211 : i32 to index
        %get3A_213 = arith.constant 0 : index
        %get3A_214 = tpu.vector_load %arg10[%get3A, %get3A_213] {strides = array<i32>} : memref<80x128xf32, #tpu.memory_space<vmem>>, vector<1x16xf32>,
        %get3A_215 = vector.shape_cast %get3A_214 : vector<1x16xf32> to vector<16xf32>
        %get3A_216 = arith.index_cast %scan3A_211 : i32 to index
        %get3A_217 = arith.constant 0 : index
        %get3A_218 = tpu.vector_load %arg12[%get3A_216, %get3A_217] {strides = array<i32>} : memref<80x128xf32, #tpu.memory_space<vmem>>, vector<1x16xf32>,
        %get3A_219 = vector.shape_cast %get3A_218 : vector<1x16xf32> to vector<16xf32>
        %add3A_220 = arith.addf %get3A_215, %get3A_219 : vector<16xf32>
        %max3A = arith.constant 0.000000e+00 : f32
        %max3A_221 = vector.broadcast %max3A : f32 to vector<16xf32>
        %max3A_222 = arith.maximumf %add3A_220, %max3A_221 : vector<16xf32>
        %swap3A = arith.index_cast %scan3A_211 : i32 to index
        %swap3A_223 = arith.constant 0 : index
        %swap3A_224 = tpu.vector_load %arg10[%swap3A, %swap3A_223] {strides = array<i32>} : memref<80x128xf32, #tpu.memory_space<vmem>>, vector<1x16xf32>,
        %swap3A_225 = vector.shape_cast %swap3A_224 : vector<1x16xf32> to vector<16xf32>
        %swap3A_226 = vector.shape_cast %max3A_222 : vector<16xf32> to vector<1x16xf32>
        tpu.vector_store %arg10[%swap3A, %swap3A_223], %swap3A_226 {strides = array<i32>} : memref<80x128xf32, #tpu.memory_space<vmem>>, vector<1x16xf32>,
        %get3A_227 = arith.index_cast %scan3A_211 : i32 to index
        %get3A_228 = arith.constant 16 : index
        %get3A_229 = tpu.vector_load %arg10[%get3A_227, %get3A_228] {strides = array<i32>} : memref<80x128xf32, #tpu.memory_space<vmem>>, vector<1x16xf32>,
        %get3A_230 = vector.shape_cast %get3A_229 : vector<1x16xf32> to vector<16xf32>
        %get3A_231 = arith.index_cast %scan3A_211 : i32 to index
        %get3A_232 = arith.constant 16 : index
        %get3A_233 = tpu.vector_load %arg12[%get3A_231, %get3A_232] {strides = array<i32>} : memref<80x128xf32, #tpu.memory_space<vmem>>, vector<1x16xf32>,
        %get3A_234 = vector.shape_cast %get3A_233 : vector<1x16xf32> to vector<16xf32>
        %add3A_235 = arith.addf %get3A_230, %get3A_234 : vector<16xf32>
        %max3A_236 = arith.constant 0.000000e+00 : f32
        %max3A_237 = vector.broadcast %max3A_236 : f32 to vector<16xf32>
        %max3A_238 = arith.maximumf %add3A_235, %max3A_237 : vector<16xf32>
        %swap3A_239 = arith.index_cast %scan3A_211 : i32 to index
        %swap3A_240 = arith.constant 16 : index
        %swap3A_241 = tpu.vector_load %arg10[%swap3A_239, %swap3A_240] {strides = array<i32>} : memref<80x128xf32, #tpu.memory_space<vmem>>, vector<1x16xf32>,
        %swap3A_242 = vector.shape_cast %swap3A_241 : vector<1x16xf32> to vector<16xf32>
        %swap3A_243 = vector.shape_cast %max3A_238 : vector<16xf32> to vector<1x16xf32>
        tpu.vector_store %arg10[%swap3A_239, %swap3A_240], %swap3A_243 {strides = array<i32>} : memref<80x128xf32, #tpu.memory_space<vmem>>, vector<1x16xf32>,
        %get3A_244 = arith.index_cast %scan3A_211 : i32 to index
        %get3A_245 = arith.constant 32 : index
        %get3A_246 = tpu.vector_load %arg10[%get3A_244, %get3A_245] {strides = array<i32>} : memref<80x128xf32, #tpu.memory_space<vmem>>, vector<1x16xf32>,
        %get3A_247 = vector.shape_cast %get3A_246 : vector<1x16xf32> to vector<16xf32>
        %get3A_248 = arith.index_cast %scan3A_211 : i32 to index
        %get3A_249 = arith.constant 32 : index
        %get3A_250 = tpu.vector_load %arg12[%get3A_248, %get3A_249] {strides = array<i32>} : memref<80x128xf32, #tpu.memory_space<vmem>>, vector<1x16xf32>,
        %get3A_251 = vector.shape_cast %get3A_250 : vector<1x16xf32> to vector<16xf32>
        %add3A_252 = arith.addf %get3A_247, %get3A_251 : vector<16xf32>
        %max3A_253 = arith.constant 0.000000e+00 : f32
        %max3A_254 = vector.broadcast %max3A_253 : f32 to vector<16xf32>
        %max3A_255 = arith.maximumf %add3A_252, %max3A_254 : vector<16xf32>
        %swap3A_256 = arith.index_cast %scan3A_211 : i32 to index
        %swap3A_257 = arith.constant 32 : index
        %swap3A_258 = tpu.vector_load %arg10[%swap3A_256, %swap3A_257] {strides = array<i32>} : memref<80x128xf32, #tpu.memory_space<vmem>>, vector<1x16xf32>,
        %swap3A_259 = vector.shape_cast %swap3A_258 : vector<1x16xf32> to vector<16xf32>
        %swap3A_260 = vector.shape_cast %max3A_255 : vector<16xf32> to vector<1x16xf32>
        tpu.vector_store %arg10[%swap3A_256, %swap3A_257], %swap3A_260 {strides = array<i32>} : memref<80x128xf32, #tpu.memory_space<vmem>>, vector<1x16xf32>,
        %get3A_261 = arith.index_cast %scan3A_211 : i32 to index
        %get3A_262 = arith.constant 48 : index
        %get3A_263 = tpu.vector_load %arg10[%get3A_261, %get3A_262] {strides = array<i32>} : memref<80x128xf32, #tpu.memory_space<vmem>>, vector<1x16xf32>,
        %get3A_264 = vector.shape_cast %get3A_263 : vector<1x16xf32> to vector<16xf32>
        %get3A_265 = arith.index_cast %scan3A_211 : i32 to index
        %get3A_266 = arith.constant 48 : index
        %get3A_267 = tpu.vector_load %arg12[%get3A_265, %get3A_266] {strides = array<i32>} : memref<80x128xf32, #tpu.memory_space<vmem>>, vector<1x16xf32>,
        %get3A_268 = vector.shape_cast %get3A_267 : vector<1x16xf32> to vector<16xf32>
        %add3A_269 = arith.addf %get3A_264, %get3A_268 : vector<16xf32>
        %max3A_270 = arith.constant 0.000000e+00 : f32
        %max3A_271 = vector.broadcast %max3A_270 : f32 to vector<16xf32>
        %max3A_272 = arith.maximumf %add3A_269, %max3A_271 : vector<16xf32>
        %swap3A_273 = arith.index_cast %scan3A_211 : i32 to index
        %swap3A_274 = arith.constant 48 : index
        %swap3A_275 = tpu.vector_load %arg10[%swap3A_273, %swap3A_274] {strides = array<i32>} : memref<80x128xf32, #tpu.memory_space<vmem>>, vector<1x16xf32>,
        %swap3A_276 = vector.shape_cast %swap3A_275 : vector<1x16xf32> to vector<16xf32>
        %swap3A_277 = vector.shape_cast %max3A_272 : vector<16xf32> to vector<1x16xf32>
        tpu.vector_store %arg10[%swap3A_273, %swap3A_274], %swap3A_277 {strides = array<i32>} : memref<80x128xf32, #tpu.memory_space<vmem>>, vector<1x16xf32>,
        %get3A_278 = arith.index_cast %scan3A_211 : i32 to index
        %get3A_279 = arith.constant 64 : index
        %get3A_280 = tpu.vector_load %arg10[%get3A_278, %get3A_279] {strides = array<i32>} : memref<80x128xf32, #tpu.memory_space<vmem>>, vector<1x16xf32>,
        %get3A_281 = vector.shape_cast %get3A_280 : vector<1x16xf32> to vector<16xf32>
        %get3A_282 = arith.index_cast %scan3A_211 : i32 to index
        %get3A_283 = arith.constant 64 : index
        %get3A_284 = tpu.vector_load %arg12[%get3A_282, %get3A_283] {strides = array<i32>} : memref<80x128xf32, #tpu.memory_space<vmem>>, vector<1x16xf32>,
        %get3A_285 = vector.shape_cast %get3A_284 : vector<1x16xf32> to vector<16xf32>
        %add3A_286 = arith.addf %get3A_281, %get3A_285 : vector<16xf32>
        %max3A_287 = arith.constant 0.000000e+00 : f32
        %max3A_288 = vector.broadcast %max3A_287 : f32 to vector<16xf32>
        %max3A_289 = arith.maximumf %add3A_286, %max3A_288 : vector<16xf32>
        %swap3A_290 = arith.index_cast %scan3A_211 : i32 to index
        %swap3A_291 = arith.constant 64 : index
        %swap3A_292 = tpu.vector_load %arg10[%swap3A_290, %swap3A_291] {strides = array<i32>} : memref<80x128xf32, #tpu.memory_space<vmem>>, vector<1x16xf32>,
        %swap3A_293 = vector.shape_cast %swap3A_292 : vector<1x16xf32> to vector<16xf32>
        %swap3A_294 = vector.shape_cast %max3A_289 : vector<16xf32> to vector<1x16xf32>
        tpu.vector_store %arg10[%swap3A_290, %swap3A_291], %swap3A_294 {strides = array<i32>} : memref<80x128xf32, #tpu.memory_space<vmem>>, vector<1x16xf32>,
        %get3A_295 = arith.index_cast %scan3A_211 : i32 to index
        %get3A_296 = arith.constant 80 : index
        %get3A_297 = tpu.vector_load %arg10[%get3A_295, %get3A_296] {strides = array<i32>} : memref<80x128xf32, #tpu.memory_space<vmem>>, vector<1x16xf32>,
        %get3A_298 = vector.shape_cast %get3A_297 : vector<1x16xf32> to vector<16xf32>
        %get3A_299 = arith.index_cast %scan3A_211 : i32 to index
        %get3A_300 = arith.constant 80 : index
        %get3A_301 = tpu.vector_load %arg12[%get3A_299, %get3A_300] {strides = array<i32>} : memref<80x128xf32, #tpu.memory_space<vmem>>, vector<1x16xf32>,
        %get3A_302 = vector.shape_cast %get3A_301 : vector<1x16xf32> to vector<16xf32>
        %add3A_303 = arith.addf %get3A_298, %get3A_302 : vector<16xf32>
        %max3A_304 = arith.constant 0.000000e+00 : f32
        %max3A_305 = vector.broadcast %max3A_304 : f32 to vector<16xf32>
        %max3A_306 = arith.maximumf %add3A_303, %max3A_305 : vector<16xf32>
        %swap3A_307 = arith.index_cast %scan3A_211 : i32 to index
        %swap3A_308 = arith.constant 80 : index
        %swap3A_309 = tpu.vector_load %arg10[%swap3A_307, %swap3A_308] {strides = array<i32>} : memref<80x128xf32, #tpu.memory_space<vmem>>, vector<1x16xf32>,
        %swap3A_310 = vector.shape_cast %swap3A_309 : vector<1x16xf32> to vector<16xf32>
        %swap3A_311 = vector.shape_cast %max3A_306 : vector<16xf32> to vector<1x16xf32>
        tpu.vector_store %arg10[%swap3A_307, %swap3A_308], %swap3A_311 {strides = array<i32>} : memref<80x128xf32, #tpu.memory_space<vmem>>, vector<1x16xf32>,
        %get3A_312 = arith.index_cast %scan3A_211 : i32 to index
        %get3A_313 = arith.constant 96 : index
        %get3A_314 = tpu.vector_load %arg10[%get3A_312, %get3A_313] {strides = array<i32>} : memref<80x128xf32, #tpu.memory_space<vmem>>, vector<1x16xf32>,
        %get3A_315 = vector.shape_cast %get3A_314 : vector<1x16xf32> to vector<16xf32>
        %get3A_316 = arith.index_cast %scan3A_211 : i32 to index
        %get3A_317 = arith.constant 96 : index
        %get3A_318 = tpu.vector_load %arg12[%get3A_316, %get3A_317] {strides = array<i32>} : memref<80x128xf32, #tpu.memory_space<vmem>>, vector<1x16xf32>,
        %get3A_319 = vector.shape_cast %get3A_318 : vector<1x16xf32> to vector<16xf32>
        %add3A_320 = arith.addf %get3A_315, %get3A_319 : vector<16xf32>
        %max3A_321 = arith.constant 0.000000e+00 : f32
        %max3A_322 = vector.broadcast %max3A_321 : f32 to vector<16xf32>
        %max3A_323 = arith.maximumf %add3A_320, %max3A_322 : vector<16xf32>
        %swap3A_324 = arith.index_cast %scan3A_211 : i32 to index
        %swap3A_325 = arith.constant 96 : index
        %swap3A_326 = tpu.vector_load %arg10[%swap3A_324, %swap3A_325] {strides = array<i32>} : memref<80x128xf32, #tpu.memory_space<vmem>>, vector<1x16xf32>,
        %swap3A_327 = vector.shape_cast %swap3A_326 : vector<1x16xf32> to vector<16xf32>
        %swap3A_328 = vector.shape_cast %max3A_323 : vector<16xf32> to vector<1x16xf32>
        tpu.vector_store %arg10[%swap3A_324, %swap3A_325], %swap3A_328 {strides = array<i32>} : memref<80x128xf32, #tpu.memory_space<vmem>>, vector<1x16xf32>,
        %get3A_329 = arith.index_cast %scan3A_211 : i32 to index
        %get3A_330 = arith.constant 112 : index
        %get3A_331 = tpu.vector_load %arg10[%get3A_329, %get3A_330] {strides = array<i32>} : memref<80x128xf32, #tpu.memory_space<vmem>>, vector<1x16xf32>,
        %get3A_332 = vector.shape_cast %get3A_331 : vector<1x16xf32> to vector<16xf32>
        %get3A_333 = arith.index_cast %scan3A_211 : i32 to index
        %get3A_334 = arith.constant 112 : index
        %get3A_335 = tpu.vector_load %arg12[%get3A_333, %get3A_334] {strides = array<i32>} : memref<80x128xf32, #tpu.memory_space<vmem>>, vector<1x16xf32>,
        %get3A_336 = vector.shape_cast %get3A_335 : vector<1x16xf32> to vector<16xf32>
        %add3A_337 = arith.addf %get3A_332, %get3A_336 : vector<16xf32>
        %max3A_338 = arith.constant 0.000000e+00 : f32
        %max3A_339 = vector.broadcast %max3A_338 : f32 to vector<16xf32>
        %max3A_340 = arith.maximumf %add3A_337, %max3A_339 : vector<16xf32>
        %swap3A_341 = arith.index_cast %scan3A_211 : i32 to index
        %swap3A_342 = arith.constant 112 : index
        %swap3A_343 = tpu.vector_load %arg10[%swap3A_341, %swap3A_342] {strides = array<i32>} : memref<80x128xf32, #tpu.memory_space<vmem>>, vector<1x16xf32>,
        %swap3A_344 = vector.shape_cast %swap3A_343 : vector<1x16xf32> to vector<16xf32>
        %swap3A_345 = vector.shape_cast %max3A_340 : vector<16xf32> to vector<1x16xf32>
        tpu.vector_store %arg10[%swap3A_341, %swap3A_342], %swap3A_345 {strides = array<i32>} : memref<80x128xf32, #tpu.memory_space<vmem>>, vector<1x16xf32>,
        %scan3A_346 = arith.constant 0 : i32
        scf.yield %scan3A_346 : i32
      }
      %scan3A_208 = arith.constant 80 : i32
      %run_scoped3A_209 = arith.constant 1 : i32
      "tpu.region"() ({
        %run_scoped3A_211 = tpu.sem_alloc : memref<!tpu.dma_semaphore, #tpu.memory_space<semaphore_mem>>
        %dma_start3A_212 = arith.constant 0 : i32
        %dma_start3A_213 = tpu.memref_slice %arg8[%run_scoped3A_209, %dma_start3A_212] : memref<2x80xi32, #tpu.memory_space<vmem>> -> memref<1x80xi32, #tpu.memory_space<vmem>>
        %dma_start3A_214 = tpu.memref_squeeze %dma_start3A_213 : memref<1x80xi32, #tpu.memory_space<vmem>> -> memref<80xi32, #tpu.memory_space<vmem>>
        %dma_start3A_215 = arith.constant 0 : i32
        %dma_start3A_216 = arith.constant 0 : i32
        %dma_start3A_217 = tpu.memref_slice %arg13[%dma_start3A_215, %dma_start3A_216] : memref<10240x128xf32, #tpu.memory_space<vmem_shared>> -> memref<10240x128xf32, #tpu.memory_space<vmem_shared>>
        tpu.enqueue_indirect_dma source(%arg10 : memref<80x128xf32, #tpu.memory_space<vmem>>) target(%dma_start3A_217 : memref<10240x128xf32, #tpu.memory_space<vmem_shared>>) offsets(%dma_start3A_214 : memref<80xi32, #tpu.memory_space<vmem>>) semaphore(%run_scoped3A_211 : memref<!tpu.dma_semaphore, #tpu.memory_space<semaphore_mem>>) {add = true}
        %dma_wait3A_218 = arith.constant 0 : i32
        %dma_wait3A_219 = tpu.memref_slice %arg8[%run_scoped3A_209, %dma_wait3A_218] : memref<2x80xi32, #tpu.memory_space<vmem>> -> memref<1x80xi32, #tpu.memory_space<vmem>>
        %dma_wait3A_220 = tpu.memref_squeeze %dma_wait3A_219 : memref<1x80xi32, #tpu.memory_space<vmem>> -> memref<80xi32, #tpu.memory_space<vmem>>
        %dma_wait3A_221 = arith.constant 0 : i32
        %dma_wait3A_222 = arith.constant 0 : i32
        %dma_wait3A_223 = tpu.memref_slice %arg13[%dma_wait3A_221, %dma_wait3A_222] : memref<10240x128xf32, #tpu.memory_space<vmem_shared>> -> memref<10240x128xf32, #tpu.memory_space<vmem_shared>>
        tpu.wait_indirect_dma semaphore(%run_scoped3A_211 : memref<!tpu.dma_semaphore, #tpu.memory_space<semaphore_mem>>) src(%arg10 : memref<80x128xf32, #tpu.memory_space<vmem>>) dst(%dma_wait3A_223 : memref<10240x128xf32, #tpu.memory_space<vmem_shared>>)
        tpu.yield
      }) : () -> ()
      %scan3A_210 = arith.constant 0 : i32
      scf.yield %scan3A_210 : i32
    }
    %scan3A_46 = arith.constant 62 : i32
    %add3A_47 = arith.constant 9920 : i32
    %add3A_48 = arith.addi %mul3A_4, %add3A_47 : i32
    %dma_wait3A = arith.constant 0 : i32
    %dma_wait3A_49 = arith.constant 0 : i32
    %dma_wait3A_50 = tpu.memref_slice %arg7[%dma_wait3A, %dma_wait3A_49] : memref<2x80xi32, #tpu.memory_space<vmem>> -> memref<1x80xi32, #tpu.memory_space<vmem>>
    %dma_wait3A_51 = tpu.memref_squeeze %dma_wait3A_50 : memref<1x80xi32, #tpu.memory_space<vmem>> -> memref<80xi32, #tpu.memory_space<vmem>>
    %dma_wait3A_52 = arith.constant 0 : i32
    %dma_wait3A_53 = arith.constant 0 : i32
    %dma_wait3A_54 = tpu.memref_slice %arg2[%dma_wait3A_52, %dma_wait3A_53] : memref<10240x128xf32, #tpu.memory_space<hbm>> -> memref<10240x128xf32, #tpu.memory_space<hbm>>
    tpu.wait_indirect_dma semaphore(%arg14 : memref<!tpu.dma_semaphore, #tpu.memory_space<semaphore_mem>>) src(%dma_wait3A_54 : memref<10240x128xf32, #tpu.memory_space<hbm>>) dst(%arg9 : memref<80x128xf32, #tpu.memory_space<vmem>>)
    %dma_wait3A_55 = arith.constant 0 : i32
    %dma_wait3A_56 = tpu.memref_slice %arg3[%add3A_48, %dma_wait3A_55] : memref<320000x128xf32, #tpu.memory_space<hbm>> -> memref<80x128xf32, #tpu.memory_space<hbm>>
    %dma_wait3A_57 = arith.constant 0 : i32
    %dma_wait3A_58 = tpu.memref_slice %arg3[%add3A_48, %dma_wait3A_57] : memref<320000x128xf32, #tpu.memory_space<hbm>> -> memref<80x128xf32, #tpu.memory_space<hbm>>
    tpu.wait_dma2 semaphore(%arg14 : memref<!tpu.dma_semaphore, #tpu.memory_space<semaphore_mem>>) src(%dma_wait3A_58 : memref<80x128xf32, #tpu.memory_space<hbm>>) dst(%arg11 : memref<80x128xf32, #tpu.memory_space<vmem>>)
    %scan3A_59 = arith.constant 0 : i32
    %scan3A_60 = arith.constant 0 : i32
    %scan3A_61 = arith.constant 80 : i32
    %scan3A_62 = arith.addi %scan3A_60, %scan3A_61 : i32
    %scan3A_63 = arith.constant 1 : i32
    %scan3A_64 = scf.for %scan3A_124 = %scan3A_60 to %scan3A_62 step %scan3A_63 iter_args(%scan3A_125 = %scan3A_59) -> (i32)  : i32 {
      %get3A = arith.index_cast %scan3A_124 : i32 to index
      %get3A_126 = arith.constant 0 : index
      %get3A_127 = tpu.vector_load %arg9[%get3A, %get3A_126] {strides = array<i32>} : memref<80x128xf32, #tpu.memory_space<vmem>>, vector<1x16xf32>,
      %get3A_128 = vector.shape_cast %get3A_127 : vector<1x16xf32> to vector<16xf32>
      %get3A_129 = arith.index_cast %scan3A_124 : i32 to index
      %get3A_130 = arith.constant 0 : index
      %get3A_131 = tpu.vector_load %arg11[%get3A_129, %get3A_130] {strides = array<i32>} : memref<80x128xf32, #tpu.memory_space<vmem>>, vector<1x16xf32>,
      %get3A_132 = vector.shape_cast %get3A_131 : vector<1x16xf32> to vector<16xf32>
      %add3A_133 = arith.addf %get3A_128, %get3A_132 : vector<16xf32>
      %max3A = arith.constant 0.000000e+00 : f32
      %max3A_134 = vector.broadcast %max3A : f32 to vector<16xf32>
      %max3A_135 = arith.maximumf %add3A_133, %max3A_134 : vector<16xf32>
      %swap3A = arith.index_cast %scan3A_124 : i32 to index
      %swap3A_136 = arith.constant 0 : index
      %swap3A_137 = tpu.vector_load %arg9[%swap3A, %swap3A_136] {strides = array<i32>} : memref<80x128xf32, #tpu.memory_space<vmem>>, vector<1x16xf32>,
      %swap3A_138 = vector.shape_cast %swap3A_137 : vector<1x16xf32> to vector<16xf32>
      %swap3A_139 = vector.shape_cast %max3A_135 : vector<16xf32> to vector<1x16xf32>
      tpu.vector_store %arg9[%swap3A, %swap3A_136], %swap3A_139 {strides = array<i32>} : memref<80x128xf32, #tpu.memory_space<vmem>>, vector<1x16xf32>,
      %get3A_140 = arith.index_cast %scan3A_124 : i32 to index
      %get3A_141 = arith.constant 16 : index
      %get3A_142 = tpu.vector_load %arg9[%get3A_140, %get3A_141] {strides = array<i32>} : memref<80x128xf32, #tpu.memory_space<vmem>>, vector<1x16xf32>,
      %get3A_143 = vector.shape_cast %get3A_142 : vector<1x16xf32> to vector<16xf32>
      %get3A_144 = arith.index_cast %scan3A_124 : i32 to index
      %get3A_145 = arith.constant 16 : index
      %get3A_146 = tpu.vector_load %arg11[%get3A_144, %get3A_145] {strides = array<i32>} : memref<80x128xf32, #tpu.memory_space<vmem>>, vector<1x16xf32>,
      %get3A_147 = vector.shape_cast %get3A_146 : vector<1x16xf32> to vector<16xf32>
      %add3A_148 = arith.addf %get3A_143, %get3A_147 : vector<16xf32>
      %max3A_149 = arith.constant 0.000000e+00 : f32
      %max3A_150 = vector.broadcast %max3A_149 : f32 to vector<16xf32>
      %max3A_151 = arith.maximumf %add3A_148, %max3A_150 : vector<16xf32>
      %swap3A_152 = arith.index_cast %scan3A_124 : i32 to index
      %swap3A_153 = arith.constant 16 : index
      %swap3A_154 = tpu.vector_load %arg9[%swap3A_152, %swap3A_153] {strides = array<i32>} : memref<80x128xf32, #tpu.memory_space<vmem>>, vector<1x16xf32>,
      %swap3A_155 = vector.shape_cast %swap3A_154 : vector<1x16xf32> to vector<16xf32>
      %swap3A_156 = vector.shape_cast %max3A_151 : vector<16xf32> to vector<1x16xf32>
      tpu.vector_store %arg9[%swap3A_152, %swap3A_153], %swap3A_156 {strides = array<i32>} : memref<80x128xf32, #tpu.memory_space<vmem>>, vector<1x16xf32>,
      %get3A_157 = arith.index_cast %scan3A_124 : i32 to index
      %get3A_158 = arith.constant 32 : index
      %get3A_159 = tpu.vector_load %arg9[%get3A_157, %get3A_158] {strides = array<i32>} : memref<80x128xf32, #tpu.memory_space<vmem>>, vector<1x16xf32>,
      %get3A_160 = vector.shape_cast %get3A_159 : vector<1x16xf32> to vector<16xf32>
      %get3A_161 = arith.index_cast %scan3A_124 : i32 to index
      %get3A_162 = arith.constant 32 : index
      %get3A_163 = tpu.vector_load %arg11[%get3A_161, %get3A_162] {strides = array<i32>} : memref<80x128xf32, #tpu.memory_space<vmem>>, vector<1x16xf32>,
      %get3A_164 = vector.shape_cast %get3A_163 : vector<1x16xf32> to vector<16xf32>
      %add3A_165 = arith.addf %get3A_160, %get3A_164 : vector<16xf32>
      %max3A_166 = arith.constant 0.000000e+00 : f32
      %max3A_167 = vector.broadcast %max3A_166 : f32 to vector<16xf32>
      %max3A_168 = arith.maximumf %add3A_165, %max3A_167 : vector<16xf32>
      %swap3A_169 = arith.index_cast %scan3A_124 : i32 to index
      %swap3A_170 = arith.constant 32 : index
      %swap3A_171 = tpu.vector_load %arg9[%swap3A_169, %swap3A_170] {strides = array<i32>} : memref<80x128xf32, #tpu.memory_space<vmem>>, vector<1x16xf32>,
      %swap3A_172 = vector.shape_cast %swap3A_171 : vector<1x16xf32> to vector<16xf32>
      %swap3A_173 = vector.shape_cast %max3A_168 : vector<16xf32> to vector<1x16xf32>
      tpu.vector_store %arg9[%swap3A_169, %swap3A_170], %swap3A_173 {strides = array<i32>} : memref<80x128xf32, #tpu.memory_space<vmem>>, vector<1x16xf32>,
      %get3A_174 = arith.index_cast %scan3A_124 : i32 to index
      %get3A_175 = arith.constant 48 : index
      %get3A_176 = tpu.vector_load %arg9[%get3A_174, %get3A_175] {strides = array<i32>} : memref<80x128xf32, #tpu.memory_space<vmem>>, vector<1x16xf32>,
      %get3A_177 = vector.shape_cast %get3A_176 : vector<1x16xf32> to vector<16xf32>
      %get3A_178 = arith.index_cast %scan3A_124 : i32 to index
      %get3A_179 = arith.constant 48 : index
      %get3A_180 = tpu.vector_load %arg11[%get3A_178, %get3A_179] {strides = array<i32>} : memref<80x128xf32, #tpu.memory_space<vmem>>, vector<1x16xf32>,
      %get3A_181 = vector.shape_cast %get3A_180 : vector<1x16xf32> to vector<16xf32>
      %add3A_182 = arith.addf %get3A_177, %get3A_181 : vector<16xf32>
      %max3A_183 = arith.constant 0.000000e+00 : f32
      %max3A_184 = vector.broadcast %max3A_183 : f32 to vector<16xf32>
      %max3A_185 = arith.maximumf %add3A_182, %max3A_184 : vector<16xf32>
      %swap3A_186 = arith.index_cast %scan3A_124 : i32 to index
      %swap3A_187 = arith.constant 48 : index
      %swap3A_188 = tpu.vector_load %arg9[%swap3A_186, %swap3A_187] {strides = array<i32>} : memref<80x128xf32, #tpu.memory_space<vmem>>, vector<1x16xf32>,
      %swap3A_189 = vector.shape_cast %swap3A_188 : vector<1x16xf32> to vector<16xf32>
      %swap3A_190 = vector.shape_cast %max3A_185 : vector<16xf32> to vector<1x16xf32>
      tpu.vector_store %arg9[%swap3A_186, %swap3A_187], %swap3A_190 {strides = array<i32>} : memref<80x128xf32, #tpu.memory_space<vmem>>, vector<1x16xf32>,
      %get3A_191 = arith.index_cast %scan3A_124 : i32 to index
      %get3A_192 = arith.constant 64 : index
      %get3A_193 = tpu.vector_load %arg9[%get3A_191, %get3A_192] {strides = array<i32>} : memref<80x128xf32, #tpu.memory_space<vmem>>, vector<1x16xf32>,
      %get3A_194 = vector.shape_cast %get3A_193 : vector<1x16xf32> to vector<16xf32>
      %get3A_195 = arith.index_cast %scan3A_124 : i32 to index
      %get3A_196 = arith.constant 64 : index
      %get3A_197 = tpu.vector_load %arg11[%get3A_195, %get3A_196] {strides = array<i32>} : memref<80x128xf32, #tpu.memory_space<vmem>>, vector<1x16xf32>,
      %get3A_198 = vector.shape_cast %get3A_197 : vector<1x16xf32> to vector<16xf32>
      %add3A_199 = arith.addf %get3A_194, %get3A_198 : vector<16xf32>
      %max3A_200 = arith.constant 0.000000e+00 : f32
      %max3A_201 = vector.broadcast %max3A_200 : f32 to vector<16xf32>
      %max3A_202 = arith.maximumf %add3A_199, %max3A_201 : vector<16xf32>
      %swap3A_203 = arith.index_cast %scan3A_124 : i32 to index
      %swap3A_204 = arith.constant 64 : index
      %swap3A_205 = tpu.vector_load %arg9[%swap3A_203, %swap3A_204] {strides = array<i32>} : memref<80x128xf32, #tpu.memory_space<vmem>>, vector<1x16xf32>,
      %swap3A_206 = vector.shape_cast %swap3A_205 : vector<1x16xf32> to vector<16xf32>
      %swap3A_207 = vector.shape_cast %max3A_202 : vector<16xf32> to vector<1x16xf32>
      tpu.vector_store %arg9[%swap3A_203, %swap3A_204], %swap3A_207 {strides = array<i32>} : memref<80x128xf32, #tpu.memory_space<vmem>>, vector<1x16xf32>,
      %get3A_208 = arith.index_cast %scan3A_124 : i32 to index
      %get3A_209 = arith.constant 80 : index
      %get3A_210 = tpu.vector_load %arg9[%get3A_208, %get3A_209] {strides = array<i32>} : memref<80x128xf32, #tpu.memory_space<vmem>>, vector<1x16xf32>,
      %get3A_211 = vector.shape_cast %get3A_210 : vector<1x16xf32> to vector<16xf32>
      %get3A_212 = arith.index_cast %scan3A_124 : i32 to index
      %get3A_213 = arith.constant 80 : index
      %get3A_214 = tpu.vector_load %arg11[%get3A_212, %get3A_213] {strides = array<i32>} : memref<80x128xf32, #tpu.memory_space<vmem>>, vector<1x16xf32>,
      %get3A_215 = vector.shape_cast %get3A_214 : vector<1x16xf32> to vector<16xf32>
      %add3A_216 = arith.addf %get3A_211, %get3A_215 : vector<16xf32>
      %max3A_217 = arith.constant 0.000000e+00 : f32
      %max3A_218 = vector.broadcast %max3A_217 : f32 to vector<16xf32>
      %max3A_219 = arith.maximumf %add3A_216, %max3A_218 : vector<16xf32>
      %swap3A_220 = arith.index_cast %scan3A_124 : i32 to index
      %swap3A_221 = arith.constant 80 : index
      %swap3A_222 = tpu.vector_load %arg9[%swap3A_220, %swap3A_221] {strides = array<i32>} : memref<80x128xf32, #tpu.memory_space<vmem>>, vector<1x16xf32>,
      %swap3A_223 = vector.shape_cast %swap3A_222 : vector<1x16xf32> to vector<16xf32>
      %swap3A_224 = vector.shape_cast %max3A_219 : vector<16xf32> to vector<1x16xf32>
      tpu.vector_store %arg9[%swap3A_220, %swap3A_221], %swap3A_224 {strides = array<i32>} : memref<80x128xf32, #tpu.memory_space<vmem>>, vector<1x16xf32>,
      %get3A_225 = arith.index_cast %scan3A_124 : i32 to index
      %get3A_226 = arith.constant 96 : index
      %get3A_227 = tpu.vector_load %arg9[%get3A_225, %get3A_226] {strides = array<i32>} : memref<80x128xf32, #tpu.memory_space<vmem>>, vector<1x16xf32>,
      %get3A_228 = vector.shape_cast %get3A_227 : vector<1x16xf32> to vector<16xf32>
      %get3A_229 = arith.index_cast %scan3A_124 : i32 to index
      %get3A_230 = arith.constant 96 : index
      %get3A_231 = tpu.vector_load %arg11[%get3A_229, %get3A_230] {strides = array<i32>} : memref<80x128xf32, #tpu.memory_space<vmem>>, vector<1x16xf32>,
      %get3A_232 = vector.shape_cast %get3A_231 : vector<1x16xf32> to vector<16xf32>
      %add3A_233 = arith.addf %get3A_228, %get3A_232 : vector<16xf32>
      %max3A_234 = arith.constant 0.000000e+00 : f32
      %max3A_235 = vector.broadcast %max3A_234 : f32 to vector<16xf32>
      %max3A_236 = arith.maximumf %add3A_233, %max3A_235 : vector<16xf32>
      %swap3A_237 = arith.index_cast %scan3A_124 : i32 to index
      %swap3A_238 = arith.constant 96 : index
      %swap3A_239 = tpu.vector_load %arg9[%swap3A_237, %swap3A_238] {strides = array<i32>} : memref<80x128xf32, #tpu.memory_space<vmem>>, vector<1x16xf32>,
      %swap3A_240 = vector.shape_cast %swap3A_239 : vector<1x16xf32> to vector<16xf32>
      %swap3A_241 = vector.shape_cast %max3A_236 : vector<16xf32> to vector<1x16xf32>
      tpu.vector_store %arg9[%swap3A_237, %swap3A_238], %swap3A_241 {strides = array<i32>} : memref<80x128xf32, #tpu.memory_space<vmem>>, vector<1x16xf32>,
      %get3A_242 = arith.index_cast %scan3A_124 : i32 to index
      %get3A_243 = arith.constant 112 : index
      %get3A_244 = tpu.vector_load %arg9[%get3A_242, %get3A_243] {strides = array<i32>} : memref<80x128xf32, #tpu.memory_space<vmem>>, vector<1x16xf32>,
      %get3A_245 = vector.shape_cast %get3A_244 : vector<1x16xf32> to vector<16xf32>
      %get3A_246 = arith.index_cast %scan3A_124 : i32 to index
      %get3A_247 = arith.constant 112 : index
      %get3A_248 = tpu.vector_load %arg11[%get3A_246, %get3A_247] {strides = array<i32>} : memref<80x128xf32, #tpu.memory_space<vmem>>, vector<1x16xf32>,
      %get3A_249 = vector.shape_cast %get3A_248 : vector<1x16xf32> to vector<16xf32>
      %add3A_250 = arith.addf %get3A_245, %get3A_249 : vector<16xf32>
      %max3A_251 = arith.constant 0.000000e+00 : f32
      %max3A_252 = vector.broadcast %max3A_251 : f32 to vector<16xf32>
      %max3A_253 = arith.maximumf %add3A_250, %max3A_252 : vector<16xf32>
      %swap3A_254 = arith.index_cast %scan3A_124 : i32 to index
      %swap3A_255 = arith.constant 112 : index
      %swap3A_256 = tpu.vector_load %arg9[%swap3A_254, %swap3A_255] {strides = array<i32>} : memref<80x128xf32, #tpu.memory_space<vmem>>, vector<1x16xf32>,
      %swap3A_257 = vector.shape_cast %swap3A_256 : vector<1x16xf32> to vector<16xf32>
      %swap3A_258 = vector.shape_cast %max3A_253 : vector<16xf32> to vector<1x16xf32>
      tpu.vector_store %arg9[%swap3A_254, %swap3A_255], %swap3A_258 {strides = array<i32>} : memref<80x128xf32, #tpu.memory_space<vmem>>, vector<1x16xf32>,
      %scan3A_259 = arith.constant 0 : i32
      scf.yield %scan3A_259 : i32
    }
    %scan3A_65 = arith.constant 80 : i32
    %run_scoped3A_66 = arith.constant 1 : i32
    "tpu.region"() ({
      %run_scoped3A_124 = tpu.sem_alloc : memref<!tpu.dma_semaphore, #tpu.memory_space<semaphore_mem>>
      %dma_start3A_125 = arith.constant 0 : i32
      %dma_start3A_126 = tpu.memref_slice %arg7[%run_scoped3A_66, %dma_start3A_125] : memref<2x80xi32, #tpu.memory_space<vmem>> -> memref<1x80xi32, #tpu.memory_space<vmem>>
      %dma_start3A_127 = tpu.memref_squeeze %dma_start3A_126 : memref<1x80xi32, #tpu.memory_space<vmem>> -> memref<80xi32, #tpu.memory_space<vmem>>
      %dma_start3A_128 = arith.constant 0 : i32
      %dma_start3A_129 = arith.constant 0 : i32
      %dma_start3A_130 = tpu.memref_slice %arg13[%dma_start3A_128, %dma_start3A_129] : memref<10240x128xf32, #tpu.memory_space<vmem_shared>> -> memref<10240x128xf32, #tpu.memory_space<vmem_shared>>
      tpu.enqueue_indirect_dma source(%arg9 : memref<80x128xf32, #tpu.memory_space<vmem>>) target(%dma_start3A_130 : memref<10240x128xf32, #tpu.memory_space<vmem_shared>>) offsets(%dma_start3A_127 : memref<80xi32, #tpu.memory_space<vmem>>) semaphore(%run_scoped3A_124 : memref<!tpu.dma_semaphore, #tpu.memory_space<semaphore_mem>>) {add = true}
      %dma_wait3A_131 = arith.constant 0 : i32
      %dma_wait3A_132 = tpu.memref_slice %arg7[%run_scoped3A_66, %dma_wait3A_131] : memref<2x80xi32, #tpu.memory_space<vmem>> -> memref<1x80xi32, #tpu.memory_space<vmem>>
      %dma_wait3A_133 = tpu.memref_squeeze %dma_wait3A_132 : memref<1x80xi32, #tpu.memory_space<vmem>> -> memref<80xi32, #tpu.memory_space<vmem>>
      %dma_wait3A_134 = arith.constant 0 : i32
      %dma_wait3A_135 = arith.constant 0 : i32
      %dma_wait3A_136 = tpu.memref_slice %arg13[%dma_wait3A_134, %dma_wait3A_135] : memref<10240x128xf32, #tpu.memory_space<vmem_shared>> -> memref<10240x128xf32, #tpu.memory_space<vmem_shared>>
      tpu.wait_indirect_dma semaphore(%run_scoped3A_124 : memref<!tpu.dma_semaphore, #tpu.memory_space<semaphore_mem>>) src(%arg9 : memref<80x128xf32, #tpu.memory_space<vmem>>) dst(%dma_wait3A_136 : memref<10240x128xf32, #tpu.memory_space<vmem_shared>>)
      tpu.yield
    }) : () -> ()
    %barrier3A_67 = arith.constant 0 : index
    tpu.barrier barrier_id(%barrier3A_67)
    %add3A_68 = arith.constant 0 : i32
    %add3A_69 = arith.addi %mul3A_0, %add3A_68 : i32
    %mul3A_70 = arith.constant 10240 : i32
    %mul3A_71 = arith.muli %arg0, %mul3A_70 : i32
    %add3A_72 = arith.addi %mul3A_71, %mul3A_0 : i32
    %add3A_73 = arith.constant 0 : i32
    %add3A_74 = arith.addi %add3A_72, %add3A_73 : i32
    "tpu.region"() ({
      %run_scoped3A_124 = tpu.sem_alloc : memref<!tpu.dma_semaphore, #tpu.memory_space<semaphore_mem>>
      %dma_start3A_125 = arith.constant 0 : i32
      %dma_start3A_126 = tpu.memref_slice %arg6[%add3A_74, %dma_start3A_125] : memref<20480x128xf32, #tpu.memory_space<hbm>> -> memref<80x128xf32, #tpu.memory_space<hbm>>
      %dma_start3A_127 = arith.constant 0 : i32
      %dma_start3A_128 = tpu.memref_slice %arg13[%add3A_69, %dma_start3A_127] : memref<10240x128xf32, #tpu.memory_space<vmem_shared>> -> memref<80x128xf32, #tpu.memory_space<vmem_shared>>
      tpu.enqueue_dma source(%dma_start3A_128 : memref<80x128xf32, #tpu.memory_space<vmem_shared>>) target(%dma_start3A_126 : memref<80x128xf32, #tpu.memory_space<hbm>>) target_semaphore(%run_scoped3A_124 : memref<!tpu.dma_semaphore, #tpu.memory_space<semaphore_mem>>)
      %dma_wait3A_129 = arith.constant 0 : i32
      %dma_wait3A_130 = tpu.memref_slice %arg6[%add3A_74, %dma_wait3A_129] : memref<20480x128xf32, #tpu.memory_space<hbm>> -> memref<80x128xf32, #tpu.memory_space<hbm>>
      %dma_wait3A_131 = arith.constant 0 : i32
      %dma_wait3A_132 = tpu.memref_slice %arg13[%add3A_69, %dma_wait3A_131] : memref<10240x128xf32, #tpu.memory_space<vmem_shared>> -> memref<80x128xf32, #tpu.memory_space<vmem_shared>>
      tpu.wait_dma2 semaphore(%run_scoped3A_124 : memref<!tpu.dma_semaphore, #tpu.memory_space<semaphore_mem>>) src(%dma_wait3A_132 : memref<80x128xf32, #tpu.memory_space<vmem_shared>>) dst(%dma_wait3A_130 : memref<80x128xf32, #tpu.memory_space<hbm>>)
      tpu.yield
    }) : () -> ()
    %add3A_75 = arith.constant 80 : i32
    %add3A_76 = arith.addi %mul3A_0, %add3A_75 : i32
    %mul3A_77 = arith.constant 10240 : i32
    %mul3A_78 = arith.muli %arg0, %mul3A_77 : i32
    %add3A_79 = arith.addi %mul3A_78, %mul3A_0 : i32
    %add3A_80 = arith.constant 80 : i32
    %add3A_81 = arith.addi %add3A_79, %add3A_80 : i32
    "tpu.region"() ({
      %run_scoped3A_124 = tpu.sem_alloc : memref<!tpu.dma_semaphore, #tpu.memory_space<semaphore_mem>>
      %dma_start3A_125 = arith.constant 0 : i32
      %dma_start3A_126 = tpu.memref_slice %arg6[%add3A_81, %dma_start3A_125] : memref<20480x128xf32, #tpu.memory_space<hbm>> -> memref<80x128xf32, #tpu.memory_space<hbm>>
      %dma_start3A_127 = arith.constant 0 : i32
      %dma_start3A_128 = tpu.memref_slice %arg13[%add3A_76, %dma_start3A_127] : memref<10240x128xf32, #tpu.memory_space<vmem_shared>> -> memref<80x128xf32, #tpu.memory_space<vmem_shared>>
      tpu.enqueue_dma source(%dma_start3A_128 : memref<80x128xf32, #tpu.memory_space<vmem_shared>>) target(%dma_start3A_126 : memref<80x128xf32, #tpu.memory_space<hbm>>) target_semaphore(%run_scoped3A_124 : memref<!tpu.dma_semaphore, #tpu.memory_space<semaphore_mem>>)
      %dma_wait3A_129 = arith.constant 0 : i32
      %dma_wait3A_130 = tpu.memref_slice %arg6[%add3A_81, %dma_wait3A_129] : memref<20480x128xf32, #tpu.memory_space<hbm>> -> memref<80x128xf32, #tpu.memory_space<hbm>>
      %dma_wait3A_131 = arith.constant 0 : i32
      %dma_wait3A_132 = tpu.memref_slice %arg13[%add3A_76, %dma_wait3A_131] : memref<10240x128xf32, #tpu.memory_space<vmem_shared>> -> memref<80x128xf32, #tpu.memory_space<vmem_shared>>
      tpu.wait_dma2 semaphore(%run_scoped3A_124 : memref<!tpu.dma_semaphore, #tpu.memory_space<semaphore_mem>>) src(%dma_wait3A_132 : memref<80x128xf32, #tpu.memory_space<vmem_shared>>) dst(%dma_wait3A_130 : memref<80x128xf32, #tpu.memory_space<hbm>>)
      tpu.yield
    }) : () -> ()
    %add3A_82 = arith.constant 160 : i32
    %add3A_83 = arith.addi %mul3A_0, %add3A_82 : i32
    %mul3A_84 = arith.constant 10240 : i32
    %mul3A_85 = arith.muli %arg0, %mul3A_84 : i32
    %add3A_86 = arith.addi %mul3A_85, %mul3A_0 : i32
    %add3A_87 = arith.constant 160 : i32
    %add3A_88 = arith.addi %add3A_86, %add3A_87 : i32
    "tpu.region"() ({
      %run_scoped3A_124 = tpu.sem_alloc : memref<!tpu.dma_semaphore, #tpu.memory_space<semaphore_mem>>
      %dma_start3A_125 = arith.constant 0 : i32
      %dma_start3A_126 = tpu.memref_slice %arg6[%add3A_88, %dma_start3A_125] : memref<20480x128xf32, #tpu.memory_space<hbm>> -> memref<80x128xf32, #tpu.memory_space<hbm>>
      %dma_start3A_127 = arith.constant 0 : i32
      %dma_start3A_128 = tpu.memref_slice %arg13[%add3A_83, %dma_start3A_127] : memref<10240x128xf32, #tpu.memory_space<vmem_shared>> -> memref<80x128xf32, #tpu.memory_space<vmem_shared>>
      tpu.enqueue_dma source(%dma_start3A_128 : memref<80x128xf32, #tpu.memory_space<vmem_shared>>) target(%dma_start3A_126 : memref<80x128xf32, #tpu.memory_space<hbm>>) target_semaphore(%run_scoped3A_124 : memref<!tpu.dma_semaphore, #tpu.memory_space<semaphore_mem>>)
      %dma_wait3A_129 = arith.constant 0 : i32
      %dma_wait3A_130 = tpu.memref_slice %arg6[%add3A_88, %dma_wait3A_129] : memref<20480x128xf32, #tpu.memory_space<hbm>> -> memref<80x128xf32, #tpu.memory_space<hbm>>
      %dma_wait3A_131 = arith.constant 0 : i32
      %dma_wait3A_132 = tpu.memref_slice %arg13[%add3A_83, %dma_wait3A_131] : memref<10240x128xf32, #tpu.memory_space<vmem_shared>> -> memref<80x128xf32, #tpu.memory_space<vmem_shared>>
      tpu.wait_dma2 semaphore(%run_scoped3A_124 : memref<!tpu.dma_semaphore, #tpu.memory_space<semaphore_mem>>) src(%dma_wait3A_132 : memref<80x128xf32, #tpu.memory_space<vmem_shared>>) dst(%dma_wait3A_130 : memref<80x128xf32, #tpu.memory_space<hbm>>)
      tpu.yield
    }) : () -> ()
    %add3A_89 = arith.constant 240 : i32
    %add3A_90 = arith.addi %mul3A_0, %add3A_89 : i32
    %mul3A_91 = arith.constant 10240 : i32
    %mul3A_92 = arith.muli %arg0, %mul3A_91 : i32
    %add3A_93 = arith.addi %mul3A_92, %mul3A_0 : i32
    %add3A_94 = arith.constant 240 : i32
    %add3A_95 = arith.addi %add3A_93, %add3A_94 : i32
    "tpu.region"() ({
      %run_scoped3A_124 = tpu.sem_alloc : memref<!tpu.dma_semaphore, #tpu.memory_space<semaphore_mem>>
      %dma_start3A_125 = arith.constant 0 : i32
      %dma_start3A_126 = tpu.memref_slice %arg6[%add3A_95, %dma_start3A_125] : memref<20480x128xf32, #tpu.memory_space<hbm>> -> memref<80x128xf32, #tpu.memory_space<hbm>>
      %dma_start3A_127 = arith.constant 0 : i32
      %dma_start3A_128 = tpu.memref_slice %arg13[%add3A_90, %dma_start3A_127] : memref<10240x128xf32, #tpu.memory_space<vmem_shared>> -> memref<80x128xf32, #tpu.memory_space<vmem_shared>>
      tpu.enqueue_dma source(%dma_start3A_128 : memref<80x128xf32, #tpu.memory_space<vmem_shared>>) target(%dma_start3A_126 : memref<80x128xf32, #tpu.memory_space<hbm>>) target_semaphore(%run_scoped3A_124 : memref<!tpu.dma_semaphore, #tpu.memory_space<semaphore_mem>>)
      %dma_wait3A_129 = arith.constant 0 : i32
      %dma_wait3A_130 = tpu.memref_slice %arg6[%add3A_95, %dma_wait3A_129] : memref<20480x128xf32, #tpu.memory_space<hbm>> -> memref<80x128xf32, #tpu.memory_space<hbm>>
      %dma_wait3A_131 = arith.constant 0 : i32
      %dma_wait3A_132 = tpu.memref_slice %arg13[%add3A_90, %dma_wait3A_131] : memref<10240x128xf32, #tpu.memory_space<vmem_shared>> -> memref<80x128xf32, #tpu.memory_space<vmem_shared>>
      tpu.wait_dma2 semaphore(%run_scoped3A_124 : memref<!tpu.dma_semaphore, #tpu.memory_space<semaphore_mem>>) src(%dma_wait3A_132 : memref<80x128xf32, #tpu.memory_space<vmem_shared>>) dst(%dma_wait3A_130 : memref<80x128xf32, #tpu.memory_space<hbm>>)
      tpu.yield
    }) : () -> ()
    %add3A_96 = arith.constant 320 : i32
    %add3A_97 = arith.addi %mul3A_0, %add3A_96 : i32
    %mul3A_98 = arith.constant 10240 : i32
    %mul3A_99 = arith.muli %arg0, %mul3A_98 : i32
    %add3A_100 = arith.addi %mul3A_99, %mul3A_0 : i32
    %add3A_101 = arith.constant 320 : i32
    %add3A_102 = arith.addi %add3A_100, %add3A_101 : i32
    "tpu.region"() ({
      %run_scoped3A_124 = tpu.sem_alloc : memref<!tpu.dma_semaphore, #tpu.memory_space<semaphore_mem>>
      %dma_start3A_125 = arith.constant 0 : i32
      %dma_start3A_126 = tpu.memref_slice %arg6[%add3A_102, %dma_start3A_125] : memref<20480x128xf32, #tpu.memory_space<hbm>> -> memref<80x128xf32, #tpu.memory_space<hbm>>
      %dma_start3A_127 = arith.constant 0 : i32
      %dma_start3A_128 = tpu.memref_slice %arg13[%add3A_97, %dma_start3A_127] : memref<10240x128xf32, #tpu.memory_space<vmem_shared>> -> memref<80x128xf32, #tpu.memory_space<vmem_shared>>
      tpu.enqueue_dma source(%dma_start3A_128 : memref<80x128xf32, #tpu.memory_space<vmem_shared>>) target(%dma_start3A_126 : memref<80x128xf32, #tpu.memory_space<hbm>>) target_semaphore(%run_scoped3A_124 : memref<!tpu.dma_semaphore, #tpu.memory_space<semaphore_mem>>)
      %dma_wait3A_129 = arith.constant 0 : i32
      %dma_wait3A_130 = tpu.memref_slice %arg6[%add3A_102, %dma_wait3A_129] : memref<20480x128xf32, #tpu.memory_space<hbm>> -> memref<80x128xf32, #tpu.memory_space<hbm>>
      %dma_wait3A_131 = arith.constant 0 : i32
      %dma_wait3A_132 = tpu.memref_slice %arg13[%add3A_97, %dma_wait3A_131] : memref<10240x128xf32, #tpu.memory_space<vmem_shared>> -> memref<80x128xf32, #tpu.memory_space<vmem_shared>>
      tpu.wait_dma2 semaphore(%run_scoped3A_124 : memref<!tpu.dma_semaphore, #tpu.memory_space<semaphore_mem>>) src(%dma_wait3A_132 : memref<80x128xf32, #tpu.memory_space<vmem_shared>>) dst(%dma_wait3A_130 : memref<80x128xf32, #tpu.memory_space<hbm>>)
      tpu.yield
    }) : () -> ()
    %add3A_103 = arith.constant 400 : i32
    %add3A_104 = arith.addi %mul3A_0, %add3A_103 : i32
    %mul3A_105 = arith.constant 10240 : i32
    %mul3A_106 = arith.muli %arg0, %mul3A_105 : i32
    %add3A_107 = arith.addi %mul3A_106, %mul3A_0 : i32
    %add3A_108 = arith.constant 400 : i32
    %add3A_109 = arith.addi %add3A_107, %add3A_108 : i32
    "tpu.region"() ({
      %run_scoped3A_124 = tpu.sem_alloc : memref<!tpu.dma_semaphore, #tpu.memory_space<semaphore_mem>>
      %dma_start3A_125 = arith.constant 0 : i32
      %dma_start3A_126 = tpu.memref_slice %arg6[%add3A_109, %dma_start3A_125] : memref<20480x128xf32, #tpu.memory_space<hbm>> -> memref<80x128xf32, #tpu.memory_space<hbm>>
      %dma_start3A_127 = arith.constant 0 : i32
      %dma_start3A_128 = tpu.memref_slice %arg13[%add3A_104, %dma_start3A_127] : memref<10240x128xf32, #tpu.memory_space<vmem_shared>> -> memref<80x128xf32, #tpu.memory_space<vmem_shared>>
      tpu.enqueue_dma source(%dma_start3A_128 : memref<80x128xf32, #tpu.memory_space<vmem_shared>>) target(%dma_start3A_126 : memref<80x128xf32, #tpu.memory_space<hbm>>) target_semaphore(%run_scoped3A_124 : memref<!tpu.dma_semaphore, #tpu.memory_space<semaphore_mem>>)
      %dma_wait3A_129 = arith.constant 0 : i32
      %dma_wait3A_130 = tpu.memref_slice %arg6[%add3A_109, %dma_wait3A_129] : memref<20480x128xf32, #tpu.memory_space<hbm>> -> memref<80x128xf32, #tpu.memory_space<hbm>>
      %dma_wait3A_131 = arith.constant 0 : i32
      %dma_wait3A_132 = tpu.memref_slice %arg13[%add3A_104, %dma_wait3A_131] : memref<10240x128xf32, #tpu.memory_space<vmem_shared>> -> memref<80x128xf32, #tpu.memory_space<vmem_shared>>
      tpu.wait_dma2 semaphore(%run_scoped3A_124 : memref<!tpu.dma_semaphore, #tpu.memory_space<semaphore_mem>>) src(%dma_wait3A_132 : memref<80x128xf32, #tpu.memory_space<vmem_shared>>) dst(%dma_wait3A_130 : memref<80x128xf32, #tpu.memory_space<hbm>>)
      tpu.yield
    }) : () -> ()
    %add3A_110 = arith.constant 480 : i32
    %add3A_111 = arith.addi %mul3A_0, %add3A_110 : i32
    %mul3A_112 = arith.constant 10240 : i32
    %mul3A_113 = arith.muli %arg0, %mul3A_112 : i32
    %add3A_114 = arith.addi %mul3A_113, %mul3A_0 : i32
    %add3A_115 = arith.constant 480 : i32
    %add3A_116 = arith.addi %add3A_114, %add3A_115 : i32
    "tpu.region"() ({
      %run_scoped3A_124 = tpu.sem_alloc : memref<!tpu.dma_semaphore, #tpu.memory_space<semaphore_mem>>
      %dma_start3A_125 = arith.constant 0 : i32
      %dma_start3A_126 = tpu.memref_slice %arg6[%add3A_116, %dma_start3A_125] : memref<20480x128xf32, #tpu.memory_space<hbm>> -> memref<80x128xf32, #tpu.memory_space<hbm>>
      %dma_start3A_127 = arith.constant 0 : i32
      %dma_start3A_128 = tpu.memref_slice %arg13[%add3A_111, %dma_start3A_127] : memref<10240x128xf32, #tpu.memory_space<vmem_shared>> -> memref<80x128xf32, #tpu.memory_space<vmem_shared>>
      tpu.enqueue_dma source(%dma_start3A_128 : memref<80x128xf32, #tpu.memory_space<vmem_shared>>) target(%dma_start3A_126 : memref<80x128xf32, #tpu.memory_space<hbm>>) target_semaphore(%run_scoped3A_124 : memref<!tpu.dma_semaphore, #tpu.memory_space<semaphore_mem>>)
      %dma_wait3A_129 = arith.constant 0 : i32
      %dma_wait3A_130 = tpu.memref_slice %arg6[%add3A_116, %dma_wait3A_129] : memref<20480x128xf32, #tpu.memory_space<hbm>> -> memref<80x128xf32, #tpu.memory_space<hbm>>
      %dma_wait3A_131 = arith.constant 0 : i32
      %dma_wait3A_132 = tpu.memref_slice %arg13[%add3A_111, %dma_wait3A_131] : memref<10240x128xf32, #tpu.memory_space<vmem_shared>> -> memref<80x128xf32, #tpu.memory_space<vmem_shared>>
      tpu.wait_dma2 semaphore(%run_scoped3A_124 : memref<!tpu.dma_semaphore, #tpu.memory_space<semaphore_mem>>) src(%dma_wait3A_132 : memref<80x128xf32, #tpu.memory_space<vmem_shared>>) dst(%dma_wait3A_130 : memref<80x128xf32, #tpu.memory_space<hbm>>)
      tpu.yield
    }) : () -> ()
    %add3A_117 = arith.constant 560 : i32
    %add3A_118 = arith.addi %mul3A_0, %add3A_117 : i32
    %mul3A_119 = arith.constant 10240 : i32
    %mul3A_120 = arith.muli %arg0, %mul3A_119 : i32
    %add3A_121 = arith.addi %mul3A_120, %mul3A_0 : i32
    %add3A_122 = arith.constant 560 : i32
    %add3A_123 = arith.addi %add3A_121, %add3A_122 : i32
    "tpu.region"() ({
      %run_scoped3A_124 = tpu.sem_alloc : memref<!tpu.dma_semaphore, #tpu.memory_space<semaphore_mem>>
      %dma_start3A_125 = arith.constant 0 : i32
      %dma_start3A_126 = tpu.memref_slice %arg6[%add3A_123, %dma_start3A_125] : memref<20480x128xf32, #tpu.memory_space<hbm>> -> memref<80x128xf32, #tpu.memory_space<hbm>>
      %dma_start3A_127 = arith.constant 0 : i32
      %dma_start3A_128 = tpu.memref_slice %arg13[%add3A_118, %dma_start3A_127] : memref<10240x128xf32, #tpu.memory_space<vmem_shared>> -> memref<80x128xf32, #tpu.memory_space<vmem_shared>>
      tpu.enqueue_dma source(%dma_start3A_128 : memref<80x128xf32, #tpu.memory_space<vmem_shared>>) target(%dma_start3A_126 : memref<80x128xf32, #tpu.memory_space<hbm>>) target_semaphore(%run_scoped3A_124 : memref<!tpu.dma_semaphore, #tpu.memory_space<semaphore_mem>>)
      %dma_wait3A_129 = arith.constant 0 : i32
      %dma_wait3A_130 = tpu.memref_slice %arg6[%add3A_123, %dma_wait3A_129] : memref<20480x128xf32, #tpu.memory_space<hbm>> -> memref<80x128xf32, #tpu.memory_space<hbm>>
      %dma_wait3A_131 = arith.constant 0 : i32
      %dma_wait3A_132 = tpu.memref_slice %arg13[%add3A_118, %dma_wait3A_131] : memref<10240x128xf32, #tpu.memory_space<vmem_shared>> -> memref<80x128xf32, #tpu.memory_space<vmem_shared>>
      tpu.wait_dma2 semaphore(%run_scoped3A_124 : memref<!tpu.dma_semaphore, #tpu.memory_space<semaphore_mem>>) src(%dma_wait3A_132 : memref<80x128xf32, #tpu.memory_space<vmem_shared>>) dst(%dma_wait3A_130 : memref<80x128xf32, #tpu.memory_space<hbm>>)
      tpu.yield
    }) : () -> ()
    return
  }
}

#map = affine_map<(d0, d1) -> (0, 0)>
#map1 = affine_map<(d0, d1) -> (0)>
module attributes {stable_mosaic.version = 14 : i64} {
  func.func @_sc_agg_body(%arg0: i32, %arg1: i32, %arg2: memref<10240x128xf32, #tpu.memory_space<hbm>>, %arg3: memref<320000x128xf32, #tpu.memory_space<hbm>>, %arg4: memref<320000xi32, #tpu.memory_space<hbm>>, %arg5: memref<320000xi32, #tpu.memory_space<hbm>>, %arg6: memref<20480x128xf32, #tpu.memory_space<hbm>>, %arg7: memref<2x80xi32, #tpu.memory_space<vmem>>, %arg8: memref<2x80xi32, #tpu.memory_space<vmem>>, %arg9: memref<80x128xf32, #tpu.memory_space<vmem>>, %arg10: memref<80x128xf32, #tpu.memory_space<vmem>>, %arg11: memref<80x128xf32, #tpu.memory_space<vmem>>, %arg12: memref<80x128xf32, #tpu.memory_space<vmem>>, %arg13: memref<10240x128xf32, #tpu.memory_space<vmem_shared>>, %arg14: memref<!tpu.dma_semaphore, #tpu.memory_space<semaphore_mem>>, %arg15: memref<!tpu.dma_semaphore, #tpu.memory_space<semaphore_mem>>) attributes {dimension_semantics = [#tpu.dimension_semantics<core_parallel>, #tpu.dimension_semantics<subcore_parallel>], iteration_bounds = array<i64: 2, 16>, scalar_prefetch = 0 : i64, scratch_operands = 9 : i64, tpu.core_type = #tpu.core_type<sc_vector_subcore>, window_params = [{transform_indices = #map}, {transform_indices = #map}, {transform_indices = #map1}, {transform_indices = #map1}, {transform_indices = #map}]} {
    %mul3A = arith.constant 640 : i32
    %mul3A_0 = arith.muli %arg1, %mul3A : i32
    %mul3A_1 = arith.constant 16 : i32
    %mul3A_2 = arith.muli %arg0, %mul3A_1 : i32
    %add3A = arith.addi %mul3A_2, %arg1 : i32
    %mul3A_3 = arith.constant 10000 : i32
    %mul3A_4 = arith.muli %add3A, %mul3A_3 : i32
    %scan3A = arith.constant 0 : i32
    %scan3A_5 = arith.constant 0 : i32
    %scan3A_6 = arith.constant 80 : i32
    %scan3A_7 = arith.addi %scan3A_5, %scan3A_6 : i32
    %scan3A_8 = arith.constant 1 : i32
    %scan3A_9 = scf.for %scan3A_124 = %scan3A_5 to %scan3A_7 step %scan3A_8 iter_args(%scan3A_125 = %scan3A) -> (i32)  : i32 {
      %broadcast_in_dim3A = arith.constant 0.000000e+00 : f32
      %broadcast_in_dim3A_126 = vector.broadcast %broadcast_in_dim3A : f32 to vector<16xf32>
      %swap3A = arith.index_cast %scan3A_124 : i32 to index
      %swap3A_127 = arith.constant 0 : index
      %swap3A_128 = tpu.vector_load %arg9[%swap3A, %swap3A_127] {strides = array<i32>} : memref<80x128xf32, #tpu.memory_space<vmem>>, vector<1x16xf32>,
      %swap3A_129 = vector.shape_cast %swap3A_128 : vector<1x16xf32> to vector<16xf32>
      %swap3A_130 = vector.shape_cast %broadcast_in_dim3A_126 : vector<16xf32> to vector<1x16xf32>
      tpu.vector_store %arg9[%swap3A, %swap3A_127], %swap3A_130 {strides = array<i32>} : memref<80x128xf32, #tpu.memory_space<vmem>>, vector<1x16xf32>,
      %broadcast_in_dim3A_131 = arith.constant 0.000000e+00 : f32
      %broadcast_in_dim3A_132 = vector.broadcast %broadcast_in_dim3A_131 : f32 to vector<16xf32>
      %swap3A_133 = arith.index_cast %scan3A_124 : i32 to index
      %swap3A_134 = arith.constant 16 : index
      %swap3A_135 = tpu.vector_load %arg9[%swap3A_133, %swap3A_134] {strides = array<i32>} : memref<80x128xf32, #tpu.memory_space<vmem>>, vector<1x16xf32>,
      %swap3A_136 = vector.shape_cast %swap3A_135 : vector<1x16xf32> to vector<16xf32>
      %swap3A_137 = vector.shape_cast %broadcast_in_dim3A_132 : vector<16xf32> to vector<1x16xf32>
      tpu.vector_store %arg9[%swap3A_133, %swap3A_134], %swap3A_137 {strides = array<i32>} : memref<80x128xf32, #tpu.memory_space<vmem>>, vector<1x16xf32>,
      %broadcast_in_dim3A_138 = arith.constant 0.000000e+00 : f32
      %broadcast_in_dim3A_139 = vector.broadcast %broadcast_in_dim3A_138 : f32 to vector<16xf32>
      %swap3A_140 = arith.index_cast %scan3A_124 : i32 to index
      %swap3A_141 = arith.constant 32 : index
      %swap3A_142 = tpu.vector_load %arg9[%swap3A_140, %swap3A_141] {strides = array<i32>} : memref<80x128xf32, #tpu.memory_space<vmem>>, vector<1x16xf32>,
      %swap3A_143 = vector.shape_cast %swap3A_142 : vector<1x16xf32> to vector<16xf32>
      %swap3A_144 = vector.shape_cast %broadcast_in_dim3A_139 : vector<16xf32> to vector<1x16xf32>
      tpu.vector_store %arg9[%swap3A_140, %swap3A_141], %swap3A_144 {strides = array<i32>} : memref<80x128xf32, #tpu.memory_space<vmem>>, vector<1x16xf32>,
      %broadcast_in_dim3A_145 = arith.constant 0.000000e+00 : f32
      %broadcast_in_dim3A_146 = vector.broadcast %broadcast_in_dim3A_145 : f32 to vector<16xf32>
      %swap3A_147 = arith.index_cast %scan3A_124 : i32 to index
      %swap3A_148 = arith.constant 48 : index
      %swap3A_149 = tpu.vector_load %arg9[%swap3A_147, %swap3A_148] {strides = array<i32>} : memref<80x128xf32, #tpu.memory_space<vmem>>, vector<1x16xf32>,
      %swap3A_150 = vector.shape_cast %swap3A_149 : vector<1x16xf32> to vector<16xf32>
      %swap3A_151 = vector.shape_cast %broadcast_in_dim3A_146 : vector<16xf32> to vector<1x16xf32>
      tpu.vector_store %arg9[%swap3A_147, %swap3A_148], %swap3A_151 {strides = array<i32>} : memref<80x128xf32, #tpu.memory_space<vmem>>, vector<1x16xf32>,
      %broadcast_in_dim3A_152 = arith.constant 0.000000e+00 : f32
      %broadcast_in_dim3A_153 = vector.broadcast %broadcast_in_dim3A_152 : f32 to vector<16xf32>
      %swap3A_154 = arith.index_cast %scan3A_124 : i32 to index
      %swap3A_155 = arith.constant 64 : index
      %swap3A_156 = tpu.vector_load %arg9[%swap3A_154, %swap3A_155] {strides = array<i32>} : memref<80x128xf32, #tpu.memory_space<vmem>>, vector<1x16xf32>,
      %swap3A_157 = vector.shape_cast %swap3A_156 : vector<1x16xf32> to vector<16xf32>
      %swap3A_158 = vector.shape_cast %broadcast_in_dim3A_153 : vector<16xf32> to vector<1x16xf32>
      tpu.vector_store %arg9[%swap3A_154, %swap3A_155], %swap3A_158 {strides = array<i32>} : memref<80x128xf32, #tpu.memory_space<vmem>>, vector<1x16xf32>,
      %broadcast_in_dim3A_159 = arith.constant 0.000000e+00 : f32
      %broadcast_in_dim3A_160 = vector.broadcast %broadcast_in_dim3A_159 : f32 to vector<16xf32>
      %swap3A_161 = arith.index_cast %scan3A_124 : i32 to index
      %swap3A_162 = arith.constant 80 : index
      %swap3A_163 = tpu.vector_load %arg9[%swap3A_161, %swap3A_162] {strides = array<i32>} : memref<80x128xf32, #tpu.memory_space<vmem>>, vector<1x16xf32>,
      %swap3A_164 = vector.shape_cast %swap3A_163 : vector<1x16xf32> to vector<16xf32>
      %swap3A_165 = vector.shape_cast %broadcast_in_dim3A_160 : vector<16xf32> to vector<1x16xf32>
      tpu.vector_store %arg9[%swap3A_161, %swap3A_162], %swap3A_165 {strides = array<i32>} : memref<80x128xf32, #tpu.memory_space<vmem>>, vector<1x16xf32>,
      %broadcast_in_dim3A_166 = arith.constant 0.000000e+00 : f32
      %broadcast_in_dim3A_167 = vector.broadcast %broadcast_in_dim3A_166 : f32 to vector<16xf32>
      %swap3A_168 = arith.index_cast %scan3A_124 : i32 to index
      %swap3A_169 = arith.constant 96 : index
      %swap3A_170 = tpu.vector_load %arg9[%swap3A_168, %swap3A_169] {strides = array<i32>} : memref<80x128xf32, #tpu.memory_space<vmem>>, vector<1x16xf32>,
      %swap3A_171 = vector.shape_cast %swap3A_170 : vector<1x16xf32> to vector<16xf32>
      %swap3A_172 = vector.shape_cast %broadcast_in_dim3A_167 : vector<16xf32> to vector<1x16xf32>
      tpu.vector_store %arg9[%swap3A_168, %swap3A_169], %swap3A_172 {strides = array<i32>} : memref<80x128xf32, #tpu.memory_space<vmem>>, vector<1x16xf32>,
      %broadcast_in_dim3A_173 = arith.constant 0.000000e+00 : f32
      %broadcast_in_dim3A_174 = vector.broadcast %broadcast_in_dim3A_173 : f32 to vector<16xf32>
      %swap3A_175 = arith.index_cast %scan3A_124 : i32 to index
      %swap3A_176 = arith.constant 112 : index
      %swap3A_177 = tpu.vector_load %arg9[%swap3A_175, %swap3A_176] {strides = array<i32>} : memref<80x128xf32, #tpu.memory_space<vmem>>, vector<1x16xf32>,
      %swap3A_178 = vector.shape_cast %swap3A_177 : vector<1x16xf32> to vector<16xf32>
      %swap3A_179 = vector.shape_cast %broadcast_in_dim3A_174 : vector<16xf32> to vector<1x16xf32>
      tpu.vector_store %arg9[%swap3A_175, %swap3A_176], %swap3A_179 {strides = array<i32>} : memref<80x128xf32, #tpu.memory_space<vmem>>, vector<1x16xf32>,
      %scan3A_180 = arith.constant 0 : i32
      scf.yield %scan3A_180 : i32
    }
    %scan3A_10 = arith.constant 80 : i32
    %add3A_11 = arith.constant 0 : i32
    %add3A_12 = arith.addi %mul3A_0, %add3A_11 : i32
    "tpu.region"() ({
      %run_scoped3A_124 = tpu.sem_alloc : memref<!tpu.dma_semaphore, #tpu.memory_space<semaphore_mem>>
      %dma_start3A_125 = arith.constant 0 : i32
      %dma_start3A_126 = tpu.memref_slice %arg13[%add3A_12, %dma_start3A_125] : memref<10240x128xf32, #tpu.memory_space<vmem_shared>> -> memref<80x128xf32, #tpu.memory_space<vmem_shared>>
      %dma_start3A_127 = arith.constant 0 : i32
      %dma_start3A_128 = tpu.memref_slice %arg13[%add3A_12, %dma_start3A_127] : memref<10240x128xf32, #tpu.memory_space<vmem_shared>> -> memref<80x128xf32, #tpu.memory_space<vmem_shared>>
      tpu.enqueue_dma source(%arg9 : memref<80x128xf32, #tpu.memory_space<vmem>>) target(%dma_start3A_128 : memref<80x128xf32, #tpu.memory_space<vmem_shared>>) target_semaphore(%run_scoped3A_124 : memref<!tpu.dma_semaphore, #tpu.memory_space<semaphore_mem>>)
      %dma_wait3A_129 = arith.constant 0 : i32
      %dma_wait3A_130 = tpu.memref_slice %arg13[%add3A_12, %dma_wait3A_129] : memref<10240x128xf32, #tpu.memory_space<vmem_shared>> -> memref<80x128xf32, #tpu.memory_space<vmem_shared>>
      %dma_wait3A_131 = arith.constant 0 : i32
      %dma_wait3A_132 = tpu.memref_slice %arg13[%add3A_12, %dma_wait3A_131] : memref<10240x128xf32, #tpu.memory_space<vmem_shared>> -> memref<80x128xf32, #tpu.memory_space<vmem_shared>>
      tpu.wait_dma2 semaphore(%run_scoped3A_124 : memref<!tpu.dma_semaphore, #tpu.memory_space<semaphore_mem>>) src(%arg9 : memref<80x128xf32, #tpu.memory_space<vmem>>) dst(%dma_wait3A_132 : memref<80x128xf32, #tpu.memory_space<vmem_shared>>)
      tpu.yield
    }) : () -> ()
    %add3A_13 = arith.constant 80 : i32
    %add3A_14 = arith.addi %mul3A_0, %add3A_13 : i32
    "tpu.region"() ({
      %run_scoped3A_124 = tpu.sem_alloc : memref<!tpu.dma_semaphore, #tpu.memory_space<semaphore_mem>>
      %dma_start3A_125 = arith.constant 0 : i32
      %dma_start3A_126 = tpu.memref_slice %arg13[%add3A_14, %dma_start3A_125] : memref<10240x128xf32, #tpu.memory_space<vmem_shared>> -> memref<80x128xf32, #tpu.memory_space<vmem_shared>>
      %dma_start3A_127 = arith.constant 0 : i32
      %dma_start3A_128 = tpu.memref_slice %arg13[%add3A_14, %dma_start3A_127] : memref<10240x128xf32, #tpu.memory_space<vmem_shared>> -> memref<80x128xf32, #tpu.memory_space<vmem_shared>>
      tpu.enqueue_dma source(%arg9 : memref<80x128xf32, #tpu.memory_space<vmem>>) target(%dma_start3A_128 : memref<80x128xf32, #tpu.memory_space<vmem_shared>>) target_semaphore(%run_scoped3A_124 : memref<!tpu.dma_semaphore, #tpu.memory_space<semaphore_mem>>)
      %dma_wait3A_129 = arith.constant 0 : i32
      %dma_wait3A_130 = tpu.memref_slice %arg13[%add3A_14, %dma_wait3A_129] : memref<10240x128xf32, #tpu.memory_space<vmem_shared>> -> memref<80x128xf32, #tpu.memory_space<vmem_shared>>
      %dma_wait3A_131 = arith.constant 0 : i32
      %dma_wait3A_132 = tpu.memref_slice %arg13[%add3A_14, %dma_wait3A_131] : memref<10240x128xf32, #tpu.memory_space<vmem_shared>> -> memref<80x128xf32, #tpu.memory_space<vmem_shared>>
      tpu.wait_dma2 semaphore(%run_scoped3A_124 : memref<!tpu.dma_semaphore, #tpu.memory_space<semaphore_mem>>) src(%arg9 : memref<80x128xf32, #tpu.memory_space<vmem>>) dst(%dma_wait3A_132 : memref<80x128xf32, #tpu.memory_space<vmem_shared>>)
      tpu.yield
    }) : () -> ()
    %add3A_15 = arith.constant 160 : i32
    %add3A_16 = arith.addi %mul3A_0, %add3A_15 : i32
    "tpu.region"() ({
      %run_scoped3A_124 = tpu.sem_alloc : memref<!tpu.dma_semaphore, #tpu.memory_space<semaphore_mem>>
      %dma_start3A_125 = arith.constant 0 : i32
      %dma_start3A_126 = tpu.memref_slice %arg13[%add3A_16, %dma_start3A_125] : memref<10240x128xf32, #tpu.memory_space<vmem_shared>> -> memref<80x128xf32, #tpu.memory_space<vmem_shared>>
      %dma_start3A_127 = arith.constant 0 : i32
      %dma_start3A_128 = tpu.memref_slice %arg13[%add3A_16, %dma_start3A_127] : memref<10240x128xf32, #tpu.memory_space<vmem_shared>> -> memref<80x128xf32, #tpu.memory_space<vmem_shared>>
      tpu.enqueue_dma source(%arg9 : memref<80x128xf32, #tpu.memory_space<vmem>>) target(%dma_start3A_128 : memref<80x128xf32, #tpu.memory_space<vmem_shared>>) target_semaphore(%run_scoped3A_124 : memref<!tpu.dma_semaphore, #tpu.memory_space<semaphore_mem>>)
      %dma_wait3A_129 = arith.constant 0 : i32
      %dma_wait3A_130 = tpu.memref_slice %arg13[%add3A_16, %dma_wait3A_129] : memref<10240x128xf32, #tpu.memory_space<vmem_shared>> -> memref<80x128xf32, #tpu.memory_space<vmem_shared>>
      %dma_wait3A_131 = arith.constant 0 : i32
      %dma_wait3A_132 = tpu.memref_slice %arg13[%add3A_16, %dma_wait3A_131] : memref<10240x128xf32, #tpu.memory_space<vmem_shared>> -> memref<80x128xf32, #tpu.memory_space<vmem_shared>>
      tpu.wait_dma2 semaphore(%run_scoped3A_124 : memref<!tpu.dma_semaphore, #tpu.memory_space<semaphore_mem>>) src(%arg9 : memref<80x128xf32, #tpu.memory_space<vmem>>) dst(%dma_wait3A_132 : memref<80x128xf32, #tpu.memory_space<vmem_shared>>)
      tpu.yield
    }) : () -> ()
    %add3A_17 = arith.constant 240 : i32
    %add3A_18 = arith.addi %mul3A_0, %add3A_17 : i32
    "tpu.region"() ({
      %run_scoped3A_124 = tpu.sem_alloc : memref<!tpu.dma_semaphore, #tpu.memory_space<semaphore_mem>>
      %dma_start3A_125 = arith.constant 0 : i32
      %dma_start3A_126 = tpu.memref_slice %arg13[%add3A_18, %dma_start3A_125] : memref<10240x128xf32, #tpu.memory_space<vmem_shared>> -> memref<80x128xf32, #tpu.memory_space<vmem_shared>>
      %dma_start3A_127 = arith.constant 0 : i32
      %dma_start3A_128 = tpu.memref_slice %arg13[%add3A_18, %dma_start3A_127] : memref<10240x128xf32, #tpu.memory_space<vmem_shared>> -> memref<80x128xf32, #tpu.memory_space<vmem_shared>>
      tpu.enqueue_dma source(%arg9 : memref<80x128xf32, #tpu.memory_space<vmem>>) target(%dma_start3A_128 : memref<80x128xf32, #tpu.memory_space<vmem_shared>>) target_semaphore(%run_scoped3A_124 : memref<!tpu.dma_semaphore, #tpu.memory_space<semaphore_mem>>)
      %dma_wait3A_129 = arith.constant 0 : i32
      %dma_wait3A_130 = tpu.memref_slice %arg13[%add3A_18, %dma_wait3A_129] : memref<10240x128xf32, #tpu.memory_space<vmem_shared>> -> memref<80x128xf32, #tpu.memory_space<vmem_shared>>
      %dma_wait3A_131 = arith.constant 0 : i32
      %dma_wait3A_132 = tpu.memref_slice %arg13[%add3A_18, %dma_wait3A_131] : memref<10240x128xf32, #tpu.memory_space<vmem_shared>> -> memref<80x128xf32, #tpu.memory_space<vmem_shared>>
      tpu.wait_dma2 semaphore(%run_scoped3A_124 : memref<!tpu.dma_semaphore, #tpu.memory_space<semaphore_mem>>) src(%arg9 : memref<80x128xf32, #tpu.memory_space<vmem>>) dst(%dma_wait3A_132 : memref<80x128xf32, #tpu.memory_space<vmem_shared>>)
      tpu.yield
    }) : () -> ()
    %add3A_19 = arith.constant 320 : i32
    %add3A_20 = arith.addi %mul3A_0, %add3A_19 : i32
    "tpu.region"() ({
      %run_scoped3A_124 = tpu.sem_alloc : memref<!tpu.dma_semaphore, #tpu.memory_space<semaphore_mem>>
      %dma_start3A_125 = arith.constant 0 : i32
      %dma_start3A_126 = tpu.memref_slice %arg13[%add3A_20, %dma_start3A_125] : memref<10240x128xf32, #tpu.memory_space<vmem_shared>> -> memref<80x128xf32, #tpu.memory_space<vmem_shared>>
      %dma_start3A_127 = arith.constant 0 : i32
      %dma_start3A_128 = tpu.memref_slice %arg13[%add3A_20, %dma_start3A_127] : memref<10240x128xf32, #tpu.memory_space<vmem_shared>> -> memref<80x128xf32, #tpu.memory_space<vmem_shared>>
      tpu.enqueue_dma source(%arg9 : memref<80x128xf32, #tpu.memory_space<vmem>>) target(%dma_start3A_128 : memref<80x128xf32, #tpu.memory_space<vmem_shared>>) target_semaphore(%run_scoped3A_124 : memref<!tpu.dma_semaphore, #tpu.memory_space<semaphore_mem>>)
      %dma_wait3A_129 = arith.constant 0 : i32
      %dma_wait3A_130 = tpu.memref_slice %arg13[%add3A_20, %dma_wait3A_129] : memref<10240x128xf32, #tpu.memory_space<vmem_shared>> -> memref<80x128xf32, #tpu.memory_space<vmem_shared>>
      %dma_wait3A_131 = arith.constant 0 : i32
      %dma_wait3A_132 = tpu.memref_slice %arg13[%add3A_20, %dma_wait3A_131] : memref<10240x128xf32, #tpu.memory_space<vmem_shared>> -> memref<80x128xf32, #tpu.memory_space<vmem_shared>>
      tpu.wait_dma2 semaphore(%run_scoped3A_124 : memref<!tpu.dma_semaphore, #tpu.memory_space<semaphore_mem>>) src(%arg9 : memref<80x128xf32, #tpu.memory_space<vmem>>) dst(%dma_wait3A_132 : memref<80x128xf32, #tpu.memory_space<vmem_shared>>)
      tpu.yield
    }) : () -> ()
    %add3A_21 = arith.constant 400 : i32
    %add3A_22 = arith.addi %mul3A_0, %add3A_21 : i32
    "tpu.region"() ({
      %run_scoped3A_124 = tpu.sem_alloc : memref<!tpu.dma_semaphore, #tpu.memory_space<semaphore_mem>>
      %dma_start3A_125 = arith.constant 0 : i32
      %dma_start3A_126 = tpu.memref_slice %arg13[%add3A_22, %dma_start3A_125] : memref<10240x128xf32, #tpu.memory_space<vmem_shared>> -> memref<80x128xf32, #tpu.memory_space<vmem_shared>>
      %dma_start3A_127 = arith.constant 0 : i32
      %dma_start3A_128 = tpu.memref_slice %arg13[%add3A_22, %dma_start3A_127] : memref<10240x128xf32, #tpu.memory_space<vmem_shared>> -> memref<80x128xf32, #tpu.memory_space<vmem_shared>>
      tpu.enqueue_dma source(%arg9 : memref<80x128xf32, #tpu.memory_space<vmem>>) target(%dma_start3A_128 : memref<80x128xf32, #tpu.memory_space<vmem_shared>>) target_semaphore(%run_scoped3A_124 : memref<!tpu.dma_semaphore, #tpu.memory_space<semaphore_mem>>)
      %dma_wait3A_129 = arith.constant 0 : i32
      %dma_wait3A_130 = tpu.memref_slice %arg13[%add3A_22, %dma_wait3A_129] : memref<10240x128xf32, #tpu.memory_space<vmem_shared>> -> memref<80x128xf32, #tpu.memory_space<vmem_shared>>
      %dma_wait3A_131 = arith.constant 0 : i32
      %dma_wait3A_132 = tpu.memref_slice %arg13[%add3A_22, %dma_wait3A_131] : memref<10240x128xf32, #tpu.memory_space<vmem_shared>> -> memref<80x128xf32, #tpu.memory_space<vmem_shared>>
      tpu.wait_dma2 semaphore(%run_scoped3A_124 : memref<!tpu.dma_semaphore, #tpu.memory_space<semaphore_mem>>) src(%arg9 : memref<80x128xf32, #tpu.memory_space<vmem>>) dst(%dma_wait3A_132 : memref<80x128xf32, #tpu.memory_space<vmem_shared>>)
      tpu.yield
    }) : () -> ()
    %add3A_23 = arith.constant 480 : i32
    %add3A_24 = arith.addi %mul3A_0, %add3A_23 : i32
    "tpu.region"() ({
      %run_scoped3A_124 = tpu.sem_alloc : memref<!tpu.dma_semaphore, #tpu.memory_space<semaphore_mem>>
      %dma_start3A_125 = arith.constant 0 : i32
      %dma_start3A_126 = tpu.memref_slice %arg13[%add3A_24, %dma_start3A_125] : memref<10240x128xf32, #tpu.memory_space<vmem_shared>> -> memref<80x128xf32, #tpu.memory_space<vmem_shared>>
      %dma_start3A_127 = arith.constant 0 : i32
      %dma_start3A_128 = tpu.memref_slice %arg13[%add3A_24, %dma_start3A_127] : memref<10240x128xf32, #tpu.memory_space<vmem_shared>> -> memref<80x128xf32, #tpu.memory_space<vmem_shared>>
      tpu.enqueue_dma source(%arg9 : memref<80x128xf32, #tpu.memory_space<vmem>>) target(%dma_start3A_128 : memref<80x128xf32, #tpu.memory_space<vmem_shared>>) target_semaphore(%run_scoped3A_124 : memref<!tpu.dma_semaphore, #tpu.memory_space<semaphore_mem>>)
      %dma_wait3A_129 = arith.constant 0 : i32
      %dma_wait3A_130 = tpu.memref_slice %arg13[%add3A_24, %dma_wait3A_129] : memref<10240x128xf32, #tpu.memory_space<vmem_shared>> -> memref<80x128xf32, #tpu.memory_space<vmem_shared>>
      %dma_wait3A_131 = arith.constant 0 : i32
      %dma_wait3A_132 = tpu.memref_slice %arg13[%add3A_24, %dma_wait3A_131] : memref<10240x128xf32, #tpu.memory_space<vmem_shared>> -> memref<80x128xf32, #tpu.memory_space<vmem_shared>>
      tpu.wait_dma2 semaphore(%run_scoped3A_124 : memref<!tpu.dma_semaphore, #tpu.memory_space<semaphore_mem>>) src(%arg9 : memref<80x128xf32, #tpu.memory_space<vmem>>) dst(%dma_wait3A_132 : memref<80x128xf32, #tpu.memory_space<vmem_shared>>)
      tpu.yield
    }) : () -> ()
    %add3A_25 = arith.constant 560 : i32
    %add3A_26 = arith.addi %mul3A_0, %add3A_25 : i32
    "tpu.region"() ({
      %run_scoped3A_124 = tpu.sem_alloc : memref<!tpu.dma_semaphore, #tpu.memory_space<semaphore_mem>>
      %dma_start3A_125 = arith.constant 0 : i32
      %dma_start3A_126 = tpu.memref_slice %arg13[%add3A_26, %dma_start3A_125] : memref<10240x128xf32, #tpu.memory_space<vmem_shared>> -> memref<80x128xf32, #tpu.memory_space<vmem_shared>>
      %dma_start3A_127 = arith.constant 0 : i32
      %dma_start3A_128 = tpu.memref_slice %arg13[%add3A_26, %dma_start3A_127] : memref<10240x128xf32, #tpu.memory_space<vmem_shared>> -> memref<80x128xf32, #tpu.memory_space<vmem_shared>>
      tpu.enqueue_dma source(%arg9 : memref<80x128xf32, #tpu.memory_space<vmem>>) target(%dma_start3A_128 : memref<80x128xf32, #tpu.memory_space<vmem_shared>>) target_semaphore(%run_scoped3A_124 : memref<!tpu.dma_semaphore, #tpu.memory_space<semaphore_mem>>)
      %dma_wait3A_129 = arith.constant 0 : i32
      %dma_wait3A_130 = tpu.memref_slice %arg13[%add3A_26, %dma_wait3A_129] : memref<10240x128xf32, #tpu.memory_space<vmem_shared>> -> memref<80x128xf32, #tpu.memory_space<vmem_shared>>
      %dma_wait3A_131 = arith.constant 0 : i32
      %dma_wait3A_132 = tpu.memref_slice %arg13[%add3A_26, %dma_wait3A_131] : memref<10240x128xf32, #tpu.memory_space<vmem_shared>> -> memref<80x128xf32, #tpu.memory_space<vmem_shared>>
      tpu.wait_dma2 semaphore(%run_scoped3A_124 : memref<!tpu.dma_semaphore, #tpu.memory_space<semaphore_mem>>) src(%arg9 : memref<80x128xf32, #tpu.memory_space<vmem>>) dst(%dma_wait3A_132 : memref<80x128xf32, #tpu.memory_space<vmem_shared>>)
      tpu.yield
    }) : () -> ()
    %barrier3A = arith.constant 0 : index
    tpu.barrier barrier_id(%barrier3A)
    %add3A_27 = arith.constant 0 : i32
    %add3A_28 = arith.addi %mul3A_4, %add3A_27 : i32
    %run_scoped3A = arith.constant 0 : i32
    "tpu.region"() ({
      %run_scoped3A_124 = tpu.sem_alloc : memref<!tpu.dma_semaphore, #tpu.memory_space<semaphore_mem>>
      %dma_start3A_125 = arith.constant 0 : i32
      %dma_start3A_126 = tpu.memref_slice %arg7[%run_scoped3A, %dma_start3A_125] : memref<2x80xi32, #tpu.memory_space<vmem>> -> memref<1x80xi32, #tpu.memory_space<vmem>>
      %dma_start3A_127 = tpu.memref_squeeze %dma_start3A_126 : memref<1x80xi32, #tpu.memory_space<vmem>> -> memref<80xi32, #tpu.memory_space<vmem>>
      %dma_start3A_128 = tpu.memref_slice %arg4[%add3A_28] : memref<320000xi32, #tpu.memory_space<hbm>> -> memref<80xi32, #tpu.memory_space<hbm>>
      %dma_start3A_129 = arith.constant 0 : i32
      %dma_start3A_130 = tpu.memref_slice %arg7[%run_scoped3A, %dma_start3A_129] : memref<2x80xi32, #tpu.memory_space<vmem>> -> memref<1x80xi32, #tpu.memory_space<vmem>>
      %dma_start3A_131 = tpu.memref_squeeze %dma_start3A_130 : memref<1x80xi32, #tpu.memory_space<vmem>> -> memref<80xi32, #tpu.memory_space<vmem>>
      %dma_start3A_132 = tpu.memref_slice %arg4[%add3A_28] : memref<320000xi32, #tpu.memory_space<hbm>> -> memref<80xi32, #tpu.memory_space<hbm>>
      tpu.enqueue_dma source(%dma_start3A_132 : memref<80xi32, #tpu.memory_space<hbm>>) target(%dma_start3A_131 : memref<80xi32, #tpu.memory_space<vmem>>) target_semaphore(%run_scoped3A_124 : memref<!tpu.dma_semaphore, #tpu.memory_space<semaphore_mem>>)
      %dma_wait3A_133 = arith.constant 0 : i32
      %dma_wait3A_134 = tpu.memref_slice %arg7[%run_scoped3A, %dma_wait3A_133] : memref<2x80xi32, #tpu.memory_space<vmem>> -> memref<1x80xi32, #tpu.memory_space<vmem>>
      %dma_wait3A_135 = tpu.memref_squeeze %dma_wait3A_134 : memref<1x80xi32, #tpu.memory_space<vmem>> -> memref<80xi32, #tpu.memory_space<vmem>>
      %dma_wait3A_136 = tpu.memref_slice %arg4[%add3A_28] : memref<320000xi32, #tpu.memory_space<hbm>> -> memref<80xi32, #tpu.memory_space<hbm>>
      %dma_wait3A_137 = arith.constant 0 : i32
      %dma_wait3A_138 = tpu.memref_slice %arg7[%run_scoped3A, %dma_wait3A_137] : memref<2x80xi32, #tpu.memory_space<vmem>> -> memref<1x80xi32, #tpu.memory_space<vmem>>
      %dma_wait3A_139 = tpu.memref_squeeze %dma_wait3A_138 : memref<1x80xi32, #tpu.memory_space<vmem>> -> memref<80xi32, #tpu.memory_space<vmem>>
      %dma_wait3A_140 = tpu.memref_slice %arg4[%add3A_28] : memref<320000xi32, #tpu.memory_space<hbm>> -> memref<80xi32, #tpu.memory_space<hbm>>
      tpu.wait_dma2 semaphore(%run_scoped3A_124 : memref<!tpu.dma_semaphore, #tpu.memory_space<semaphore_mem>>) src(%dma_wait3A_140 : memref<80xi32, #tpu.memory_space<hbm>>) dst(%dma_wait3A_139 : memref<80xi32, #tpu.memory_space<vmem>>)
      tpu.yield
    }) : () -> ()
    %run_scoped3A_29 = arith.constant 1 : i32
    "tpu.region"() ({
      %run_scoped3A_124 = tpu.sem_alloc : memref<!tpu.dma_semaphore, #tpu.memory_space<semaphore_mem>>
      %dma_start3A_125 = arith.constant 0 : i32
      %dma_start3A_126 = tpu.memref_slice %arg7[%run_scoped3A_29, %dma_start3A_125] : memref<2x80xi32, #tpu.memory_space<vmem>> -> memref<1x80xi32, #tpu.memory_space<vmem>>
      %dma_start3A_127 = tpu.memref_squeeze %dma_start3A_126 : memref<1x80xi32, #tpu.memory_space<vmem>> -> memref<80xi32, #tpu.memory_space<vmem>>
      %dma_start3A_128 = tpu.memref_slice %arg5[%add3A_28] : memref<320000xi32, #tpu.memory_space<hbm>> -> memref<80xi32, #tpu.memory_space<hbm>>
      %dma_start3A_129 = arith.constant 0 : i32
      %dma_start3A_130 = tpu.memref_slice %arg7[%run_scoped3A_29, %dma_start3A_129] : memref<2x80xi32, #tpu.memory_space<vmem>> -> memref<1x80xi32, #tpu.memory_space<vmem>>
      %dma_start3A_131 = tpu.memref_squeeze %dma_start3A_130 : memref<1x80xi32, #tpu.memory_space<vmem>> -> memref<80xi32, #tpu.memory_space<vmem>>
      %dma_start3A_132 = tpu.memref_slice %arg5[%add3A_28] : memref<320000xi32, #tpu.memory_space<hbm>> -> memref<80xi32, #tpu.memory_space<hbm>>
      tpu.enqueue_dma source(%dma_start3A_132 : memref<80xi32, #tpu.memory_space<hbm>>) target(%dma_start3A_131 : memref<80xi32, #tpu.memory_space<vmem>>) target_semaphore(%run_scoped3A_124 : memref<!tpu.dma_semaphore, #tpu.memory_space<semaphore_mem>>)
      %dma_wait3A_133 = arith.constant 0 : i32
      %dma_wait3A_134 = tpu.memref_slice %arg7[%run_scoped3A_29, %dma_wait3A_133] : memref<2x80xi32, #tpu.memory_space<vmem>> -> memref<1x80xi32, #tpu.memory_space<vmem>>
      %dma_wait3A_135 = tpu.memref_squeeze %dma_wait3A_134 : memref<1x80xi32, #tpu.memory_space<vmem>> -> memref<80xi32, #tpu.memory_space<vmem>>
      %dma_wait3A_136 = tpu.memref_slice %arg5[%add3A_28] : memref<320000xi32, #tpu.memory_space<hbm>> -> memref<80xi32, #tpu.memory_space<hbm>>
      %dma_wait3A_137 = arith.constant 0 : i32
      %dma_wait3A_138 = tpu.memref_slice %arg7[%run_scoped3A_29, %dma_wait3A_137] : memref<2x80xi32, #tpu.memory_space<vmem>> -> memref<1x80xi32, #tpu.memory_space<vmem>>
      %dma_wait3A_139 = tpu.memref_squeeze %dma_wait3A_138 : memref<1x80xi32, #tpu.memory_space<vmem>> -> memref<80xi32, #tpu.memory_space<vmem>>
      %dma_wait3A_140 = tpu.memref_slice %arg5[%add3A_28] : memref<320000xi32, #tpu.memory_space<hbm>> -> memref<80xi32, #tpu.memory_space<hbm>>
      tpu.wait_dma2 semaphore(%run_scoped3A_124 : memref<!tpu.dma_semaphore, #tpu.memory_space<semaphore_mem>>) src(%dma_wait3A_140 : memref<80xi32, #tpu.memory_space<hbm>>) dst(%dma_wait3A_139 : memref<80xi32, #tpu.memory_space<vmem>>)
      tpu.yield
    }) : () -> ()
    %dma_start3A = arith.constant 0 : i32
    %dma_start3A_30 = arith.constant 0 : i32
    %dma_start3A_31 = tpu.memref_slice %arg7[%dma_start3A, %dma_start3A_30] : memref<2x80xi32, #tpu.memory_space<vmem>> -> memref<1x80xi32, #tpu.memory_space<vmem>>
    %dma_start3A_32 = tpu.memref_squeeze %dma_start3A_31 : memref<1x80xi32, #tpu.memory_space<vmem>> -> memref<80xi32, #tpu.memory_space<vmem>>
    %dma_start3A_33 = arith.constant 0 : i32
    %dma_start3A_34 = arith.constant 0 : i32
    %dma_start3A_35 = tpu.memref_slice %arg2[%dma_start3A_33, %dma_start3A_34] : memref<10240x128xf32, #tpu.memory_space<hbm>> -> memref<10240x128xf32, #tpu.memory_space<hbm>>
    tpu.enqueue_indirect_dma source(%dma_start3A_35 : memref<10240x128xf32, #tpu.memory_space<hbm>>) target(%arg9 : memref<80x128xf32, #tpu.memory_space<vmem>>) offsets(%dma_start3A_32 : memref<80xi32, #tpu.memory_space<vmem>>) semaphore(%arg14 : memref<!tpu.dma_semaphore, #tpu.memory_space<semaphore_mem>>)
    %dma_start3A_36 = arith.constant 0 : i32
    %dma_start3A_37 = tpu.memref_slice %arg3[%add3A_28, %dma_start3A_36] : memref<320000x128xf32, #tpu.memory_space<hbm>> -> memref<80x128xf32, #tpu.memory_space<hbm>>
    %dma_start3A_38 = arith.constant 0 : i32
    %dma_start3A_39 = tpu.memref_slice %arg3[%add3A_28, %dma_start3A_38] : memref<320000x128xf32, #tpu.memory_space<hbm>> -> memref<80x128xf32, #tpu.memory_space<hbm>>
    tpu.enqueue_dma source(%dma_start3A_39 : memref<80x128xf32, #tpu.memory_space<hbm>>) target(%arg11 : memref<80x128xf32, #tpu.memory_space<vmem>>) target_semaphore(%arg14 : memref<!tpu.dma_semaphore, #tpu.memory_space<semaphore_mem>>)
    %scan3A_40 = arith.constant 0 : i32
    %scan3A_41 = arith.constant 0 : i32
    %scan3A_42 = arith.constant 62 : i32
    %scan3A_43 = arith.addi %scan3A_41, %scan3A_42 : i32
    %scan3A_44 = arith.constant 1 : i32
    %scan3A_45 = scf.for %scan3A_124 = %scan3A_41 to %scan3A_43 step %scan3A_44 iter_args(%scan3A_125 = %scan3A_40) -> (i32)  : i32 {
      %mul3A_126 = arith.constant 2 : i32
      %mul3A_127 = arith.muli %mul3A_126, %scan3A_124 : i32
      %add3A_128 = arith.constant 1 : i32
      %add3A_129 = arith.addi %mul3A_127, %add3A_128 : i32
      %mul3A_130 = arith.constant 80 : i32
      %mul3A_131 = arith.muli %add3A_129, %mul3A_130 : i32
      %add3A_132 = arith.addi %mul3A_4, %mul3A_131 : i32
      %run_scoped3A_133 = arith.constant 0 : i32
      "tpu.region"() ({
        %run_scoped3A_211 = tpu.sem_alloc : memref<!tpu.dma_semaphore, #tpu.memory_space<semaphore_mem>>
        %dma_start3A_212 = arith.constant 0 : i32
        %dma_start3A_213 = tpu.memref_slice %arg8[%run_scoped3A_133, %dma_start3A_212] : memref<2x80xi32, #tpu.memory_space<vmem>> -> memref<1x80xi32, #tpu.memory_space<vmem>>
        %dma_start3A_214 = tpu.memref_squeeze %dma_start3A_213 : memref<1x80xi32, #tpu.memory_space<vmem>> -> memref<80xi32, #tpu.memory_space<vmem>>
        %dma_start3A_215 = tpu.memref_slice %arg4[%add3A_132] : memref<320000xi32, #tpu.memory_space<hbm>> -> memref<80xi32, #tpu.memory_space<hbm>>
        %dma_start3A_216 = arith.constant 0 : i32
        %dma_start3A_217 = tpu.memref_slice %arg8[%run_scoped3A_133, %dma_start3A_216] : memref<2x80xi32, #tpu.memory_space<vmem>> -> memref<1x80xi32, #tpu.memory_space<vmem>>
        %dma_start3A_218 = tpu.memref_squeeze %dma_start3A_217 : memref<1x80xi32, #tpu.memory_space<vmem>> -> memref<80xi32, #tpu.memory_space<vmem>>
        %dma_start3A_219 = tpu.memref_slice %arg4[%add3A_132] : memref<320000xi32, #tpu.memory_space<hbm>> -> memref<80xi32, #tpu.memory_space<hbm>>
        tpu.enqueue_dma source(%dma_start3A_219 : memref<80xi32, #tpu.memory_space<hbm>>) target(%dma_start3A_218 : memref<80xi32, #tpu.memory_space<vmem>>) target_semaphore(%run_scoped3A_211 : memref<!tpu.dma_semaphore, #tpu.memory_space<semaphore_mem>>)
        %dma_wait3A_220 = arith.constant 0 : i32
        %dma_wait3A_221 = tpu.memref_slice %arg8[%run_scoped3A_133, %dma_wait3A_220] : memref<2x80xi32, #tpu.memory_space<vmem>> -> memref<1x80xi32, #tpu.memory_space<vmem>>
        %dma_wait3A_222 = tpu.memref_squeeze %dma_wait3A_221 : memref<1x80xi32, #tpu.memory_space<vmem>> -> memref<80xi32, #tpu.memory_space<vmem>>
        %dma_wait3A_223 = tpu.memref_slice %arg4[%add3A_132] : memref<320000xi32, #tpu.memory_space<hbm>> -> memref<80xi32, #tpu.memory_space<hbm>>
        %dma_wait3A_224 = arith.constant 0 : i32
        %dma_wait3A_225 = tpu.memref_slice %arg8[%run_scoped3A_133, %dma_wait3A_224] : memref<2x80xi32, #tpu.memory_space<vmem>> -> memref<1x80xi32, #tpu.memory_space<vmem>>
        %dma_wait3A_226 = tpu.memref_squeeze %dma_wait3A_225 : memref<1x80xi32, #tpu.memory_space<vmem>> -> memref<80xi32, #tpu.memory_space<vmem>>
        %dma_wait3A_227 = tpu.memref_slice %arg4[%add3A_132] : memref<320000xi32, #tpu.memory_space<hbm>> -> memref<80xi32, #tpu.memory_space<hbm>>
        tpu.wait_dma2 semaphore(%run_scoped3A_211 : memref<!tpu.dma_semaphore, #tpu.memory_space<semaphore_mem>>) src(%dma_wait3A_227 : memref<80xi32, #tpu.memory_space<hbm>>) dst(%dma_wait3A_226 : memref<80xi32, #tpu.memory_space<vmem>>)
        tpu.yield
      }) : () -> ()
      %run_scoped3A_134 = arith.constant 1 : i32
      "tpu.region"() ({
        %run_scoped3A_211 = tpu.sem_alloc : memref<!tpu.dma_semaphore, #tpu.memory_space<semaphore_mem>>
        %dma_start3A_212 = arith.constant 0 : i32
        %dma_start3A_213 = tpu.memref_slice %arg8[%run_scoped3A_134, %dma_start3A_212] : memref<2x80xi32, #tpu.memory_space<vmem>> -> memref<1x80xi32, #tpu.memory_space<vmem>>
        %dma_start3A_214 = tpu.memref_squeeze %dma_start3A_213 : memref<1x80xi32, #tpu.memory_space<vmem>> -> memref<80xi32, #tpu.memory_space<vmem>>
        %dma_start3A_215 = tpu.memref_slice %arg5[%add3A_132] : memref<320000xi32, #tpu.memory_space<hbm>> -> memref<80xi32, #tpu.memory_space<hbm>>
        %dma_start3A_216 = arith.constant 0 : i32
        %dma_start3A_217 = tpu.memref_slice %arg8[%run_scoped3A_134, %dma_start3A_216] : memref<2x80xi32, #tpu.memory_space<vmem>> -> memref<1x80xi32, #tpu.memory_space<vmem>>
        %dma_start3A_218 = tpu.memref_squeeze %dma_start3A_217 : memref<1x80xi32, #tpu.memory_space<vmem>> -> memref<80xi32, #tpu.memory_space<vmem>>
        %dma_start3A_219 = tpu.memref_slice %arg5[%add3A_132] : memref<320000xi32, #tpu.memory_space<hbm>> -> memref<80xi32, #tpu.memory_space<hbm>>
        tpu.enqueue_dma source(%dma_start3A_219 : memref<80xi32, #tpu.memory_space<hbm>>) target(%dma_start3A_218 : memref<80xi32, #tpu.memory_space<vmem>>) target_semaphore(%run_scoped3A_211 : memref<!tpu.dma_semaphore, #tpu.memory_space<semaphore_mem>>)
        %dma_wait3A_220 = arith.constant 0 : i32
        %dma_wait3A_221 = tpu.memref_slice %arg8[%run_scoped3A_134, %dma_wait3A_220] : memref<2x80xi32, #tpu.memory_space<vmem>> -> memref<1x80xi32, #tpu.memory_space<vmem>>
        %dma_wait3A_222 = tpu.memref_squeeze %dma_wait3A_221 : memref<1x80xi32, #tpu.memory_space<vmem>> -> memref<80xi32, #tpu.memory_space<vmem>>
        %dma_wait3A_223 = tpu.memref_slice %arg5[%add3A_132] : memref<320000xi32, #tpu.memory_space<hbm>> -> memref<80xi32, #tpu.memory_space<hbm>>
        %dma_wait3A_224 = arith.constant 0 : i32
        %dma_wait3A_225 = tpu.memref_slice %arg8[%run_scoped3A_134, %dma_wait3A_224] : memref<2x80xi32, #tpu.memory_space<vmem>> -> memref<1x80xi32, #tpu.memory_space<vmem>>
        %dma_wait3A_226 = tpu.memref_squeeze %dma_wait3A_225 : memref<1x80xi32, #tpu.memory_space<vmem>> -> memref<80xi32, #tpu.memory_space<vmem>>
        %dma_wait3A_227 = tpu.memref_slice %arg5[%add3A_132] : memref<320000xi32, #tpu.memory_space<hbm>> -> memref<80xi32, #tpu.memory_space<hbm>>
        tpu.wait_dma2 semaphore(%run_scoped3A_211 : memref<!tpu.dma_semaphore, #tpu.memory_space<semaphore_mem>>) src(%dma_wait3A_227 : memref<80xi32, #tpu.memory_space<hbm>>) dst(%dma_wait3A_226 : memref<80xi32, #tpu.memory_space<vmem>>)
        tpu.yield
      }) : () -> ()
      %dma_start3A_135 = arith.constant 0 : i32
      %dma_start3A_136 = arith.constant 0 : i32
      %dma_start3A_137 = tpu.memref_slice %arg8[%dma_start3A_135, %dma_start3A_136] : memref<2x80xi32, #tpu.memory_space<vmem>> -> memref<1x80xi32, #tpu.memory_space<vmem>>
      %dma_start3A_138 = tpu.memref_squeeze %dma_start3A_137 : memref<1x80xi32, #tpu.memory_space<vmem>> -> memref<80xi32, #tpu.memory_space<vmem>>
      %dma_start3A_139 = arith.constant 0 : i32
      %dma_start3A_140 = arith.constant 0 : i32
      %dma_start3A_141 = tpu.memref_slice %arg2[%dma_start3A_139, %dma_start3A_140] : memref<10240x128xf32, #tpu.memory_space<hbm>> -> memref<10240x128xf32, #tpu.memory_space<hbm>>
      tpu.enqueue_indirect_dma source(%dma_start3A_141 : memref<10240x128xf32, #tpu.memory_space<hbm>>) target(%arg10 : memref<80x128xf32, #tpu.memory_space<vmem>>) offsets(%dma_start3A_138 : memref<80xi32, #tpu.memory_space<vmem>>) semaphore(%arg15 : memref<!tpu.dma_semaphore, #tpu.memory_space<semaphore_mem>>)
      %dma_start3A_142 = arith.constant 0 : i32
      %dma_start3A_143 = tpu.memref_slice %arg3[%add3A_132, %dma_start3A_142] : memref<320000x128xf32, #tpu.memory_space<hbm>> -> memref<80x128xf32, #tpu.memory_space<hbm>>
      %dma_start3A_144 = arith.constant 0 : i32
      %dma_start3A_145 = tpu.memref_slice %arg3[%add3A_132, %dma_start3A_144] : memref<320000x128xf32, #tpu.memory_space<hbm>> -> memref<80x128xf32, #tpu.memory_space<hbm>>
      tpu.enqueue_dma source(%dma_start3A_145 : memref<80x128xf32, #tpu.memory_space<hbm>>) target(%arg12 : memref<80x128xf32, #tpu.memory_space<vmem>>) target_semaphore(%arg15 : memref<!tpu.dma_semaphore, #tpu.memory_space<semaphore_mem>>)
      %mul3A_146 = arith.constant 80 : i32
      %mul3A_147 = arith.muli %mul3A_127, %mul3A_146 : i32
      %add3A_148 = arith.addi %mul3A_4, %mul3A_147 : i32
      %dma_wait3A_149 = arith.constant 0 : i32
      %dma_wait3A_150 = arith.constant 0 : i32
      %dma_wait3A_151 = tpu.memref_slice %arg7[%dma_wait3A_149, %dma_wait3A_150] : memref<2x80xi32, #tpu.memory_space<vmem>> -> memref<1x80xi32, #tpu.memory_space<vmem>>
      %dma_wait3A_152 = tpu.memref_squeeze %dma_wait3A_151 : memref<1x80xi32, #tpu.memory_space<vmem>> -> memref<80xi32, #tpu.memory_space<vmem>>
      %dma_wait3A_153 = arith.constant 0 : i32
      %dma_wait3A_154 = arith.constant 0 : i32
      %dma_wait3A_155 = tpu.memref_slice %arg2[%dma_wait3A_153, %dma_wait3A_154] : memref<10240x128xf32, #tpu.memory_space<hbm>> -> memref<10240x128xf32, #tpu.memory_space<hbm>>
      tpu.wait_indirect_dma semaphore(%arg14 : memref<!tpu.dma_semaphore, #tpu.memory_space<semaphore_mem>>) src(%dma_wait3A_155 : memref<10240x128xf32, #tpu.memory_space<hbm>>) dst(%arg9 : memref<80x128xf32, #tpu.memory_space<vmem>>)
      %dma_wait3A_156 = arith.constant 0 : i32
      %dma_wait3A_157 = tpu.memref_slice %arg3[%add3A_148, %dma_wait3A_156] : memref<320000x128xf32, #tpu.memory_space<hbm>> -> memref<80x128xf32, #tpu.memory_space<hbm>>
      %dma_wait3A_158 = arith.constant 0 : i32
      %dma_wait3A_159 = tpu.memref_slice %arg3[%add3A_148, %dma_wait3A_158] : memref<320000x128xf32, #tpu.memory_space<hbm>> -> memref<80x128xf32, #tpu.memory_space<hbm>>
      tpu.wait_dma2 semaphore(%arg14 : memref<!tpu.dma_semaphore, #tpu.memory_space<semaphore_mem>>) src(%dma_wait3A_159 : memref<80x128xf32, #tpu.memory_space<hbm>>) dst(%arg11 : memref<80x128xf32, #tpu.memory_space<vmem>>)
      %scan3A_160 = arith.constant 0 : i32
      %scan3A_161 = arith.constant 0 : i32
      %scan3A_162 = arith.constant 80 : i32
      %scan3A_163 = arith.addi %scan3A_161, %scan3A_162 : i32
      %scan3A_164 = arith.constant 1 : i32
      %scan3A_165 = scf.for %scan3A_211 = %scan3A_161 to %scan3A_163 step %scan3A_164 iter_args(%scan3A_212 = %scan3A_160) -> (i32)  : i32 {
        %get3A = arith.index_cast %scan3A_211 : i32 to index
        %get3A_213 = arith.constant 0 : index
        %get3A_214 = tpu.vector_load %arg9[%get3A, %get3A_213] {strides = array<i32>} : memref<80x128xf32, #tpu.memory_space<vmem>>, vector<1x16xf32>,
        %get3A_215 = vector.shape_cast %get3A_214 : vector<1x16xf32> to vector<16xf32>
        %get3A_216 = arith.index_cast %scan3A_211 : i32 to index
        %get3A_217 = arith.constant 0 : index
        %get3A_218 = tpu.vector_load %arg11[%get3A_216, %get3A_217] {strides = array<i32>} : memref<80x128xf32, #tpu.memory_space<vmem>>, vector<1x16xf32>,
        %get3A_219 = vector.shape_cast %get3A_218 : vector<1x16xf32> to vector<16xf32>
        %add3A_220 = arith.addf %get3A_215, %get3A_219 : vector<16xf32>
        %max3A = arith.constant 0.000000e+00 : f32
        %max3A_221 = vector.broadcast %max3A : f32 to vector<16xf32>
        %max3A_222 = arith.maximumf %add3A_220, %max3A_221 : vector<16xf32>
        %swap3A = arith.index_cast %scan3A_211 : i32 to index
        %swap3A_223 = arith.constant 0 : index
        %swap3A_224 = tpu.vector_load %arg9[%swap3A, %swap3A_223] {strides = array<i32>} : memref<80x128xf32, #tpu.memory_space<vmem>>, vector<1x16xf32>,
        %swap3A_225 = vector.shape_cast %swap3A_224 : vector<1x16xf32> to vector<16xf32>
        %swap3A_226 = vector.shape_cast %max3A_222 : vector<16xf32> to vector<1x16xf32>
        tpu.vector_store %arg9[%swap3A, %swap3A_223], %swap3A_226 {strides = array<i32>} : memref<80x128xf32, #tpu.memory_space<vmem>>, vector<1x16xf32>,
        %get3A_227 = arith.index_cast %scan3A_211 : i32 to index
        %get3A_228 = arith.constant 16 : index
        %get3A_229 = tpu.vector_load %arg9[%get3A_227, %get3A_228] {strides = array<i32>} : memref<80x128xf32, #tpu.memory_space<vmem>>, vector<1x16xf32>,
        %get3A_230 = vector.shape_cast %get3A_229 : vector<1x16xf32> to vector<16xf32>
        %get3A_231 = arith.index_cast %scan3A_211 : i32 to index
        %get3A_232 = arith.constant 16 : index
        %get3A_233 = tpu.vector_load %arg11[%get3A_231, %get3A_232] {strides = array<i32>} : memref<80x128xf32, #tpu.memory_space<vmem>>, vector<1x16xf32>,
        %get3A_234 = vector.shape_cast %get3A_233 : vector<1x16xf32> to vector<16xf32>
        %add3A_235 = arith.addf %get3A_230, %get3A_234 : vector<16xf32>
        %max3A_236 = arith.constant 0.000000e+00 : f32
        %max3A_237 = vector.broadcast %max3A_236 : f32 to vector<16xf32>
        %max3A_238 = arith.maximumf %add3A_235, %max3A_237 : vector<16xf32>
        %swap3A_239 = arith.index_cast %scan3A_211 : i32 to index
        %swap3A_240 = arith.constant 16 : index
        %swap3A_241 = tpu.vector_load %arg9[%swap3A_239, %swap3A_240] {strides = array<i32>} : memref<80x128xf32, #tpu.memory_space<vmem>>, vector<1x16xf32>,
        %swap3A_242 = vector.shape_cast %swap3A_241 : vector<1x16xf32> to vector<16xf32>
        %swap3A_243 = vector.shape_cast %max3A_238 : vector<16xf32> to vector<1x16xf32>
        tpu.vector_store %arg9[%swap3A_239, %swap3A_240], %swap3A_243 {strides = array<i32>} : memref<80x128xf32, #tpu.memory_space<vmem>>, vector<1x16xf32>,
        %get3A_244 = arith.index_cast %scan3A_211 : i32 to index
        %get3A_245 = arith.constant 32 : index
        %get3A_246 = tpu.vector_load %arg9[%get3A_244, %get3A_245] {strides = array<i32>} : memref<80x128xf32, #tpu.memory_space<vmem>>, vector<1x16xf32>,
        %get3A_247 = vector.shape_cast %get3A_246 : vector<1x16xf32> to vector<16xf32>
        %get3A_248 = arith.index_cast %scan3A_211 : i32 to index
        %get3A_249 = arith.constant 32 : index
        %get3A_250 = tpu.vector_load %arg11[%get3A_248, %get3A_249] {strides = array<i32>} : memref<80x128xf32, #tpu.memory_space<vmem>>, vector<1x16xf32>,
        %get3A_251 = vector.shape_cast %get3A_250 : vector<1x16xf32> to vector<16xf32>
        %add3A_252 = arith.addf %get3A_247, %get3A_251 : vector<16xf32>
        %max3A_253 = arith.constant 0.000000e+00 : f32
        %max3A_254 = vector.broadcast %max3A_253 : f32 to vector<16xf32>
        %max3A_255 = arith.maximumf %add3A_252, %max3A_254 : vector<16xf32>
        %swap3A_256 = arith.index_cast %scan3A_211 : i32 to index
        %swap3A_257 = arith.constant 32 : index
        %swap3A_258 = tpu.vector_load %arg9[%swap3A_256, %swap3A_257] {strides = array<i32>} : memref<80x128xf32, #tpu.memory_space<vmem>>, vector<1x16xf32>,
        %swap3A_259 = vector.shape_cast %swap3A_258 : vector<1x16xf32> to vector<16xf32>
        %swap3A_260 = vector.shape_cast %max3A_255 : vector<16xf32> to vector<1x16xf32>
        tpu.vector_store %arg9[%swap3A_256, %swap3A_257], %swap3A_260 {strides = array<i32>} : memref<80x128xf32, #tpu.memory_space<vmem>>, vector<1x16xf32>,
        %get3A_261 = arith.index_cast %scan3A_211 : i32 to index
        %get3A_262 = arith.constant 48 : index
        %get3A_263 = tpu.vector_load %arg9[%get3A_261, %get3A_262] {strides = array<i32>} : memref<80x128xf32, #tpu.memory_space<vmem>>, vector<1x16xf32>,
        %get3A_264 = vector.shape_cast %get3A_263 : vector<1x16xf32> to vector<16xf32>
        %get3A_265 = arith.index_cast %scan3A_211 : i32 to index
        %get3A_266 = arith.constant 48 : index
        %get3A_267 = tpu.vector_load %arg11[%get3A_265, %get3A_266] {strides = array<i32>} : memref<80x128xf32, #tpu.memory_space<vmem>>, vector<1x16xf32>,
        %get3A_268 = vector.shape_cast %get3A_267 : vector<1x16xf32> to vector<16xf32>
        %add3A_269 = arith.addf %get3A_264, %get3A_268 : vector<16xf32>
        %max3A_270 = arith.constant 0.000000e+00 : f32
        %max3A_271 = vector.broadcast %max3A_270 : f32 to vector<16xf32>
        %max3A_272 = arith.maximumf %add3A_269, %max3A_271 : vector<16xf32>
        %swap3A_273 = arith.index_cast %scan3A_211 : i32 to index
        %swap3A_274 = arith.constant 48 : index
        %swap3A_275 = tpu.vector_load %arg9[%swap3A_273, %swap3A_274] {strides = array<i32>} : memref<80x128xf32, #tpu.memory_space<vmem>>, vector<1x16xf32>,
        %swap3A_276 = vector.shape_cast %swap3A_275 : vector<1x16xf32> to vector<16xf32>
        %swap3A_277 = vector.shape_cast %max3A_272 : vector<16xf32> to vector<1x16xf32>
        tpu.vector_store %arg9[%swap3A_273, %swap3A_274], %swap3A_277 {strides = array<i32>} : memref<80x128xf32, #tpu.memory_space<vmem>>, vector<1x16xf32>,
        %get3A_278 = arith.index_cast %scan3A_211 : i32 to index
        %get3A_279 = arith.constant 64 : index
        %get3A_280 = tpu.vector_load %arg9[%get3A_278, %get3A_279] {strides = array<i32>} : memref<80x128xf32, #tpu.memory_space<vmem>>, vector<1x16xf32>,
        %get3A_281 = vector.shape_cast %get3A_280 : vector<1x16xf32> to vector<16xf32>
        %get3A_282 = arith.index_cast %scan3A_211 : i32 to index
        %get3A_283 = arith.constant 64 : index
        %get3A_284 = tpu.vector_load %arg11[%get3A_282, %get3A_283] {strides = array<i32>} : memref<80x128xf32, #tpu.memory_space<vmem>>, vector<1x16xf32>,
        %get3A_285 = vector.shape_cast %get3A_284 : vector<1x16xf32> to vector<16xf32>
        %add3A_286 = arith.addf %get3A_281, %get3A_285 : vector<16xf32>
        %max3A_287 = arith.constant 0.000000e+00 : f32
        %max3A_288 = vector.broadcast %max3A_287 : f32 to vector<16xf32>
        %max3A_289 = arith.maximumf %add3A_286, %max3A_288 : vector<16xf32>
        %swap3A_290 = arith.index_cast %scan3A_211 : i32 to index
        %swap3A_291 = arith.constant 64 : index
        %swap3A_292 = tpu.vector_load %arg9[%swap3A_290, %swap3A_291] {strides = array<i32>} : memref<80x128xf32, #tpu.memory_space<vmem>>, vector<1x16xf32>,
        %swap3A_293 = vector.shape_cast %swap3A_292 : vector<1x16xf32> to vector<16xf32>
        %swap3A_294 = vector.shape_cast %max3A_289 : vector<16xf32> to vector<1x16xf32>
        tpu.vector_store %arg9[%swap3A_290, %swap3A_291], %swap3A_294 {strides = array<i32>} : memref<80x128xf32, #tpu.memory_space<vmem>>, vector<1x16xf32>,
        %get3A_295 = arith.index_cast %scan3A_211 : i32 to index
        %get3A_296 = arith.constant 80 : index
        %get3A_297 = tpu.vector_load %arg9[%get3A_295, %get3A_296] {strides = array<i32>} : memref<80x128xf32, #tpu.memory_space<vmem>>, vector<1x16xf32>,
        %get3A_298 = vector.shape_cast %get3A_297 : vector<1x16xf32> to vector<16xf32>
        %get3A_299 = arith.index_cast %scan3A_211 : i32 to index
        %get3A_300 = arith.constant 80 : index
        %get3A_301 = tpu.vector_load %arg11[%get3A_299, %get3A_300] {strides = array<i32>} : memref<80x128xf32, #tpu.memory_space<vmem>>, vector<1x16xf32>,
        %get3A_302 = vector.shape_cast %get3A_301 : vector<1x16xf32> to vector<16xf32>
        %add3A_303 = arith.addf %get3A_298, %get3A_302 : vector<16xf32>
        %max3A_304 = arith.constant 0.000000e+00 : f32
        %max3A_305 = vector.broadcast %max3A_304 : f32 to vector<16xf32>
        %max3A_306 = arith.maximumf %add3A_303, %max3A_305 : vector<16xf32>
        %swap3A_307 = arith.index_cast %scan3A_211 : i32 to index
        %swap3A_308 = arith.constant 80 : index
        %swap3A_309 = tpu.vector_load %arg9[%swap3A_307, %swap3A_308] {strides = array<i32>} : memref<80x128xf32, #tpu.memory_space<vmem>>, vector<1x16xf32>,
        %swap3A_310 = vector.shape_cast %swap3A_309 : vector<1x16xf32> to vector<16xf32>
        %swap3A_311 = vector.shape_cast %max3A_306 : vector<16xf32> to vector<1x16xf32>
        tpu.vector_store %arg9[%swap3A_307, %swap3A_308], %swap3A_311 {strides = array<i32>} : memref<80x128xf32, #tpu.memory_space<vmem>>, vector<1x16xf32>,
        %get3A_312 = arith.index_cast %scan3A_211 : i32 to index
        %get3A_313 = arith.constant 96 : index
        %get3A_314 = tpu.vector_load %arg9[%get3A_312, %get3A_313] {strides = array<i32>} : memref<80x128xf32, #tpu.memory_space<vmem>>, vector<1x16xf32>,
        %get3A_315 = vector.shape_cast %get3A_314 : vector<1x16xf32> to vector<16xf32>
        %get3A_316 = arith.index_cast %scan3A_211 : i32 to index
        %get3A_317 = arith.constant 96 : index
        %get3A_318 = tpu.vector_load %arg11[%get3A_316, %get3A_317] {strides = array<i32>} : memref<80x128xf32, #tpu.memory_space<vmem>>, vector<1x16xf32>,
        %get3A_319 = vector.shape_cast %get3A_318 : vector<1x16xf32> to vector<16xf32>
        %add3A_320 = arith.addf %get3A_315, %get3A_319 : vector<16xf32>
        %max3A_321 = arith.constant 0.000000e+00 : f32
        %max3A_322 = vector.broadcast %max3A_321 : f32 to vector<16xf32>
        %max3A_323 = arith.maximumf %add3A_320, %max3A_322 : vector<16xf32>
        %swap3A_324 = arith.index_cast %scan3A_211 : i32 to index
        %swap3A_325 = arith.constant 96 : index
        %swap3A_326 = tpu.vector_load %arg9[%swap3A_324, %swap3A_325] {strides = array<i32>} : memref<80x128xf32, #tpu.memory_space<vmem>>, vector<1x16xf32>,
        %swap3A_327 = vector.shape_cast %swap3A_326 : vector<1x16xf32> to vector<16xf32>
        %swap3A_328 = vector.shape_cast %max3A_323 : vector<16xf32> to vector<1x16xf32>
        tpu.vector_store %arg9[%swap3A_324, %swap3A_325], %swap3A_328 {strides = array<i32>} : memref<80x128xf32, #tpu.memory_space<vmem>>, vector<1x16xf32>,
        %get3A_329 = arith.index_cast %scan3A_211 : i32 to index
        %get3A_330 = arith.constant 112 : index
        %get3A_331 = tpu.vector_load %arg9[%get3A_329, %get3A_330] {strides = array<i32>} : memref<80x128xf32, #tpu.memory_space<vmem>>, vector<1x16xf32>,
        %get3A_332 = vector.shape_cast %get3A_331 : vector<1x16xf32> to vector<16xf32>
        %get3A_333 = arith.index_cast %scan3A_211 : i32 to index
        %get3A_334 = arith.constant 112 : index
        %get3A_335 = tpu.vector_load %arg11[%get3A_333, %get3A_334] {strides = array<i32>} : memref<80x128xf32, #tpu.memory_space<vmem>>, vector<1x16xf32>,
        %get3A_336 = vector.shape_cast %get3A_335 : vector<1x16xf32> to vector<16xf32>
        %add3A_337 = arith.addf %get3A_332, %get3A_336 : vector<16xf32>
        %max3A_338 = arith.constant 0.000000e+00 : f32
        %max3A_339 = vector.broadcast %max3A_338 : f32 to vector<16xf32>
        %max3A_340 = arith.maximumf %add3A_337, %max3A_339 : vector<16xf32>
        %swap3A_341 = arith.index_cast %scan3A_211 : i32 to index
        %swap3A_342 = arith.constant 112 : index
        %swap3A_343 = tpu.vector_load %arg9[%swap3A_341, %swap3A_342] {strides = array<i32>} : memref<80x128xf32, #tpu.memory_space<vmem>>, vector<1x16xf32>,
        %swap3A_344 = vector.shape_cast %swap3A_343 : vector<1x16xf32> to vector<16xf32>
        %swap3A_345 = vector.shape_cast %max3A_340 : vector<16xf32> to vector<1x16xf32>
        tpu.vector_store %arg9[%swap3A_341, %swap3A_342], %swap3A_345 {strides = array<i32>} : memref<80x128xf32, #tpu.memory_space<vmem>>, vector<1x16xf32>,
        %scan3A_346 = arith.constant 0 : i32
        scf.yield %scan3A_346 : i32
      }
      %scan3A_166 = arith.constant 80 : i32
      %run_scoped3A_167 = arith.constant 1 : i32
      "tpu.region"() ({
        %run_scoped3A_211 = tpu.sem_alloc : memref<!tpu.dma_semaphore, #tpu.memory_space<semaphore_mem>>
        %dma_start3A_212 = arith.constant 0 : i32
        %dma_start3A_213 = tpu.memref_slice %arg7[%run_scoped3A_167, %dma_start3A_212] : memref<2x80xi32, #tpu.memory_space<vmem>> -> memref<1x80xi32, #tpu.memory_space<vmem>>
        %dma_start3A_214 = tpu.memref_squeeze %dma_start3A_213 : memref<1x80xi32, #tpu.memory_space<vmem>> -> memref<80xi32, #tpu.memory_space<vmem>>
        %dma_start3A_215 = arith.constant 0 : i32
        %dma_start3A_216 = arith.constant 0 : i32
        %dma_start3A_217 = tpu.memref_slice %arg13[%dma_start3A_215, %dma_start3A_216] : memref<10240x128xf32, #tpu.memory_space<vmem_shared>> -> memref<10240x128xf32, #tpu.memory_space<vmem_shared>>
        tpu.enqueue_indirect_dma source(%arg9 : memref<80x128xf32, #tpu.memory_space<vmem>>) target(%dma_start3A_217 : memref<10240x128xf32, #tpu.memory_space<vmem_shared>>) offsets(%dma_start3A_214 : memref<80xi32, #tpu.memory_space<vmem>>) semaphore(%run_scoped3A_211 : memref<!tpu.dma_semaphore, #tpu.memory_space<semaphore_mem>>) {add = true}
        %dma_wait3A_218 = arith.constant 0 : i32
        %dma_wait3A_219 = tpu.memref_slice %arg7[%run_scoped3A_167, %dma_wait3A_218] : memref<2x80xi32, #tpu.memory_space<vmem>> -> memref<1x80xi32, #tpu.memory_space<vmem>>
        %dma_wait3A_220 = tpu.memref_squeeze %dma_wait3A_219 : memref<1x80xi32, #tpu.memory_space<vmem>> -> memref<80xi32, #tpu.memory_space<vmem>>
        %dma_wait3A_221 = arith.constant 0 : i32
        %dma_wait3A_222 = arith.constant 0 : i32
        %dma_wait3A_223 = tpu.memref_slice %arg13[%dma_wait3A_221, %dma_wait3A_222] : memref<10240x128xf32, #tpu.memory_space<vmem_shared>> -> memref<10240x128xf32, #tpu.memory_space<vmem_shared>>
        tpu.wait_indirect_dma semaphore(%run_scoped3A_211 : memref<!tpu.dma_semaphore, #tpu.memory_space<semaphore_mem>>) src(%arg9 : memref<80x128xf32, #tpu.memory_space<vmem>>) dst(%dma_wait3A_223 : memref<10240x128xf32, #tpu.memory_space<vmem_shared>>)
        tpu.yield
      }) : () -> ()
      %add3A_168 = arith.constant 2 : i32
      %add3A_169 = arith.addi %mul3A_127, %add3A_168 : i32
      %mul3A_170 = arith.constant 80 : i32
      %mul3A_171 = arith.muli %add3A_169, %mul3A_170 : i32
      %add3A_172 = arith.addi %mul3A_4, %mul3A_171 : i32
      %run_scoped3A_173 = arith.constant 0 : i32
      "tpu.region"() ({
        %run_scoped3A_211 = tpu.sem_alloc : memref<!tpu.dma_semaphore, #tpu.memory_space<semaphore_mem>>
        %dma_start3A_212 = arith.constant 0 : i32
        %dma_start3A_213 = tpu.memref_slice %arg7[%run_scoped3A_173, %dma_start3A_212] : memref<2x80xi32, #tpu.memory_space<vmem>> -> memref<1x80xi32, #tpu.memory_space<vmem>>
        %dma_start3A_214 = tpu.memref_squeeze %dma_start3A_213 : memref<1x80xi32, #tpu.memory_space<vmem>> -> memref<80xi32, #tpu.memory_space<vmem>>
        %dma_start3A_215 = tpu.memref_slice %arg4[%add3A_172] : memref<320000xi32, #tpu.memory_space<hbm>> -> memref<80xi32, #tpu.memory_space<hbm>>
        %dma_start3A_216 = arith.constant 0 : i32
        %dma_start3A_217 = tpu.memref_slice %arg7[%run_scoped3A_173, %dma_start3A_216] : memref<2x80xi32, #tpu.memory_space<vmem>> -> memref<1x80xi32, #tpu.memory_space<vmem>>
        %dma_start3A_218 = tpu.memref_squeeze %dma_start3A_217 : memref<1x80xi32, #tpu.memory_space<vmem>> -> memref<80xi32, #tpu.memory_space<vmem>>
        %dma_start3A_219 = tpu.memref_slice %arg4[%add3A_172] : memref<320000xi32, #tpu.memory_space<hbm>> -> memref<80xi32, #tpu.memory_space<hbm>>
        tpu.enqueue_dma source(%dma_start3A_219 : memref<80xi32, #tpu.memory_space<hbm>>) target(%dma_start3A_218 : memref<80xi32, #tpu.memory_space<vmem>>) target_semaphore(%run_scoped3A_211 : memref<!tpu.dma_semaphore, #tpu.memory_space<semaphore_mem>>)
        %dma_wait3A_220 = arith.constant 0 : i32
        %dma_wait3A_221 = tpu.memref_slice %arg7[%run_scoped3A_173, %dma_wait3A_220] : memref<2x80xi32, #tpu.memory_space<vmem>> -> memref<1x80xi32, #tpu.memory_space<vmem>>
        %dma_wait3A_222 = tpu.memref_squeeze %dma_wait3A_221 : memref<1x80xi32, #tpu.memory_space<vmem>> -> memref<80xi32, #tpu.memory_space<vmem>>
        %dma_wait3A_223 = tpu.memref_slice %arg4[%add3A_172] : memref<320000xi32, #tpu.memory_space<hbm>> -> memref<80xi32, #tpu.memory_space<hbm>>
        %dma_wait3A_224 = arith.constant 0 : i32
        %dma_wait3A_225 = tpu.memref_slice %arg7[%run_scoped3A_173, %dma_wait3A_224] : memref<2x80xi32, #tpu.memory_space<vmem>> -> memref<1x80xi32, #tpu.memory_space<vmem>>
        %dma_wait3A_226 = tpu.memref_squeeze %dma_wait3A_225 : memref<1x80xi32, #tpu.memory_space<vmem>> -> memref<80xi32, #tpu.memory_space<vmem>>
        %dma_wait3A_227 = tpu.memref_slice %arg4[%add3A_172] : memref<320000xi32, #tpu.memory_space<hbm>> -> memref<80xi32, #tpu.memory_space<hbm>>
        tpu.wait_dma2 semaphore(%run_scoped3A_211 : memref<!tpu.dma_semaphore, #tpu.memory_space<semaphore_mem>>) src(%dma_wait3A_227 : memref<80xi32, #tpu.memory_space<hbm>>) dst(%dma_wait3A_226 : memref<80xi32, #tpu.memory_space<vmem>>)
        tpu.yield
      }) : () -> ()
      %run_scoped3A_174 = arith.constant 1 : i32
      "tpu.region"() ({
        %run_scoped3A_211 = tpu.sem_alloc : memref<!tpu.dma_semaphore, #tpu.memory_space<semaphore_mem>>
        %dma_start3A_212 = arith.constant 0 : i32
        %dma_start3A_213 = tpu.memref_slice %arg7[%run_scoped3A_174, %dma_start3A_212] : memref<2x80xi32, #tpu.memory_space<vmem>> -> memref<1x80xi32, #tpu.memory_space<vmem>>
        %dma_start3A_214 = tpu.memref_squeeze %dma_start3A_213 : memref<1x80xi32, #tpu.memory_space<vmem>> -> memref<80xi32, #tpu.memory_space<vmem>>
        %dma_start3A_215 = tpu.memref_slice %arg5[%add3A_172] : memref<320000xi32, #tpu.memory_space<hbm>> -> memref<80xi32, #tpu.memory_space<hbm>>
        %dma_start3A_216 = arith.constant 0 : i32
        %dma_start3A_217 = tpu.memref_slice %arg7[%run_scoped3A_174, %dma_start3A_216] : memref<2x80xi32, #tpu.memory_space<vmem>> -> memref<1x80xi32, #tpu.memory_space<vmem>>
        %dma_start3A_218 = tpu.memref_squeeze %dma_start3A_217 : memref<1x80xi32, #tpu.memory_space<vmem>> -> memref<80xi32, #tpu.memory_space<vmem>>
        %dma_start3A_219 = tpu.memref_slice %arg5[%add3A_172] : memref<320000xi32, #tpu.memory_space<hbm>> -> memref<80xi32, #tpu.memory_space<hbm>>
        tpu.enqueue_dma source(%dma_start3A_219 : memref<80xi32, #tpu.memory_space<hbm>>) target(%dma_start3A_218 : memref<80xi32, #tpu.memory_space<vmem>>) target_semaphore(%run_scoped3A_211 : memref<!tpu.dma_semaphore, #tpu.memory_space<semaphore_mem>>)
        %dma_wait3A_220 = arith.constant 0 : i32
        %dma_wait3A_221 = tpu.memref_slice %arg7[%run_scoped3A_174, %dma_wait3A_220] : memref<2x80xi32, #tpu.memory_space<vmem>> -> memref<1x80xi32, #tpu.memory_space<vmem>>
        %dma_wait3A_222 = tpu.memref_squeeze %dma_wait3A_221 : memref<1x80xi32, #tpu.memory_space<vmem>> -> memref<80xi32, #tpu.memory_space<vmem>>
        %dma_wait3A_223 = tpu.memref_slice %arg5[%add3A_172] : memref<320000xi32, #tpu.memory_space<hbm>> -> memref<80xi32, #tpu.memory_space<hbm>>
        %dma_wait3A_224 = arith.constant 0 : i32
        %dma_wait3A_225 = tpu.memref_slice %arg7[%run_scoped3A_174, %dma_wait3A_224] : memref<2x80xi32, #tpu.memory_space<vmem>> -> memref<1x80xi32, #tpu.memory_space<vmem>>
        %dma_wait3A_226 = tpu.memref_squeeze %dma_wait3A_225 : memref<1x80xi32, #tpu.memory_space<vmem>> -> memref<80xi32, #tpu.memory_space<vmem>>
        %dma_wait3A_227 = tpu.memref_slice %arg5[%add3A_172] : memref<320000xi32, #tpu.memory_space<hbm>> -> memref<80xi32, #tpu.memory_space<hbm>>
        tpu.wait_dma2 semaphore(%run_scoped3A_211 : memref<!tpu.dma_semaphore, #tpu.memory_space<semaphore_mem>>) src(%dma_wait3A_227 : memref<80xi32, #tpu.memory_space<hbm>>) dst(%dma_wait3A_226 : memref<80xi32, #tpu.memory_space<vmem>>)
        tpu.yield
      }) : () -> ()
      %dma_start3A_175 = arith.constant 0 : i32
      %dma_start3A_176 = arith.constant 0 : i32
      %dma_start3A_177 = tpu.memref_slice %arg7[%dma_start3A_175, %dma_start3A_176] : memref<2x80xi32, #tpu.memory_space<vmem>> -> memref<1x80xi32, #tpu.memory_space<vmem>>
      %dma_start3A_178 = tpu.memref_squeeze %dma_start3A_177 : memref<1x80xi32, #tpu.memory_space<vmem>> -> memref<80xi32, #tpu.memory_space<vmem>>
      %dma_start3A_179 = arith.constant 0 : i32
      %dma_start3A_180 = arith.constant 0 : i32
      %dma_start3A_181 = tpu.memref_slice %arg2[%dma_start3A_179, %dma_start3A_180] : memref<10240x128xf32, #tpu.memory_space<hbm>> -> memref<10240x128xf32, #tpu.memory_space<hbm>>
      tpu.enqueue_indirect_dma source(%dma_start3A_181 : memref<10240x128xf32, #tpu.memory_space<hbm>>) target(%arg9 : memref<80x128xf32, #tpu.memory_space<vmem>>) offsets(%dma_start3A_178 : memref<80xi32, #tpu.memory_space<vmem>>) semaphore(%arg14 : memref<!tpu.dma_semaphore, #tpu.memory_space<semaphore_mem>>)
      %dma_start3A_182 = arith.constant 0 : i32
      %dma_start3A_183 = tpu.memref_slice %arg3[%add3A_172, %dma_start3A_182] : memref<320000x128xf32, #tpu.memory_space<hbm>> -> memref<80x128xf32, #tpu.memory_space<hbm>>
      %dma_start3A_184 = arith.constant 0 : i32
      %dma_start3A_185 = tpu.memref_slice %arg3[%add3A_172, %dma_start3A_184] : memref<320000x128xf32, #tpu.memory_space<hbm>> -> memref<80x128xf32, #tpu.memory_space<hbm>>
      tpu.enqueue_dma source(%dma_start3A_185 : memref<80x128xf32, #tpu.memory_space<hbm>>) target(%arg11 : memref<80x128xf32, #tpu.memory_space<vmem>>) target_semaphore(%arg14 : memref<!tpu.dma_semaphore, #tpu.memory_space<semaphore_mem>>)
      %add3A_186 = arith.constant 1 : i32
      %add3A_187 = arith.addi %mul3A_127, %add3A_186 : i32
      %mul3A_188 = arith.constant 80 : i32
      %mul3A_189 = arith.muli %add3A_187, %mul3A_188 : i32
      %add3A_190 = arith.addi %mul3A_4, %mul3A_189 : i32
      %dma_wait3A_191 = arith.constant 0 : i32
      %dma_wait3A_192 = arith.constant 0 : i32
      %dma_wait3A_193 = tpu.memref_slice %arg8[%dma_wait3A_191, %dma_wait3A_192] : memref<2x80xi32, #tpu.memory_space<vmem>> -> memref<1x80xi32, #tpu.memory_space<vmem>>
      %dma_wait3A_194 = tpu.memref_squeeze %dma_wait3A_193 : memref<1x80xi32, #tpu.memory_space<vmem>> -> memref<80xi32, #tpu.memory_space<vmem>>
      %dma_wait3A_195 = arith.constant 0 : i32
      %dma_wait3A_196 = arith.constant 0 : i32
      %dma_wait3A_197 = tpu.memref_slice %arg2[%dma_wait3A_195, %dma_wait3A_196] : memref<10240x128xf32, #tpu.memory_space<hbm>> -> memref<10240x128xf32, #tpu.memory_space<hbm>>
      tpu.wait_indirect_dma semaphore(%arg15 : memref<!tpu.dma_semaphore, #tpu.memory_space<semaphore_mem>>) src(%dma_wait3A_197 : memref<10240x128xf32, #tpu.memory_space<hbm>>) dst(%arg10 : memref<80x128xf32, #tpu.memory_space<vmem>>)
      %dma_wait3A_198 = arith.constant 0 : i32
      %dma_wait3A_199 = tpu.memref_slice %arg3[%add3A_190, %dma_wait3A_198] : memref<320000x128xf32, #tpu.memory_space<hbm>> -> memref<80x128xf32, #tpu.memory_space<hbm>>
      %dma_wait3A_200 = arith.constant 0 : i32
      %dma_wait3A_201 = tpu.memref_slice %arg3[%add3A_190, %dma_wait3A_200] : memref<320000x128xf32, #tpu.memory_space<hbm>> -> memref<80x128xf32, #tpu.memory_space<hbm>>
      tpu.wait_dma2 semaphore(%arg15 : memref<!tpu.dma_semaphore, #tpu.memory_space<semaphore_mem>>) src(%dma_wait3A_201 : memref<80x128xf32, #tpu.memory_space<hbm>>) dst(%arg12 : memref<80x128xf32, #tpu.memory_space<vmem>>)
      %scan3A_202 = arith.constant 0 : i32
      %scan3A_203 = arith.constant 0 : i32
      %scan3A_204 = arith.constant 80 : i32
      %scan3A_205 = arith.addi %scan3A_203, %scan3A_204 : i32
      %scan3A_206 = arith.constant 1 : i32
      %scan3A_207 = scf.for %scan3A_211 = %scan3A_203 to %scan3A_205 step %scan3A_206 iter_args(%scan3A_212 = %scan3A_202) -> (i32)  : i32 {
        %get3A = arith.index_cast %scan3A_211 : i32 to index
        %get3A_213 = arith.constant 0 : index
        %get3A_214 = tpu.vector_load %arg10[%get3A, %get3A_213] {strides = array<i32>} : memref<80x128xf32, #tpu.memory_space<vmem>>, vector<1x16xf32>,
        %get3A_215 = vector.shape_cast %get3A_214 : vector<1x16xf32> to vector<16xf32>
        %get3A_216 = arith.index_cast %scan3A_211 : i32 to index
        %get3A_217 = arith.constant 0 : index
        %get3A_218 = tpu.vector_load %arg12[%get3A_216, %get3A_217] {strides = array<i32>} : memref<80x128xf32, #tpu.memory_space<vmem>>, vector<1x16xf32>,
        %get3A_219 = vector.shape_cast %get3A_218 : vector<1x16xf32> to vector<16xf32>
        %add3A_220 = arith.addf %get3A_215, %get3A_219 : vector<16xf32>
        %max3A = arith.constant 0.000000e+00 : f32
        %max3A_221 = vector.broadcast %max3A : f32 to vector<16xf32>
        %max3A_222 = arith.maximumf %add3A_220, %max3A_221 : vector<16xf32>
        %swap3A = arith.index_cast %scan3A_211 : i32 to index
        %swap3A_223 = arith.constant 0 : index
        %swap3A_224 = tpu.vector_load %arg10[%swap3A, %swap3A_223] {strides = array<i32>} : memref<80x128xf32, #tpu.memory_space<vmem>>, vector<1x16xf32>,
        %swap3A_225 = vector.shape_cast %swap3A_224 : vector<1x16xf32> to vector<16xf32>
        %swap3A_226 = vector.shape_cast %max3A_222 : vector<16xf32> to vector<1x16xf32>
        tpu.vector_store %arg10[%swap3A, %swap3A_223], %swap3A_226 {strides = array<i32>} : memref<80x128xf32, #tpu.memory_space<vmem>>, vector<1x16xf32>,
        %get3A_227 = arith.index_cast %scan3A_211 : i32 to index
        %get3A_228 = arith.constant 16 : index
        %get3A_229 = tpu.vector_load %arg10[%get3A_227, %get3A_228] {strides = array<i32>} : memref<80x128xf32, #tpu.memory_space<vmem>>, vector<1x16xf32>,
        %get3A_230 = vector.shape_cast %get3A_229 : vector<1x16xf32> to vector<16xf32>
        %get3A_231 = arith.index_cast %scan3A_211 : i32 to index
        %get3A_232 = arith.constant 16 : index
        %get3A_233 = tpu.vector_load %arg12[%get3A_231, %get3A_232] {strides = array<i32>} : memref<80x128xf32, #tpu.memory_space<vmem>>, vector<1x16xf32>,
        %get3A_234 = vector.shape_cast %get3A_233 : vector<1x16xf32> to vector<16xf32>
        %add3A_235 = arith.addf %get3A_230, %get3A_234 : vector<16xf32>
        %max3A_236 = arith.constant 0.000000e+00 : f32
        %max3A_237 = vector.broadcast %max3A_236 : f32 to vector<16xf32>
        %max3A_238 = arith.maximumf %add3A_235, %max3A_237 : vector<16xf32>
        %swap3A_239 = arith.index_cast %scan3A_211 : i32 to index
        %swap3A_240 = arith.constant 16 : index
        %swap3A_241 = tpu.vector_load %arg10[%swap3A_239, %swap3A_240] {strides = array<i32>} : memref<80x128xf32, #tpu.memory_space<vmem>>, vector<1x16xf32>,
        %swap3A_242 = vector.shape_cast %swap3A_241 : vector<1x16xf32> to vector<16xf32>
        %swap3A_243 = vector.shape_cast %max3A_238 : vector<16xf32> to vector<1x16xf32>
        tpu.vector_store %arg10[%swap3A_239, %swap3A_240], %swap3A_243 {strides = array<i32>} : memref<80x128xf32, #tpu.memory_space<vmem>>, vector<1x16xf32>,
        %get3A_244 = arith.index_cast %scan3A_211 : i32 to index
        %get3A_245 = arith.constant 32 : index
        %get3A_246 = tpu.vector_load %arg10[%get3A_244, %get3A_245] {strides = array<i32>} : memref<80x128xf32, #tpu.memory_space<vmem>>, vector<1x16xf32>,
        %get3A_247 = vector.shape_cast %get3A_246 : vector<1x16xf32> to vector<16xf32>
        %get3A_248 = arith.index_cast %scan3A_211 : i32 to index
        %get3A_249 = arith.constant 32 : index
        %get3A_250 = tpu.vector_load %arg12[%get3A_248, %get3A_249] {strides = array<i32>} : memref<80x128xf32, #tpu.memory_space<vmem>>, vector<1x16xf32>,
        %get3A_251 = vector.shape_cast %get3A_250 : vector<1x16xf32> to vector<16xf32>
        %add3A_252 = arith.addf %get3A_247, %get3A_251 : vector<16xf32>
        %max3A_253 = arith.constant 0.000000e+00 : f32
        %max3A_254 = vector.broadcast %max3A_253 : f32 to vector<16xf32>
        %max3A_255 = arith.maximumf %add3A_252, %max3A_254 : vector<16xf32>
        %swap3A_256 = arith.index_cast %scan3A_211 : i32 to index
        %swap3A_257 = arith.constant 32 : index
        %swap3A_258 = tpu.vector_load %arg10[%swap3A_256, %swap3A_257] {strides = array<i32>} : memref<80x128xf32, #tpu.memory_space<vmem>>, vector<1x16xf32>,
        %swap3A_259 = vector.shape_cast %swap3A_258 : vector<1x16xf32> to vector<16xf32>
        %swap3A_260 = vector.shape_cast %max3A_255 : vector<16xf32> to vector<1x16xf32>
        tpu.vector_store %arg10[%swap3A_256, %swap3A_257], %swap3A_260 {strides = array<i32>} : memref<80x128xf32, #tpu.memory_space<vmem>>, vector<1x16xf32>,
        %get3A_261 = arith.index_cast %scan3A_211 : i32 to index
        %get3A_262 = arith.constant 48 : index
        %get3A_263 = tpu.vector_load %arg10[%get3A_261, %get3A_262] {strides = array<i32>} : memref<80x128xf32, #tpu.memory_space<vmem>>, vector<1x16xf32>,
        %get3A_264 = vector.shape_cast %get3A_263 : vector<1x16xf32> to vector<16xf32>
        %get3A_265 = arith.index_cast %scan3A_211 : i32 to index
        %get3A_266 = arith.constant 48 : index
        %get3A_267 = tpu.vector_load %arg12[%get3A_265, %get3A_266] {strides = array<i32>} : memref<80x128xf32, #tpu.memory_space<vmem>>, vector<1x16xf32>,
        %get3A_268 = vector.shape_cast %get3A_267 : vector<1x16xf32> to vector<16xf32>
        %add3A_269 = arith.addf %get3A_264, %get3A_268 : vector<16xf32>
        %max3A_270 = arith.constant 0.000000e+00 : f32
        %max3A_271 = vector.broadcast %max3A_270 : f32 to vector<16xf32>
        %max3A_272 = arith.maximumf %add3A_269, %max3A_271 : vector<16xf32>
        %swap3A_273 = arith.index_cast %scan3A_211 : i32 to index
        %swap3A_274 = arith.constant 48 : index
        %swap3A_275 = tpu.vector_load %arg10[%swap3A_273, %swap3A_274] {strides = array<i32>} : memref<80x128xf32, #tpu.memory_space<vmem>>, vector<1x16xf32>,
        %swap3A_276 = vector.shape_cast %swap3A_275 : vector<1x16xf32> to vector<16xf32>
        %swap3A_277 = vector.shape_cast %max3A_272 : vector<16xf32> to vector<1x16xf32>
        tpu.vector_store %arg10[%swap3A_273, %swap3A_274], %swap3A_277 {strides = array<i32>} : memref<80x128xf32, #tpu.memory_space<vmem>>, vector<1x16xf32>,
        %get3A_278 = arith.index_cast %scan3A_211 : i32 to index
        %get3A_279 = arith.constant 64 : index
        %get3A_280 = tpu.vector_load %arg10[%get3A_278, %get3A_279] {strides = array<i32>} : memref<80x128xf32, #tpu.memory_space<vmem>>, vector<1x16xf32>,
        %get3A_281 = vector.shape_cast %get3A_280 : vector<1x16xf32> to vector<16xf32>
        %get3A_282 = arith.index_cast %scan3A_211 : i32 to index
        %get3A_283 = arith.constant 64 : index
        %get3A_284 = tpu.vector_load %arg12[%get3A_282, %get3A_283] {strides = array<i32>} : memref<80x128xf32, #tpu.memory_space<vmem>>, vector<1x16xf32>,
        %get3A_285 = vector.shape_cast %get3A_284 : vector<1x16xf32> to vector<16xf32>
        %add3A_286 = arith.addf %get3A_281, %get3A_285 : vector<16xf32>
        %max3A_287 = arith.constant 0.000000e+00 : f32
        %max3A_288 = vector.broadcast %max3A_287 : f32 to vector<16xf32>
        %max3A_289 = arith.maximumf %add3A_286, %max3A_288 : vector<16xf32>
        %swap3A_290 = arith.index_cast %scan3A_211 : i32 to index
        %swap3A_291 = arith.constant 64 : index
        %swap3A_292 = tpu.vector_load %arg10[%swap3A_290, %swap3A_291] {strides = array<i32>} : memref<80x128xf32, #tpu.memory_space<vmem>>, vector<1x16xf32>,
        %swap3A_293 = vector.shape_cast %swap3A_292 : vector<1x16xf32> to vector<16xf32>
        %swap3A_294 = vector.shape_cast %max3A_289 : vector<16xf32> to vector<1x16xf32>
        tpu.vector_store %arg10[%swap3A_290, %swap3A_291], %swap3A_294 {strides = array<i32>} : memref<80x128xf32, #tpu.memory_space<vmem>>, vector<1x16xf32>,
        %get3A_295 = arith.index_cast %scan3A_211 : i32 to index
        %get3A_296 = arith.constant 80 : index
        %get3A_297 = tpu.vector_load %arg10[%get3A_295, %get3A_296] {strides = array<i32>} : memref<80x128xf32, #tpu.memory_space<vmem>>, vector<1x16xf32>,
        %get3A_298 = vector.shape_cast %get3A_297 : vector<1x16xf32> to vector<16xf32>
        %get3A_299 = arith.index_cast %scan3A_211 : i32 to index
        %get3A_300 = arith.constant 80 : index
        %get3A_301 = tpu.vector_load %arg12[%get3A_299, %get3A_300] {strides = array<i32>} : memref<80x128xf32, #tpu.memory_space<vmem>>, vector<1x16xf32>,
        %get3A_302 = vector.shape_cast %get3A_301 : vector<1x16xf32> to vector<16xf32>
        %add3A_303 = arith.addf %get3A_298, %get3A_302 : vector<16xf32>
        %max3A_304 = arith.constant 0.000000e+00 : f32
        %max3A_305 = vector.broadcast %max3A_304 : f32 to vector<16xf32>
        %max3A_306 = arith.maximumf %add3A_303, %max3A_305 : vector<16xf32>
        %swap3A_307 = arith.index_cast %scan3A_211 : i32 to index
        %swap3A_308 = arith.constant 80 : index
        %swap3A_309 = tpu.vector_load %arg10[%swap3A_307, %swap3A_308] {strides = array<i32>} : memref<80x128xf32, #tpu.memory_space<vmem>>, vector<1x16xf32>,
        %swap3A_310 = vector.shape_cast %swap3A_309 : vector<1x16xf32> to vector<16xf32>
        %swap3A_311 = vector.shape_cast %max3A_306 : vector<16xf32> to vector<1x16xf32>
        tpu.vector_store %arg10[%swap3A_307, %swap3A_308], %swap3A_311 {strides = array<i32>} : memref<80x128xf32, #tpu.memory_space<vmem>>, vector<1x16xf32>,
        %get3A_312 = arith.index_cast %scan3A_211 : i32 to index
        %get3A_313 = arith.constant 96 : index
        %get3A_314 = tpu.vector_load %arg10[%get3A_312, %get3A_313] {strides = array<i32>} : memref<80x128xf32, #tpu.memory_space<vmem>>, vector<1x16xf32>,
        %get3A_315 = vector.shape_cast %get3A_314 : vector<1x16xf32> to vector<16xf32>
        %get3A_316 = arith.index_cast %scan3A_211 : i32 to index
        %get3A_317 = arith.constant 96 : index
        %get3A_318 = tpu.vector_load %arg12[%get3A_316, %get3A_317] {strides = array<i32>} : memref<80x128xf32, #tpu.memory_space<vmem>>, vector<1x16xf32>,
        %get3A_319 = vector.shape_cast %get3A_318 : vector<1x16xf32> to vector<16xf32>
        %add3A_320 = arith.addf %get3A_315, %get3A_319 : vector<16xf32>
        %max3A_321 = arith.constant 0.000000e+00 : f32
        %max3A_322 = vector.broadcast %max3A_321 : f32 to vector<16xf32>
        %max3A_323 = arith.maximumf %add3A_320, %max3A_322 : vector<16xf32>
        %swap3A_324 = arith.index_cast %scan3A_211 : i32 to index
        %swap3A_325 = arith.constant 96 : index
        %swap3A_326 = tpu.vector_load %arg10[%swap3A_324, %swap3A_325] {strides = array<i32>} : memref<80x128xf32, #tpu.memory_space<vmem>>, vector<1x16xf32>,
        %swap3A_327 = vector.shape_cast %swap3A_326 : vector<1x16xf32> to vector<16xf32>
        %swap3A_328 = vector.shape_cast %max3A_323 : vector<16xf32> to vector<1x16xf32>
        tpu.vector_store %arg10[%swap3A_324, %swap3A_325], %swap3A_328 {strides = array<i32>} : memref<80x128xf32, #tpu.memory_space<vmem>>, vector<1x16xf32>,
        %get3A_329 = arith.index_cast %scan3A_211 : i32 to index
        %get3A_330 = arith.constant 112 : index
        %get3A_331 = tpu.vector_load %arg10[%get3A_329, %get3A_330] {strides = array<i32>} : memref<80x128xf32, #tpu.memory_space<vmem>>, vector<1x16xf32>,
        %get3A_332 = vector.shape_cast %get3A_331 : vector<1x16xf32> to vector<16xf32>
        %get3A_333 = arith.index_cast %scan3A_211 : i32 to index
        %get3A_334 = arith.constant 112 : index
        %get3A_335 = tpu.vector_load %arg12[%get3A_333, %get3A_334] {strides = array<i32>} : memref<80x128xf32, #tpu.memory_space<vmem>>, vector<1x16xf32>,
        %get3A_336 = vector.shape_cast %get3A_335 : vector<1x16xf32> to vector<16xf32>
        %add3A_337 = arith.addf %get3A_332, %get3A_336 : vector<16xf32>
        %max3A_338 = arith.constant 0.000000e+00 : f32
        %max3A_339 = vector.broadcast %max3A_338 : f32 to vector<16xf32>
        %max3A_340 = arith.maximumf %add3A_337, %max3A_339 : vector<16xf32>
        %swap3A_341 = arith.index_cast %scan3A_211 : i32 to index
        %swap3A_342 = arith.constant 112 : index
        %swap3A_343 = tpu.vector_load %arg10[%swap3A_341, %swap3A_342] {strides = array<i32>} : memref<80x128xf32, #tpu.memory_space<vmem>>, vector<1x16xf32>,
        %swap3A_344 = vector.shape_cast %swap3A_343 : vector<1x16xf32> to vector<16xf32>
        %swap3A_345 = vector.shape_cast %max3A_340 : vector<16xf32> to vector<1x16xf32>
        tpu.vector_store %arg10[%swap3A_341, %swap3A_342], %swap3A_345 {strides = array<i32>} : memref<80x128xf32, #tpu.memory_space<vmem>>, vector<1x16xf32>,
        %scan3A_346 = arith.constant 0 : i32
        scf.yield %scan3A_346 : i32
      }
      %scan3A_208 = arith.constant 80 : i32
      %run_scoped3A_209 = arith.constant 1 : i32
      "tpu.region"() ({
        %run_scoped3A_211 = tpu.sem_alloc : memref<!tpu.dma_semaphore, #tpu.memory_space<semaphore_mem>>
        %dma_start3A_212 = arith.constant 0 : i32
        %dma_start3A_213 = tpu.memref_slice %arg8[%run_scoped3A_209, %dma_start3A_212] : memref<2x80xi32, #tpu.memory_space<vmem>> -> memref<1x80xi32, #tpu.memory_space<vmem>>
        %dma_start3A_214 = tpu.memref_squeeze %dma_start3A_213 : memref<1x80xi32, #tpu.memory_space<vmem>> -> memref<80xi32, #tpu.memory_space<vmem>>
        %dma_start3A_215 = arith.constant 0 : i32
        %dma_start3A_216 = arith.constant 0 : i32
        %dma_start3A_217 = tpu.memref_slice %arg13[%dma_start3A_215, %dma_start3A_216] : memref<10240x128xf32, #tpu.memory_space<vmem_shared>> -> memref<10240x128xf32, #tpu.memory_space<vmem_shared>>
        tpu.enqueue_indirect_dma source(%arg10 : memref<80x128xf32, #tpu.memory_space<vmem>>) target(%dma_start3A_217 : memref<10240x128xf32, #tpu.memory_space<vmem_shared>>) offsets(%dma_start3A_214 : memref<80xi32, #tpu.memory_space<vmem>>) semaphore(%run_scoped3A_211 : memref<!tpu.dma_semaphore, #tpu.memory_space<semaphore_mem>>) {add = true}
        %dma_wait3A_218 = arith.constant 0 : i32
        %dma_wait3A_219 = tpu.memref_slice %arg8[%run_scoped3A_209, %dma_wait3A_218] : memref<2x80xi32, #tpu.memory_space<vmem>> -> memref<1x80xi32, #tpu.memory_space<vmem>>
        %dma_wait3A_220 = tpu.memref_squeeze %dma_wait3A_219 : memref<1x80xi32, #tpu.memory_space<vmem>> -> memref<80xi32, #tpu.memory_space<vmem>>
        %dma_wait3A_221 = arith.constant 0 : i32
        %dma_wait3A_222 = arith.constant 0 : i32
        %dma_wait3A_223 = tpu.memref_slice %arg13[%dma_wait3A_221, %dma_wait3A_222] : memref<10240x128xf32, #tpu.memory_space<vmem_shared>> -> memref<10240x128xf32, #tpu.memory_space<vmem_shared>>
        tpu.wait_indirect_dma semaphore(%run_scoped3A_211 : memref<!tpu.dma_semaphore, #tpu.memory_space<semaphore_mem>>) src(%arg10 : memref<80x128xf32, #tpu.memory_space<vmem>>) dst(%dma_wait3A_223 : memref<10240x128xf32, #tpu.memory_space<vmem_shared>>)
        tpu.yield
      }) : () -> ()
      %scan3A_210 = arith.constant 0 : i32
      scf.yield %scan3A_210 : i32
    }
    %scan3A_46 = arith.constant 62 : i32
    %add3A_47 = arith.constant 9920 : i32
    %add3A_48 = arith.addi %mul3A_4, %add3A_47 : i32
    %dma_wait3A = arith.constant 0 : i32
    %dma_wait3A_49 = arith.constant 0 : i32
    %dma_wait3A_50 = tpu.memref_slice %arg7[%dma_wait3A, %dma_wait3A_49] : memref<2x80xi32, #tpu.memory_space<vmem>> -> memref<1x80xi32, #tpu.memory_space<vmem>>
    %dma_wait3A_51 = tpu.memref_squeeze %dma_wait3A_50 : memref<1x80xi32, #tpu.memory_space<vmem>> -> memref<80xi32, #tpu.memory_space<vmem>>
    %dma_wait3A_52 = arith.constant 0 : i32
    %dma_wait3A_53 = arith.constant 0 : i32
    %dma_wait3A_54 = tpu.memref_slice %arg2[%dma_wait3A_52, %dma_wait3A_53] : memref<10240x128xf32, #tpu.memory_space<hbm>> -> memref<10240x128xf32, #tpu.memory_space<hbm>>
    tpu.wait_indirect_dma semaphore(%arg14 : memref<!tpu.dma_semaphore, #tpu.memory_space<semaphore_mem>>) src(%dma_wait3A_54 : memref<10240x128xf32, #tpu.memory_space<hbm>>) dst(%arg9 : memref<80x128xf32, #tpu.memory_space<vmem>>)
    %dma_wait3A_55 = arith.constant 0 : i32
    %dma_wait3A_56 = tpu.memref_slice %arg3[%add3A_48, %dma_wait3A_55] : memref<320000x128xf32, #tpu.memory_space<hbm>> -> memref<80x128xf32, #tpu.memory_space<hbm>>
    %dma_wait3A_57 = arith.constant 0 : i32
    %dma_wait3A_58 = tpu.memref_slice %arg3[%add3A_48, %dma_wait3A_57] : memref<320000x128xf32, #tpu.memory_space<hbm>> -> memref<80x128xf32, #tpu.memory_space<hbm>>
    tpu.wait_dma2 semaphore(%arg14 : memref<!tpu.dma_semaphore, #tpu.memory_space<semaphore_mem>>) src(%dma_wait3A_58 : memref<80x128xf32, #tpu.memory_space<hbm>>) dst(%arg11 : memref<80x128xf32, #tpu.memory_space<vmem>>)
    %scan3A_59 = arith.constant 0 : i32
    %scan3A_60 = arith.constant 0 : i32
    %scan3A_61 = arith.constant 80 : i32
    %scan3A_62 = arith.addi %scan3A_60, %scan3A_61 : i32
    %scan3A_63 = arith.constant 1 : i32
    %scan3A_64 = scf.for %scan3A_124 = %scan3A_60 to %scan3A_62 step %scan3A_63 iter_args(%scan3A_125 = %scan3A_59) -> (i32)  : i32 {
      %get3A = arith.index_cast %scan3A_124 : i32 to index
      %get3A_126 = arith.constant 0 : index
      %get3A_127 = tpu.vector_load %arg9[%get3A, %get3A_126] {strides = array<i32>} : memref<80x128xf32, #tpu.memory_space<vmem>>, vector<1x16xf32>,
      %get3A_128 = vector.shape_cast %get3A_127 : vector<1x16xf32> to vector<16xf32>
      %get3A_129 = arith.index_cast %scan3A_124 : i32 to index
      %get3A_130 = arith.constant 0 : index
      %get3A_131 = tpu.vector_load %arg11[%get3A_129, %get3A_130] {strides = array<i32>} : memref<80x128xf32, #tpu.memory_space<vmem>>, vector<1x16xf32>,
      %get3A_132 = vector.shape_cast %get3A_131 : vector<1x16xf32> to vector<16xf32>
      %add3A_133 = arith.addf %get3A_128, %get3A_132 : vector<16xf32>
      %max3A = arith.constant 0.000000e+00 : f32
      %max3A_134 = vector.broadcast %max3A : f32 to vector<16xf32>
      %max3A_135 = arith.maximumf %add3A_133, %max3A_134 : vector<16xf32>
      %swap3A = arith.index_cast %scan3A_124 : i32 to index
      %swap3A_136 = arith.constant 0 : index
      %swap3A_137 = tpu.vector_load %arg9[%swap3A, %swap3A_136] {strides = array<i32>} : memref<80x128xf32, #tpu.memory_space<vmem>>, vector<1x16xf32>,
      %swap3A_138 = vector.shape_cast %swap3A_137 : vector<1x16xf32> to vector<16xf32>
      %swap3A_139 = vector.shape_cast %max3A_135 : vector<16xf32> to vector<1x16xf32>
      tpu.vector_store %arg9[%swap3A, %swap3A_136], %swap3A_139 {strides = array<i32>} : memref<80x128xf32, #tpu.memory_space<vmem>>, vector<1x16xf32>,
      %get3A_140 = arith.index_cast %scan3A_124 : i32 to index
      %get3A_141 = arith.constant 16 : index
      %get3A_142 = tpu.vector_load %arg9[%get3A_140, %get3A_141] {strides = array<i32>} : memref<80x128xf32, #tpu.memory_space<vmem>>, vector<1x16xf32>,
      %get3A_143 = vector.shape_cast %get3A_142 : vector<1x16xf32> to vector<16xf32>
      %get3A_144 = arith.index_cast %scan3A_124 : i32 to index
      %get3A_145 = arith.constant 16 : index
      %get3A_146 = tpu.vector_load %arg11[%get3A_144, %get3A_145] {strides = array<i32>} : memref<80x128xf32, #tpu.memory_space<vmem>>, vector<1x16xf32>,
      %get3A_147 = vector.shape_cast %get3A_146 : vector<1x16xf32> to vector<16xf32>
      %add3A_148 = arith.addf %get3A_143, %get3A_147 : vector<16xf32>
      %max3A_149 = arith.constant 0.000000e+00 : f32
      %max3A_150 = vector.broadcast %max3A_149 : f32 to vector<16xf32>
      %max3A_151 = arith.maximumf %add3A_148, %max3A_150 : vector<16xf32>
      %swap3A_152 = arith.index_cast %scan3A_124 : i32 to index
      %swap3A_153 = arith.constant 16 : index
      %swap3A_154 = tpu.vector_load %arg9[%swap3A_152, %swap3A_153] {strides = array<i32>} : memref<80x128xf32, #tpu.memory_space<vmem>>, vector<1x16xf32>,
      %swap3A_155 = vector.shape_cast %swap3A_154 : vector<1x16xf32> to vector<16xf32>
      %swap3A_156 = vector.shape_cast %max3A_151 : vector<16xf32> to vector<1x16xf32>
      tpu.vector_store %arg9[%swap3A_152, %swap3A_153], %swap3A_156 {strides = array<i32>} : memref<80x128xf32, #tpu.memory_space<vmem>>, vector<1x16xf32>,
      %get3A_157 = arith.index_cast %scan3A_124 : i32 to index
      %get3A_158 = arith.constant 32 : index
      %get3A_159 = tpu.vector_load %arg9[%get3A_157, %get3A_158] {strides = array<i32>} : memref<80x128xf32, #tpu.memory_space<vmem>>, vector<1x16xf32>,
      %get3A_160 = vector.shape_cast %get3A_159 : vector<1x16xf32> to vector<16xf32>
      %get3A_161 = arith.index_cast %scan3A_124 : i32 to index
      %get3A_162 = arith.constant 32 : index
      %get3A_163 = tpu.vector_load %arg11[%get3A_161, %get3A_162] {strides = array<i32>} : memref<80x128xf32, #tpu.memory_space<vmem>>, vector<1x16xf32>,
      %get3A_164 = vector.shape_cast %get3A_163 : vector<1x16xf32> to vector<16xf32>
      %add3A_165 = arith.addf %get3A_160, %get3A_164 : vector<16xf32>
      %max3A_166 = arith.constant 0.000000e+00 : f32
      %max3A_167 = vector.broadcast %max3A_166 : f32 to vector<16xf32>
      %max3A_168 = arith.maximumf %add3A_165, %max3A_167 : vector<16xf32>
      %swap3A_169 = arith.index_cast %scan3A_124 : i32 to index
      %swap3A_170 = arith.constant 32 : index
      %swap3A_171 = tpu.vector_load %arg9[%swap3A_169, %swap3A_170] {strides = array<i32>} : memref<80x128xf32, #tpu.memory_space<vmem>>, vector<1x16xf32>,
      %swap3A_172 = vector.shape_cast %swap3A_171 : vector<1x16xf32> to vector<16xf32>
      %swap3A_173 = vector.shape_cast %max3A_168 : vector<16xf32> to vector<1x16xf32>
      tpu.vector_store %arg9[%swap3A_169, %swap3A_170], %swap3A_173 {strides = array<i32>} : memref<80x128xf32, #tpu.memory_space<vmem>>, vector<1x16xf32>,
      %get3A_174 = arith.index_cast %scan3A_124 : i32 to index
      %get3A_175 = arith.constant 48 : index
      %get3A_176 = tpu.vector_load %arg9[%get3A_174, %get3A_175] {strides = array<i32>} : memref<80x128xf32, #tpu.memory_space<vmem>>, vector<1x16xf32>,
      %get3A_177 = vector.shape_cast %get3A_176 : vector<1x16xf32> to vector<16xf32>
      %get3A_178 = arith.index_cast %scan3A_124 : i32 to index
      %get3A_179 = arith.constant 48 : index
      %get3A_180 = tpu.vector_load %arg11[%get3A_178, %get3A_179] {strides = array<i32>} : memref<80x128xf32, #tpu.memory_space<vmem>>, vector<1x16xf32>,
      %get3A_181 = vector.shape_cast %get3A_180 : vector<1x16xf32> to vector<16xf32>
      %add3A_182 = arith.addf %get3A_177, %get3A_181 : vector<16xf32>
      %max3A_183 = arith.constant 0.000000e+00 : f32
      %max3A_184 = vector.broadcast %max3A_183 : f32 to vector<16xf32>
      %max3A_185 = arith.maximumf %add3A_182, %max3A_184 : vector<16xf32>
      %swap3A_186 = arith.index_cast %scan3A_124 : i32 to index
      %swap3A_187 = arith.constant 48 : index
      %swap3A_188 = tpu.vector_load %arg9[%swap3A_186, %swap3A_187] {strides = array<i32>} : memref<80x128xf32, #tpu.memory_space<vmem>>, vector<1x16xf32>,
      %swap3A_189 = vector.shape_cast %swap3A_188 : vector<1x16xf32> to vector<16xf32>
      %swap3A_190 = vector.shape_cast %max3A_185 : vector<16xf32> to vector<1x16xf32>
      tpu.vector_store %arg9[%swap3A_186, %swap3A_187], %swap3A_190 {strides = array<i32>} : memref<80x128xf32, #tpu.memory_space<vmem>>, vector<1x16xf32>,
      %get3A_191 = arith.index_cast %scan3A_124 : i32 to index
      %get3A_192 = arith.constant 64 : index
      %get3A_193 = tpu.vector_load %arg9[%get3A_191, %get3A_192] {strides = array<i32>} : memref<80x128xf32, #tpu.memory_space<vmem>>, vector<1x16xf32>,
      %get3A_194 = vector.shape_cast %get3A_193 : vector<1x16xf32> to vector<16xf32>
      %get3A_195 = arith.index_cast %scan3A_124 : i32 to index
      %get3A_196 = arith.constant 64 : index
      %get3A_197 = tpu.vector_load %arg11[%get3A_195, %get3A_196] {strides = array<i32>} : memref<80x128xf32, #tpu.memory_space<vmem>>, vector<1x16xf32>,
      %get3A_198 = vector.shape_cast %get3A_197 : vector<1x16xf32> to vector<16xf32>
      %add3A_199 = arith.addf %get3A_194, %get3A_198 : vector<16xf32>
      %max3A_200 = arith.constant 0.000000e+00 : f32
      %max3A_201 = vector.broadcast %max3A_200 : f32 to vector<16xf32>
      %max3A_202 = arith.maximumf %add3A_199, %max3A_201 : vector<16xf32>
      %swap3A_203 = arith.index_cast %scan3A_124 : i32 to index
      %swap3A_204 = arith.constant 64 : index
      %swap3A_205 = tpu.vector_load %arg9[%swap3A_203, %swap3A_204] {strides = array<i32>} : memref<80x128xf32, #tpu.memory_space<vmem>>, vector<1x16xf32>,
      %swap3A_206 = vector.shape_cast %swap3A_205 : vector<1x16xf32> to vector<16xf32>
      %swap3A_207 = vector.shape_cast %max3A_202 : vector<16xf32> to vector<1x16xf32>
      tpu.vector_store %arg9[%swap3A_203, %swap3A_204], %swap3A_207 {strides = array<i32>} : memref<80x128xf32, #tpu.memory_space<vmem>>, vector<1x16xf32>,
      %get3A_208 = arith.index_cast %scan3A_124 : i32 to index
      %get3A_209 = arith.constant 80 : index
      %get3A_210 = tpu.vector_load %arg9[%get3A_208, %get3A_209] {strides = array<i32>} : memref<80x128xf32, #tpu.memory_space<vmem>>, vector<1x16xf32>,
      %get3A_211 = vector.shape_cast %get3A_210 : vector<1x16xf32> to vector<16xf32>
      %get3A_212 = arith.index_cast %scan3A_124 : i32 to index
      %get3A_213 = arith.constant 80 : index
      %get3A_214 = tpu.vector_load %arg11[%get3A_212, %get3A_213] {strides = array<i32>} : memref<80x128xf32, #tpu.memory_space<vmem>>, vector<1x16xf32>,
      %get3A_215 = vector.shape_cast %get3A_214 : vector<1x16xf32> to vector<16xf32>
      %add3A_216 = arith.addf %get3A_211, %get3A_215 : vector<16xf32>
      %max3A_217 = arith.constant 0.000000e+00 : f32
      %max3A_218 = vector.broadcast %max3A_217 : f32 to vector<16xf32>
      %max3A_219 = arith.maximumf %add3A_216, %max3A_218 : vector<16xf32>
      %swap3A_220 = arith.index_cast %scan3A_124 : i32 to index
      %swap3A_221 = arith.constant 80 : index
      %swap3A_222 = tpu.vector_load %arg9[%swap3A_220, %swap3A_221] {strides = array<i32>} : memref<80x128xf32, #tpu.memory_space<vmem>>, vector<1x16xf32>,
      %swap3A_223 = vector.shape_cast %swap3A_222 : vector<1x16xf32> to vector<16xf32>
      %swap3A_224 = vector.shape_cast %max3A_219 : vector<16xf32> to vector<1x16xf32>
      tpu.vector_store %arg9[%swap3A_220, %swap3A_221], %swap3A_224 {strides = array<i32>} : memref<80x128xf32, #tpu.memory_space<vmem>>, vector<1x16xf32>,
      %get3A_225 = arith.index_cast %scan3A_124 : i32 to index
      %get3A_226 = arith.constant 96 : index
      %get3A_227 = tpu.vector_load %arg9[%get3A_225, %get3A_226] {strides = array<i32>} : memref<80x128xf32, #tpu.memory_space<vmem>>, vector<1x16xf32>,
      %get3A_228 = vector.shape_cast %get3A_227 : vector<1x16xf32> to vector<16xf32>
      %get3A_229 = arith.index_cast %scan3A_124 : i32 to index
      %get3A_230 = arith.constant 96 : index
      %get3A_231 = tpu.vector_load %arg11[%get3A_229, %get3A_230] {strides = array<i32>} : memref<80x128xf32, #tpu.memory_space<vmem>>, vector<1x16xf32>,
      %get3A_232 = vector.shape_cast %get3A_231 : vector<1x16xf32> to vector<16xf32>
      %add3A_233 = arith.addf %get3A_228, %get3A_232 : vector<16xf32>
      %max3A_234 = arith.constant 0.000000e+00 : f32
      %max3A_235 = vector.broadcast %max3A_234 : f32 to vector<16xf32>
      %max3A_236 = arith.maximumf %add3A_233, %max3A_235 : vector<16xf32>
      %swap3A_237 = arith.index_cast %scan3A_124 : i32 to index
      %swap3A_238 = arith.constant 96 : index
      %swap3A_239 = tpu.vector_load %arg9[%swap3A_237, %swap3A_238] {strides = array<i32>} : memref<80x128xf32, #tpu.memory_space<vmem>>, vector<1x16xf32>,
      %swap3A_240 = vector.shape_cast %swap3A_239 : vector<1x16xf32> to vector<16xf32>
      %swap3A_241 = vector.shape_cast %max3A_236 : vector<16xf32> to vector<1x16xf32>
      tpu.vector_store %arg9[%swap3A_237, %swap3A_238], %swap3A_241 {strides = array<i32>} : memref<80x128xf32, #tpu.memory_space<vmem>>, vector<1x16xf32>,
      %get3A_242 = arith.index_cast %scan3A_124 : i32 to index
      %get3A_243 = arith.constant 112 : index
      %get3A_244 = tpu.vector_load %arg9[%get3A_242, %get3A_243] {strides = array<i32>} : memref<80x128xf32, #tpu.memory_space<vmem>>, vector<1x16xf32>,
      %get3A_245 = vector.shape_cast %get3A_244 : vector<1x16xf32> to vector<16xf32>
      %get3A_246 = arith.index_cast %scan3A_124 : i32 to index
      %get3A_247 = arith.constant 112 : index
      %get3A_248 = tpu.vector_load %arg11[%get3A_246, %get3A_247] {strides = array<i32>} : memref<80x128xf32, #tpu.memory_space<vmem>>, vector<1x16xf32>,
      %get3A_249 = vector.shape_cast %get3A_248 : vector<1x16xf32> to vector<16xf32>
      %add3A_250 = arith.addf %get3A_245, %get3A_249 : vector<16xf32>
      %max3A_251 = arith.constant 0.000000e+00 : f32
      %max3A_252 = vector.broadcast %max3A_251 : f32 to vector<16xf32>
      %max3A_253 = arith.maximumf %add3A_250, %max3A_252 : vector<16xf32>
      %swap3A_254 = arith.index_cast %scan3A_124 : i32 to index
      %swap3A_255 = arith.constant 112 : index
      %swap3A_256 = tpu.vector_load %arg9[%swap3A_254, %swap3A_255] {strides = array<i32>} : memref<80x128xf32, #tpu.memory_space<vmem>>, vector<1x16xf32>,
      %swap3A_257 = vector.shape_cast %swap3A_256 : vector<1x16xf32> to vector<16xf32>
      %swap3A_258 = vector.shape_cast %max3A_253 : vector<16xf32> to vector<1x16xf32>
      tpu.vector_store %arg9[%swap3A_254, %swap3A_255], %swap3A_258 {strides = array<i32>} : memref<80x128xf32, #tpu.memory_space<vmem>>, vector<1x16xf32>,
      %scan3A_259 = arith.constant 0 : i32
      scf.yield %scan3A_259 : i32
    }
    %scan3A_65 = arith.constant 80 : i32
    %run_scoped3A_66 = arith.constant 1 : i32
    "tpu.region"() ({
      %run_scoped3A_124 = tpu.sem_alloc : memref<!tpu.dma_semaphore, #tpu.memory_space<semaphore_mem>>
      %dma_start3A_125 = arith.constant 0 : i32
      %dma_start3A_126 = tpu.memref_slice %arg7[%run_scoped3A_66, %dma_start3A_125] : memref<2x80xi32, #tpu.memory_space<vmem>> -> memref<1x80xi32, #tpu.memory_space<vmem>>
      %dma_start3A_127 = tpu.memref_squeeze %dma_start3A_126 : memref<1x80xi32, #tpu.memory_space<vmem>> -> memref<80xi32, #tpu.memory_space<vmem>>
      %dma_start3A_128 = arith.constant 0 : i32
      %dma_start3A_129 = arith.constant 0 : i32
      %dma_start3A_130 = tpu.memref_slice %arg13[%dma_start3A_128, %dma_start3A_129] : memref<10240x128xf32, #tpu.memory_space<vmem_shared>> -> memref<10240x128xf32, #tpu.memory_space<vmem_shared>>
      tpu.enqueue_indirect_dma source(%arg9 : memref<80x128xf32, #tpu.memory_space<vmem>>) target(%dma_start3A_130 : memref<10240x128xf32, #tpu.memory_space<vmem_shared>>) offsets(%dma_start3A_127 : memref<80xi32, #tpu.memory_space<vmem>>) semaphore(%run_scoped3A_124 : memref<!tpu.dma_semaphore, #tpu.memory_space<semaphore_mem>>) {add = true}
      %dma_wait3A_131 = arith.constant 0 : i32
      %dma_wait3A_132 = tpu.memref_slice %arg7[%run_scoped3A_66, %dma_wait3A_131] : memref<2x80xi32, #tpu.memory_space<vmem>> -> memref<1x80xi32, #tpu.memory_space<vmem>>
      %dma_wait3A_133 = tpu.memref_squeeze %dma_wait3A_132 : memref<1x80xi32, #tpu.memory_space<vmem>> -> memref<80xi32, #tpu.memory_space<vmem>>
      %dma_wait3A_134 = arith.constant 0 : i32
      %dma_wait3A_135 = arith.constant 0 : i32
      %dma_wait3A_136 = tpu.memref_slice %arg13[%dma_wait3A_134, %dma_wait3A_135] : memref<10240x128xf32, #tpu.memory_space<vmem_shared>> -> memref<10240x128xf32, #tpu.memory_space<vmem_shared>>
      tpu.wait_indirect_dma semaphore(%run_scoped3A_124 : memref<!tpu.dma_semaphore, #tpu.memory_space<semaphore_mem>>) src(%arg9 : memref<80x128xf32, #tpu.memory_space<vmem>>) dst(%dma_wait3A_136 : memref<10240x128xf32, #tpu.memory_space<vmem_shared>>)
      tpu.yield
    }) : () -> ()
    %barrier3A_67 = arith.constant 0 : index
    tpu.barrier barrier_id(%barrier3A_67)
    %add3A_68 = arith.constant 0 : i32
    %add3A_69 = arith.addi %mul3A_0, %add3A_68 : i32
    %mul3A_70 = arith.constant 10240 : i32
    %mul3A_71 = arith.muli %arg0, %mul3A_70 : i32
    %add3A_72 = arith.addi %mul3A_71, %mul3A_0 : i32
    %add3A_73 = arith.constant 0 : i32
    %add3A_74 = arith.addi %add3A_72, %add3A_73 : i32
    "tpu.region"() ({
      %run_scoped3A_124 = tpu.sem_alloc : memref<!tpu.dma_semaphore, #tpu.memory_space<semaphore_mem>>
      %dma_start3A_125 = arith.constant 0 : i32
      %dma_start3A_126 = tpu.memref_slice %arg6[%add3A_74, %dma_start3A_125] : memref<20480x128xf32, #tpu.memory_space<hbm>> -> memref<80x128xf32, #tpu.memory_space<hbm>>
      %dma_start3A_127 = arith.constant 0 : i32
      %dma_start3A_128 = tpu.memref_slice %arg13[%add3A_69, %dma_start3A_127] : memref<10240x128xf32, #tpu.memory_space<vmem_shared>> -> memref<80x128xf32, #tpu.memory_space<vmem_shared>>
      tpu.enqueue_dma source(%dma_start3A_128 : memref<80x128xf32, #tpu.memory_space<vmem_shared>>) target(%dma_start3A_126 : memref<80x128xf32, #tpu.memory_space<hbm>>) target_semaphore(%run_scoped3A_124 : memref<!tpu.dma_semaphore, #tpu.memory_space<semaphore_mem>>)
      %dma_wait3A_129 = arith.constant 0 : i32
      %dma_wait3A_130 = tpu.memref_slice %arg6[%add3A_74, %dma_wait3A_129] : memref<20480x128xf32, #tpu.memory_space<hbm>> -> memref<80x128xf32, #tpu.memory_space<hbm>>
      %dma_wait3A_131 = arith.constant 0 : i32
      %dma_wait3A_132 = tpu.memref_slice %arg13[%add3A_69, %dma_wait3A_131] : memref<10240x128xf32, #tpu.memory_space<vmem_shared>> -> memref<80x128xf32, #tpu.memory_space<vmem_shared>>
      tpu.wait_dma2 semaphore(%run_scoped3A_124 : memref<!tpu.dma_semaphore, #tpu.memory_space<semaphore_mem>>) src(%dma_wait3A_132 : memref<80x128xf32, #tpu.memory_space<vmem_shared>>) dst(%dma_wait3A_130 : memref<80x128xf32, #tpu.memory_space<hbm>>)
      tpu.yield
    }) : () -> ()
    %add3A_75 = arith.constant 80 : i32
    %add3A_76 = arith.addi %mul3A_0, %add3A_75 : i32
    %mul3A_77 = arith.constant 10240 : i32
    %mul3A_78 = arith.muli %arg0, %mul3A_77 : i32
    %add3A_79 = arith.addi %mul3A_78, %mul3A_0 : i32
    %add3A_80 = arith.constant 80 : i32
    %add3A_81 = arith.addi %add3A_79, %add3A_80 : i32
    "tpu.region"() ({
      %run_scoped3A_124 = tpu.sem_alloc : memref<!tpu.dma_semaphore, #tpu.memory_space<semaphore_mem>>
      %dma_start3A_125 = arith.constant 0 : i32
      %dma_start3A_126 = tpu.memref_slice %arg6[%add3A_81, %dma_start3A_125] : memref<20480x128xf32, #tpu.memory_space<hbm>> -> memref<80x128xf32, #tpu.memory_space<hbm>>
      %dma_start3A_127 = arith.constant 0 : i32
      %dma_start3A_128 = tpu.memref_slice %arg13[%add3A_76, %dma_start3A_127] : memref<10240x128xf32, #tpu.memory_space<vmem_shared>> -> memref<80x128xf32, #tpu.memory_space<vmem_shared>>
      tpu.enqueue_dma source(%dma_start3A_128 : memref<80x128xf32, #tpu.memory_space<vmem_shared>>) target(%dma_start3A_126 : memref<80x128xf32, #tpu.memory_space<hbm>>) target_semaphore(%run_scoped3A_124 : memref<!tpu.dma_semaphore, #tpu.memory_space<semaphore_mem>>)
      %dma_wait3A_129 = arith.constant 0 : i32
      %dma_wait3A_130 = tpu.memref_slice %arg6[%add3A_81, %dma_wait3A_129] : memref<20480x128xf32, #tpu.memory_space<hbm>> -> memref<80x128xf32, #tpu.memory_space<hbm>>
      %dma_wait3A_131 = arith.constant 0 : i32
      %dma_wait3A_132 = tpu.memref_slice %arg13[%add3A_76, %dma_wait3A_131] : memref<10240x128xf32, #tpu.memory_space<vmem_shared>> -> memref<80x128xf32, #tpu.memory_space<vmem_shared>>
      tpu.wait_dma2 semaphore(%run_scoped3A_124 : memref<!tpu.dma_semaphore, #tpu.memory_space<semaphore_mem>>) src(%dma_wait3A_132 : memref<80x128xf32, #tpu.memory_space<vmem_shared>>) dst(%dma_wait3A_130 : memref<80x128xf32, #tpu.memory_space<hbm>>)
      tpu.yield
    }) : () -> ()
    %add3A_82 = arith.constant 160 : i32
    %add3A_83 = arith.addi %mul3A_0, %add3A_82 : i32
    %mul3A_84 = arith.constant 10240 : i32
    %mul3A_85 = arith.muli %arg0, %mul3A_84 : i32
    %add3A_86 = arith.addi %mul3A_85, %mul3A_0 : i32
    %add3A_87 = arith.constant 160 : i32
    %add3A_88 = arith.addi %add3A_86, %add3A_87 : i32
    "tpu.region"() ({
      %run_scoped3A_124 = tpu.sem_alloc : memref<!tpu.dma_semaphore, #tpu.memory_space<semaphore_mem>>
      %dma_start3A_125 = arith.constant 0 : i32
      %dma_start3A_126 = tpu.memref_slice %arg6[%add3A_88, %dma_start3A_125] : memref<20480x128xf32, #tpu.memory_space<hbm>> -> memref<80x128xf32, #tpu.memory_space<hbm>>
      %dma_start3A_127 = arith.constant 0 : i32
      %dma_start3A_128 = tpu.memref_slice %arg13[%add3A_83, %dma_start3A_127] : memref<10240x128xf32, #tpu.memory_space<vmem_shared>> -> memref<80x128xf32, #tpu.memory_space<vmem_shared>>
      tpu.enqueue_dma source(%dma_start3A_128 : memref<80x128xf32, #tpu.memory_space<vmem_shared>>) target(%dma_start3A_126 : memref<80x128xf32, #tpu.memory_space<hbm>>) target_semaphore(%run_scoped3A_124 : memref<!tpu.dma_semaphore, #tpu.memory_space<semaphore_mem>>)
      %dma_wait3A_129 = arith.constant 0 : i32
      %dma_wait3A_130 = tpu.memref_slice %arg6[%add3A_88, %dma_wait3A_129] : memref<20480x128xf32, #tpu.memory_space<hbm>> -> memref<80x128xf32, #tpu.memory_space<hbm>>
      %dma_wait3A_131 = arith.constant 0 : i32
      %dma_wait3A_132 = tpu.memref_slice %arg13[%add3A_83, %dma_wait3A_131] : memref<10240x128xf32, #tpu.memory_space<vmem_shared>> -> memref<80x128xf32, #tpu.memory_space<vmem_shared>>
      tpu.wait_dma2 semaphore(%run_scoped3A_124 : memref<!tpu.dma_semaphore, #tpu.memory_space<semaphore_mem>>) src(%dma_wait3A_132 : memref<80x128xf32, #tpu.memory_space<vmem_shared>>) dst(%dma_wait3A_130 : memref<80x128xf32, #tpu.memory_space<hbm>>)
      tpu.yield
    }) : () -> ()
    %add3A_89 = arith.constant 240 : i32
    %add3A_90 = arith.addi %mul3A_0, %add3A_89 : i32
    %mul3A_91 = arith.constant 10240 : i32
    %mul3A_92 = arith.muli %arg0, %mul3A_91 : i32
    %add3A_93 = arith.addi %mul3A_92, %mul3A_0 : i32
    %add3A_94 = arith.constant 240 : i32
    %add3A_95 = arith.addi %add3A_93, %add3A_94 : i32
    "tpu.region"() ({
      %run_scoped3A_124 = tpu.sem_alloc : memref<!tpu.dma_semaphore, #tpu.memory_space<semaphore_mem>>
      %dma_start3A_125 = arith.constant 0 : i32
      %dma_start3A_126 = tpu.memref_slice %arg6[%add3A_95, %dma_start3A_125] : memref<20480x128xf32, #tpu.memory_space<hbm>> -> memref<80x128xf32, #tpu.memory_space<hbm>>
      %dma_start3A_127 = arith.constant 0 : i32
      %dma_start3A_128 = tpu.memref_slice %arg13[%add3A_90, %dma_start3A_127] : memref<10240x128xf32, #tpu.memory_space<vmem_shared>> -> memref<80x128xf32, #tpu.memory_space<vmem_shared>>
      tpu.enqueue_dma source(%dma_start3A_128 : memref<80x128xf32, #tpu.memory_space<vmem_shared>>) target(%dma_start3A_126 : memref<80x128xf32, #tpu.memory_space<hbm>>) target_semaphore(%run_scoped3A_124 : memref<!tpu.dma_semaphore, #tpu.memory_space<semaphore_mem>>)
      %dma_wait3A_129 = arith.constant 0 : i32
      %dma_wait3A_130 = tpu.memref_slice %arg6[%add3A_95, %dma_wait3A_129] : memref<20480x128xf32, #tpu.memory_space<hbm>> -> memref<80x128xf32, #tpu.memory_space<hbm>>
      %dma_wait3A_131 = arith.constant 0 : i32
      %dma_wait3A_132 = tpu.memref_slice %arg13[%add3A_90, %dma_wait3A_131] : memref<10240x128xf32, #tpu.memory_space<vmem_shared>> -> memref<80x128xf32, #tpu.memory_space<vmem_shared>>
      tpu.wait_dma2 semaphore(%run_scoped3A_124 : memref<!tpu.dma_semaphore, #tpu.memory_space<semaphore_mem>>) src(%dma_wait3A_132 : memref<80x128xf32, #tpu.memory_space<vmem_shared>>) dst(%dma_wait3A_130 : memref<80x128xf32, #tpu.memory_space<hbm>>)
      tpu.yield
    }) : () -> ()
    %add3A_96 = arith.constant 320 : i32
    %add3A_97 = arith.addi %mul3A_0, %add3A_96 : i32
    %mul3A_98 = arith.constant 10240 : i32
    %mul3A_99 = arith.muli %arg0, %mul3A_98 : i32
    %add3A_100 = arith.addi %mul3A_99, %mul3A_0 : i32
    %add3A_101 = arith.constant 320 : i32
    %add3A_102 = arith.addi %add3A_100, %add3A_101 : i32
    "tpu.region"() ({
      %run_scoped3A_124 = tpu.sem_alloc : memref<!tpu.dma_semaphore, #tpu.memory_space<semaphore_mem>>
      %dma_start3A_125 = arith.constant 0 : i32
      %dma_start3A_126 = tpu.memref_slice %arg6[%add3A_102, %dma_start3A_125] : memref<20480x128xf32, #tpu.memory_space<hbm>> -> memref<80x128xf32, #tpu.memory_space<hbm>>
      %dma_start3A_127 = arith.constant 0 : i32
      %dma_start3A_128 = tpu.memref_slice %arg13[%add3A_97, %dma_start3A_127] : memref<10240x128xf32, #tpu.memory_space<vmem_shared>> -> memref<80x128xf32, #tpu.memory_space<vmem_shared>>
      tpu.enqueue_dma source(%dma_start3A_128 : memref<80x128xf32, #tpu.memory_space<vmem_shared>>) target(%dma_start3A_126 : memref<80x128xf32, #tpu.memory_space<hbm>>) target_semaphore(%run_scoped3A_124 : memref<!tpu.dma_semaphore, #tpu.memory_space<semaphore_mem>>)
      %dma_wait3A_129 = arith.constant 0 : i32
      %dma_wait3A_130 = tpu.memref_slice %arg6[%add3A_102, %dma_wait3A_129] : memref<20480x128xf32, #tpu.memory_space<hbm>> -> memref<80x128xf32, #tpu.memory_space<hbm>>
      %dma_wait3A_131 = arith.constant 0 : i32
      %dma_wait3A_132 = tpu.memref_slice %arg13[%add3A_97, %dma_wait3A_131] : memref<10240x128xf32, #tpu.memory_space<vmem_shared>> -> memref<80x128xf32, #tpu.memory_space<vmem_shared>>
      tpu.wait_dma2 semaphore(%run_scoped3A_124 : memref<!tpu.dma_semaphore, #tpu.memory_space<semaphore_mem>>) src(%dma_wait3A_132 : memref<80x128xf32, #tpu.memory_space<vmem_shared>>) dst(%dma_wait3A_130 : memref<80x128xf32, #tpu.memory_space<hbm>>)
      tpu.yield
    }) : () -> ()
    %add3A_103 = arith.constant 400 : i32
    %add3A_104 = arith.addi %mul3A_0, %add3A_103 : i32
    %mul3A_105 = arith.constant 10240 : i32
    %mul3A_106 = arith.muli %arg0, %mul3A_105 : i32
    %add3A_107 = arith.addi %mul3A_106, %mul3A_0 : i32
    %add3A_108 = arith.constant 400 : i32
    %add3A_109 = arith.addi %add3A_107, %add3A_108 : i32
    "tpu.region"() ({
      %run_scoped3A_124 = tpu.sem_alloc : memref<!tpu.dma_semaphore, #tpu.memory_space<semaphore_mem>>
      %dma_start3A_125 = arith.constant 0 : i32
      %dma_start3A_126 = tpu.memref_slice %arg6[%add3A_109, %dma_start3A_125] : memref<20480x128xf32, #tpu.memory_space<hbm>> -> memref<80x128xf32, #tpu.memory_space<hbm>>
      %dma_start3A_127 = arith.constant 0 : i32
      %dma_start3A_128 = tpu.memref_slice %arg13[%add3A_104, %dma_start3A_127] : memref<10240x128xf32, #tpu.memory_space<vmem_shared>> -> memref<80x128xf32, #tpu.memory_space<vmem_shared>>
      tpu.enqueue_dma source(%dma_start3A_128 : memref<80x128xf32, #tpu.memory_space<vmem_shared>>) target(%dma_start3A_126 : memref<80x128xf32, #tpu.memory_space<hbm>>) target_semaphore(%run_scoped3A_124 : memref<!tpu.dma_semaphore, #tpu.memory_space<semaphore_mem>>)
      %dma_wait3A_129 = arith.constant 0 : i32
      %dma_wait3A_130 = tpu.memref_slice %arg6[%add3A_109, %dma_wait3A_129] : memref<20480x128xf32, #tpu.memory_space<hbm>> -> memref<80x128xf32, #tpu.memory_space<hbm>>
      %dma_wait3A_131 = arith.constant 0 : i32
      %dma_wait3A_132 = tpu.memref_slice %arg13[%add3A_104, %dma_wait3A_131] : memref<10240x128xf32, #tpu.memory_space<vmem_shared>> -> memref<80x128xf32, #tpu.memory_space<vmem_shared>>
      tpu.wait_dma2 semaphore(%run_scoped3A_124 : memref<!tpu.dma_semaphore, #tpu.memory_space<semaphore_mem>>) src(%dma_wait3A_132 : memref<80x128xf32, #tpu.memory_space<vmem_shared>>) dst(%dma_wait3A_130 : memref<80x128xf32, #tpu.memory_space<hbm>>)
      tpu.yield
    }) : () -> ()
    %add3A_110 = arith.constant 480 : i32
    %add3A_111 = arith.addi %mul3A_0, %add3A_110 : i32
    %mul3A_112 = arith.constant 10240 : i32
    %mul3A_113 = arith.muli %arg0, %mul3A_112 : i32
    %add3A_114 = arith.addi %mul3A_113, %mul3A_0 : i32
    %add3A_115 = arith.constant 480 : i32
    %add3A_116 = arith.addi %add3A_114, %add3A_115 : i32
    "tpu.region"() ({
      %run_scoped3A_124 = tpu.sem_alloc : memref<!tpu.dma_semaphore, #tpu.memory_space<semaphore_mem>>
      %dma_start3A_125 = arith.constant 0 : i32
      %dma_start3A_126 = tpu.memref_slice %arg6[%add3A_116, %dma_start3A_125] : memref<20480x128xf32, #tpu.memory_space<hbm>> -> memref<80x128xf32, #tpu.memory_space<hbm>>
      %dma_start3A_127 = arith.constant 0 : i32
      %dma_start3A_128 = tpu.memref_slice %arg13[%add3A_111, %dma_start3A_127] : memref<10240x128xf32, #tpu.memory_space<vmem_shared>> -> memref<80x128xf32, #tpu.memory_space<vmem_shared>>
      tpu.enqueue_dma source(%dma_start3A_128 : memref<80x128xf32, #tpu.memory_space<vmem_shared>>) target(%dma_start3A_126 : memref<80x128xf32, #tpu.memory_space<hbm>>) target_semaphore(%run_scoped3A_124 : memref<!tpu.dma_semaphore, #tpu.memory_space<semaphore_mem>>)
      %dma_wait3A_129 = arith.constant 0 : i32
      %dma_wait3A_130 = tpu.memref_slice %arg6[%add3A_116, %dma_wait3A_129] : memref<20480x128xf32, #tpu.memory_space<hbm>> -> memref<80x128xf32, #tpu.memory_space<hbm>>
      %dma_wait3A_131 = arith.constant 0 : i32
      %dma_wait3A_132 = tpu.memref_slice %arg13[%add3A_111, %dma_wait3A_131] : memref<10240x128xf32, #tpu.memory_space<vmem_shared>> -> memref<80x128xf32, #tpu.memory_space<vmem_shared>>
      tpu.wait_dma2 semaphore(%run_scoped3A_124 : memref<!tpu.dma_semaphore, #tpu.memory_space<semaphore_mem>>) src(%dma_wait3A_132 : memref<80x128xf32, #tpu.memory_space<vmem_shared>>) dst(%dma_wait3A_130 : memref<80x128xf32, #tpu.memory_space<hbm>>)
      tpu.yield
    }) : () -> ()
    %add3A_117 = arith.constant 560 : i32
    %add3A_118 = arith.addi %mul3A_0, %add3A_117 : i32
    %mul3A_119 = arith.constant 10240 : i32
    %mul3A_120 = arith.muli %arg0, %mul3A_119 : i32
    %add3A_121 = arith.addi %mul3A_120, %mul3A_0 : i32
    %add3A_122 = arith.constant 560 : i32
    %add3A_123 = arith.addi %add3A_121, %add3A_122 : i32
    "tpu.region"() ({
      %run_scoped3A_124 = tpu.sem_alloc : memref<!tpu.dma_semaphore, #tpu.memory_space<semaphore_mem>>
      %dma_start3A_125 = arith.constant 0 : i32
      %dma_start3A_126 = tpu.memref_slice %arg6[%add3A_123, %dma_start3A_125] : memref<20480x128xf32, #tpu.memory_space<hbm>> -> memref<80x128xf32, #tpu.memory_space<hbm>>
      %dma_start3A_127 = arith.constant 0 : i32
      %dma_start3A_128 = tpu.memref_slice %arg13[%add3A_118, %dma_start3A_127] : memref<10240x128xf32, #tpu.memory_space<vmem_shared>> -> memref<80x128xf32, #tpu.memory_space<vmem_shared>>
      tpu.enqueue_dma source(%dma_start3A_128 : memref<80x128xf32, #tpu.memory_space<vmem_shared>>) target(%dma_start3A_126 : memref<80x128xf32, #tpu.memory_space<hbm>>) target_semaphore(%run_scoped3A_124 : memref<!tpu.dma_semaphore, #tpu.memory_space<semaphore_mem>>)
      %dma_wait3A_129 = arith.constant 0 : i32
      %dma_wait3A_130 = tpu.memref_slice %arg6[%add3A_123, %dma_wait3A_129] : memref<20480x128xf32, #tpu.memory_space<hbm>> -> memref<80x128xf32, #tpu.memory_space<hbm>>
      %dma_wait3A_131 = arith.constant 0 : i32
      %dma_wait3A_132 = tpu.memref_slice %arg13[%add3A_118, %dma_wait3A_131] : memref<10240x128xf32, #tpu.memory_space<vmem_shared>> -> memref<80x128xf32, #tpu.memory_space<vmem_shared>>
      tpu.wait_dma2 semaphore(%run_scoped3A_124 : memref<!tpu.dma_semaphore, #tpu.memory_space<semaphore_mem>>) src(%dma_wait3A_132 : memref<80x128xf32, #tpu.memory_space<vmem_shared>>) dst(%dma_wait3A_130 : memref<80x128xf32, #tpu.memory_space<hbm>>)
      tpu.yield
    }) : () -> ()
    return
  }
}

#map = affine_map<(d0, d1) -> (0, 0)>
#map1 = affine_map<(d0, d1) -> (0)>
module attributes {stable_mosaic.version = 14 : i64} {
  func.func @_sc_agg_body(%arg0: i32, %arg1: i32, %arg2: memref<10240x128xf32, #tpu.memory_space<hbm>>, %arg3: memref<320000x128xf32, #tpu.memory_space<hbm>>, %arg4: memref<320000xi32, #tpu.memory_space<hbm>>, %arg5: memref<320000xi32, #tpu.memory_space<hbm>>, %arg6: memref<20480x128xf32, #tpu.memory_space<hbm>>, %arg7: memref<20480xf32, #tpu.memory_space<hbm>>, %arg8: memref<2x80xi32, #tpu.memory_space<vmem>>, %arg9: memref<2x80xi32, #tpu.memory_space<vmem>>, %arg10: memref<80x128xf32, #tpu.memory_space<vmem>>, %arg11: memref<80x128xf32, #tpu.memory_space<vmem>>, %arg12: memref<80x128xf32, #tpu.memory_space<vmem>>, %arg13: memref<80x128xf32, #tpu.memory_space<vmem>>, %arg14: memref<80xf32, #tpu.memory_space<vmem>>, %arg15: memref<640xf32, #tpu.memory_space<vmem>>, %arg16: memref<10240x128xf32, #tpu.memory_space<vmem_shared>>, %arg17: memref<10240xf32, #tpu.memory_space<vmem_shared>>, %arg18: memref<!tpu.dma_semaphore, #tpu.memory_space<semaphore_mem>>, %arg19: memref<!tpu.dma_semaphore, #tpu.memory_space<semaphore_mem>>) attributes {dimension_semantics = [#tpu.dimension_semantics<core_parallel>, #tpu.dimension_semantics<subcore_parallel>], iteration_bounds = array<i64: 2, 16>, scalar_prefetch = 0 : i64, scratch_operands = 12 : i64, tpu.core_type = #tpu.core_type<sc_vector_subcore>, window_params = [{transform_indices = #map}, {transform_indices = #map}, {transform_indices = #map1}, {transform_indices = #map1}, {transform_indices = #map}, {transform_indices = #map1}]} {
    %mul3A = arith.constant 640 : i32
    %mul3A_0 = arith.muli %arg1, %mul3A : i32
    %mul3A_1 = arith.constant 16 : i32
    %mul3A_2 = arith.muli %arg0, %mul3A_1 : i32
    %add3A = arith.addi %mul3A_2, %arg1 : i32
    %mul3A_3 = arith.constant 10000 : i32
    %mul3A_4 = arith.muli %add3A, %mul3A_3 : i32
    %scan3A = arith.constant 0 : i32
    %scan3A_5 = arith.constant 0 : i32
    %scan3A_6 = arith.constant 80 : i32
    %scan3A_7 = arith.addi %scan3A_5, %scan3A_6 : i32
    %scan3A_8 = arith.constant 1 : i32
    %scan3A_9 = scf.for %scan3A_163 = %scan3A_5 to %scan3A_7 step %scan3A_8 iter_args(%scan3A_164 = %scan3A) -> (i32)  : i32 {
      %broadcast_in_dim3A_165 = arith.constant 0.000000e+00 : f32
      %broadcast_in_dim3A_166 = vector.broadcast %broadcast_in_dim3A_165 : f32 to vector<16xf32>
      %swap3A_167 = arith.index_cast %scan3A_163 : i32 to index
      %swap3A_168 = arith.constant 0 : index
      %swap3A_169 = tpu.vector_load %arg10[%swap3A_167, %swap3A_168] {strides = array<i32>} : memref<80x128xf32, #tpu.memory_space<vmem>>, vector<1x16xf32>,
      %swap3A_170 = vector.shape_cast %swap3A_169 : vector<1x16xf32> to vector<16xf32>
      %swap3A_171 = vector.shape_cast %broadcast_in_dim3A_166 : vector<16xf32> to vector<1x16xf32>
      tpu.vector_store %arg10[%swap3A_167, %swap3A_168], %swap3A_171 {strides = array<i32>} : memref<80x128xf32, #tpu.memory_space<vmem>>, vector<1x16xf32>,
      %broadcast_in_dim3A_172 = arith.constant 0.000000e+00 : f32
      %broadcast_in_dim3A_173 = vector.broadcast %broadcast_in_dim3A_172 : f32 to vector<16xf32>
      %swap3A_174 = arith.index_cast %scan3A_163 : i32 to index
      %swap3A_175 = arith.constant 16 : index
      %swap3A_176 = tpu.vector_load %arg10[%swap3A_174, %swap3A_175] {strides = array<i32>} : memref<80x128xf32, #tpu.memory_space<vmem>>, vector<1x16xf32>,
      %swap3A_177 = vector.shape_cast %swap3A_176 : vector<1x16xf32> to vector<16xf32>
      %swap3A_178 = vector.shape_cast %broadcast_in_dim3A_173 : vector<16xf32> to vector<1x16xf32>
      tpu.vector_store %arg10[%swap3A_174, %swap3A_175], %swap3A_178 {strides = array<i32>} : memref<80x128xf32, #tpu.memory_space<vmem>>, vector<1x16xf32>,
      %broadcast_in_dim3A_179 = arith.constant 0.000000e+00 : f32
      %broadcast_in_dim3A_180 = vector.broadcast %broadcast_in_dim3A_179 : f32 to vector<16xf32>
      %swap3A_181 = arith.index_cast %scan3A_163 : i32 to index
      %swap3A_182 = arith.constant 32 : index
      %swap3A_183 = tpu.vector_load %arg10[%swap3A_181, %swap3A_182] {strides = array<i32>} : memref<80x128xf32, #tpu.memory_space<vmem>>, vector<1x16xf32>,
      %swap3A_184 = vector.shape_cast %swap3A_183 : vector<1x16xf32> to vector<16xf32>
      %swap3A_185 = vector.shape_cast %broadcast_in_dim3A_180 : vector<16xf32> to vector<1x16xf32>
      tpu.vector_store %arg10[%swap3A_181, %swap3A_182], %swap3A_185 {strides = array<i32>} : memref<80x128xf32, #tpu.memory_space<vmem>>, vector<1x16xf32>,
      %broadcast_in_dim3A_186 = arith.constant 0.000000e+00 : f32
      %broadcast_in_dim3A_187 = vector.broadcast %broadcast_in_dim3A_186 : f32 to vector<16xf32>
      %swap3A_188 = arith.index_cast %scan3A_163 : i32 to index
      %swap3A_189 = arith.constant 48 : index
      %swap3A_190 = tpu.vector_load %arg10[%swap3A_188, %swap3A_189] {strides = array<i32>} : memref<80x128xf32, #tpu.memory_space<vmem>>, vector<1x16xf32>,
      %swap3A_191 = vector.shape_cast %swap3A_190 : vector<1x16xf32> to vector<16xf32>
      %swap3A_192 = vector.shape_cast %broadcast_in_dim3A_187 : vector<16xf32> to vector<1x16xf32>
      tpu.vector_store %arg10[%swap3A_188, %swap3A_189], %swap3A_192 {strides = array<i32>} : memref<80x128xf32, #tpu.memory_space<vmem>>, vector<1x16xf32>,
      %broadcast_in_dim3A_193 = arith.constant 0.000000e+00 : f32
      %broadcast_in_dim3A_194 = vector.broadcast %broadcast_in_dim3A_193 : f32 to vector<16xf32>
      %swap3A_195 = arith.index_cast %scan3A_163 : i32 to index
      %swap3A_196 = arith.constant 64 : index
      %swap3A_197 = tpu.vector_load %arg10[%swap3A_195, %swap3A_196] {strides = array<i32>} : memref<80x128xf32, #tpu.memory_space<vmem>>, vector<1x16xf32>,
      %swap3A_198 = vector.shape_cast %swap3A_197 : vector<1x16xf32> to vector<16xf32>
      %swap3A_199 = vector.shape_cast %broadcast_in_dim3A_194 : vector<16xf32> to vector<1x16xf32>
      tpu.vector_store %arg10[%swap3A_195, %swap3A_196], %swap3A_199 {strides = array<i32>} : memref<80x128xf32, #tpu.memory_space<vmem>>, vector<1x16xf32>,
      %broadcast_in_dim3A_200 = arith.constant 0.000000e+00 : f32
      %broadcast_in_dim3A_201 = vector.broadcast %broadcast_in_dim3A_200 : f32 to vector<16xf32>
      %swap3A_202 = arith.index_cast %scan3A_163 : i32 to index
      %swap3A_203 = arith.constant 80 : index
      %swap3A_204 = tpu.vector_load %arg10[%swap3A_202, %swap3A_203] {strides = array<i32>} : memref<80x128xf32, #tpu.memory_space<vmem>>, vector<1x16xf32>,
      %swap3A_205 = vector.shape_cast %swap3A_204 : vector<1x16xf32> to vector<16xf32>
      %swap3A_206 = vector.shape_cast %broadcast_in_dim3A_201 : vector<16xf32> to vector<1x16xf32>
      tpu.vector_store %arg10[%swap3A_202, %swap3A_203], %swap3A_206 {strides = array<i32>} : memref<80x128xf32, #tpu.memory_space<vmem>>, vector<1x16xf32>,
      %broadcast_in_dim3A_207 = arith.constant 0.000000e+00 : f32
      %broadcast_in_dim3A_208 = vector.broadcast %broadcast_in_dim3A_207 : f32 to vector<16xf32>
      %swap3A_209 = arith.index_cast %scan3A_163 : i32 to index
      %swap3A_210 = arith.constant 96 : index
      %swap3A_211 = tpu.vector_load %arg10[%swap3A_209, %swap3A_210] {strides = array<i32>} : memref<80x128xf32, #tpu.memory_space<vmem>>, vector<1x16xf32>,
      %swap3A_212 = vector.shape_cast %swap3A_211 : vector<1x16xf32> to vector<16xf32>
      %swap3A_213 = vector.shape_cast %broadcast_in_dim3A_208 : vector<16xf32> to vector<1x16xf32>
      tpu.vector_store %arg10[%swap3A_209, %swap3A_210], %swap3A_213 {strides = array<i32>} : memref<80x128xf32, #tpu.memory_space<vmem>>, vector<1x16xf32>,
      %broadcast_in_dim3A_214 = arith.constant 0.000000e+00 : f32
      %broadcast_in_dim3A_215 = vector.broadcast %broadcast_in_dim3A_214 : f32 to vector<16xf32>
      %swap3A_216 = arith.index_cast %scan3A_163 : i32 to index
      %swap3A_217 = arith.constant 112 : index
      %swap3A_218 = tpu.vector_load %arg10[%swap3A_216, %swap3A_217] {strides = array<i32>} : memref<80x128xf32, #tpu.memory_space<vmem>>, vector<1x16xf32>,
      %swap3A_219 = vector.shape_cast %swap3A_218 : vector<1x16xf32> to vector<16xf32>
      %swap3A_220 = vector.shape_cast %broadcast_in_dim3A_215 : vector<16xf32> to vector<1x16xf32>
      tpu.vector_store %arg10[%swap3A_216, %swap3A_217], %swap3A_220 {strides = array<i32>} : memref<80x128xf32, #tpu.memory_space<vmem>>, vector<1x16xf32>,
      %scan3A_221 = arith.constant 0 : i32
      scf.yield %scan3A_221 : i32
    }
    %scan3A_10 = arith.constant 80 : i32
    %add3A_11 = arith.constant 0 : i32
    %add3A_12 = arith.addi %mul3A_0, %add3A_11 : i32
    "tpu.region"() ({
      %run_scoped3A_163 = tpu.sem_alloc : memref<!tpu.dma_semaphore, #tpu.memory_space<semaphore_mem>>
      %dma_start3A_164 = arith.constant 0 : i32
      %dma_start3A_165 = tpu.memref_slice %arg16[%add3A_12, %dma_start3A_164] : memref<10240x128xf32, #tpu.memory_space<vmem_shared>> -> memref<80x128xf32, #tpu.memory_space<vmem_shared>>
      %dma_start3A_166 = arith.constant 0 : i32
      %dma_start3A_167 = tpu.memref_slice %arg16[%add3A_12, %dma_start3A_166] : memref<10240x128xf32, #tpu.memory_space<vmem_shared>> -> memref<80x128xf32, #tpu.memory_space<vmem_shared>>
      tpu.enqueue_dma source(%arg10 : memref<80x128xf32, #tpu.memory_space<vmem>>) target(%dma_start3A_167 : memref<80x128xf32, #tpu.memory_space<vmem_shared>>) target_semaphore(%run_scoped3A_163 : memref<!tpu.dma_semaphore, #tpu.memory_space<semaphore_mem>>)
      %dma_wait3A_168 = arith.constant 0 : i32
      %dma_wait3A_169 = tpu.memref_slice %arg16[%add3A_12, %dma_wait3A_168] : memref<10240x128xf32, #tpu.memory_space<vmem_shared>> -> memref<80x128xf32, #tpu.memory_space<vmem_shared>>
      %dma_wait3A_170 = arith.constant 0 : i32
      %dma_wait3A_171 = tpu.memref_slice %arg16[%add3A_12, %dma_wait3A_170] : memref<10240x128xf32, #tpu.memory_space<vmem_shared>> -> memref<80x128xf32, #tpu.memory_space<vmem_shared>>
      tpu.wait_dma2 semaphore(%run_scoped3A_163 : memref<!tpu.dma_semaphore, #tpu.memory_space<semaphore_mem>>) src(%arg10 : memref<80x128xf32, #tpu.memory_space<vmem>>) dst(%dma_wait3A_171 : memref<80x128xf32, #tpu.memory_space<vmem_shared>>)
      tpu.yield
    }) : () -> ()
    %add3A_13 = arith.constant 80 : i32
    %add3A_14 = arith.addi %mul3A_0, %add3A_13 : i32
    "tpu.region"() ({
      %run_scoped3A_163 = tpu.sem_alloc : memref<!tpu.dma_semaphore, #tpu.memory_space<semaphore_mem>>
      %dma_start3A_164 = arith.constant 0 : i32
      %dma_start3A_165 = tpu.memref_slice %arg16[%add3A_14, %dma_start3A_164] : memref<10240x128xf32, #tpu.memory_space<vmem_shared>> -> memref<80x128xf32, #tpu.memory_space<vmem_shared>>
      %dma_start3A_166 = arith.constant 0 : i32
      %dma_start3A_167 = tpu.memref_slice %arg16[%add3A_14, %dma_start3A_166] : memref<10240x128xf32, #tpu.memory_space<vmem_shared>> -> memref<80x128xf32, #tpu.memory_space<vmem_shared>>
      tpu.enqueue_dma source(%arg10 : memref<80x128xf32, #tpu.memory_space<vmem>>) target(%dma_start3A_167 : memref<80x128xf32, #tpu.memory_space<vmem_shared>>) target_semaphore(%run_scoped3A_163 : memref<!tpu.dma_semaphore, #tpu.memory_space<semaphore_mem>>)
      %dma_wait3A_168 = arith.constant 0 : i32
      %dma_wait3A_169 = tpu.memref_slice %arg16[%add3A_14, %dma_wait3A_168] : memref<10240x128xf32, #tpu.memory_space<vmem_shared>> -> memref<80x128xf32, #tpu.memory_space<vmem_shared>>
      %dma_wait3A_170 = arith.constant 0 : i32
      %dma_wait3A_171 = tpu.memref_slice %arg16[%add3A_14, %dma_wait3A_170] : memref<10240x128xf32, #tpu.memory_space<vmem_shared>> -> memref<80x128xf32, #tpu.memory_space<vmem_shared>>
      tpu.wait_dma2 semaphore(%run_scoped3A_163 : memref<!tpu.dma_semaphore, #tpu.memory_space<semaphore_mem>>) src(%arg10 : memref<80x128xf32, #tpu.memory_space<vmem>>) dst(%dma_wait3A_171 : memref<80x128xf32, #tpu.memory_space<vmem_shared>>)
      tpu.yield
    }) : () -> ()
    %add3A_15 = arith.constant 160 : i32
    %add3A_16 = arith.addi %mul3A_0, %add3A_15 : i32
    "tpu.region"() ({
      %run_scoped3A_163 = tpu.sem_alloc : memref<!tpu.dma_semaphore, #tpu.memory_space<semaphore_mem>>
      %dma_start3A_164 = arith.constant 0 : i32
      %dma_start3A_165 = tpu.memref_slice %arg16[%add3A_16, %dma_start3A_164] : memref<10240x128xf32, #tpu.memory_space<vmem_shared>> -> memref<80x128xf32, #tpu.memory_space<vmem_shared>>
      %dma_start3A_166 = arith.constant 0 : i32
      %dma_start3A_167 = tpu.memref_slice %arg16[%add3A_16, %dma_start3A_166] : memref<10240x128xf32, #tpu.memory_space<vmem_shared>> -> memref<80x128xf32, #tpu.memory_space<vmem_shared>>
      tpu.enqueue_dma source(%arg10 : memref<80x128xf32, #tpu.memory_space<vmem>>) target(%dma_start3A_167 : memref<80x128xf32, #tpu.memory_space<vmem_shared>>) target_semaphore(%run_scoped3A_163 : memref<!tpu.dma_semaphore, #tpu.memory_space<semaphore_mem>>)
      %dma_wait3A_168 = arith.constant 0 : i32
      %dma_wait3A_169 = tpu.memref_slice %arg16[%add3A_16, %dma_wait3A_168] : memref<10240x128xf32, #tpu.memory_space<vmem_shared>> -> memref<80x128xf32, #tpu.memory_space<vmem_shared>>
      %dma_wait3A_170 = arith.constant 0 : i32
      %dma_wait3A_171 = tpu.memref_slice %arg16[%add3A_16, %dma_wait3A_170] : memref<10240x128xf32, #tpu.memory_space<vmem_shared>> -> memref<80x128xf32, #tpu.memory_space<vmem_shared>>
      tpu.wait_dma2 semaphore(%run_scoped3A_163 : memref<!tpu.dma_semaphore, #tpu.memory_space<semaphore_mem>>) src(%arg10 : memref<80x128xf32, #tpu.memory_space<vmem>>) dst(%dma_wait3A_171 : memref<80x128xf32, #tpu.memory_space<vmem_shared>>)
      tpu.yield
    }) : () -> ()
    %add3A_17 = arith.constant 240 : i32
    %add3A_18 = arith.addi %mul3A_0, %add3A_17 : i32
    "tpu.region"() ({
      %run_scoped3A_163 = tpu.sem_alloc : memref<!tpu.dma_semaphore, #tpu.memory_space<semaphore_mem>>
      %dma_start3A_164 = arith.constant 0 : i32
      %dma_start3A_165 = tpu.memref_slice %arg16[%add3A_18, %dma_start3A_164] : memref<10240x128xf32, #tpu.memory_space<vmem_shared>> -> memref<80x128xf32, #tpu.memory_space<vmem_shared>>
      %dma_start3A_166 = arith.constant 0 : i32
      %dma_start3A_167 = tpu.memref_slice %arg16[%add3A_18, %dma_start3A_166] : memref<10240x128xf32, #tpu.memory_space<vmem_shared>> -> memref<80x128xf32, #tpu.memory_space<vmem_shared>>
      tpu.enqueue_dma source(%arg10 : memref<80x128xf32, #tpu.memory_space<vmem>>) target(%dma_start3A_167 : memref<80x128xf32, #tpu.memory_space<vmem_shared>>) target_semaphore(%run_scoped3A_163 : memref<!tpu.dma_semaphore, #tpu.memory_space<semaphore_mem>>)
      %dma_wait3A_168 = arith.constant 0 : i32
      %dma_wait3A_169 = tpu.memref_slice %arg16[%add3A_18, %dma_wait3A_168] : memref<10240x128xf32, #tpu.memory_space<vmem_shared>> -> memref<80x128xf32, #tpu.memory_space<vmem_shared>>
      %dma_wait3A_170 = arith.constant 0 : i32
      %dma_wait3A_171 = tpu.memref_slice %arg16[%add3A_18, %dma_wait3A_170] : memref<10240x128xf32, #tpu.memory_space<vmem_shared>> -> memref<80x128xf32, #tpu.memory_space<vmem_shared>>
      tpu.wait_dma2 semaphore(%run_scoped3A_163 : memref<!tpu.dma_semaphore, #tpu.memory_space<semaphore_mem>>) src(%arg10 : memref<80x128xf32, #tpu.memory_space<vmem>>) dst(%dma_wait3A_171 : memref<80x128xf32, #tpu.memory_space<vmem_shared>>)
      tpu.yield
    }) : () -> ()
    %add3A_19 = arith.constant 320 : i32
    %add3A_20 = arith.addi %mul3A_0, %add3A_19 : i32
    "tpu.region"() ({
      %run_scoped3A_163 = tpu.sem_alloc : memref<!tpu.dma_semaphore, #tpu.memory_space<semaphore_mem>>
      %dma_start3A_164 = arith.constant 0 : i32
      %dma_start3A_165 = tpu.memref_slice %arg16[%add3A_20, %dma_start3A_164] : memref<10240x128xf32, #tpu.memory_space<vmem_shared>> -> memref<80x128xf32, #tpu.memory_space<vmem_shared>>
      %dma_start3A_166 = arith.constant 0 : i32
      %dma_start3A_167 = tpu.memref_slice %arg16[%add3A_20, %dma_start3A_166] : memref<10240x128xf32, #tpu.memory_space<vmem_shared>> -> memref<80x128xf32, #tpu.memory_space<vmem_shared>>
      tpu.enqueue_dma source(%arg10 : memref<80x128xf32, #tpu.memory_space<vmem>>) target(%dma_start3A_167 : memref<80x128xf32, #tpu.memory_space<vmem_shared>>) target_semaphore(%run_scoped3A_163 : memref<!tpu.dma_semaphore, #tpu.memory_space<semaphore_mem>>)
      %dma_wait3A_168 = arith.constant 0 : i32
      %dma_wait3A_169 = tpu.memref_slice %arg16[%add3A_20, %dma_wait3A_168] : memref<10240x128xf32, #tpu.memory_space<vmem_shared>> -> memref<80x128xf32, #tpu.memory_space<vmem_shared>>
      %dma_wait3A_170 = arith.constant 0 : i32
      %dma_wait3A_171 = tpu.memref_slice %arg16[%add3A_20, %dma_wait3A_170] : memref<10240x128xf32, #tpu.memory_space<vmem_shared>> -> memref<80x128xf32, #tpu.memory_space<vmem_shared>>
      tpu.wait_dma2 semaphore(%run_scoped3A_163 : memref<!tpu.dma_semaphore, #tpu.memory_space<semaphore_mem>>) src(%arg10 : memref<80x128xf32, #tpu.memory_space<vmem>>) dst(%dma_wait3A_171 : memref<80x128xf32, #tpu.memory_space<vmem_shared>>)
      tpu.yield
    }) : () -> ()
    %add3A_21 = arith.constant 400 : i32
    %add3A_22 = arith.addi %mul3A_0, %add3A_21 : i32
    "tpu.region"() ({
      %run_scoped3A_163 = tpu.sem_alloc : memref<!tpu.dma_semaphore, #tpu.memory_space<semaphore_mem>>
      %dma_start3A_164 = arith.constant 0 : i32
      %dma_start3A_165 = tpu.memref_slice %arg16[%add3A_22, %dma_start3A_164] : memref<10240x128xf32, #tpu.memory_space<vmem_shared>> -> memref<80x128xf32, #tpu.memory_space<vmem_shared>>
      %dma_start3A_166 = arith.constant 0 : i32
      %dma_start3A_167 = tpu.memref_slice %arg16[%add3A_22, %dma_start3A_166] : memref<10240x128xf32, #tpu.memory_space<vmem_shared>> -> memref<80x128xf32, #tpu.memory_space<vmem_shared>>
      tpu.enqueue_dma source(%arg10 : memref<80x128xf32, #tpu.memory_space<vmem>>) target(%dma_start3A_167 : memref<80x128xf32, #tpu.memory_space<vmem_shared>>) target_semaphore(%run_scoped3A_163 : memref<!tpu.dma_semaphore, #tpu.memory_space<semaphore_mem>>)
      %dma_wait3A_168 = arith.constant 0 : i32
      %dma_wait3A_169 = tpu.memref_slice %arg16[%add3A_22, %dma_wait3A_168] : memref<10240x128xf32, #tpu.memory_space<vmem_shared>> -> memref<80x128xf32, #tpu.memory_space<vmem_shared>>
      %dma_wait3A_170 = arith.constant 0 : i32
      %dma_wait3A_171 = tpu.memref_slice %arg16[%add3A_22, %dma_wait3A_170] : memref<10240x128xf32, #tpu.memory_space<vmem_shared>> -> memref<80x128xf32, #tpu.memory_space<vmem_shared>>
      tpu.wait_dma2 semaphore(%run_scoped3A_163 : memref<!tpu.dma_semaphore, #tpu.memory_space<semaphore_mem>>) src(%arg10 : memref<80x128xf32, #tpu.memory_space<vmem>>) dst(%dma_wait3A_171 : memref<80x128xf32, #tpu.memory_space<vmem_shared>>)
      tpu.yield
    }) : () -> ()
    %add3A_23 = arith.constant 480 : i32
    %add3A_24 = arith.addi %mul3A_0, %add3A_23 : i32
    "tpu.region"() ({
      %run_scoped3A_163 = tpu.sem_alloc : memref<!tpu.dma_semaphore, #tpu.memory_space<semaphore_mem>>
      %dma_start3A_164 = arith.constant 0 : i32
      %dma_start3A_165 = tpu.memref_slice %arg16[%add3A_24, %dma_start3A_164] : memref<10240x128xf32, #tpu.memory_space<vmem_shared>> -> memref<80x128xf32, #tpu.memory_space<vmem_shared>>
      %dma_start3A_166 = arith.constant 0 : i32
      %dma_start3A_167 = tpu.memref_slice %arg16[%add3A_24, %dma_start3A_166] : memref<10240x128xf32, #tpu.memory_space<vmem_shared>> -> memref<80x128xf32, #tpu.memory_space<vmem_shared>>
      tpu.enqueue_dma source(%arg10 : memref<80x128xf32, #tpu.memory_space<vmem>>) target(%dma_start3A_167 : memref<80x128xf32, #tpu.memory_space<vmem_shared>>) target_semaphore(%run_scoped3A_163 : memref<!tpu.dma_semaphore, #tpu.memory_space<semaphore_mem>>)
      %dma_wait3A_168 = arith.constant 0 : i32
      %dma_wait3A_169 = tpu.memref_slice %arg16[%add3A_24, %dma_wait3A_168] : memref<10240x128xf32, #tpu.memory_space<vmem_shared>> -> memref<80x128xf32, #tpu.memory_space<vmem_shared>>
      %dma_wait3A_170 = arith.constant 0 : i32
      %dma_wait3A_171 = tpu.memref_slice %arg16[%add3A_24, %dma_wait3A_170] : memref<10240x128xf32, #tpu.memory_space<vmem_shared>> -> memref<80x128xf32, #tpu.memory_space<vmem_shared>>
      tpu.wait_dma2 semaphore(%run_scoped3A_163 : memref<!tpu.dma_semaphore, #tpu.memory_space<semaphore_mem>>) src(%arg10 : memref<80x128xf32, #tpu.memory_space<vmem>>) dst(%dma_wait3A_171 : memref<80x128xf32, #tpu.memory_space<vmem_shared>>)
      tpu.yield
    }) : () -> ()
    %add3A_25 = arith.constant 560 : i32
    %add3A_26 = arith.addi %mul3A_0, %add3A_25 : i32
    "tpu.region"() ({
      %run_scoped3A_163 = tpu.sem_alloc : memref<!tpu.dma_semaphore, #tpu.memory_space<semaphore_mem>>
      %dma_start3A_164 = arith.constant 0 : i32
      %dma_start3A_165 = tpu.memref_slice %arg16[%add3A_26, %dma_start3A_164] : memref<10240x128xf32, #tpu.memory_space<vmem_shared>> -> memref<80x128xf32, #tpu.memory_space<vmem_shared>>
      %dma_start3A_166 = arith.constant 0 : i32
      %dma_start3A_167 = tpu.memref_slice %arg16[%add3A_26, %dma_start3A_166] : memref<10240x128xf32, #tpu.memory_space<vmem_shared>> -> memref<80x128xf32, #tpu.memory_space<vmem_shared>>
      tpu.enqueue_dma source(%arg10 : memref<80x128xf32, #tpu.memory_space<vmem>>) target(%dma_start3A_167 : memref<80x128xf32, #tpu.memory_space<vmem_shared>>) target_semaphore(%run_scoped3A_163 : memref<!tpu.dma_semaphore, #tpu.memory_space<semaphore_mem>>)
      %dma_wait3A_168 = arith.constant 0 : i32
      %dma_wait3A_169 = tpu.memref_slice %arg16[%add3A_26, %dma_wait3A_168] : memref<10240x128xf32, #tpu.memory_space<vmem_shared>> -> memref<80x128xf32, #tpu.memory_space<vmem_shared>>
      %dma_wait3A_170 = arith.constant 0 : i32
      %dma_wait3A_171 = tpu.memref_slice %arg16[%add3A_26, %dma_wait3A_170] : memref<10240x128xf32, #tpu.memory_space<vmem_shared>> -> memref<80x128xf32, #tpu.memory_space<vmem_shared>>
      tpu.wait_dma2 semaphore(%run_scoped3A_163 : memref<!tpu.dma_semaphore, #tpu.memory_space<semaphore_mem>>) src(%arg10 : memref<80x128xf32, #tpu.memory_space<vmem>>) dst(%dma_wait3A_171 : memref<80x128xf32, #tpu.memory_space<vmem_shared>>)
      tpu.yield
    }) : () -> ()
    %scan3A_27 = arith.constant 0 : i32
    %scan3A_28 = arith.constant 0 : i32
    %scan3A_29 = arith.constant 40 : i32
    %scan3A_30 = arith.addi %scan3A_28, %scan3A_29 : i32
    %scan3A_31 = arith.constant 1 : i32
    %scan3A_32 = scf.for %scan3A_163 = %scan3A_28 to %scan3A_30 step %scan3A_31 iter_args(%scan3A_164 = %scan3A_27) -> (i32)  : i32 {
      %broadcast_in_dim3A_165 = arith.constant 0.000000e+00 : f32
      %broadcast_in_dim3A_166 = vector.broadcast %broadcast_in_dim3A_165 : f32 to vector<16xf32>
      %mul3A_167 = arith.constant 16 : i32
      %mul3A_168 = arith.muli %scan3A_163, %mul3A_167 : i32
      %swap3A_169 = arith.index_cast %mul3A_168 : i32 to index
      %swap3A_170 = tpu.vector_load %arg15[%swap3A_169] {strides = array<i32>} : memref<640xf32, #tpu.memory_space<vmem>>, vector<16xf32>,
      %swap3A_171 = vector.shape_cast %swap3A_170 : vector<16xf32> to vector<16xf32>
      %swap3A_172 = vector.shape_cast %broadcast_in_dim3A_166 : vector<16xf32> to vector<16xf32>
      tpu.vector_store %arg15[%swap3A_169], %swap3A_172 {strides = array<i32>} : memref<640xf32, #tpu.memory_space<vmem>>, vector<16xf32>,
      %scan3A_173 = arith.constant 0 : i32
      scf.yield %scan3A_173 : i32
    }
    %scan3A_33 = arith.constant 40 : i32
    %broadcast_in_dim3A = arith.constant 1.000000e+00 : f32
    %broadcast_in_dim3A_34 = vector.broadcast %broadcast_in_dim3A : f32 to vector<16xf32>
    %swap3A = arith.constant 0 : index
    %swap3A_35 = tpu.vector_load %arg14[%swap3A] {strides = array<i32>} : memref<80xf32, #tpu.memory_space<vmem>>, vector<16xf32>,
    %swap3A_36 = vector.shape_cast %swap3A_35 : vector<16xf32> to vector<16xf32>
    %swap3A_37 = vector.shape_cast %broadcast_in_dim3A_34 : vector<16xf32> to vector<16xf32>
    tpu.vector_store %arg14[%swap3A], %swap3A_37 {strides = array<i32>} : memref<80xf32, #tpu.memory_space<vmem>>, vector<16xf32>,
    %broadcast_in_dim3A_38 = arith.constant 1.000000e+00 : f32
    %broadcast_in_dim3A_39 = vector.broadcast %broadcast_in_dim3A_38 : f32 to vector<16xf32>
    %swap3A_40 = arith.constant 16 : index
    %swap3A_41 = tpu.vector_load %arg14[%swap3A_40] {strides = array<i32>} : memref<80xf32, #tpu.memory_space<vmem>>, vector<16xf32>,
    %swap3A_42 = vector.shape_cast %swap3A_41 : vector<16xf32> to vector<16xf32>
    %swap3A_43 = vector.shape_cast %broadcast_in_dim3A_39 : vector<16xf32> to vector<16xf32>
    tpu.vector_store %arg14[%swap3A_40], %swap3A_43 {strides = array<i32>} : memref<80xf32, #tpu.memory_space<vmem>>, vector<16xf32>,
    %broadcast_in_dim3A_44 = arith.constant 1.000000e+00 : f32
    %broadcast_in_dim3A_45 = vector.broadcast %broadcast_in_dim3A_44 : f32 to vector<16xf32>
    %swap3A_46 = arith.constant 32 : index
    %swap3A_47 = tpu.vector_load %arg14[%swap3A_46] {strides = array<i32>} : memref<80xf32, #tpu.memory_space<vmem>>, vector<16xf32>,
    %swap3A_48 = vector.shape_cast %swap3A_47 : vector<16xf32> to vector<16xf32>
    %swap3A_49 = vector.shape_cast %broadcast_in_dim3A_45 : vector<16xf32> to vector<16xf32>
    tpu.vector_store %arg14[%swap3A_46], %swap3A_49 {strides = array<i32>} : memref<80xf32, #tpu.memory_space<vmem>>, vector<16xf32>,
    %broadcast_in_dim3A_50 = arith.constant 1.000000e+00 : f32
    %broadcast_in_dim3A_51 = vector.broadcast %broadcast_in_dim3A_50 : f32 to vector<16xf32>
    %swap3A_52 = arith.constant 48 : index
    %swap3A_53 = tpu.vector_load %arg14[%swap3A_52] {strides = array<i32>} : memref<80xf32, #tpu.memory_space<vmem>>, vector<16xf32>,
    %swap3A_54 = vector.shape_cast %swap3A_53 : vector<16xf32> to vector<16xf32>
    %swap3A_55 = vector.shape_cast %broadcast_in_dim3A_51 : vector<16xf32> to vector<16xf32>
    tpu.vector_store %arg14[%swap3A_52], %swap3A_55 {strides = array<i32>} : memref<80xf32, #tpu.memory_space<vmem>>, vector<16xf32>,
    %broadcast_in_dim3A_56 = arith.constant 1.000000e+00 : f32
    %broadcast_in_dim3A_57 = vector.broadcast %broadcast_in_dim3A_56 : f32 to vector<16xf32>
    %swap3A_58 = arith.constant 64 : index
    %swap3A_59 = tpu.vector_load %arg14[%swap3A_58] {strides = array<i32>} : memref<80xf32, #tpu.memory_space<vmem>>, vector<16xf32>,
    %swap3A_60 = vector.shape_cast %swap3A_59 : vector<16xf32> to vector<16xf32>
    %swap3A_61 = vector.shape_cast %broadcast_in_dim3A_57 : vector<16xf32> to vector<16xf32>
    tpu.vector_store %arg14[%swap3A_58], %swap3A_61 {strides = array<i32>} : memref<80xf32, #tpu.memory_space<vmem>>, vector<16xf32>,
    "tpu.region"() ({
      %run_scoped3A_163 = tpu.sem_alloc : memref<!tpu.dma_semaphore, #tpu.memory_space<semaphore_mem>>
      %dma_start3A_164 = tpu.memref_slice %arg17[%mul3A_0] : memref<10240xf32, #tpu.memory_space<vmem_shared>> -> memref<640xf32, #tpu.memory_space<vmem_shared>>
      %dma_start3A_165 = tpu.memref_slice %arg17[%mul3A_0] : memref<10240xf32, #tpu.memory_space<vmem_shared>> -> memref<640xf32, #tpu.memory_space<vmem_shared>>
      tpu.enqueue_dma source(%arg15 : memref<640xf32, #tpu.memory_space<vmem>>) target(%dma_start3A_165 : memref<640xf32, #tpu.memory_space<vmem_shared>>) target_semaphore(%run_scoped3A_163 : memref<!tpu.dma_semaphore, #tpu.memory_space<semaphore_mem>>)
      %dma_wait3A_166 = tpu.memref_slice %arg17[%mul3A_0] : memref<10240xf32, #tpu.memory_space<vmem_shared>> -> memref<640xf32, #tpu.memory_space<vmem_shared>>
      %dma_wait3A_167 = tpu.memref_slice %arg17[%mul3A_0] : memref<10240xf32, #tpu.memory_space<vmem_shared>> -> memref<640xf32, #tpu.memory_space<vmem_shared>>
      tpu.wait_dma2 semaphore(%run_scoped3A_163 : memref<!tpu.dma_semaphore, #tpu.memory_space<semaphore_mem>>) src(%arg15 : memref<640xf32, #tpu.memory_space<vmem>>) dst(%dma_wait3A_167 : memref<640xf32, #tpu.memory_space<vmem_shared>>)
      tpu.yield
    }) : () -> ()
    %barrier3A = arith.constant 0 : index
    tpu.barrier barrier_id(%barrier3A)
    %add3A_62 = arith.constant 0 : i32
    %add3A_63 = arith.addi %mul3A_4, %add3A_62 : i32
    %run_scoped3A = arith.constant 0 : i32
    "tpu.region"() ({
      %run_scoped3A_163 = tpu.sem_alloc : memref<!tpu.dma_semaphore, #tpu.memory_space<semaphore_mem>>
      %dma_start3A_164 = arith.constant 0 : i32
      %dma_start3A_165 = tpu.memref_slice %arg8[%run_scoped3A, %dma_start3A_164] : memref<2x80xi32, #tpu.memory_space<vmem>> -> memref<1x80xi32, #tpu.memory_space<vmem>>
      %dma_start3A_166 = tpu.memref_squeeze %dma_start3A_165 : memref<1x80xi32, #tpu.memory_space<vmem>> -> memref<80xi32, #tpu.memory_space<vmem>>
      %dma_start3A_167 = tpu.memref_slice %arg4[%add3A_63] : memref<320000xi32, #tpu.memory_space<hbm>> -> memref<80xi32, #tpu.memory_space<hbm>>
      %dma_start3A_168 = arith.constant 0 : i32
      %dma_start3A_169 = tpu.memref_slice %arg8[%run_scoped3A, %dma_start3A_168] : memref<2x80xi32, #tpu.memory_space<vmem>> -> memref<1x80xi32, #tpu.memory_space<vmem>>
      %dma_start3A_170 = tpu.memref_squeeze %dma_start3A_169 : memref<1x80xi32, #tpu.memory_space<vmem>> -> memref<80xi32, #tpu.memory_space<vmem>>
      %dma_start3A_171 = tpu.memref_slice %arg4[%add3A_63] : memref<320000xi32, #tpu.memory_space<hbm>> -> memref<80xi32, #tpu.memory_space<hbm>>
      tpu.enqueue_dma source(%dma_start3A_171 : memref<80xi32, #tpu.memory_space<hbm>>) target(%dma_start3A_170 : memref<80xi32, #tpu.memory_space<vmem>>) target_semaphore(%run_scoped3A_163 : memref<!tpu.dma_semaphore, #tpu.memory_space<semaphore_mem>>)
      %dma_wait3A_172 = arith.constant 0 : i32
      %dma_wait3A_173 = tpu.memref_slice %arg8[%run_scoped3A, %dma_wait3A_172] : memref<2x80xi32, #tpu.memory_space<vmem>> -> memref<1x80xi32, #tpu.memory_space<vmem>>
      %dma_wait3A_174 = tpu.memref_squeeze %dma_wait3A_173 : memref<1x80xi32, #tpu.memory_space<vmem>> -> memref<80xi32, #tpu.memory_space<vmem>>
      %dma_wait3A_175 = tpu.memref_slice %arg4[%add3A_63] : memref<320000xi32, #tpu.memory_space<hbm>> -> memref<80xi32, #tpu.memory_space<hbm>>
      %dma_wait3A_176 = arith.constant 0 : i32
      %dma_wait3A_177 = tpu.memref_slice %arg8[%run_scoped3A, %dma_wait3A_176] : memref<2x80xi32, #tpu.memory_space<vmem>> -> memref<1x80xi32, #tpu.memory_space<vmem>>
      %dma_wait3A_178 = tpu.memref_squeeze %dma_wait3A_177 : memref<1x80xi32, #tpu.memory_space<vmem>> -> memref<80xi32, #tpu.memory_space<vmem>>
      %dma_wait3A_179 = tpu.memref_slice %arg4[%add3A_63] : memref<320000xi32, #tpu.memory_space<hbm>> -> memref<80xi32, #tpu.memory_space<hbm>>
      tpu.wait_dma2 semaphore(%run_scoped3A_163 : memref<!tpu.dma_semaphore, #tpu.memory_space<semaphore_mem>>) src(%dma_wait3A_179 : memref<80xi32, #tpu.memory_space<hbm>>) dst(%dma_wait3A_178 : memref<80xi32, #tpu.memory_space<vmem>>)
      tpu.yield
    }) : () -> ()
    %run_scoped3A_64 = arith.constant 1 : i32
    "tpu.region"() ({
      %run_scoped3A_163 = tpu.sem_alloc : memref<!tpu.dma_semaphore, #tpu.memory_space<semaphore_mem>>
      %dma_start3A_164 = arith.constant 0 : i32
      %dma_start3A_165 = tpu.memref_slice %arg8[%run_scoped3A_64, %dma_start3A_164] : memref<2x80xi32, #tpu.memory_space<vmem>> -> memref<1x80xi32, #tpu.memory_space<vmem>>
      %dma_start3A_166 = tpu.memref_squeeze %dma_start3A_165 : memref<1x80xi32, #tpu.memory_space<vmem>> -> memref<80xi32, #tpu.memory_space<vmem>>
      %dma_start3A_167 = tpu.memref_slice %arg5[%add3A_63] : memref<320000xi32, #tpu.memory_space<hbm>> -> memref<80xi32, #tpu.memory_space<hbm>>
      %dma_start3A_168 = arith.constant 0 : i32
      %dma_start3A_169 = tpu.memref_slice %arg8[%run_scoped3A_64, %dma_start3A_168] : memref<2x80xi32, #tpu.memory_space<vmem>> -> memref<1x80xi32, #tpu.memory_space<vmem>>
      %dma_start3A_170 = tpu.memref_squeeze %dma_start3A_169 : memref<1x80xi32, #tpu.memory_space<vmem>> -> memref<80xi32, #tpu.memory_space<vmem>>
      %dma_start3A_171 = tpu.memref_slice %arg5[%add3A_63] : memref<320000xi32, #tpu.memory_space<hbm>> -> memref<80xi32, #tpu.memory_space<hbm>>
      tpu.enqueue_dma source(%dma_start3A_171 : memref<80xi32, #tpu.memory_space<hbm>>) target(%dma_start3A_170 : memref<80xi32, #tpu.memory_space<vmem>>) target_semaphore(%run_scoped3A_163 : memref<!tpu.dma_semaphore, #tpu.memory_space<semaphore_mem>>)
      %dma_wait3A_172 = arith.constant 0 : i32
      %dma_wait3A_173 = tpu.memref_slice %arg8[%run_scoped3A_64, %dma_wait3A_172] : memref<2x80xi32, #tpu.memory_space<vmem>> -> memref<1x80xi32, #tpu.memory_space<vmem>>
      %dma_wait3A_174 = tpu.memref_squeeze %dma_wait3A_173 : memref<1x80xi32, #tpu.memory_space<vmem>> -> memref<80xi32, #tpu.memory_space<vmem>>
      %dma_wait3A_175 = tpu.memref_slice %arg5[%add3A_63] : memref<320000xi32, #tpu.memory_space<hbm>> -> memref<80xi32, #tpu.memory_space<hbm>>
      %dma_wait3A_176 = arith.constant 0 : i32
      %dma_wait3A_177 = tpu.memref_slice %arg8[%run_scoped3A_64, %dma_wait3A_176] : memref<2x80xi32, #tpu.memory_space<vmem>> -> memref<1x80xi32, #tpu.memory_space<vmem>>
      %dma_wait3A_178 = tpu.memref_squeeze %dma_wait3A_177 : memref<1x80xi32, #tpu.memory_space<vmem>> -> memref<80xi32, #tpu.memory_space<vmem>>
      %dma_wait3A_179 = tpu.memref_slice %arg5[%add3A_63] : memref<320000xi32, #tpu.memory_space<hbm>> -> memref<80xi32, #tpu.memory_space<hbm>>
      tpu.wait_dma2 semaphore(%run_scoped3A_163 : memref<!tpu.dma_semaphore, #tpu.memory_space<semaphore_mem>>) src(%dma_wait3A_179 : memref<80xi32, #tpu.memory_space<hbm>>) dst(%dma_wait3A_178 : memref<80xi32, #tpu.memory_space<vmem>>)
      tpu.yield
    }) : () -> ()
    %dma_start3A = arith.constant 0 : i32
    %dma_start3A_65 = arith.constant 0 : i32
    %dma_start3A_66 = tpu.memref_slice %arg8[%dma_start3A, %dma_start3A_65] : memref<2x80xi32, #tpu.memory_space<vmem>> -> memref<1x80xi32, #tpu.memory_space<vmem>>
    %dma_start3A_67 = tpu.memref_squeeze %dma_start3A_66 : memref<1x80xi32, #tpu.memory_space<vmem>> -> memref<80xi32, #tpu.memory_space<vmem>>
    %dma_start3A_68 = arith.constant 0 : i32
    %dma_start3A_69 = arith.constant 0 : i32
    %dma_start3A_70 = tpu.memref_slice %arg2[%dma_start3A_68, %dma_start3A_69] : memref<10240x128xf32, #tpu.memory_space<hbm>> -> memref<10240x128xf32, #tpu.memory_space<hbm>>
    tpu.enqueue_indirect_dma source(%dma_start3A_70 : memref<10240x128xf32, #tpu.memory_space<hbm>>) target(%arg10 : memref<80x128xf32, #tpu.memory_space<vmem>>) offsets(%dma_start3A_67 : memref<80xi32, #tpu.memory_space<vmem>>) semaphore(%arg18 : memref<!tpu.dma_semaphore, #tpu.memory_space<semaphore_mem>>)
    %dma_start3A_71 = arith.constant 0 : i32
    %dma_start3A_72 = tpu.memref_slice %arg3[%add3A_63, %dma_start3A_71] : memref<320000x128xf32, #tpu.memory_space<hbm>> -> memref<80x128xf32, #tpu.memory_space<hbm>>
    %dma_start3A_73 = arith.constant 0 : i32
    %dma_start3A_74 = tpu.memref_slice %arg3[%add3A_63, %dma_start3A_73] : memref<320000x128xf32, #tpu.memory_space<hbm>> -> memref<80x128xf32, #tpu.memory_space<hbm>>
    tpu.enqueue_dma source(%dma_start3A_74 : memref<80x128xf32, #tpu.memory_space<hbm>>) target(%arg12 : memref<80x128xf32, #tpu.memory_space<vmem>>) target_semaphore(%arg18 : memref<!tpu.dma_semaphore, #tpu.memory_space<semaphore_mem>>)
    %scan3A_75 = arith.constant 0 : i32
    %scan3A_76 = arith.constant 0 : i32
    %scan3A_77 = arith.constant 62 : i32
    %scan3A_78 = arith.addi %scan3A_76, %scan3A_77 : i32
    %scan3A_79 = arith.constant 1 : i32
    %scan3A_80 = scf.for %scan3A_163 = %scan3A_76 to %scan3A_78 step %scan3A_79 iter_args(%scan3A_164 = %scan3A_75) -> (i32)  : i32 {
      %mul3A_165 = arith.constant 2 : i32
      %mul3A_166 = arith.muli %mul3A_165, %scan3A_163 : i32
      %add3A_167 = arith.constant 1 : i32
      %add3A_168 = arith.addi %mul3A_166, %add3A_167 : i32
      %mul3A_169 = arith.constant 80 : i32
      %mul3A_170 = arith.muli %add3A_168, %mul3A_169 : i32
      %add3A_171 = arith.addi %mul3A_4, %mul3A_170 : i32
      %run_scoped3A_172 = arith.constant 0 : i32
      "tpu.region"() ({
        %run_scoped3A_252 = tpu.sem_alloc : memref<!tpu.dma_semaphore, #tpu.memory_space<semaphore_mem>>
        %dma_start3A_253 = arith.constant 0 : i32
        %dma_start3A_254 = tpu.memref_slice %arg9[%run_scoped3A_172, %dma_start3A_253] : memref<2x80xi32, #tpu.memory_space<vmem>> -> memref<1x80xi32, #tpu.memory_space<vmem>>
        %dma_start3A_255 = tpu.memref_squeeze %dma_start3A_254 : memref<1x80xi32, #tpu.memory_space<vmem>> -> memref<80xi32, #tpu.memory_space<vmem>>
        %dma_start3A_256 = tpu.memref_slice %arg4[%add3A_171] : memref<320000xi32, #tpu.memory_space<hbm>> -> memref<80xi32, #tpu.memory_space<hbm>>
        %dma_start3A_257 = arith.constant 0 : i32
        %dma_start3A_258 = tpu.memref_slice %arg9[%run_scoped3A_172, %dma_start3A_257] : memref<2x80xi32, #tpu.memory_space<vmem>> -> memref<1x80xi32, #tpu.memory_space<vmem>>
        %dma_start3A_259 = tpu.memref_squeeze %dma_start3A_258 : memref<1x80xi32, #tpu.memory_space<vmem>> -> memref<80xi32, #tpu.memory_space<vmem>>
        %dma_start3A_260 = tpu.memref_slice %arg4[%add3A_171] : memref<320000xi32, #tpu.memory_space<hbm>> -> memref<80xi32, #tpu.memory_space<hbm>>
        tpu.enqueue_dma source(%dma_start3A_260 : memref<80xi32, #tpu.memory_space<hbm>>) target(%dma_start3A_259 : memref<80xi32, #tpu.memory_space<vmem>>) target_semaphore(%run_scoped3A_252 : memref<!tpu.dma_semaphore, #tpu.memory_space<semaphore_mem>>)
        %dma_wait3A_261 = arith.constant 0 : i32
        %dma_wait3A_262 = tpu.memref_slice %arg9[%run_scoped3A_172, %dma_wait3A_261] : memref<2x80xi32, #tpu.memory_space<vmem>> -> memref<1x80xi32, #tpu.memory_space<vmem>>
        %dma_wait3A_263 = tpu.memref_squeeze %dma_wait3A_262 : memref<1x80xi32, #tpu.memory_space<vmem>> -> memref<80xi32, #tpu.memory_space<vmem>>
        %dma_wait3A_264 = tpu.memref_slice %arg4[%add3A_171] : memref<320000xi32, #tpu.memory_space<hbm>> -> memref<80xi32, #tpu.memory_space<hbm>>
        %dma_wait3A_265 = arith.constant 0 : i32
        %dma_wait3A_266 = tpu.memref_slice %arg9[%run_scoped3A_172, %dma_wait3A_265] : memref<2x80xi32, #tpu.memory_space<vmem>> -> memref<1x80xi32, #tpu.memory_space<vmem>>
        %dma_wait3A_267 = tpu.memref_squeeze %dma_wait3A_266 : memref<1x80xi32, #tpu.memory_space<vmem>> -> memref<80xi32, #tpu.memory_space<vmem>>
        %dma_wait3A_268 = tpu.memref_slice %arg4[%add3A_171] : memref<320000xi32, #tpu.memory_space<hbm>> -> memref<80xi32, #tpu.memory_space<hbm>>
        tpu.wait_dma2 semaphore(%run_scoped3A_252 : memref<!tpu.dma_semaphore, #tpu.memory_space<semaphore_mem>>) src(%dma_wait3A_268 : memref<80xi32, #tpu.memory_space<hbm>>) dst(%dma_wait3A_267 : memref<80xi32, #tpu.memory_space<vmem>>)
        tpu.yield
      }) : () -> ()
      %run_scoped3A_173 = arith.constant 1 : i32
      "tpu.region"() ({
        %run_scoped3A_252 = tpu.sem_alloc : memref<!tpu.dma_semaphore, #tpu.memory_space<semaphore_mem>>
        %dma_start3A_253 = arith.constant 0 : i32
        %dma_start3A_254 = tpu.memref_slice %arg9[%run_scoped3A_173, %dma_start3A_253] : memref<2x80xi32, #tpu.memory_space<vmem>> -> memref<1x80xi32, #tpu.memory_space<vmem>>
        %dma_start3A_255 = tpu.memref_squeeze %dma_start3A_254 : memref<1x80xi32, #tpu.memory_space<vmem>> -> memref<80xi32, #tpu.memory_space<vmem>>
        %dma_start3A_256 = tpu.memref_slice %arg5[%add3A_171] : memref<320000xi32, #tpu.memory_space<hbm>> -> memref<80xi32, #tpu.memory_space<hbm>>
        %dma_start3A_257 = arith.constant 0 : i32
        %dma_start3A_258 = tpu.memref_slice %arg9[%run_scoped3A_173, %dma_start3A_257] : memref<2x80xi32, #tpu.memory_space<vmem>> -> memref<1x80xi32, #tpu.memory_space<vmem>>
        %dma_start3A_259 = tpu.memref_squeeze %dma_start3A_258 : memref<1x80xi32, #tpu.memory_space<vmem>> -> memref<80xi32, #tpu.memory_space<vmem>>
        %dma_start3A_260 = tpu.memref_slice %arg5[%add3A_171] : memref<320000xi32, #tpu.memory_space<hbm>> -> memref<80xi32, #tpu.memory_space<hbm>>
        tpu.enqueue_dma source(%dma_start3A_260 : memref<80xi32, #tpu.memory_space<hbm>>) target(%dma_start3A_259 : memref<80xi32, #tpu.memory_space<vmem>>) target_semaphore(%run_scoped3A_252 : memref<!tpu.dma_semaphore, #tpu.memory_space<semaphore_mem>>)
        %dma_wait3A_261 = arith.constant 0 : i32
        %dma_wait3A_262 = tpu.memref_slice %arg9[%run_scoped3A_173, %dma_wait3A_261] : memref<2x80xi32, #tpu.memory_space<vmem>> -> memref<1x80xi32, #tpu.memory_space<vmem>>
        %dma_wait3A_263 = tpu.memref_squeeze %dma_wait3A_262 : memref<1x80xi32, #tpu.memory_space<vmem>> -> memref<80xi32, #tpu.memory_space<vmem>>
        %dma_wait3A_264 = tpu.memref_slice %arg5[%add3A_171] : memref<320000xi32, #tpu.memory_space<hbm>> -> memref<80xi32, #tpu.memory_space<hbm>>
        %dma_wait3A_265 = arith.constant 0 : i32
        %dma_wait3A_266 = tpu.memref_slice %arg9[%run_scoped3A_173, %dma_wait3A_265] : memref<2x80xi32, #tpu.memory_space<vmem>> -> memref<1x80xi32, #tpu.memory_space<vmem>>
        %dma_wait3A_267 = tpu.memref_squeeze %dma_wait3A_266 : memref<1x80xi32, #tpu.memory_space<vmem>> -> memref<80xi32, #tpu.memory_space<vmem>>
        %dma_wait3A_268 = tpu.memref_slice %arg5[%add3A_171] : memref<320000xi32, #tpu.memory_space<hbm>> -> memref<80xi32, #tpu.memory_space<hbm>>
        tpu.wait_dma2 semaphore(%run_scoped3A_252 : memref<!tpu.dma_semaphore, #tpu.memory_space<semaphore_mem>>) src(%dma_wait3A_268 : memref<80xi32, #tpu.memory_space<hbm>>) dst(%dma_wait3A_267 : memref<80xi32, #tpu.memory_space<vmem>>)
        tpu.yield
      }) : () -> ()
      %dma_start3A_174 = arith.constant 0 : i32
      %dma_start3A_175 = arith.constant 0 : i32
      %dma_start3A_176 = tpu.memref_slice %arg9[%dma_start3A_174, %dma_start3A_175] : memref<2x80xi32, #tpu.memory_space<vmem>> -> memref<1x80xi32, #tpu.memory_space<vmem>>
      %dma_start3A_177 = tpu.memref_squeeze %dma_start3A_176 : memref<1x80xi32, #tpu.memory_space<vmem>> -> memref<80xi32, #tpu.memory_space<vmem>>
      %dma_start3A_178 = arith.constant 0 : i32
      %dma_start3A_179 = arith.constant 0 : i32
      %dma_start3A_180 = tpu.memref_slice %arg2[%dma_start3A_178, %dma_start3A_179] : memref<10240x128xf32, #tpu.memory_space<hbm>> -> memref<10240x128xf32, #tpu.memory_space<hbm>>
      tpu.enqueue_indirect_dma source(%dma_start3A_180 : memref<10240x128xf32, #tpu.memory_space<hbm>>) target(%arg11 : memref<80x128xf32, #tpu.memory_space<vmem>>) offsets(%dma_start3A_177 : memref<80xi32, #tpu.memory_space<vmem>>) semaphore(%arg19 : memref<!tpu.dma_semaphore, #tpu.memory_space<semaphore_mem>>)
      %dma_start3A_181 = arith.constant 0 : i32
      %dma_start3A_182 = tpu.memref_slice %arg3[%add3A_171, %dma_start3A_181] : memref<320000x128xf32, #tpu.memory_space<hbm>> -> memref<80x128xf32, #tpu.memory_space<hbm>>
      %dma_start3A_183 = arith.constant 0 : i32
      %dma_start3A_184 = tpu.memref_slice %arg3[%add3A_171, %dma_start3A_183] : memref<320000x128xf32, #tpu.memory_space<hbm>> -> memref<80x128xf32, #tpu.memory_space<hbm>>
      tpu.enqueue_dma source(%dma_start3A_184 : memref<80x128xf32, #tpu.memory_space<hbm>>) target(%arg13 : memref<80x128xf32, #tpu.memory_space<vmem>>) target_semaphore(%arg19 : memref<!tpu.dma_semaphore, #tpu.memory_space<semaphore_mem>>)
      %mul3A_185 = arith.constant 80 : i32
      %mul3A_186 = arith.muli %mul3A_166, %mul3A_185 : i32
      %add3A_187 = arith.addi %mul3A_4, %mul3A_186 : i32
      %dma_wait3A_188 = arith.constant 0 : i32
      %dma_wait3A_189 = arith.constant 0 : i32
      %dma_wait3A_190 = tpu.memref_slice %arg8[%dma_wait3A_188, %dma_wait3A_189] : memref<2x80xi32, #tpu.memory_space<vmem>> -> memref<1x80xi32, #tpu.memory_space<vmem>>
      %dma_wait3A_191 = tpu.memref_squeeze %dma_wait3A_190 : memref<1x80xi32, #tpu.memory_space<vmem>> -> memref<80xi32, #tpu.memory_space<vmem>>
      %dma_wait3A_192 = arith.constant 0 : i32
      %dma_wait3A_193 = arith.constant 0 : i32
      %dma_wait3A_194 = tpu.memref_slice %arg2[%dma_wait3A_192, %dma_wait3A_193] : memref<10240x128xf32, #tpu.memory_space<hbm>> -> memref<10240x128xf32, #tpu.memory_space<hbm>>
      tpu.wait_indirect_dma semaphore(%arg18 : memref<!tpu.dma_semaphore, #tpu.memory_space<semaphore_mem>>) src(%dma_wait3A_194 : memref<10240x128xf32, #tpu.memory_space<hbm>>) dst(%arg10 : memref<80x128xf32, #tpu.memory_space<vmem>>)
      %dma_wait3A_195 = arith.constant 0 : i32
      %dma_wait3A_196 = tpu.memref_slice %arg3[%add3A_187, %dma_wait3A_195] : memref<320000x128xf32, #tpu.memory_space<hbm>> -> memref<80x128xf32, #tpu.memory_space<hbm>>
      %dma_wait3A_197 = arith.constant 0 : i32
      %dma_wait3A_198 = tpu.memref_slice %arg3[%add3A_187, %dma_wait3A_197] : memref<320000x128xf32, #tpu.memory_space<hbm>> -> memref<80x128xf32, #tpu.memory_space<hbm>>
      tpu.wait_dma2 semaphore(%arg18 : memref<!tpu.dma_semaphore, #tpu.memory_space<semaphore_mem>>) src(%dma_wait3A_198 : memref<80x128xf32, #tpu.memory_space<hbm>>) dst(%arg12 : memref<80x128xf32, #tpu.memory_space<vmem>>)
      %scan3A_199 = arith.constant 0 : i32
      %scan3A_200 = arith.constant 0 : i32
      %scan3A_201 = arith.constant 80 : i32
      %scan3A_202 = arith.addi %scan3A_200, %scan3A_201 : i32
      %scan3A_203 = arith.constant 1 : i32
      %scan3A_204 = scf.for %scan3A_252 = %scan3A_200 to %scan3A_202 step %scan3A_203 iter_args(%scan3A_253 = %scan3A_199) -> (i32)  : i32 {
        %get3A = arith.index_cast %scan3A_252 : i32 to index
        %get3A_254 = arith.constant 0 : index
        %get3A_255 = tpu.vector_load %arg10[%get3A, %get3A_254] {strides = array<i32>} : memref<80x128xf32, #tpu.memory_space<vmem>>, vector<1x16xf32>,
        %get3A_256 = vector.shape_cast %get3A_255 : vector<1x16xf32> to vector<16xf32>
        %get3A_257 = arith.index_cast %scan3A_252 : i32 to index
        %get3A_258 = arith.constant 0 : index
        %get3A_259 = tpu.vector_load %arg12[%get3A_257, %get3A_258] {strides = array<i32>} : memref<80x128xf32, #tpu.memory_space<vmem>>, vector<1x16xf32>,
        %get3A_260 = vector.shape_cast %get3A_259 : vector<1x16xf32> to vector<16xf32>
        %add3A_261 = arith.addf %get3A_256, %get3A_260 : vector<16xf32>
        %max3A = arith.constant 0.000000e+00 : f32
        %max3A_262 = vector.broadcast %max3A : f32 to vector<16xf32>
        %max3A_263 = arith.maximumf %add3A_261, %max3A_262 : vector<16xf32>
        %swap3A_264 = arith.index_cast %scan3A_252 : i32 to index
        %swap3A_265 = arith.constant 0 : index
        %swap3A_266 = tpu.vector_load %arg10[%swap3A_264, %swap3A_265] {strides = array<i32>} : memref<80x128xf32, #tpu.memory_space<vmem>>, vector<1x16xf32>,
        %swap3A_267 = vector.shape_cast %swap3A_266 : vector<1x16xf32> to vector<16xf32>
        %swap3A_268 = vector.shape_cast %max3A_263 : vector<16xf32> to vector<1x16xf32>
        tpu.vector_store %arg10[%swap3A_264, %swap3A_265], %swap3A_268 {strides = array<i32>} : memref<80x128xf32, #tpu.memory_space<vmem>>, vector<1x16xf32>,
        %get3A_269 = arith.index_cast %scan3A_252 : i32 to index
        %get3A_270 = arith.constant 16 : index
        %get3A_271 = tpu.vector_load %arg10[%get3A_269, %get3A_270] {strides = array<i32>} : memref<80x128xf32, #tpu.memory_space<vmem>>, vector<1x16xf32>,
        %get3A_272 = vector.shape_cast %get3A_271 : vector<1x16xf32> to vector<16xf32>
        %get3A_273 = arith.index_cast %scan3A_252 : i32 to index
        %get3A_274 = arith.constant 16 : index
        %get3A_275 = tpu.vector_load %arg12[%get3A_273, %get3A_274] {strides = array<i32>} : memref<80x128xf32, #tpu.memory_space<vmem>>, vector<1x16xf32>,
        %get3A_276 = vector.shape_cast %get3A_275 : vector<1x16xf32> to vector<16xf32>
        %add3A_277 = arith.addf %get3A_272, %get3A_276 : vector<16xf32>
        %max3A_278 = arith.constant 0.000000e+00 : f32
        %max3A_279 = vector.broadcast %max3A_278 : f32 to vector<16xf32>
        %max3A_280 = arith.maximumf %add3A_277, %max3A_279 : vector<16xf32>
        %swap3A_281 = arith.index_cast %scan3A_252 : i32 to index
        %swap3A_282 = arith.constant 16 : index
        %swap3A_283 = tpu.vector_load %arg10[%swap3A_281, %swap3A_282] {strides = array<i32>} : memref<80x128xf32, #tpu.memory_space<vmem>>, vector<1x16xf32>,
        %swap3A_284 = vector.shape_cast %swap3A_283 : vector<1x16xf32> to vector<16xf32>
        %swap3A_285 = vector.shape_cast %max3A_280 : vector<16xf32> to vector<1x16xf32>
        tpu.vector_store %arg10[%swap3A_281, %swap3A_282], %swap3A_285 {strides = array<i32>} : memref<80x128xf32, #tpu.memory_space<vmem>>, vector<1x16xf32>,
        %get3A_286 = arith.index_cast %scan3A_252 : i32 to index
        %get3A_287 = arith.constant 32 : index
        %get3A_288 = tpu.vector_load %arg10[%get3A_286, %get3A_287] {strides = array<i32>} : memref<80x128xf32, #tpu.memory_space<vmem>>, vector<1x16xf32>,
        %get3A_289 = vector.shape_cast %get3A_288 : vector<1x16xf32> to vector<16xf32>
        %get3A_290 = arith.index_cast %scan3A_252 : i32 to index
        %get3A_291 = arith.constant 32 : index
        %get3A_292 = tpu.vector_load %arg12[%get3A_290, %get3A_291] {strides = array<i32>} : memref<80x128xf32, #tpu.memory_space<vmem>>, vector<1x16xf32>,
        %get3A_293 = vector.shape_cast %get3A_292 : vector<1x16xf32> to vector<16xf32>
        %add3A_294 = arith.addf %get3A_289, %get3A_293 : vector<16xf32>
        %max3A_295 = arith.constant 0.000000e+00 : f32
        %max3A_296 = vector.broadcast %max3A_295 : f32 to vector<16xf32>
        %max3A_297 = arith.maximumf %add3A_294, %max3A_296 : vector<16xf32>
        %swap3A_298 = arith.index_cast %scan3A_252 : i32 to index
        %swap3A_299 = arith.constant 32 : index
        %swap3A_300 = tpu.vector_load %arg10[%swap3A_298, %swap3A_299] {strides = array<i32>} : memref<80x128xf32, #tpu.memory_space<vmem>>, vector<1x16xf32>,
        %swap3A_301 = vector.shape_cast %swap3A_300 : vector<1x16xf32> to vector<16xf32>
        %swap3A_302 = vector.shape_cast %max3A_297 : vector<16xf32> to vector<1x16xf32>
        tpu.vector_store %arg10[%swap3A_298, %swap3A_299], %swap3A_302 {strides = array<i32>} : memref<80x128xf32, #tpu.memory_space<vmem>>, vector<1x16xf32>,
        %get3A_303 = arith.index_cast %scan3A_252 : i32 to index
        %get3A_304 = arith.constant 48 : index
        %get3A_305 = tpu.vector_load %arg10[%get3A_303, %get3A_304] {strides = array<i32>} : memref<80x128xf32, #tpu.memory_space<vmem>>, vector<1x16xf32>,
        %get3A_306 = vector.shape_cast %get3A_305 : vector<1x16xf32> to vector<16xf32>
        %get3A_307 = arith.index_cast %scan3A_252 : i32 to index
        %get3A_308 = arith.constant 48 : index
        %get3A_309 = tpu.vector_load %arg12[%get3A_307, %get3A_308] {strides = array<i32>} : memref<80x128xf32, #tpu.memory_space<vmem>>, vector<1x16xf32>,
        %get3A_310 = vector.shape_cast %get3A_309 : vector<1x16xf32> to vector<16xf32>
        %add3A_311 = arith.addf %get3A_306, %get3A_310 : vector<16xf32>
        %max3A_312 = arith.constant 0.000000e+00 : f32
        %max3A_313 = vector.broadcast %max3A_312 : f32 to vector<16xf32>
        %max3A_314 = arith.maximumf %add3A_311, %max3A_313 : vector<16xf32>
        %swap3A_315 = arith.index_cast %scan3A_252 : i32 to index
        %swap3A_316 = arith.constant 48 : index
        %swap3A_317 = tpu.vector_load %arg10[%swap3A_315, %swap3A_316] {strides = array<i32>} : memref<80x128xf32, #tpu.memory_space<vmem>>, vector<1x16xf32>,
        %swap3A_318 = vector.shape_cast %swap3A_317 : vector<1x16xf32> to vector<16xf32>
        %swap3A_319 = vector.shape_cast %max3A_314 : vector<16xf32> to vector<1x16xf32>
        tpu.vector_store %arg10[%swap3A_315, %swap3A_316], %swap3A_319 {strides = array<i32>} : memref<80x128xf32, #tpu.memory_space<vmem>>, vector<1x16xf32>,
        %get3A_320 = arith.index_cast %scan3A_252 : i32 to index
        %get3A_321 = arith.constant 64 : index
        %get3A_322 = tpu.vector_load %arg10[%get3A_320, %get3A_321] {strides = array<i32>} : memref<80x128xf32, #tpu.memory_space<vmem>>, vector<1x16xf32>,
        %get3A_323 = vector.shape_cast %get3A_322 : vector<1x16xf32> to vector<16xf32>
        %get3A_324 = arith.index_cast %scan3A_252 : i32 to index
        %get3A_325 = arith.constant 64 : index
        %get3A_326 = tpu.vector_load %arg12[%get3A_324, %get3A_325] {strides = array<i32>} : memref<80x128xf32, #tpu.memory_space<vmem>>, vector<1x16xf32>,
        %get3A_327 = vector.shape_cast %get3A_326 : vector<1x16xf32> to vector<16xf32>
        %add3A_328 = arith.addf %get3A_323, %get3A_327 : vector<16xf32>
        %max3A_329 = arith.constant 0.000000e+00 : f32
        %max3A_330 = vector.broadcast %max3A_329 : f32 to vector<16xf32>
        %max3A_331 = arith.maximumf %add3A_328, %max3A_330 : vector<16xf32>
        %swap3A_332 = arith.index_cast %scan3A_252 : i32 to index
        %swap3A_333 = arith.constant 64 : index
        %swap3A_334 = tpu.vector_load %arg10[%swap3A_332, %swap3A_333] {strides = array<i32>} : memref<80x128xf32, #tpu.memory_space<vmem>>, vector<1x16xf32>,
        %swap3A_335 = vector.shape_cast %swap3A_334 : vector<1x16xf32> to vector<16xf32>
        %swap3A_336 = vector.shape_cast %max3A_331 : vector<16xf32> to vector<1x16xf32>
        tpu.vector_store %arg10[%swap3A_332, %swap3A_333], %swap3A_336 {strides = array<i32>} : memref<80x128xf32, #tpu.memory_space<vmem>>, vector<1x16xf32>,
        %get3A_337 = arith.index_cast %scan3A_252 : i32 to index
        %get3A_338 = arith.constant 80 : index
        %get3A_339 = tpu.vector_load %arg10[%get3A_337, %get3A_338] {strides = array<i32>} : memref<80x128xf32, #tpu.memory_space<vmem>>, vector<1x16xf32>,
        %get3A_340 = vector.shape_cast %get3A_339 : vector<1x16xf32> to vector<16xf32>
        %get3A_341 = arith.index_cast %scan3A_252 : i32 to index
        %get3A_342 = arith.constant 80 : index
        %get3A_343 = tpu.vector_load %arg12[%get3A_341, %get3A_342] {strides = array<i32>} : memref<80x128xf32, #tpu.memory_space<vmem>>, vector<1x16xf32>,
        %get3A_344 = vector.shape_cast %get3A_343 : vector<1x16xf32> to vector<16xf32>
        %add3A_345 = arith.addf %get3A_340, %get3A_344 : vector<16xf32>
        %max3A_346 = arith.constant 0.000000e+00 : f32
        %max3A_347 = vector.broadcast %max3A_346 : f32 to vector<16xf32>
        %max3A_348 = arith.maximumf %add3A_345, %max3A_347 : vector<16xf32>
        %swap3A_349 = arith.index_cast %scan3A_252 : i32 to index
        %swap3A_350 = arith.constant 80 : index
        %swap3A_351 = tpu.vector_load %arg10[%swap3A_349, %swap3A_350] {strides = array<i32>} : memref<80x128xf32, #tpu.memory_space<vmem>>, vector<1x16xf32>,
        %swap3A_352 = vector.shape_cast %swap3A_351 : vector<1x16xf32> to vector<16xf32>
        %swap3A_353 = vector.shape_cast %max3A_348 : vector<16xf32> to vector<1x16xf32>
        tpu.vector_store %arg10[%swap3A_349, %swap3A_350], %swap3A_353 {strides = array<i32>} : memref<80x128xf32, #tpu.memory_space<vmem>>, vector<1x16xf32>,
        %get3A_354 = arith.index_cast %scan3A_252 : i32 to index
        %get3A_355 = arith.constant 96 : index
        %get3A_356 = tpu.vector_load %arg10[%get3A_354, %get3A_355] {strides = array<i32>} : memref<80x128xf32, #tpu.memory_space<vmem>>, vector<1x16xf32>,
        %get3A_357 = vector.shape_cast %get3A_356 : vector<1x16xf32> to vector<16xf32>
        %get3A_358 = arith.index_cast %scan3A_252 : i32 to index
        %get3A_359 = arith.constant 96 : index
        %get3A_360 = tpu.vector_load %arg12[%get3A_358, %get3A_359] {strides = array<i32>} : memref<80x128xf32, #tpu.memory_space<vmem>>, vector<1x16xf32>,
        %get3A_361 = vector.shape_cast %get3A_360 : vector<1x16xf32> to vector<16xf32>
        %add3A_362 = arith.addf %get3A_357, %get3A_361 : vector<16xf32>
        %max3A_363 = arith.constant 0.000000e+00 : f32
        %max3A_364 = vector.broadcast %max3A_363 : f32 to vector<16xf32>
        %max3A_365 = arith.maximumf %add3A_362, %max3A_364 : vector<16xf32>
        %swap3A_366 = arith.index_cast %scan3A_252 : i32 to index
        %swap3A_367 = arith.constant 96 : index
        %swap3A_368 = tpu.vector_load %arg10[%swap3A_366, %swap3A_367] {strides = array<i32>} : memref<80x128xf32, #tpu.memory_space<vmem>>, vector<1x16xf32>,
        %swap3A_369 = vector.shape_cast %swap3A_368 : vector<1x16xf32> to vector<16xf32>
        %swap3A_370 = vector.shape_cast %max3A_365 : vector<16xf32> to vector<1x16xf32>
        tpu.vector_store %arg10[%swap3A_366, %swap3A_367], %swap3A_370 {strides = array<i32>} : memref<80x128xf32, #tpu.memory_space<vmem>>, vector<1x16xf32>,
        %get3A_371 = arith.index_cast %scan3A_252 : i32 to index
        %get3A_372 = arith.constant 112 : index
        %get3A_373 = tpu.vector_load %arg10[%get3A_371, %get3A_372] {strides = array<i32>} : memref<80x128xf32, #tpu.memory_space<vmem>>, vector<1x16xf32>,
        %get3A_374 = vector.shape_cast %get3A_373 : vector<1x16xf32> to vector<16xf32>
        %get3A_375 = arith.index_cast %scan3A_252 : i32 to index
        %get3A_376 = arith.constant 112 : index
        %get3A_377 = tpu.vector_load %arg12[%get3A_375, %get3A_376] {strides = array<i32>} : memref<80x128xf32, #tpu.memory_space<vmem>>, vector<1x16xf32>,
        %get3A_378 = vector.shape_cast %get3A_377 : vector<1x16xf32> to vector<16xf32>
        %add3A_379 = arith.addf %get3A_374, %get3A_378 : vector<16xf32>
        %max3A_380 = arith.constant 0.000000e+00 : f32
        %max3A_381 = vector.broadcast %max3A_380 : f32 to vector<16xf32>
        %max3A_382 = arith.maximumf %add3A_379, %max3A_381 : vector<16xf32>
        %swap3A_383 = arith.index_cast %scan3A_252 : i32 to index
        %swap3A_384 = arith.constant 112 : index
        %swap3A_385 = tpu.vector_load %arg10[%swap3A_383, %swap3A_384] {strides = array<i32>} : memref<80x128xf32, #tpu.memory_space<vmem>>, vector<1x16xf32>,
        %swap3A_386 = vector.shape_cast %swap3A_385 : vector<1x16xf32> to vector<16xf32>
        %swap3A_387 = vector.shape_cast %max3A_382 : vector<16xf32> to vector<1x16xf32>
        tpu.vector_store %arg10[%swap3A_383, %swap3A_384], %swap3A_387 {strides = array<i32>} : memref<80x128xf32, #tpu.memory_space<vmem>>, vector<1x16xf32>,
        %scan3A_388 = arith.constant 0 : i32
        scf.yield %scan3A_388 : i32
      }
      %scan3A_205 = arith.constant 80 : i32
      %run_scoped3A_206 = arith.constant 1 : i32
      "tpu.region"() ({
        %run_scoped3A_252 = tpu.sem_alloc : memref<!tpu.dma_semaphore, #tpu.memory_space<semaphore_mem>>
        %dma_start3A_253 = arith.constant 0 : i32
        %dma_start3A_254 = tpu.memref_slice %arg8[%run_scoped3A_206, %dma_start3A_253] : memref<2x80xi32, #tpu.memory_space<vmem>> -> memref<1x80xi32, #tpu.memory_space<vmem>>
        %dma_start3A_255 = tpu.memref_squeeze %dma_start3A_254 : memref<1x80xi32, #tpu.memory_space<vmem>> -> memref<80xi32, #tpu.memory_space<vmem>>
        %dma_start3A_256 = arith.constant 0 : i32
        %dma_start3A_257 = arith.constant 0 : i32
        %dma_start3A_258 = tpu.memref_slice %arg16[%dma_start3A_256, %dma_start3A_257] : memref<10240x128xf32, #tpu.memory_space<vmem_shared>> -> memref<10240x128xf32, #tpu.memory_space<vmem_shared>>
        tpu.enqueue_indirect_dma source(%arg10 : memref<80x128xf32, #tpu.memory_space<vmem>>) target(%dma_start3A_258 : memref<10240x128xf32, #tpu.memory_space<vmem_shared>>) offsets(%dma_start3A_255 : memref<80xi32, #tpu.memory_space<vmem>>) semaphore(%run_scoped3A_252 : memref<!tpu.dma_semaphore, #tpu.memory_space<semaphore_mem>>) {add = true}
        %dma_wait3A_259 = arith.constant 0 : i32
        %dma_wait3A_260 = tpu.memref_slice %arg8[%run_scoped3A_206, %dma_wait3A_259] : memref<2x80xi32, #tpu.memory_space<vmem>> -> memref<1x80xi32, #tpu.memory_space<vmem>>
        %dma_wait3A_261 = tpu.memref_squeeze %dma_wait3A_260 : memref<1x80xi32, #tpu.memory_space<vmem>> -> memref<80xi32, #tpu.memory_space<vmem>>
        %dma_wait3A_262 = arith.constant 0 : i32
        %dma_wait3A_263 = arith.constant 0 : i32
        %dma_wait3A_264 = tpu.memref_slice %arg16[%dma_wait3A_262, %dma_wait3A_263] : memref<10240x128xf32, #tpu.memory_space<vmem_shared>> -> memref<10240x128xf32, #tpu.memory_space<vmem_shared>>
        tpu.wait_indirect_dma semaphore(%run_scoped3A_252 : memref<!tpu.dma_semaphore, #tpu.memory_space<semaphore_mem>>) src(%arg10 : memref<80x128xf32, #tpu.memory_space<vmem>>) dst(%dma_wait3A_264 : memref<10240x128xf32, #tpu.memory_space<vmem_shared>>)
        tpu.yield
      }) : () -> ()
      %run_scoped3A_207 = arith.constant 1 : i32
      "tpu.region"() ({
        %run_scoped3A_252 = tpu.sem_alloc : memref<!tpu.dma_semaphore, #tpu.memory_space<semaphore_mem>>
        %dma_start3A_253 = arith.constant 0 : i32
        %dma_start3A_254 = tpu.memref_slice %arg8[%run_scoped3A_207, %dma_start3A_253] : memref<2x80xi32, #tpu.memory_space<vmem>> -> memref<1x80xi32, #tpu.memory_space<vmem>>
        %dma_start3A_255 = tpu.memref_squeeze %dma_start3A_254 : memref<1x80xi32, #tpu.memory_space<vmem>> -> memref<80xi32, #tpu.memory_space<vmem>>
        %dma_start3A_256 = arith.constant 0 : i32
        %dma_start3A_257 = tpu.memref_slice %arg17[%dma_start3A_256] : memref<10240xf32, #tpu.memory_space<vmem_shared>> -> memref<10240xf32, #tpu.memory_space<vmem_shared>>
        tpu.enqueue_indirect_dma source(%arg14 : memref<80xf32, #tpu.memory_space<vmem>>) target(%dma_start3A_257 : memref<10240xf32, #tpu.memory_space<vmem_shared>>) offsets(%dma_start3A_255 : memref<80xi32, #tpu.memory_space<vmem>>) semaphore(%run_scoped3A_252 : memref<!tpu.dma_semaphore, #tpu.memory_space<semaphore_mem>>) {add = true}
        %dma_wait3A_258 = arith.constant 0 : i32
        %dma_wait3A_259 = tpu.memref_slice %arg8[%run_scoped3A_207, %dma_wait3A_258] : memref<2x80xi32, #tpu.memory_space<vmem>> -> memref<1x80xi32, #tpu.memory_space<vmem>>
        %dma_wait3A_260 = tpu.memref_squeeze %dma_wait3A_259 : memref<1x80xi32, #tpu.memory_space<vmem>> -> memref<80xi32, #tpu.memory_space<vmem>>
        %dma_wait3A_261 = arith.constant 0 : i32
        %dma_wait3A_262 = tpu.memref_slice %arg17[%dma_wait3A_261] : memref<10240xf32, #tpu.memory_space<vmem_shared>> -> memref<10240xf32, #tpu.memory_space<vmem_shared>>
        tpu.wait_indirect_dma semaphore(%run_scoped3A_252 : memref<!tpu.dma_semaphore, #tpu.memory_space<semaphore_mem>>) src(%arg14 : memref<80xf32, #tpu.memory_space<vmem>>) dst(%dma_wait3A_262 : memref<10240xf32, #tpu.memory_space<vmem_shared>>)
        tpu.yield
      }) : () -> ()
      %add3A_208 = arith.constant 2 : i32
      %add3A_209 = arith.addi %mul3A_166, %add3A_208 : i32
      %mul3A_210 = arith.constant 80 : i32
      %mul3A_211 = arith.muli %add3A_209, %mul3A_210 : i32
      %add3A_212 = arith.addi %mul3A_4, %mul3A_211 : i32
      %run_scoped3A_213 = arith.constant 0 : i32
      "tpu.region"() ({
        %run_scoped3A_252 = tpu.sem_alloc : memref<!tpu.dma_semaphore, #tpu.memory_space<semaphore_mem>>
        %dma_start3A_253 = arith.constant 0 : i32
        %dma_start3A_254 = tpu.memref_slice %arg8[%run_scoped3A_213, %dma_start3A_253] : memref<2x80xi32, #tpu.memory_space<vmem>> -> memref<1x80xi32, #tpu.memory_space<vmem>>
        %dma_start3A_255 = tpu.memref_squeeze %dma_start3A_254 : memref<1x80xi32, #tpu.memory_space<vmem>> -> memref<80xi32, #tpu.memory_space<vmem>>
        %dma_start3A_256 = tpu.memref_slice %arg4[%add3A_212] : memref<320000xi32, #tpu.memory_space<hbm>> -> memref<80xi32, #tpu.memory_space<hbm>>
        %dma_start3A_257 = arith.constant 0 : i32
        %dma_start3A_258 = tpu.memref_slice %arg8[%run_scoped3A_213, %dma_start3A_257] : memref<2x80xi32, #tpu.memory_space<vmem>> -> memref<1x80xi32, #tpu.memory_space<vmem>>
        %dma_start3A_259 = tpu.memref_squeeze %dma_start3A_258 : memref<1x80xi32, #tpu.memory_space<vmem>> -> memref<80xi32, #tpu.memory_space<vmem>>
        %dma_start3A_260 = tpu.memref_slice %arg4[%add3A_212] : memref<320000xi32, #tpu.memory_space<hbm>> -> memref<80xi32, #tpu.memory_space<hbm>>
        tpu.enqueue_dma source(%dma_start3A_260 : memref<80xi32, #tpu.memory_space<hbm>>) target(%dma_start3A_259 : memref<80xi32, #tpu.memory_space<vmem>>) target_semaphore(%run_scoped3A_252 : memref<!tpu.dma_semaphore, #tpu.memory_space<semaphore_mem>>)
        %dma_wait3A_261 = arith.constant 0 : i32
        %dma_wait3A_262 = tpu.memref_slice %arg8[%run_scoped3A_213, %dma_wait3A_261] : memref<2x80xi32, #tpu.memory_space<vmem>> -> memref<1x80xi32, #tpu.memory_space<vmem>>
        %dma_wait3A_263 = tpu.memref_squeeze %dma_wait3A_262 : memref<1x80xi32, #tpu.memory_space<vmem>> -> memref<80xi32, #tpu.memory_space<vmem>>
        %dma_wait3A_264 = tpu.memref_slice %arg4[%add3A_212] : memref<320000xi32, #tpu.memory_space<hbm>> -> memref<80xi32, #tpu.memory_space<hbm>>
        %dma_wait3A_265 = arith.constant 0 : i32
        %dma_wait3A_266 = tpu.memref_slice %arg8[%run_scoped3A_213, %dma_wait3A_265] : memref<2x80xi32, #tpu.memory_space<vmem>> -> memref<1x80xi32, #tpu.memory_space<vmem>>
        %dma_wait3A_267 = tpu.memref_squeeze %dma_wait3A_266 : memref<1x80xi32, #tpu.memory_space<vmem>> -> memref<80xi32, #tpu.memory_space<vmem>>
        %dma_wait3A_268 = tpu.memref_slice %arg4[%add3A_212] : memref<320000xi32, #tpu.memory_space<hbm>> -> memref<80xi32, #tpu.memory_space<hbm>>
        tpu.wait_dma2 semaphore(%run_scoped3A_252 : memref<!tpu.dma_semaphore, #tpu.memory_space<semaphore_mem>>) src(%dma_wait3A_268 : memref<80xi32, #tpu.memory_space<hbm>>) dst(%dma_wait3A_267 : memref<80xi32, #tpu.memory_space<vmem>>)
        tpu.yield
      }) : () -> ()
      %run_scoped3A_214 = arith.constant 1 : i32
      "tpu.region"() ({
        %run_scoped3A_252 = tpu.sem_alloc : memref<!tpu.dma_semaphore, #tpu.memory_space<semaphore_mem>>
        %dma_start3A_253 = arith.constant 0 : i32
        %dma_start3A_254 = tpu.memref_slice %arg8[%run_scoped3A_214, %dma_start3A_253] : memref<2x80xi32, #tpu.memory_space<vmem>> -> memref<1x80xi32, #tpu.memory_space<vmem>>
        %dma_start3A_255 = tpu.memref_squeeze %dma_start3A_254 : memref<1x80xi32, #tpu.memory_space<vmem>> -> memref<80xi32, #tpu.memory_space<vmem>>
        %dma_start3A_256 = tpu.memref_slice %arg5[%add3A_212] : memref<320000xi32, #tpu.memory_space<hbm>> -> memref<80xi32, #tpu.memory_space<hbm>>
        %dma_start3A_257 = arith.constant 0 : i32
        %dma_start3A_258 = tpu.memref_slice %arg8[%run_scoped3A_214, %dma_start3A_257] : memref<2x80xi32, #tpu.memory_space<vmem>> -> memref<1x80xi32, #tpu.memory_space<vmem>>
        %dma_start3A_259 = tpu.memref_squeeze %dma_start3A_258 : memref<1x80xi32, #tpu.memory_space<vmem>> -> memref<80xi32, #tpu.memory_space<vmem>>
        %dma_start3A_260 = tpu.memref_slice %arg5[%add3A_212] : memref<320000xi32, #tpu.memory_space<hbm>> -> memref<80xi32, #tpu.memory_space<hbm>>
        tpu.enqueue_dma source(%dma_start3A_260 : memref<80xi32, #tpu.memory_space<hbm>>) target(%dma_start3A_259 : memref<80xi32, #tpu.memory_space<vmem>>) target_semaphore(%run_scoped3A_252 : memref<!tpu.dma_semaphore, #tpu.memory_space<semaphore_mem>>)
        %dma_wait3A_261 = arith.constant 0 : i32
        %dma_wait3A_262 = tpu.memref_slice %arg8[%run_scoped3A_214, %dma_wait3A_261] : memref<2x80xi32, #tpu.memory_space<vmem>> -> memref<1x80xi32, #tpu.memory_space<vmem>>
        %dma_wait3A_263 = tpu.memref_squeeze %dma_wait3A_262 : memref<1x80xi32, #tpu.memory_space<vmem>> -> memref<80xi32, #tpu.memory_space<vmem>>
        %dma_wait3A_264 = tpu.memref_slice %arg5[%add3A_212] : memref<320000xi32, #tpu.memory_space<hbm>> -> memref<80xi32, #tpu.memory_space<hbm>>
        %dma_wait3A_265 = arith.constant 0 : i32
        %dma_wait3A_266 = tpu.memref_slice %arg8[%run_scoped3A_214, %dma_wait3A_265] : memref<2x80xi32, #tpu.memory_space<vmem>> -> memref<1x80xi32, #tpu.memory_space<vmem>>
        %dma_wait3A_267 = tpu.memref_squeeze %dma_wait3A_266 : memref<1x80xi32, #tpu.memory_space<vmem>> -> memref<80xi32, #tpu.memory_space<vmem>>
        %dma_wait3A_268 = tpu.memref_slice %arg5[%add3A_212] : memref<320000xi32, #tpu.memory_space<hbm>> -> memref<80xi32, #tpu.memory_space<hbm>>
        tpu.wait_dma2 semaphore(%run_scoped3A_252 : memref<!tpu.dma_semaphore, #tpu.memory_space<semaphore_mem>>) src(%dma_wait3A_268 : memref<80xi32, #tpu.memory_space<hbm>>) dst(%dma_wait3A_267 : memref<80xi32, #tpu.memory_space<vmem>>)
        tpu.yield
      }) : () -> ()
      %dma_start3A_215 = arith.constant 0 : i32
      %dma_start3A_216 = arith.constant 0 : i32
      %dma_start3A_217 = tpu.memref_slice %arg8[%dma_start3A_215, %dma_start3A_216] : memref<2x80xi32, #tpu.memory_space<vmem>> -> memref<1x80xi32, #tpu.memory_space<vmem>>
      %dma_start3A_218 = tpu.memref_squeeze %dma_start3A_217 : memref<1x80xi32, #tpu.memory_space<vmem>> -> memref<80xi32, #tpu.memory_space<vmem>>
      %dma_start3A_219 = arith.constant 0 : i32
      %dma_start3A_220 = arith.constant 0 : i32
      %dma_start3A_221 = tpu.memref_slice %arg2[%dma_start3A_219, %dma_start3A_220] : memref<10240x128xf32, #tpu.memory_space<hbm>> -> memref<10240x128xf32, #tpu.memory_space<hbm>>
      tpu.enqueue_indirect_dma source(%dma_start3A_221 : memref<10240x128xf32, #tpu.memory_space<hbm>>) target(%arg10 : memref<80x128xf32, #tpu.memory_space<vmem>>) offsets(%dma_start3A_218 : memref<80xi32, #tpu.memory_space<vmem>>) semaphore(%arg18 : memref<!tpu.dma_semaphore, #tpu.memory_space<semaphore_mem>>)
      %dma_start3A_222 = arith.constant 0 : i32
      %dma_start3A_223 = tpu.memref_slice %arg3[%add3A_212, %dma_start3A_222] : memref<320000x128xf32, #tpu.memory_space<hbm>> -> memref<80x128xf32, #tpu.memory_space<hbm>>
      %dma_start3A_224 = arith.constant 0 : i32
      %dma_start3A_225 = tpu.memref_slice %arg3[%add3A_212, %dma_start3A_224] : memref<320000x128xf32, #tpu.memory_space<hbm>> -> memref<80x128xf32, #tpu.memory_space<hbm>>
      tpu.enqueue_dma source(%dma_start3A_225 : memref<80x128xf32, #tpu.memory_space<hbm>>) target(%arg12 : memref<80x128xf32, #tpu.memory_space<vmem>>) target_semaphore(%arg18 : memref<!tpu.dma_semaphore, #tpu.memory_space<semaphore_mem>>)
      %add3A_226 = arith.constant 1 : i32
      %add3A_227 = arith.addi %mul3A_166, %add3A_226 : i32
      %mul3A_228 = arith.constant 80 : i32
      %mul3A_229 = arith.muli %add3A_227, %mul3A_228 : i32
      %add3A_230 = arith.addi %mul3A_4, %mul3A_229 : i32
      %dma_wait3A_231 = arith.constant 0 : i32
      %dma_wait3A_232 = arith.constant 0 : i32
      %dma_wait3A_233 = tpu.memref_slice %arg9[%dma_wait3A_231, %dma_wait3A_232] : memref<2x80xi32, #tpu.memory_space<vmem>> -> memref<1x80xi32, #tpu.memory_space<vmem>>
      %dma_wait3A_234 = tpu.memref_squeeze %dma_wait3A_233 : memref<1x80xi32, #tpu.memory_space<vmem>> -> memref<80xi32, #tpu.memory_space<vmem>>
      %dma_wait3A_235 = arith.constant 0 : i32
      %dma_wait3A_236 = arith.constant 0 : i32
      %dma_wait3A_237 = tpu.memref_slice %arg2[%dma_wait3A_235, %dma_wait3A_236] : memref<10240x128xf32, #tpu.memory_space<hbm>> -> memref<10240x128xf32, #tpu.memory_space<hbm>>
      tpu.wait_indirect_dma semaphore(%arg19 : memref<!tpu.dma_semaphore, #tpu.memory_space<semaphore_mem>>) src(%dma_wait3A_237 : memref<10240x128xf32, #tpu.memory_space<hbm>>) dst(%arg11 : memref<80x128xf32, #tpu.memory_space<vmem>>)
      %dma_wait3A_238 = arith.constant 0 : i32
      %dma_wait3A_239 = tpu.memref_slice %arg3[%add3A_230, %dma_wait3A_238] : memref<320000x128xf32, #tpu.memory_space<hbm>> -> memref<80x128xf32, #tpu.memory_space<hbm>>
      %dma_wait3A_240 = arith.constant 0 : i32
      %dma_wait3A_241 = tpu.memref_slice %arg3[%add3A_230, %dma_wait3A_240] : memref<320000x128xf32, #tpu.memory_space<hbm>> -> memref<80x128xf32, #tpu.memory_space<hbm>>
      tpu.wait_dma2 semaphore(%arg19 : memref<!tpu.dma_semaphore, #tpu.memory_space<semaphore_mem>>) src(%dma_wait3A_241 : memref<80x128xf32, #tpu.memory_space<hbm>>) dst(%arg13 : memref<80x128xf32, #tpu.memory_space<vmem>>)
      %scan3A_242 = arith.constant 0 : i32
      %scan3A_243 = arith.constant 0 : i32
      %scan3A_244 = arith.constant 80 : i32
      %scan3A_245 = arith.addi %scan3A_243, %scan3A_244 : i32
      %scan3A_246 = arith.constant 1 : i32
      %scan3A_247 = scf.for %scan3A_252 = %scan3A_243 to %scan3A_245 step %scan3A_246 iter_args(%scan3A_253 = %scan3A_242) -> (i32)  : i32 {
        %get3A = arith.index_cast %scan3A_252 : i32 to index
        %get3A_254 = arith.constant 0 : index
        %get3A_255 = tpu.vector_load %arg11[%get3A, %get3A_254] {strides = array<i32>} : memref<80x128xf32, #tpu.memory_space<vmem>>, vector<1x16xf32>,
        %get3A_256 = vector.shape_cast %get3A_255 : vector<1x16xf32> to vector<16xf32>
        %get3A_257 = arith.index_cast %scan3A_252 : i32 to index
        %get3A_258 = arith.constant 0 : index
        %get3A_259 = tpu.vector_load %arg13[%get3A_257, %get3A_258] {strides = array<i32>} : memref<80x128xf32, #tpu.memory_space<vmem>>, vector<1x16xf32>,
        %get3A_260 = vector.shape_cast %get3A_259 : vector<1x16xf32> to vector<16xf32>
        %add3A_261 = arith.addf %get3A_256, %get3A_260 : vector<16xf32>
        %max3A = arith.constant 0.000000e+00 : f32
        %max3A_262 = vector.broadcast %max3A : f32 to vector<16xf32>
        %max3A_263 = arith.maximumf %add3A_261, %max3A_262 : vector<16xf32>
        %swap3A_264 = arith.index_cast %scan3A_252 : i32 to index
        %swap3A_265 = arith.constant 0 : index
        %swap3A_266 = tpu.vector_load %arg11[%swap3A_264, %swap3A_265] {strides = array<i32>} : memref<80x128xf32, #tpu.memory_space<vmem>>, vector<1x16xf32>,
        %swap3A_267 = vector.shape_cast %swap3A_266 : vector<1x16xf32> to vector<16xf32>
        %swap3A_268 = vector.shape_cast %max3A_263 : vector<16xf32> to vector<1x16xf32>
        tpu.vector_store %arg11[%swap3A_264, %swap3A_265], %swap3A_268 {strides = array<i32>} : memref<80x128xf32, #tpu.memory_space<vmem>>, vector<1x16xf32>,
        %get3A_269 = arith.index_cast %scan3A_252 : i32 to index
        %get3A_270 = arith.constant 16 : index
        %get3A_271 = tpu.vector_load %arg11[%get3A_269, %get3A_270] {strides = array<i32>} : memref<80x128xf32, #tpu.memory_space<vmem>>, vector<1x16xf32>,
        %get3A_272 = vector.shape_cast %get3A_271 : vector<1x16xf32> to vector<16xf32>
        %get3A_273 = arith.index_cast %scan3A_252 : i32 to index
        %get3A_274 = arith.constant 16 : index
        %get3A_275 = tpu.vector_load %arg13[%get3A_273, %get3A_274] {strides = array<i32>} : memref<80x128xf32, #tpu.memory_space<vmem>>, vector<1x16xf32>,
        %get3A_276 = vector.shape_cast %get3A_275 : vector<1x16xf32> to vector<16xf32>
        %add3A_277 = arith.addf %get3A_272, %get3A_276 : vector<16xf32>
        %max3A_278 = arith.constant 0.000000e+00 : f32
        %max3A_279 = vector.broadcast %max3A_278 : f32 to vector<16xf32>
        %max3A_280 = arith.maximumf %add3A_277, %max3A_279 : vector<16xf32>
        %swap3A_281 = arith.index_cast %scan3A_252 : i32 to index
        %swap3A_282 = arith.constant 16 : index
        %swap3A_283 = tpu.vector_load %arg11[%swap3A_281, %swap3A_282] {strides = array<i32>} : memref<80x128xf32, #tpu.memory_space<vmem>>, vector<1x16xf32>,
        %swap3A_284 = vector.shape_cast %swap3A_283 : vector<1x16xf32> to vector<16xf32>
        %swap3A_285 = vector.shape_cast %max3A_280 : vector<16xf32> to vector<1x16xf32>
        tpu.vector_store %arg11[%swap3A_281, %swap3A_282], %swap3A_285 {strides = array<i32>} : memref<80x128xf32, #tpu.memory_space<vmem>>, vector<1x16xf32>,
        %get3A_286 = arith.index_cast %scan3A_252 : i32 to index
        %get3A_287 = arith.constant 32 : index
        %get3A_288 = tpu.vector_load %arg11[%get3A_286, %get3A_287] {strides = array<i32>} : memref<80x128xf32, #tpu.memory_space<vmem>>, vector<1x16xf32>,
        %get3A_289 = vector.shape_cast %get3A_288 : vector<1x16xf32> to vector<16xf32>
        %get3A_290 = arith.index_cast %scan3A_252 : i32 to index
        %get3A_291 = arith.constant 32 : index
        %get3A_292 = tpu.vector_load %arg13[%get3A_290, %get3A_291] {strides = array<i32>} : memref<80x128xf32, #tpu.memory_space<vmem>>, vector<1x16xf32>,
        %get3A_293 = vector.shape_cast %get3A_292 : vector<1x16xf32> to vector<16xf32>
        %add3A_294 = arith.addf %get3A_289, %get3A_293 : vector<16xf32>
        %max3A_295 = arith.constant 0.000000e+00 : f32
        %max3A_296 = vector.broadcast %max3A_295 : f32 to vector<16xf32>
        %max3A_297 = arith.maximumf %add3A_294, %max3A_296 : vector<16xf32>
        %swap3A_298 = arith.index_cast %scan3A_252 : i32 to index
        %swap3A_299 = arith.constant 32 : index
        %swap3A_300 = tpu.vector_load %arg11[%swap3A_298, %swap3A_299] {strides = array<i32>} : memref<80x128xf32, #tpu.memory_space<vmem>>, vector<1x16xf32>,
        %swap3A_301 = vector.shape_cast %swap3A_300 : vector<1x16xf32> to vector<16xf32>
        %swap3A_302 = vector.shape_cast %max3A_297 : vector<16xf32> to vector<1x16xf32>
        tpu.vector_store %arg11[%swap3A_298, %swap3A_299], %swap3A_302 {strides = array<i32>} : memref<80x128xf32, #tpu.memory_space<vmem>>, vector<1x16xf32>,
        %get3A_303 = arith.index_cast %scan3A_252 : i32 to index
        %get3A_304 = arith.constant 48 : index
        %get3A_305 = tpu.vector_load %arg11[%get3A_303, %get3A_304] {strides = array<i32>} : memref<80x128xf32, #tpu.memory_space<vmem>>, vector<1x16xf32>,
        %get3A_306 = vector.shape_cast %get3A_305 : vector<1x16xf32> to vector<16xf32>
        %get3A_307 = arith.index_cast %scan3A_252 : i32 to index
        %get3A_308 = arith.constant 48 : index
        %get3A_309 = tpu.vector_load %arg13[%get3A_307, %get3A_308] {strides = array<i32>} : memref<80x128xf32, #tpu.memory_space<vmem>>, vector<1x16xf32>,
        %get3A_310 = vector.shape_cast %get3A_309 : vector<1x16xf32> to vector<16xf32>
        %add3A_311 = arith.addf %get3A_306, %get3A_310 : vector<16xf32>
        %max3A_312 = arith.constant 0.000000e+00 : f32
        %max3A_313 = vector.broadcast %max3A_312 : f32 to vector<16xf32>
        %max3A_314 = arith.maximumf %add3A_311, %max3A_313 : vector<16xf32>
        %swap3A_315 = arith.index_cast %scan3A_252 : i32 to index
        %swap3A_316 = arith.constant 48 : index
        %swap3A_317 = tpu.vector_load %arg11[%swap3A_315, %swap3A_316] {strides = array<i32>} : memref<80x128xf32, #tpu.memory_space<vmem>>, vector<1x16xf32>,
        %swap3A_318 = vector.shape_cast %swap3A_317 : vector<1x16xf32> to vector<16xf32>
        %swap3A_319 = vector.shape_cast %max3A_314 : vector<16xf32> to vector<1x16xf32>
        tpu.vector_store %arg11[%swap3A_315, %swap3A_316], %swap3A_319 {strides = array<i32>} : memref<80x128xf32, #tpu.memory_space<vmem>>, vector<1x16xf32>,
        %get3A_320 = arith.index_cast %scan3A_252 : i32 to index
        %get3A_321 = arith.constant 64 : index
        %get3A_322 = tpu.vector_load %arg11[%get3A_320, %get3A_321] {strides = array<i32>} : memref<80x128xf32, #tpu.memory_space<vmem>>, vector<1x16xf32>,
        %get3A_323 = vector.shape_cast %get3A_322 : vector<1x16xf32> to vector<16xf32>
        %get3A_324 = arith.index_cast %scan3A_252 : i32 to index
        %get3A_325 = arith.constant 64 : index
        %get3A_326 = tpu.vector_load %arg13[%get3A_324, %get3A_325] {strides = array<i32>} : memref<80x128xf32, #tpu.memory_space<vmem>>, vector<1x16xf32>,
        %get3A_327 = vector.shape_cast %get3A_326 : vector<1x16xf32> to vector<16xf32>
        %add3A_328 = arith.addf %get3A_323, %get3A_327 : vector<16xf32>
        %max3A_329 = arith.constant 0.000000e+00 : f32
        %max3A_330 = vector.broadcast %max3A_329 : f32 to vector<16xf32>
        %max3A_331 = arith.maximumf %add3A_328, %max3A_330 : vector<16xf32>
        %swap3A_332 = arith.index_cast %scan3A_252 : i32 to index
        %swap3A_333 = arith.constant 64 : index
        %swap3A_334 = tpu.vector_load %arg11[%swap3A_332, %swap3A_333] {strides = array<i32>} : memref<80x128xf32, #tpu.memory_space<vmem>>, vector<1x16xf32>,
        %swap3A_335 = vector.shape_cast %swap3A_334 : vector<1x16xf32> to vector<16xf32>
        %swap3A_336 = vector.shape_cast %max3A_331 : vector<16xf32> to vector<1x16xf32>
        tpu.vector_store %arg11[%swap3A_332, %swap3A_333], %swap3A_336 {strides = array<i32>} : memref<80x128xf32, #tpu.memory_space<vmem>>, vector<1x16xf32>,
        %get3A_337 = arith.index_cast %scan3A_252 : i32 to index
        %get3A_338 = arith.constant 80 : index
        %get3A_339 = tpu.vector_load %arg11[%get3A_337, %get3A_338] {strides = array<i32>} : memref<80x128xf32, #tpu.memory_space<vmem>>, vector<1x16xf32>,
        %get3A_340 = vector.shape_cast %get3A_339 : vector<1x16xf32> to vector<16xf32>
        %get3A_341 = arith.index_cast %scan3A_252 : i32 to index
        %get3A_342 = arith.constant 80 : index
        %get3A_343 = tpu.vector_load %arg13[%get3A_341, %get3A_342] {strides = array<i32>} : memref<80x128xf32, #tpu.memory_space<vmem>>, vector<1x16xf32>,
        %get3A_344 = vector.shape_cast %get3A_343 : vector<1x16xf32> to vector<16xf32>
        %add3A_345 = arith.addf %get3A_340, %get3A_344 : vector<16xf32>
        %max3A_346 = arith.constant 0.000000e+00 : f32
        %max3A_347 = vector.broadcast %max3A_346 : f32 to vector<16xf32>
        %max3A_348 = arith.maximumf %add3A_345, %max3A_347 : vector<16xf32>
        %swap3A_349 = arith.index_cast %scan3A_252 : i32 to index
        %swap3A_350 = arith.constant 80 : index
        %swap3A_351 = tpu.vector_load %arg11[%swap3A_349, %swap3A_350] {strides = array<i32>} : memref<80x128xf32, #tpu.memory_space<vmem>>, vector<1x16xf32>,
        %swap3A_352 = vector.shape_cast %swap3A_351 : vector<1x16xf32> to vector<16xf32>
        %swap3A_353 = vector.shape_cast %max3A_348 : vector<16xf32> to vector<1x16xf32>
        tpu.vector_store %arg11[%swap3A_349, %swap3A_350], %swap3A_353 {strides = array<i32>} : memref<80x128xf32, #tpu.memory_space<vmem>>, vector<1x16xf32>,
        %get3A_354 = arith.index_cast %scan3A_252 : i32 to index
        %get3A_355 = arith.constant 96 : index
        %get3A_356 = tpu.vector_load %arg11[%get3A_354, %get3A_355] {strides = array<i32>} : memref<80x128xf32, #tpu.memory_space<vmem>>, vector<1x16xf32>,
        %get3A_357 = vector.shape_cast %get3A_356 : vector<1x16xf32> to vector<16xf32>
        %get3A_358 = arith.index_cast %scan3A_252 : i32 to index
        %get3A_359 = arith.constant 96 : index
        %get3A_360 = tpu.vector_load %arg13[%get3A_358, %get3A_359] {strides = array<i32>} : memref<80x128xf32, #tpu.memory_space<vmem>>, vector<1x16xf32>,
        %get3A_361 = vector.shape_cast %get3A_360 : vector<1x16xf32> to vector<16xf32>
        %add3A_362 = arith.addf %get3A_357, %get3A_361 : vector<16xf32>
        %max3A_363 = arith.constant 0.000000e+00 : f32
        %max3A_364 = vector.broadcast %max3A_363 : f32 to vector<16xf32>
        %max3A_365 = arith.maximumf %add3A_362, %max3A_364 : vector<16xf32>
        %swap3A_366 = arith.index_cast %scan3A_252 : i32 to index
        %swap3A_367 = arith.constant 96 : index
        %swap3A_368 = tpu.vector_load %arg11[%swap3A_366, %swap3A_367] {strides = array<i32>} : memref<80x128xf32, #tpu.memory_space<vmem>>, vector<1x16xf32>,
        %swap3A_369 = vector.shape_cast %swap3A_368 : vector<1x16xf32> to vector<16xf32>
        %swap3A_370 = vector.shape_cast %max3A_365 : vector<16xf32> to vector<1x16xf32>
        tpu.vector_store %arg11[%swap3A_366, %swap3A_367], %swap3A_370 {strides = array<i32>} : memref<80x128xf32, #tpu.memory_space<vmem>>, vector<1x16xf32>,
        %get3A_371 = arith.index_cast %scan3A_252 : i32 to index
        %get3A_372 = arith.constant 112 : index
        %get3A_373 = tpu.vector_load %arg11[%get3A_371, %get3A_372] {strides = array<i32>} : memref<80x128xf32, #tpu.memory_space<vmem>>, vector<1x16xf32>,
        %get3A_374 = vector.shape_cast %get3A_373 : vector<1x16xf32> to vector<16xf32>
        %get3A_375 = arith.index_cast %scan3A_252 : i32 to index
        %get3A_376 = arith.constant 112 : index
        %get3A_377 = tpu.vector_load %arg13[%get3A_375, %get3A_376] {strides = array<i32>} : memref<80x128xf32, #tpu.memory_space<vmem>>, vector<1x16xf32>,
        %get3A_378 = vector.shape_cast %get3A_377 : vector<1x16xf32> to vector<16xf32>
        %add3A_379 = arith.addf %get3A_374, %get3A_378 : vector<16xf32>
        %max3A_380 = arith.constant 0.000000e+00 : f32
        %max3A_381 = vector.broadcast %max3A_380 : f32 to vector<16xf32>
        %max3A_382 = arith.maximumf %add3A_379, %max3A_381 : vector<16xf32>
        %swap3A_383 = arith.index_cast %scan3A_252 : i32 to index
        %swap3A_384 = arith.constant 112 : index
        %swap3A_385 = tpu.vector_load %arg11[%swap3A_383, %swap3A_384] {strides = array<i32>} : memref<80x128xf32, #tpu.memory_space<vmem>>, vector<1x16xf32>,
        %swap3A_386 = vector.shape_cast %swap3A_385 : vector<1x16xf32> to vector<16xf32>
        %swap3A_387 = vector.shape_cast %max3A_382 : vector<16xf32> to vector<1x16xf32>
        tpu.vector_store %arg11[%swap3A_383, %swap3A_384], %swap3A_387 {strides = array<i32>} : memref<80x128xf32, #tpu.memory_space<vmem>>, vector<1x16xf32>,
        %scan3A_388 = arith.constant 0 : i32
        scf.yield %scan3A_388 : i32
      }
      %scan3A_248 = arith.constant 80 : i32
      %run_scoped3A_249 = arith.constant 1 : i32
      "tpu.region"() ({
        %run_scoped3A_252 = tpu.sem_alloc : memref<!tpu.dma_semaphore, #tpu.memory_space<semaphore_mem>>
        %dma_start3A_253 = arith.constant 0 : i32
        %dma_start3A_254 = tpu.memref_slice %arg9[%run_scoped3A_249, %dma_start3A_253] : memref<2x80xi32, #tpu.memory_space<vmem>> -> memref<1x80xi32, #tpu.memory_space<vmem>>
        %dma_start3A_255 = tpu.memref_squeeze %dma_start3A_254 : memref<1x80xi32, #tpu.memory_space<vmem>> -> memref<80xi32, #tpu.memory_space<vmem>>
        %dma_start3A_256 = arith.constant 0 : i32
        %dma_start3A_257 = arith.constant 0 : i32
        %dma_start3A_258 = tpu.memref_slice %arg16[%dma_start3A_256, %dma_start3A_257] : memref<10240x128xf32, #tpu.memory_space<vmem_shared>> -> memref<10240x128xf32, #tpu.memory_space<vmem_shared>>
        tpu.enqueue_indirect_dma source(%arg11 : memref<80x128xf32, #tpu.memory_space<vmem>>) target(%dma_start3A_258 : memref<10240x128xf32, #tpu.memory_space<vmem_shared>>) offsets(%dma_start3A_255 : memref<80xi32, #tpu.memory_space<vmem>>) semaphore(%run_scoped3A_252 : memref<!tpu.dma_semaphore, #tpu.memory_space<semaphore_mem>>) {add = true}
        %dma_wait3A_259 = arith.constant 0 : i32
        %dma_wait3A_260 = tpu.memref_slice %arg9[%run_scoped3A_249, %dma_wait3A_259] : memref<2x80xi32, #tpu.memory_space<vmem>> -> memref<1x80xi32, #tpu.memory_space<vmem>>
        %dma_wait3A_261 = tpu.memref_squeeze %dma_wait3A_260 : memref<1x80xi32, #tpu.memory_space<vmem>> -> memref<80xi32, #tpu.memory_space<vmem>>
        %dma_wait3A_262 = arith.constant 0 : i32
        %dma_wait3A_263 = arith.constant 0 : i32
        %dma_wait3A_264 = tpu.memref_slice %arg16[%dma_wait3A_262, %dma_wait3A_263] : memref<10240x128xf32, #tpu.memory_space<vmem_shared>> -> memref<10240x128xf32, #tpu.memory_space<vmem_shared>>
        tpu.wait_indirect_dma semaphore(%run_scoped3A_252 : memref<!tpu.dma_semaphore, #tpu.memory_space<semaphore_mem>>) src(%arg11 : memref<80x128xf32, #tpu.memory_space<vmem>>) dst(%dma_wait3A_264 : memref<10240x128xf32, #tpu.memory_space<vmem_shared>>)
        tpu.yield
      }) : () -> ()
      %run_scoped3A_250 = arith.constant 1 : i32
      "tpu.region"() ({
        %run_scoped3A_252 = tpu.sem_alloc : memref<!tpu.dma_semaphore, #tpu.memory_space<semaphore_mem>>
        %dma_start3A_253 = arith.constant 0 : i32
        %dma_start3A_254 = tpu.memref_slice %arg9[%run_scoped3A_250, %dma_start3A_253] : memref<2x80xi32, #tpu.memory_space<vmem>> -> memref<1x80xi32, #tpu.memory_space<vmem>>
        %dma_start3A_255 = tpu.memref_squeeze %dma_start3A_254 : memref<1x80xi32, #tpu.memory_space<vmem>> -> memref<80xi32, #tpu.memory_space<vmem>>
        %dma_start3A_256 = arith.constant 0 : i32
        %dma_start3A_257 = tpu.memref_slice %arg17[%dma_start3A_256] : memref<10240xf32, #tpu.memory_space<vmem_shared>> -> memref<10240xf32, #tpu.memory_space<vmem_shared>>
        tpu.enqueue_indirect_dma source(%arg14 : memref<80xf32, #tpu.memory_space<vmem>>) target(%dma_start3A_257 : memref<10240xf32, #tpu.memory_space<vmem_shared>>) offsets(%dma_start3A_255 : memref<80xi32, #tpu.memory_space<vmem>>) semaphore(%run_scoped3A_252 : memref<!tpu.dma_semaphore, #tpu.memory_space<semaphore_mem>>) {add = true}
        %dma_wait3A_258 = arith.constant 0 : i32
        %dma_wait3A_259 = tpu.memref_slice %arg9[%run_scoped3A_250, %dma_wait3A_258] : memref<2x80xi32, #tpu.memory_space<vmem>> -> memref<1x80xi32, #tpu.memory_space<vmem>>
        %dma_wait3A_260 = tpu.memref_squeeze %dma_wait3A_259 : memref<1x80xi32, #tpu.memory_space<vmem>> -> memref<80xi32, #tpu.memory_space<vmem>>
        %dma_wait3A_261 = arith.constant 0 : i32
        %dma_wait3A_262 = tpu.memref_slice %arg17[%dma_wait3A_261] : memref<10240xf32, #tpu.memory_space<vmem_shared>> -> memref<10240xf32, #tpu.memory_space<vmem_shared>>
        tpu.wait_indirect_dma semaphore(%run_scoped3A_252 : memref<!tpu.dma_semaphore, #tpu.memory_space<semaphore_mem>>) src(%arg14 : memref<80xf32, #tpu.memory_space<vmem>>) dst(%dma_wait3A_262 : memref<10240xf32, #tpu.memory_space<vmem_shared>>)
        tpu.yield
      }) : () -> ()
      %scan3A_251 = arith.constant 0 : i32
      scf.yield %scan3A_251 : i32
    }
    %scan3A_81 = arith.constant 62 : i32
    %add3A_82 = arith.constant 9920 : i32
    %add3A_83 = arith.addi %mul3A_4, %add3A_82 : i32
    %dma_wait3A = arith.constant 0 : i32
    %dma_wait3A_84 = arith.constant 0 : i32
    %dma_wait3A_85 = tpu.memref_slice %arg8[%dma_wait3A, %dma_wait3A_84] : memref<2x80xi32, #tpu.memory_space<vmem>> -> memref<1x80xi32, #tpu.memory_space<vmem>>
    %dma_wait3A_86 = tpu.memref_squeeze %dma_wait3A_85 : memref<1x80xi32, #tpu.memory_space<vmem>> -> memref<80xi32, #tpu.memory_space<vmem>>
    %dma_wait3A_87 = arith.constant 0 : i32
    %dma_wait3A_88 = arith.constant 0 : i32
    %dma_wait3A_89 = tpu.memref_slice %arg2[%dma_wait3A_87, %dma_wait3A_88] : memref<10240x128xf32, #tpu.memory_space<hbm>> -> memref<10240x128xf32, #tpu.memory_space<hbm>>
    tpu.wait_indirect_dma semaphore(%arg18 : memref<!tpu.dma_semaphore, #tpu.memory_space<semaphore_mem>>) src(%dma_wait3A_89 : memref<10240x128xf32, #tpu.memory_space<hbm>>) dst(%arg10 : memref<80x128xf32, #tpu.memory_space<vmem>>)
    %dma_wait3A_90 = arith.constant 0 : i32
    %dma_wait3A_91 = tpu.memref_slice %arg3[%add3A_83, %dma_wait3A_90] : memref<320000x128xf32, #tpu.memory_space<hbm>> -> memref<80x128xf32, #tpu.memory_space<hbm>>
    %dma_wait3A_92 = arith.constant 0 : i32
    %dma_wait3A_93 = tpu.memref_slice %arg3[%add3A_83, %dma_wait3A_92] : memref<320000x128xf32, #tpu.memory_space<hbm>> -> memref<80x128xf32, #tpu.memory_space<hbm>>
    tpu.wait_dma2 semaphore(%arg18 : memref<!tpu.dma_semaphore, #tpu.memory_space<semaphore_mem>>) src(%dma_wait3A_93 : memref<80x128xf32, #tpu.memory_space<hbm>>) dst(%arg12 : memref<80x128xf32, #tpu.memory_space<vmem>>)
    %scan3A_94 = arith.constant 0 : i32
    %scan3A_95 = arith.constant 0 : i32
    %scan3A_96 = arith.constant 80 : i32
    %scan3A_97 = arith.addi %scan3A_95, %scan3A_96 : i32
    %scan3A_98 = arith.constant 1 : i32
    %scan3A_99 = scf.for %scan3A_163 = %scan3A_95 to %scan3A_97 step %scan3A_98 iter_args(%scan3A_164 = %scan3A_94) -> (i32)  : i32 {
      %get3A = arith.index_cast %scan3A_163 : i32 to index
      %get3A_165 = arith.constant 0 : index
      %get3A_166 = tpu.vector_load %arg10[%get3A, %get3A_165] {strides = array<i32>} : memref<80x128xf32, #tpu.memory_space<vmem>>, vector<1x16xf32>,
      %get3A_167 = vector.shape_cast %get3A_166 : vector<1x16xf32> to vector<16xf32>
      %get3A_168 = arith.index_cast %scan3A_163 : i32 to index
      %get3A_169 = arith.constant 0 : index
      %get3A_170 = tpu.vector_load %arg12[%get3A_168, %get3A_169] {strides = array<i32>} : memref<80x128xf32, #tpu.memory_space<vmem>>, vector<1x16xf32>,
      %get3A_171 = vector.shape_cast %get3A_170 : vector<1x16xf32> to vector<16xf32>
      %add3A_172 = arith.addf %get3A_167, %get3A_171 : vector<16xf32>
      %max3A = arith.constant 0.000000e+00 : f32
      %max3A_173 = vector.broadcast %max3A : f32 to vector<16xf32>
      %max3A_174 = arith.maximumf %add3A_172, %max3A_173 : vector<16xf32>
      %swap3A_175 = arith.index_cast %scan3A_163 : i32 to index
      %swap3A_176 = arith.constant 0 : index
      %swap3A_177 = tpu.vector_load %arg10[%swap3A_175, %swap3A_176] {strides = array<i32>} : memref<80x128xf32, #tpu.memory_space<vmem>>, vector<1x16xf32>,
      %swap3A_178 = vector.shape_cast %swap3A_177 : vector<1x16xf32> to vector<16xf32>
      %swap3A_179 = vector.shape_cast %max3A_174 : vector<16xf32> to vector<1x16xf32>
      tpu.vector_store %arg10[%swap3A_175, %swap3A_176], %swap3A_179 {strides = array<i32>} : memref<80x128xf32, #tpu.memory_space<vmem>>, vector<1x16xf32>,
      %get3A_180 = arith.index_cast %scan3A_163 : i32 to index
      %get3A_181 = arith.constant 16 : index
      %get3A_182 = tpu.vector_load %arg10[%get3A_180, %get3A_181] {strides = array<i32>} : memref<80x128xf32, #tpu.memory_space<vmem>>, vector<1x16xf32>,
      %get3A_183 = vector.shape_cast %get3A_182 : vector<1x16xf32> to vector<16xf32>
      %get3A_184 = arith.index_cast %scan3A_163 : i32 to index
      %get3A_185 = arith.constant 16 : index
      %get3A_186 = tpu.vector_load %arg12[%get3A_184, %get3A_185] {strides = array<i32>} : memref<80x128xf32, #tpu.memory_space<vmem>>, vector<1x16xf32>,
      %get3A_187 = vector.shape_cast %get3A_186 : vector<1x16xf32> to vector<16xf32>
      %add3A_188 = arith.addf %get3A_183, %get3A_187 : vector<16xf32>
      %max3A_189 = arith.constant 0.000000e+00 : f32
      %max3A_190 = vector.broadcast %max3A_189 : f32 to vector<16xf32>
      %max3A_191 = arith.maximumf %add3A_188, %max3A_190 : vector<16xf32>
      %swap3A_192 = arith.index_cast %scan3A_163 : i32 to index
      %swap3A_193 = arith.constant 16 : index
      %swap3A_194 = tpu.vector_load %arg10[%swap3A_192, %swap3A_193] {strides = array<i32>} : memref<80x128xf32, #tpu.memory_space<vmem>>, vector<1x16xf32>,
      %swap3A_195 = vector.shape_cast %swap3A_194 : vector<1x16xf32> to vector<16xf32>
      %swap3A_196 = vector.shape_cast %max3A_191 : vector<16xf32> to vector<1x16xf32>
      tpu.vector_store %arg10[%swap3A_192, %swap3A_193], %swap3A_196 {strides = array<i32>} : memref<80x128xf32, #tpu.memory_space<vmem>>, vector<1x16xf32>,
      %get3A_197 = arith.index_cast %scan3A_163 : i32 to index
      %get3A_198 = arith.constant 32 : index
      %get3A_199 = tpu.vector_load %arg10[%get3A_197, %get3A_198] {strides = array<i32>} : memref<80x128xf32, #tpu.memory_space<vmem>>, vector<1x16xf32>,
      %get3A_200 = vector.shape_cast %get3A_199 : vector<1x16xf32> to vector<16xf32>
      %get3A_201 = arith.index_cast %scan3A_163 : i32 to index
      %get3A_202 = arith.constant 32 : index
      %get3A_203 = tpu.vector_load %arg12[%get3A_201, %get3A_202] {strides = array<i32>} : memref<80x128xf32, #tpu.memory_space<vmem>>, vector<1x16xf32>,
      %get3A_204 = vector.shape_cast %get3A_203 : vector<1x16xf32> to vector<16xf32>
      %add3A_205 = arith.addf %get3A_200, %get3A_204 : vector<16xf32>
      %max3A_206 = arith.constant 0.000000e+00 : f32
      %max3A_207 = vector.broadcast %max3A_206 : f32 to vector<16xf32>
      %max3A_208 = arith.maximumf %add3A_205, %max3A_207 : vector<16xf32>
      %swap3A_209 = arith.index_cast %scan3A_163 : i32 to index
      %swap3A_210 = arith.constant 32 : index
      %swap3A_211 = tpu.vector_load %arg10[%swap3A_209, %swap3A_210] {strides = array<i32>} : memref<80x128xf32, #tpu.memory_space<vmem>>, vector<1x16xf32>,
      %swap3A_212 = vector.shape_cast %swap3A_211 : vector<1x16xf32> to vector<16xf32>
      %swap3A_213 = vector.shape_cast %max3A_208 : vector<16xf32> to vector<1x16xf32>
      tpu.vector_store %arg10[%swap3A_209, %swap3A_210], %swap3A_213 {strides = array<i32>} : memref<80x128xf32, #tpu.memory_space<vmem>>, vector<1x16xf32>,
      %get3A_214 = arith.index_cast %scan3A_163 : i32 to index
      %get3A_215 = arith.constant 48 : index
      %get3A_216 = tpu.vector_load %arg10[%get3A_214, %get3A_215] {strides = array<i32>} : memref<80x128xf32, #tpu.memory_space<vmem>>, vector<1x16xf32>,
      %get3A_217 = vector.shape_cast %get3A_216 : vector<1x16xf32> to vector<16xf32>
      %get3A_218 = arith.index_cast %scan3A_163 : i32 to index
      %get3A_219 = arith.constant 48 : index
      %get3A_220 = tpu.vector_load %arg12[%get3A_218, %get3A_219] {strides = array<i32>} : memref<80x128xf32, #tpu.memory_space<vmem>>, vector<1x16xf32>,
      %get3A_221 = vector.shape_cast %get3A_220 : vector<1x16xf32> to vector<16xf32>
      %add3A_222 = arith.addf %get3A_217, %get3A_221 : vector<16xf32>
      %max3A_223 = arith.constant 0.000000e+00 : f32
      %max3A_224 = vector.broadcast %max3A_223 : f32 to vector<16xf32>
      %max3A_225 = arith.maximumf %add3A_222, %max3A_224 : vector<16xf32>
      %swap3A_226 = arith.index_cast %scan3A_163 : i32 to index
      %swap3A_227 = arith.constant 48 : index
      %swap3A_228 = tpu.vector_load %arg10[%swap3A_226, %swap3A_227] {strides = array<i32>} : memref<80x128xf32, #tpu.memory_space<vmem>>, vector<1x16xf32>,
      %swap3A_229 = vector.shape_cast %swap3A_228 : vector<1x16xf32> to vector<16xf32>
      %swap3A_230 = vector.shape_cast %max3A_225 : vector<16xf32> to vector<1x16xf32>
      tpu.vector_store %arg10[%swap3A_226, %swap3A_227], %swap3A_230 {strides = array<i32>} : memref<80x128xf32, #tpu.memory_space<vmem>>, vector<1x16xf32>,
      %get3A_231 = arith.index_cast %scan3A_163 : i32 to index
      %get3A_232 = arith.constant 64 : index
      %get3A_233 = tpu.vector_load %arg10[%get3A_231, %get3A_232] {strides = array<i32>} : memref<80x128xf32, #tpu.memory_space<vmem>>, vector<1x16xf32>,
      %get3A_234 = vector.shape_cast %get3A_233 : vector<1x16xf32> to vector<16xf32>
      %get3A_235 = arith.index_cast %scan3A_163 : i32 to index
      %get3A_236 = arith.constant 64 : index
      %get3A_237 = tpu.vector_load %arg12[%get3A_235, %get3A_236] {strides = array<i32>} : memref<80x128xf32, #tpu.memory_space<vmem>>, vector<1x16xf32>,
      %get3A_238 = vector.shape_cast %get3A_237 : vector<1x16xf32> to vector<16xf32>
      %add3A_239 = arith.addf %get3A_234, %get3A_238 : vector<16xf32>
      %max3A_240 = arith.constant 0.000000e+00 : f32
      %max3A_241 = vector.broadcast %max3A_240 : f32 to vector<16xf32>
      %max3A_242 = arith.maximumf %add3A_239, %max3A_241 : vector<16xf32>
      %swap3A_243 = arith.index_cast %scan3A_163 : i32 to index
      %swap3A_244 = arith.constant 64 : index
      %swap3A_245 = tpu.vector_load %arg10[%swap3A_243, %swap3A_244] {strides = array<i32>} : memref<80x128xf32, #tpu.memory_space<vmem>>, vector<1x16xf32>,
      %swap3A_246 = vector.shape_cast %swap3A_245 : vector<1x16xf32> to vector<16xf32>
      %swap3A_247 = vector.shape_cast %max3A_242 : vector<16xf32> to vector<1x16xf32>
      tpu.vector_store %arg10[%swap3A_243, %swap3A_244], %swap3A_247 {strides = array<i32>} : memref<80x128xf32, #tpu.memory_space<vmem>>, vector<1x16xf32>,
      %get3A_248 = arith.index_cast %scan3A_163 : i32 to index
      %get3A_249 = arith.constant 80 : index
      %get3A_250 = tpu.vector_load %arg10[%get3A_248, %get3A_249] {strides = array<i32>} : memref<80x128xf32, #tpu.memory_space<vmem>>, vector<1x16xf32>,
      %get3A_251 = vector.shape_cast %get3A_250 : vector<1x16xf32> to vector<16xf32>
      %get3A_252 = arith.index_cast %scan3A_163 : i32 to index
      %get3A_253 = arith.constant 80 : index
      %get3A_254 = tpu.vector_load %arg12[%get3A_252, %get3A_253] {strides = array<i32>} : memref<80x128xf32, #tpu.memory_space<vmem>>, vector<1x16xf32>,
      %get3A_255 = vector.shape_cast %get3A_254 : vector<1x16xf32> to vector<16xf32>
      %add3A_256 = arith.addf %get3A_251, %get3A_255 : vector<16xf32>
      %max3A_257 = arith.constant 0.000000e+00 : f32
      %max3A_258 = vector.broadcast %max3A_257 : f32 to vector<16xf32>
      %max3A_259 = arith.maximumf %add3A_256, %max3A_258 : vector<16xf32>
      %swap3A_260 = arith.index_cast %scan3A_163 : i32 to index
      %swap3A_261 = arith.constant 80 : index
      %swap3A_262 = tpu.vector_load %arg10[%swap3A_260, %swap3A_261] {strides = array<i32>} : memref<80x128xf32, #tpu.memory_space<vmem>>, vector<1x16xf32>,
      %swap3A_263 = vector.shape_cast %swap3A_262 : vector<1x16xf32> to vector<16xf32>
      %swap3A_264 = vector.shape_cast %max3A_259 : vector<16xf32> to vector<1x16xf32>
      tpu.vector_store %arg10[%swap3A_260, %swap3A_261], %swap3A_264 {strides = array<i32>} : memref<80x128xf32, #tpu.memory_space<vmem>>, vector<1x16xf32>,
      %get3A_265 = arith.index_cast %scan3A_163 : i32 to index
      %get3A_266 = arith.constant 96 : index
      %get3A_267 = tpu.vector_load %arg10[%get3A_265, %get3A_266] {strides = array<i32>} : memref<80x128xf32, #tpu.memory_space<vmem>>, vector<1x16xf32>,
      %get3A_268 = vector.shape_cast %get3A_267 : vector<1x16xf32> to vector<16xf32>
      %get3A_269 = arith.index_cast %scan3A_163 : i32 to index
      %get3A_270 = arith.constant 96 : index
      %get3A_271 = tpu.vector_load %arg12[%get3A_269, %get3A_270] {strides = array<i32>} : memref<80x128xf32, #tpu.memory_space<vmem>>, vector<1x16xf32>,
      %get3A_272 = vector.shape_cast %get3A_271 : vector<1x16xf32> to vector<16xf32>
      %add3A_273 = arith.addf %get3A_268, %get3A_272 : vector<16xf32>
      %max3A_274 = arith.constant 0.000000e+00 : f32
      %max3A_275 = vector.broadcast %max3A_274 : f32 to vector<16xf32>
      %max3A_276 = arith.maximumf %add3A_273, %max3A_275 : vector<16xf32>
      %swap3A_277 = arith.index_cast %scan3A_163 : i32 to index
      %swap3A_278 = arith.constant 96 : index
      %swap3A_279 = tpu.vector_load %arg10[%swap3A_277, %swap3A_278] {strides = array<i32>} : memref<80x128xf32, #tpu.memory_space<vmem>>, vector<1x16xf32>,
      %swap3A_280 = vector.shape_cast %swap3A_279 : vector<1x16xf32> to vector<16xf32>
      %swap3A_281 = vector.shape_cast %max3A_276 : vector<16xf32> to vector<1x16xf32>
      tpu.vector_store %arg10[%swap3A_277, %swap3A_278], %swap3A_281 {strides = array<i32>} : memref<80x128xf32, #tpu.memory_space<vmem>>, vector<1x16xf32>,
      %get3A_282 = arith.index_cast %scan3A_163 : i32 to index
      %get3A_283 = arith.constant 112 : index
      %get3A_284 = tpu.vector_load %arg10[%get3A_282, %get3A_283] {strides = array<i32>} : memref<80x128xf32, #tpu.memory_space<vmem>>, vector<1x16xf32>,
      %get3A_285 = vector.shape_cast %get3A_284 : vector<1x16xf32> to vector<16xf32>
      %get3A_286 = arith.index_cast %scan3A_163 : i32 to index
      %get3A_287 = arith.constant 112 : index
      %get3A_288 = tpu.vector_load %arg12[%get3A_286, %get3A_287] {strides = array<i32>} : memref<80x128xf32, #tpu.memory_space<vmem>>, vector<1x16xf32>,
      %get3A_289 = vector.shape_cast %get3A_288 : vector<1x16xf32> to vector<16xf32>
      %add3A_290 = arith.addf %get3A_285, %get3A_289 : vector<16xf32>
      %max3A_291 = arith.constant 0.000000e+00 : f32
      %max3A_292 = vector.broadcast %max3A_291 : f32 to vector<16xf32>
      %max3A_293 = arith.maximumf %add3A_290, %max3A_292 : vector<16xf32>
      %swap3A_294 = arith.index_cast %scan3A_163 : i32 to index
      %swap3A_295 = arith.constant 112 : index
      %swap3A_296 = tpu.vector_load %arg10[%swap3A_294, %swap3A_295] {strides = array<i32>} : memref<80x128xf32, #tpu.memory_space<vmem>>, vector<1x16xf32>,
      %swap3A_297 = vector.shape_cast %swap3A_296 : vector<1x16xf32> to vector<16xf32>
      %swap3A_298 = vector.shape_cast %max3A_293 : vector<16xf32> to vector<1x16xf32>
      tpu.vector_store %arg10[%swap3A_294, %swap3A_295], %swap3A_298 {strides = array<i32>} : memref<80x128xf32, #tpu.memory_space<vmem>>, vector<1x16xf32>,
      %scan3A_299 = arith.constant 0 : i32
      scf.yield %scan3A_299 : i32
    }
    %scan3A_100 = arith.constant 80 : i32
    %run_scoped3A_101 = arith.constant 1 : i32
    "tpu.region"() ({
      %run_scoped3A_163 = tpu.sem_alloc : memref<!tpu.dma_semaphore, #tpu.memory_space<semaphore_mem>>
      %dma_start3A_164 = arith.constant 0 : i32
      %dma_start3A_165 = tpu.memref_slice %arg8[%run_scoped3A_101, %dma_start3A_164] : memref<2x80xi32, #tpu.memory_space<vmem>> -> memref<1x80xi32, #tpu.memory_space<vmem>>
      %dma_start3A_166 = tpu.memref_squeeze %dma_start3A_165 : memref<1x80xi32, #tpu.memory_space<vmem>> -> memref<80xi32, #tpu.memory_space<vmem>>
      %dma_start3A_167 = arith.constant 0 : i32
      %dma_start3A_168 = arith.constant 0 : i32
      %dma_start3A_169 = tpu.memref_slice %arg16[%dma_start3A_167, %dma_start3A_168] : memref<10240x128xf32, #tpu.memory_space<vmem_shared>> -> memref<10240x128xf32, #tpu.memory_space<vmem_shared>>
      tpu.enqueue_indirect_dma source(%arg10 : memref<80x128xf32, #tpu.memory_space<vmem>>) target(%dma_start3A_169 : memref<10240x128xf32, #tpu.memory_space<vmem_shared>>) offsets(%dma_start3A_166 : memref<80xi32, #tpu.memory_space<vmem>>) semaphore(%run_scoped3A_163 : memref<!tpu.dma_semaphore, #tpu.memory_space<semaphore_mem>>) {add = true}
      %dma_wait3A_170 = arith.constant 0 : i32
      %dma_wait3A_171 = tpu.memref_slice %arg8[%run_scoped3A_101, %dma_wait3A_170] : memref<2x80xi32, #tpu.memory_space<vmem>> -> memref<1x80xi32, #tpu.memory_space<vmem>>
      %dma_wait3A_172 = tpu.memref_squeeze %dma_wait3A_171 : memref<1x80xi32, #tpu.memory_space<vmem>> -> memref<80xi32, #tpu.memory_space<vmem>>
      %dma_wait3A_173 = arith.constant 0 : i32
      %dma_wait3A_174 = arith.constant 0 : i32
      %dma_wait3A_175 = tpu.memref_slice %arg16[%dma_wait3A_173, %dma_wait3A_174] : memref<10240x128xf32, #tpu.memory_space<vmem_shared>> -> memref<10240x128xf32, #tpu.memory_space<vmem_shared>>
      tpu.wait_indirect_dma semaphore(%run_scoped3A_163 : memref<!tpu.dma_semaphore, #tpu.memory_space<semaphore_mem>>) src(%arg10 : memref<80x128xf32, #tpu.memory_space<vmem>>) dst(%dma_wait3A_175 : memref<10240x128xf32, #tpu.memory_space<vmem_shared>>)
      tpu.yield
    }) : () -> ()
    %run_scoped3A_102 = arith.constant 1 : i32
    "tpu.region"() ({
      %run_scoped3A_163 = tpu.sem_alloc : memref<!tpu.dma_semaphore, #tpu.memory_space<semaphore_mem>>
      %dma_start3A_164 = arith.constant 0 : i32
      %dma_start3A_165 = tpu.memref_slice %arg8[%run_scoped3A_102, %dma_start3A_164] : memref<2x80xi32, #tpu.memory_space<vmem>> -> memref<1x80xi32, #tpu.memory_space<vmem>>
      %dma_start3A_166 = tpu.memref_squeeze %dma_start3A_165 : memref<1x80xi32, #tpu.memory_space<vmem>> -> memref<80xi32, #tpu.memory_space<vmem>>
      %dma_start3A_167 = arith.constant 0 : i32
      %dma_start3A_168 = tpu.memref_slice %arg17[%dma_start3A_167] : memref<10240xf32, #tpu.memory_space<vmem_shared>> -> memref<10240xf32, #tpu.memory_space<vmem_shared>>
      tpu.enqueue_indirect_dma source(%arg14 : memref<80xf32, #tpu.memory_space<vmem>>) target(%dma_start3A_168 : memref<10240xf32, #tpu.memory_space<vmem_shared>>) offsets(%dma_start3A_166 : memref<80xi32, #tpu.memory_space<vmem>>) semaphore(%run_scoped3A_163 : memref<!tpu.dma_semaphore, #tpu.memory_space<semaphore_mem>>) {add = true}
      %dma_wait3A_169 = arith.constant 0 : i32
      %dma_wait3A_170 = tpu.memref_slice %arg8[%run_scoped3A_102, %dma_wait3A_169] : memref<2x80xi32, #tpu.memory_space<vmem>> -> memref<1x80xi32, #tpu.memory_space<vmem>>
      %dma_wait3A_171 = tpu.memref_squeeze %dma_wait3A_170 : memref<1x80xi32, #tpu.memory_space<vmem>> -> memref<80xi32, #tpu.memory_space<vmem>>
      %dma_wait3A_172 = arith.constant 0 : i32
      %dma_wait3A_173 = tpu.memref_slice %arg17[%dma_wait3A_172] : memref<10240xf32, #tpu.memory_space<vmem_shared>> -> memref<10240xf32, #tpu.memory_space<vmem_shared>>
      tpu.wait_indirect_dma semaphore(%run_scoped3A_163 : memref<!tpu.dma_semaphore, #tpu.memory_space<semaphore_mem>>) src(%arg14 : memref<80xf32, #tpu.memory_space<vmem>>) dst(%dma_wait3A_173 : memref<10240xf32, #tpu.memory_space<vmem_shared>>)
      tpu.yield
    }) : () -> ()
    %barrier3A_103 = arith.constant 0 : index
    tpu.barrier barrier_id(%barrier3A_103)
    %add3A_104 = arith.constant 0 : i32
    %add3A_105 = arith.addi %mul3A_0, %add3A_104 : i32
    %mul3A_106 = arith.constant 10240 : i32
    %mul3A_107 = arith.muli %arg0, %mul3A_106 : i32
    %add3A_108 = arith.addi %mul3A_107, %mul3A_0 : i32
    %add3A_109 = arith.constant 0 : i32
    %add3A_110 = arith.addi %add3A_108, %add3A_109 : i32
    "tpu.region"() ({
      %run_scoped3A_163 = tpu.sem_alloc : memref<!tpu.dma_semaphore, #tpu.memory_space<semaphore_mem>>
      %dma_start3A_164 = arith.constant 0 : i32
      %dma_start3A_165 = tpu.memref_slice %arg6[%add3A_110, %dma_start3A_164] : memref<20480x128xf32, #tpu.memory_space<hbm>> -> memref<80x128xf32, #tpu.memory_space<hbm>>
      %dma_start3A_166 = arith.constant 0 : i32
      %dma_start3A_167 = tpu.memref_slice %arg16[%add3A_105, %dma_start3A_166] : memref<10240x128xf32, #tpu.memory_space<vmem_shared>> -> memref<80x128xf32, #tpu.memory_space<vmem_shared>>
      tpu.enqueue_dma source(%dma_start3A_167 : memref<80x128xf32, #tpu.memory_space<vmem_shared>>) target(%dma_start3A_165 : memref<80x128xf32, #tpu.memory_space<hbm>>) target_semaphore(%run_scoped3A_163 : memref<!tpu.dma_semaphore, #tpu.memory_space<semaphore_mem>>)
      %dma_wait3A_168 = arith.constant 0 : i32
      %dma_wait3A_169 = tpu.memref_slice %arg6[%add3A_110, %dma_wait3A_168] : memref<20480x128xf32, #tpu.memory_space<hbm>> -> memref<80x128xf32, #tpu.memory_space<hbm>>
      %dma_wait3A_170 = arith.constant 0 : i32
      %dma_wait3A_171 = tpu.memref_slice %arg16[%add3A_105, %dma_wait3A_170] : memref<10240x128xf32, #tpu.memory_space<vmem_shared>> -> memref<80x128xf32, #tpu.memory_space<vmem_shared>>
      tpu.wait_dma2 semaphore(%run_scoped3A_163 : memref<!tpu.dma_semaphore, #tpu.memory_space<semaphore_mem>>) src(%dma_wait3A_171 : memref<80x128xf32, #tpu.memory_space<vmem_shared>>) dst(%dma_wait3A_169 : memref<80x128xf32, #tpu.memory_space<hbm>>)
      tpu.yield
    }) : () -> ()
    %add3A_111 = arith.constant 80 : i32
    %add3A_112 = arith.addi %mul3A_0, %add3A_111 : i32
    %mul3A_113 = arith.constant 10240 : i32
    %mul3A_114 = arith.muli %arg0, %mul3A_113 : i32
    %add3A_115 = arith.addi %mul3A_114, %mul3A_0 : i32
    %add3A_116 = arith.constant 80 : i32
    %add3A_117 = arith.addi %add3A_115, %add3A_116 : i32
    "tpu.region"() ({
      %run_scoped3A_163 = tpu.sem_alloc : memref<!tpu.dma_semaphore, #tpu.memory_space<semaphore_mem>>
      %dma_start3A_164 = arith.constant 0 : i32
      %dma_start3A_165 = tpu.memref_slice %arg6[%add3A_117, %dma_start3A_164] : memref<20480x128xf32, #tpu.memory_space<hbm>> -> memref<80x128xf32, #tpu.memory_space<hbm>>
      %dma_start3A_166 = arith.constant 0 : i32
      %dma_start3A_167 = tpu.memref_slice %arg16[%add3A_112, %dma_start3A_166] : memref<10240x128xf32, #tpu.memory_space<vmem_shared>> -> memref<80x128xf32, #tpu.memory_space<vmem_shared>>
      tpu.enqueue_dma source(%dma_start3A_167 : memref<80x128xf32, #tpu.memory_space<vmem_shared>>) target(%dma_start3A_165 : memref<80x128xf32, #tpu.memory_space<hbm>>) target_semaphore(%run_scoped3A_163 : memref<!tpu.dma_semaphore, #tpu.memory_space<semaphore_mem>>)
      %dma_wait3A_168 = arith.constant 0 : i32
      %dma_wait3A_169 = tpu.memref_slice %arg6[%add3A_117, %dma_wait3A_168] : memref<20480x128xf32, #tpu.memory_space<hbm>> -> memref<80x128xf32, #tpu.memory_space<hbm>>
      %dma_wait3A_170 = arith.constant 0 : i32
      %dma_wait3A_171 = tpu.memref_slice %arg16[%add3A_112, %dma_wait3A_170] : memref<10240x128xf32, #tpu.memory_space<vmem_shared>> -> memref<80x128xf32, #tpu.memory_space<vmem_shared>>
      tpu.wait_dma2 semaphore(%run_scoped3A_163 : memref<!tpu.dma_semaphore, #tpu.memory_space<semaphore_mem>>) src(%dma_wait3A_171 : memref<80x128xf32, #tpu.memory_space<vmem_shared>>) dst(%dma_wait3A_169 : memref<80x128xf32, #tpu.memory_space<hbm>>)
      tpu.yield
    }) : () -> ()
    %add3A_118 = arith.constant 160 : i32
    %add3A_119 = arith.addi %mul3A_0, %add3A_118 : i32
    %mul3A_120 = arith.constant 10240 : i32
    %mul3A_121 = arith.muli %arg0, %mul3A_120 : i32
    %add3A_122 = arith.addi %mul3A_121, %mul3A_0 : i32
    %add3A_123 = arith.constant 160 : i32
    %add3A_124 = arith.addi %add3A_122, %add3A_123 : i32
    "tpu.region"() ({
      %run_scoped3A_163 = tpu.sem_alloc : memref<!tpu.dma_semaphore, #tpu.memory_space<semaphore_mem>>
      %dma_start3A_164 = arith.constant 0 : i32
      %dma_start3A_165 = tpu.memref_slice %arg6[%add3A_124, %dma_start3A_164] : memref<20480x128xf32, #tpu.memory_space<hbm>> -> memref<80x128xf32, #tpu.memory_space<hbm>>
      %dma_start3A_166 = arith.constant 0 : i32
      %dma_start3A_167 = tpu.memref_slice %arg16[%add3A_119, %dma_start3A_166] : memref<10240x128xf32, #tpu.memory_space<vmem_shared>> -> memref<80x128xf32, #tpu.memory_space<vmem_shared>>
      tpu.enqueue_dma source(%dma_start3A_167 : memref<80x128xf32, #tpu.memory_space<vmem_shared>>) target(%dma_start3A_165 : memref<80x128xf32, #tpu.memory_space<hbm>>) target_semaphore(%run_scoped3A_163 : memref<!tpu.dma_semaphore, #tpu.memory_space<semaphore_mem>>)
      %dma_wait3A_168 = arith.constant 0 : i32
      %dma_wait3A_169 = tpu.memref_slice %arg6[%add3A_124, %dma_wait3A_168] : memref<20480x128xf32, #tpu.memory_space<hbm>> -> memref<80x128xf32, #tpu.memory_space<hbm>>
      %dma_wait3A_170 = arith.constant 0 : i32
      %dma_wait3A_171 = tpu.memref_slice %arg16[%add3A_119, %dma_wait3A_170] : memref<10240x128xf32, #tpu.memory_space<vmem_shared>> -> memref<80x128xf32, #tpu.memory_space<vmem_shared>>
      tpu.wait_dma2 semaphore(%run_scoped3A_163 : memref<!tpu.dma_semaphore, #tpu.memory_space<semaphore_mem>>) src(%dma_wait3A_171 : memref<80x128xf32, #tpu.memory_space<vmem_shared>>) dst(%dma_wait3A_169 : memref<80x128xf32, #tpu.memory_space<hbm>>)
      tpu.yield
    }) : () -> ()
    %add3A_125 = arith.constant 240 : i32
    %add3A_126 = arith.addi %mul3A_0, %add3A_125 : i32
    %mul3A_127 = arith.constant 10240 : i32
    %mul3A_128 = arith.muli %arg0, %mul3A_127 : i32
    %add3A_129 = arith.addi %mul3A_128, %mul3A_0 : i32
    %add3A_130 = arith.constant 240 : i32
    %add3A_131 = arith.addi %add3A_129, %add3A_130 : i32
    "tpu.region"() ({
      %run_scoped3A_163 = tpu.sem_alloc : memref<!tpu.dma_semaphore, #tpu.memory_space<semaphore_mem>>
      %dma_start3A_164 = arith.constant 0 : i32
      %dma_start3A_165 = tpu.memref_slice %arg6[%add3A_131, %dma_start3A_164] : memref<20480x128xf32, #tpu.memory_space<hbm>> -> memref<80x128xf32, #tpu.memory_space<hbm>>
      %dma_start3A_166 = arith.constant 0 : i32
      %dma_start3A_167 = tpu.memref_slice %arg16[%add3A_126, %dma_start3A_166] : memref<10240x128xf32, #tpu.memory_space<vmem_shared>> -> memref<80x128xf32, #tpu.memory_space<vmem_shared>>
      tpu.enqueue_dma source(%dma_start3A_167 : memref<80x128xf32, #tpu.memory_space<vmem_shared>>) target(%dma_start3A_165 : memref<80x128xf32, #tpu.memory_space<hbm>>) target_semaphore(%run_scoped3A_163 : memref<!tpu.dma_semaphore, #tpu.memory_space<semaphore_mem>>)
      %dma_wait3A_168 = arith.constant 0 : i32
      %dma_wait3A_169 = tpu.memref_slice %arg6[%add3A_131, %dma_wait3A_168] : memref<20480x128xf32, #tpu.memory_space<hbm>> -> memref<80x128xf32, #tpu.memory_space<hbm>>
      %dma_wait3A_170 = arith.constant 0 : i32
      %dma_wait3A_171 = tpu.memref_slice %arg16[%add3A_126, %dma_wait3A_170] : memref<10240x128xf32, #tpu.memory_space<vmem_shared>> -> memref<80x128xf32, #tpu.memory_space<vmem_shared>>
      tpu.wait_dma2 semaphore(%run_scoped3A_163 : memref<!tpu.dma_semaphore, #tpu.memory_space<semaphore_mem>>) src(%dma_wait3A_171 : memref<80x128xf32, #tpu.memory_space<vmem_shared>>) dst(%dma_wait3A_169 : memref<80x128xf32, #tpu.memory_space<hbm>>)
      tpu.yield
    }) : () -> ()
    %add3A_132 = arith.constant 320 : i32
    %add3A_133 = arith.addi %mul3A_0, %add3A_132 : i32
    %mul3A_134 = arith.constant 10240 : i32
    %mul3A_135 = arith.muli %arg0, %mul3A_134 : i32
    %add3A_136 = arith.addi %mul3A_135, %mul3A_0 : i32
    %add3A_137 = arith.constant 320 : i32
    %add3A_138 = arith.addi %add3A_136, %add3A_137 : i32
    "tpu.region"() ({
      %run_scoped3A_163 = tpu.sem_alloc : memref<!tpu.dma_semaphore, #tpu.memory_space<semaphore_mem>>
      %dma_start3A_164 = arith.constant 0 : i32
      %dma_start3A_165 = tpu.memref_slice %arg6[%add3A_138, %dma_start3A_164] : memref<20480x128xf32, #tpu.memory_space<hbm>> -> memref<80x128xf32, #tpu.memory_space<hbm>>
      %dma_start3A_166 = arith.constant 0 : i32
      %dma_start3A_167 = tpu.memref_slice %arg16[%add3A_133, %dma_start3A_166] : memref<10240x128xf32, #tpu.memory_space<vmem_shared>> -> memref<80x128xf32, #tpu.memory_space<vmem_shared>>
      tpu.enqueue_dma source(%dma_start3A_167 : memref<80x128xf32, #tpu.memory_space<vmem_shared>>) target(%dma_start3A_165 : memref<80x128xf32, #tpu.memory_space<hbm>>) target_semaphore(%run_scoped3A_163 : memref<!tpu.dma_semaphore, #tpu.memory_space<semaphore_mem>>)
      %dma_wait3A_168 = arith.constant 0 : i32
      %dma_wait3A_169 = tpu.memref_slice %arg6[%add3A_138, %dma_wait3A_168] : memref<20480x128xf32, #tpu.memory_space<hbm>> -> memref<80x128xf32, #tpu.memory_space<hbm>>
      %dma_wait3A_170 = arith.constant 0 : i32
      %dma_wait3A_171 = tpu.memref_slice %arg16[%add3A_133, %dma_wait3A_170] : memref<10240x128xf32, #tpu.memory_space<vmem_shared>> -> memref<80x128xf32, #tpu.memory_space<vmem_shared>>
      tpu.wait_dma2 semaphore(%run_scoped3A_163 : memref<!tpu.dma_semaphore, #tpu.memory_space<semaphore_mem>>) src(%dma_wait3A_171 : memref<80x128xf32, #tpu.memory_space<vmem_shared>>) dst(%dma_wait3A_169 : memref<80x128xf32, #tpu.memory_space<hbm>>)
      tpu.yield
    }) : () -> ()
    %add3A_139 = arith.constant 400 : i32
    %add3A_140 = arith.addi %mul3A_0, %add3A_139 : i32
    %mul3A_141 = arith.constant 10240 : i32
    %mul3A_142 = arith.muli %arg0, %mul3A_141 : i32
    %add3A_143 = arith.addi %mul3A_142, %mul3A_0 : i32
    %add3A_144 = arith.constant 400 : i32
    %add3A_145 = arith.addi %add3A_143, %add3A_144 : i32
    "tpu.region"() ({
      %run_scoped3A_163 = tpu.sem_alloc : memref<!tpu.dma_semaphore, #tpu.memory_space<semaphore_mem>>
      %dma_start3A_164 = arith.constant 0 : i32
      %dma_start3A_165 = tpu.memref_slice %arg6[%add3A_145, %dma_start3A_164] : memref<20480x128xf32, #tpu.memory_space<hbm>> -> memref<80x128xf32, #tpu.memory_space<hbm>>
      %dma_start3A_166 = arith.constant 0 : i32
      %dma_start3A_167 = tpu.memref_slice %arg16[%add3A_140, %dma_start3A_166] : memref<10240x128xf32, #tpu.memory_space<vmem_shared>> -> memref<80x128xf32, #tpu.memory_space<vmem_shared>>
      tpu.enqueue_dma source(%dma_start3A_167 : memref<80x128xf32, #tpu.memory_space<vmem_shared>>) target(%dma_start3A_165 : memref<80x128xf32, #tpu.memory_space<hbm>>) target_semaphore(%run_scoped3A_163 : memref<!tpu.dma_semaphore, #tpu.memory_space<semaphore_mem>>)
      %dma_wait3A_168 = arith.constant 0 : i32
      %dma_wait3A_169 = tpu.memref_slice %arg6[%add3A_145, %dma_wait3A_168] : memref<20480x128xf32, #tpu.memory_space<hbm>> -> memref<80x128xf32, #tpu.memory_space<hbm>>
      %dma_wait3A_170 = arith.constant 0 : i32
      %dma_wait3A_171 = tpu.memref_slice %arg16[%add3A_140, %dma_wait3A_170] : memref<10240x128xf32, #tpu.memory_space<vmem_shared>> -> memref<80x128xf32, #tpu.memory_space<vmem_shared>>
      tpu.wait_dma2 semaphore(%run_scoped3A_163 : memref<!tpu.dma_semaphore, #tpu.memory_space<semaphore_mem>>) src(%dma_wait3A_171 : memref<80x128xf32, #tpu.memory_space<vmem_shared>>) dst(%dma_wait3A_169 : memref<80x128xf32, #tpu.memory_space<hbm>>)
      tpu.yield
    }) : () -> ()
    %add3A_146 = arith.constant 480 : i32
    %add3A_147 = arith.addi %mul3A_0, %add3A_146 : i32
    %mul3A_148 = arith.constant 10240 : i32
    %mul3A_149 = arith.muli %arg0, %mul3A_148 : i32
    %add3A_150 = arith.addi %mul3A_149, %mul3A_0 : i32
    %add3A_151 = arith.constant 480 : i32
    %add3A_152 = arith.addi %add3A_150, %add3A_151 : i32
    "tpu.region"() ({
      %run_scoped3A_163 = tpu.sem_alloc : memref<!tpu.dma_semaphore, #tpu.memory_space<semaphore_mem>>
      %dma_start3A_164 = arith.constant 0 : i32
      %dma_start3A_165 = tpu.memref_slice %arg6[%add3A_152, %dma_start3A_164] : memref<20480x128xf32, #tpu.memory_space<hbm>> -> memref<80x128xf32, #tpu.memory_space<hbm>>
      %dma_start3A_166 = arith.constant 0 : i32
      %dma_start3A_167 = tpu.memref_slice %arg16[%add3A_147, %dma_start3A_166] : memref<10240x128xf32, #tpu.memory_space<vmem_shared>> -> memref<80x128xf32, #tpu.memory_space<vmem_shared>>
      tpu.enqueue_dma source(%dma_start3A_167 : memref<80x128xf32, #tpu.memory_space<vmem_shared>>) target(%dma_start3A_165 : memref<80x128xf32, #tpu.memory_space<hbm>>) target_semaphore(%run_scoped3A_163 : memref<!tpu.dma_semaphore, #tpu.memory_space<semaphore_mem>>)
      %dma_wait3A_168 = arith.constant 0 : i32
      %dma_wait3A_169 = tpu.memref_slice %arg6[%add3A_152, %dma_wait3A_168] : memref<20480x128xf32, #tpu.memory_space<hbm>> -> memref<80x128xf32, #tpu.memory_space<hbm>>
      %dma_wait3A_170 = arith.constant 0 : i32
      %dma_wait3A_171 = tpu.memref_slice %arg16[%add3A_147, %dma_wait3A_170] : memref<10240x128xf32, #tpu.memory_space<vmem_shared>> -> memref<80x128xf32, #tpu.memory_space<vmem_shared>>
      tpu.wait_dma2 semaphore(%run_scoped3A_163 : memref<!tpu.dma_semaphore, #tpu.memory_space<semaphore_mem>>) src(%dma_wait3A_171 : memref<80x128xf32, #tpu.memory_space<vmem_shared>>) dst(%dma_wait3A_169 : memref<80x128xf32, #tpu.memory_space<hbm>>)
      tpu.yield
    }) : () -> ()
    %add3A_153 = arith.constant 560 : i32
    %add3A_154 = arith.addi %mul3A_0, %add3A_153 : i32
    %mul3A_155 = arith.constant 10240 : i32
    %mul3A_156 = arith.muli %arg0, %mul3A_155 : i32
    %add3A_157 = arith.addi %mul3A_156, %mul3A_0 : i32
    %add3A_158 = arith.constant 560 : i32
    %add3A_159 = arith.addi %add3A_157, %add3A_158 : i32
    "tpu.region"() ({
      %run_scoped3A_163 = tpu.sem_alloc : memref<!tpu.dma_semaphore, #tpu.memory_space<semaphore_mem>>
      %dma_start3A_164 = arith.constant 0 : i32
      %dma_start3A_165 = tpu.memref_slice %arg6[%add3A_159, %dma_start3A_164] : memref<20480x128xf32, #tpu.memory_space<hbm>> -> memref<80x128xf32, #tpu.memory_space<hbm>>
      %dma_start3A_166 = arith.constant 0 : i32
      %dma_start3A_167 = tpu.memref_slice %arg16[%add3A_154, %dma_start3A_166] : memref<10240x128xf32, #tpu.memory_space<vmem_shared>> -> memref<80x128xf32, #tpu.memory_space<vmem_shared>>
      tpu.enqueue_dma source(%dma_start3A_167 : memref<80x128xf32, #tpu.memory_space<vmem_shared>>) target(%dma_start3A_165 : memref<80x128xf32, #tpu.memory_space<hbm>>) target_semaphore(%run_scoped3A_163 : memref<!tpu.dma_semaphore, #tpu.memory_space<semaphore_mem>>)
      %dma_wait3A_168 = arith.constant 0 : i32
      %dma_wait3A_169 = tpu.memref_slice %arg6[%add3A_159, %dma_wait3A_168] : memref<20480x128xf32, #tpu.memory_space<hbm>> -> memref<80x128xf32, #tpu.memory_space<hbm>>
      %dma_wait3A_170 = arith.constant 0 : i32
      %dma_wait3A_171 = tpu.memref_slice %arg16[%add3A_154, %dma_wait3A_170] : memref<10240x128xf32, #tpu.memory_space<vmem_shared>> -> memref<80x128xf32, #tpu.memory_space<vmem_shared>>
      tpu.wait_dma2 semaphore(%run_scoped3A_163 : memref<!tpu.dma_semaphore, #tpu.memory_space<semaphore_mem>>) src(%dma_wait3A_171 : memref<80x128xf32, #tpu.memory_space<vmem_shared>>) dst(%dma_wait3A_169 : memref<80x128xf32, #tpu.memory_space<hbm>>)
      tpu.yield
    }) : () -> ()
    %mul3A_160 = arith.constant 10240 : i32
    %mul3A_161 = arith.muli %arg0, %mul3A_160 : i32
    %add3A_162 = arith.addi %mul3A_161, %mul3A_0 : i32
    "tpu.region"() ({
      %run_scoped3A_163 = tpu.sem_alloc : memref<!tpu.dma_semaphore, #tpu.memory_space<semaphore_mem>>
      %dma_start3A_164 = tpu.memref_slice %arg7[%add3A_162] : memref<20480xf32, #tpu.memory_space<hbm>> -> memref<640xf32, #tpu.memory_space<hbm>>
      %dma_start3A_165 = tpu.memref_slice %arg17[%mul3A_0] : memref<10240xf32, #tpu.memory_space<vmem_shared>> -> memref<640xf32, #tpu.memory_space<vmem_shared>>
      tpu.enqueue_dma source(%dma_start3A_165 : memref<640xf32, #tpu.memory_space<vmem_shared>>) target(%dma_start3A_164 : memref<640xf32, #tpu.memory_space<hbm>>) target_semaphore(%run_scoped3A_163 : memref<!tpu.dma_semaphore, #tpu.memory_space<semaphore_mem>>)
      %dma_wait3A_166 = tpu.memref_slice %arg7[%add3A_162] : memref<20480xf32, #tpu.memory_space<hbm>> -> memref<640xf32, #tpu.memory_space<hbm>>
      %dma_wait3A_167 = tpu.memref_slice %arg17[%mul3A_0] : memref<10240xf32, #tpu.memory_space<vmem_shared>> -> memref<640xf32, #tpu.memory_space<vmem_shared>>
      tpu.wait_dma2 semaphore(%run_scoped3A_163 : memref<!tpu.dma_semaphore, #tpu.memory_space<semaphore_mem>>) src(%dma_wait3A_167 : memref<640xf32, #tpu.memory_space<vmem_shared>>) dst(%dma_wait3A_166 : memref<640xf32, #tpu.memory_space<hbm>>)
      tpu.yield
    }) : () -> ()
    return
  }
}

module attributes {stable_mosaic.version = 14 : i64} {
  func.func @_ea_body(%arg0: i32, %arg1: memref<2000x16xf32, #tpu.memory_space<vmem>>, %arg2: memref<16x128xf32, #tpu.memory_space<vmem>>, %arg3: memref<2000x128xf32, #tpu.memory_space<vmem>>) attributes {dimension_semantics = [#tpu.dimension_semantics<arbitrary>], iteration_bounds = array<i64: 160>, scalar_prefetch = 0 : i64, scratch_operands = 0 : i64, tpu.core_type = #tpu.core_type<tc>, window_params = [{transform_indices = @transform_0, window_bounds = array<i64: 2000, 16>}, {pipeline_mode = #tpu.pipeline_mode<synchronous>, transform_indices = @transform_1, window_bounds = array<i64: 16, 128>}, {transform_indices = @transform_2, window_bounds = array<i64: 2000, 128>}]} {
    %get3A = arith.constant 0 : index
    %get3A_0 = arith.constant 0 : index
    %get3A_1 = vector.load %arg1[%get3A, %get3A_0] : memref<2000x16xf32, #tpu.memory_space<vmem>>, vector<2000x16xf32>
    %get3A_2 = arith.constant 0 : index
    %get3A_3 = arith.constant 0 : index
    %get3A_4 = vector.load %arg2[%get3A_2, %get3A_3] : memref<16x128xf32, #tpu.memory_space<vmem>>, vector<16x128xf32>
    %dot_general3A = arith.constant dense<0.000000e+00> : vector<2000x128xf32>
    %dot_general3A_5 = tpu.matmul %get3A_1, %get3A_4, %dot_general3A {dimension_numbers = #tpu.dot_dimension_numbers<[1], [0], [0], [1], [0, 0, 1, 1], [], []>, precision = #tpu.contract_precision<fp32>, transpose_lhs_hint = false} : vector<2000x16xf32>, vector<16x128xf32>, vector<2000x128xf32> -> vector<2000x128xf32>
    %swap3A = arith.constant 0 : index
    %swap3A_6 = arith.constant 0 : index
    %swap3A_7 = vector.load %arg3[%swap3A, %swap3A_6] : memref<2000x128xf32, #tpu.memory_space<vmem>>, vector<2000x128xf32>
    tpu.vector_store %arg3[%swap3A, %swap3A_6], %dot_general3A_5 {strides = array<i32>} : memref<2000x128xf32, #tpu.memory_space<vmem>>, vector<2000x128xf32>,
    return
  }
  func.func @transform_0(%arg0: i32) -> (i32, i32) {
    %c0_i32 = arith.constant 0 : i32
    %c0_i32_0 = arith.constant 0 : i32
    return %arg0, %c0_i32 : i32, i32
  }
  func.func @transform_1(%arg0: i32) -> (i32, i32) {
    %c0_i32 = arith.constant 0 : i32
    %c0_i32_0 = arith.constant 0 : i32
    %c0_i32_1 = arith.constant 0 : i32
    return %c0_i32, %c0_i32_0 : i32, i32
  }
  func.func @transform_2(%arg0: i32) -> (i32, i32) {
    %c0_i32 = arith.constant 0 : i32
    %c0_i32_0 = arith.constant 0 : i32
    return %arg0, %c0_i32 : i32, i32
  }
}

module attributes {stable_mosaic.version = 14 : i64} {
  func.func @_wr_body(%arg0: i32, %arg1: memref<1024x128xf32, #tpu.memory_space<vmem>>, %arg2: memref<128x128xf32, #tpu.memory_space<vmem>>, %arg3: memref<1x128xf32, #tpu.memory_space<vmem>>, %arg4: memref<1024x128xf32, #tpu.memory_space<vmem>>) attributes {dimension_semantics = [#tpu.dimension_semantics<arbitrary>], iteration_bounds = array<i64: 10>, scalar_prefetch = 0 : i64, scratch_operands = 0 : i64, tpu.core_type = #tpu.core_type<tc>, window_params = [{transform_indices = @transform_0, window_bounds = array<i64: 1024, 128>}, {pipeline_mode = #tpu.pipeline_mode<synchronous>, transform_indices = @transform_1, window_bounds = array<i64: 128, 128>}, {pipeline_mode = #tpu.pipeline_mode<synchronous>, transform_indices = @transform_2, window_bounds = array<i64: 1, 128>}, {transform_indices = @transform_3, window_bounds = array<i64: 1024, 128>}]} {
    %get3A = arith.constant 0 : index
    %get3A_0 = arith.constant 0 : index
    %get3A_1 = vector.load %arg1[%get3A, %get3A_0] : memref<1024x128xf32, #tpu.memory_space<vmem>>, vector<1024x128xf32>
    %get3A_2 = arith.constant 0 : index
    %get3A_3 = arith.constant 0 : index
    %get3A_4 = vector.load %arg2[%get3A_2, %get3A_3] : memref<128x128xf32, #tpu.memory_space<vmem>>, vector<128x128xf32>
    %dot_general3A = arith.constant dense<0.000000e+00> : vector<1024x128xf32>
    %dot_general3A_5 = tpu.matmul %get3A_1, %get3A_4, %dot_general3A {dimension_numbers = #tpu.dot_dimension_numbers<[1], [1], [0], [0], [0, 0, 1, 0], [], []>, precision = #tpu.contract_precision<fp32>, transpose_lhs_hint = false} : vector<1024x128xf32>, vector<128x128xf32>, vector<1024x128xf32> -> vector<1024x128xf32>
    %get3A_6 = arith.constant 0 : index
    %get3A_7 = arith.constant 0 : index
    %get3A_8 = vector.load %arg3[%get3A_6, %get3A_7] : memref<1x128xf32, #tpu.memory_space<vmem>>, vector<1x128xf32>
    %add3A = vector.broadcast %get3A_8 : vector<1x128xf32> to vector<1024x128xf32>
    %add3A_9 = arith.addf %dot_general3A_5, %add3A : vector<1024x128xf32>
    %swap3A = arith.constant 0 : index
    %swap3A_10 = arith.constant 0 : index
    %swap3A_11 = vector.load %arg4[%swap3A, %swap3A_10] : memref<1024x128xf32, #tpu.memory_space<vmem>>, vector<1024x128xf32>
    tpu.vector_store %arg4[%swap3A, %swap3A_10], %add3A_9 {strides = array<i32>} : memref<1024x128xf32, #tpu.memory_space<vmem>>, vector<1024x128xf32>,
    return
  }
  func.func @transform_0(%arg0: i32) -> (i32, i32) {
    %c0_i32 = arith.constant 0 : i32
    %c0_i32_0 = arith.constant 0 : i32
    return %arg0, %c0_i32 : i32, i32
  }
  func.func @transform_1(%arg0: i32) -> (i32, i32) {
    %c0_i32 = arith.constant 0 : i32
    %c0_i32_0 = arith.constant 0 : i32
    %c0_i32_1 = arith.constant 0 : i32
    return %c0_i32, %c0_i32_0 : i32, i32
  }
  func.func @transform_2(%arg0: i32) -> (i32, i32) {
    %c0_i32 = arith.constant 0 : i32
    %c0_i32_0 = arith.constant 0 : i32
    %c0_i32_1 = arith.constant 0 : i32
    return %c0_i32, %c0_i32_0 : i32, i32
  }
  func.func @transform_3(%arg0: i32) -> (i32, i32) {
    %c0_i32 = arith.constant 0 : i32
    %c0_i32_0 = arith.constant 0 : i32
    return %arg0, %c0_i32 : i32, i32
  }
}

module attributes {stable_mosaic.version = 14 : i64} {
  func.func @_comb_body(%arg0: i32, %arg1: memref<1024x128xf32, #tpu.memory_space<vmem>>, %arg2: memref<1024x128xf32, #tpu.memory_space<vmem>>, %arg3: memref<1024x1xf32, #tpu.memory_space<vmem>>, %arg4: memref<1024x1xf32, #tpu.memory_space<vmem>>, %arg5: memref<1024x128xf32, #tpu.memory_space<vmem>>, %arg6: memref<128x128xf32, #tpu.memory_space<vmem>>, %arg7: memref<1024x128xf32, #tpu.memory_space<vmem>>) attributes {dimension_semantics = [#tpu.dimension_semantics<arbitrary>], iteration_bounds = array<i64: 10>, scalar_prefetch = 0 : i64, scratch_operands = 0 : i64, tpu.core_type = #tpu.core_type<tc>, window_params = [{transform_indices = @transform_0, window_bounds = array<i64: 1024, 128>}, {transform_indices = @transform_1, window_bounds = array<i64: 1024, 128>}, {transform_indices = @transform_2, window_bounds = array<i64: 1024, 1>}, {transform_indices = @transform_3, window_bounds = array<i64: 1024, 1>}, {transform_indices = @transform_4, window_bounds = array<i64: 1024, 128>}, {pipeline_mode = #tpu.pipeline_mode<synchronous>, transform_indices = @transform_5, window_bounds = array<i64: 128, 128>}, {transform_indices = @transform_6, window_bounds = array<i64: 1024, 128>}]} {
    %get3A = arith.constant 0 : index
    %get3A_0 = arith.constant 0 : index
    %get3A_1 = vector.load %arg3[%get3A, %get3A_0] : memref<1024x1xf32, #tpu.memory_space<vmem>>, vector<1024x1xf32>
    %get3A_2 = arith.constant 0 : index
    %get3A_3 = arith.constant 0 : index
    %get3A_4 = vector.load %arg4[%get3A_2, %get3A_3] : memref<1024x1xf32, #tpu.memory_space<vmem>>, vector<1024x1xf32>
    %add3A = arith.addf %get3A_1, %get3A_4 : vector<1024x1xf32>
    %max3A = arith.constant 1.000000e+00 : f32
    %max3A_5 = vector.broadcast %max3A : f32 to vector<1024x1xf32>
    %max3A_6 = arith.maximumf %add3A, %max3A_5 : vector<1024x1xf32>
    %div3A = arith.constant 1.000000e+00 : f32
    %div3A_7 = vector.broadcast %div3A : f32 to vector<1024x1xf32>
    %div3A_8 = arith.divf %div3A_7, %max3A_6 : vector<1024x1xf32>
    %get3A_9 = arith.constant 0 : index
    %get3A_10 = arith.constant 0 : index
    %get3A_11 = vector.load %arg1[%get3A_9, %get3A_10] : memref<1024x128xf32, #tpu.memory_space<vmem>>, vector<1024x128xf32>
    %get3A_12 = arith.constant 0 : index
    %get3A_13 = arith.constant 0 : index
    %get3A_14 = vector.load %arg2[%get3A_12, %get3A_13] : memref<1024x128xf32, #tpu.memory_space<vmem>>, vector<1024x128xf32>
    %add3A_15 = arith.addf %get3A_11, %get3A_14 : vector<1024x128xf32>
    %mul3A = vector.broadcast %div3A_8 : vector<1024x1xf32> to vector<1024x128xf32>
    %mul3A_16 = arith.mulf %add3A_15, %mul3A : vector<1024x128xf32>
    %get3A_17 = arith.constant 0 : index
    %get3A_18 = arith.constant 0 : index
    %get3A_19 = vector.load %arg6[%get3A_17, %get3A_18] : memref<128x128xf32, #tpu.memory_space<vmem>>, vector<128x128xf32>
    %dot_general3A = arith.constant dense<0.000000e+00> : vector<1024x128xf32>
    %dot_general3A_20 = tpu.matmul %mul3A_16, %get3A_19, %dot_general3A {dimension_numbers = #tpu.dot_dimension_numbers<[1], [1], [0], [0], [0, 0, 1, 0], [], []>, precision = #tpu.contract_precision<fp32>, transpose_lhs_hint = false} : vector<1024x128xf32>, vector<128x128xf32>, vector<1024x128xf32> -> vector<1024x128xf32>
    %get3A_21 = arith.constant 0 : index
    %get3A_22 = arith.constant 0 : index
    %get3A_23 = vector.load %arg5[%get3A_21, %get3A_22] : memref<1024x128xf32, #tpu.memory_space<vmem>>, vector<1024x128xf32>
    %add3A_24 = arith.addf %dot_general3A_20, %get3A_23 : vector<1024x128xf32>
    %max3A_25 = arith.constant 0.000000e+00 : f32
    %max3A_26 = vector.broadcast %max3A_25 : f32 to vector<1024x128xf32>
    %max3A_27 = arith.maximumf %add3A_24, %max3A_26 : vector<1024x128xf32>
    %swap3A = arith.constant 0 : index
    %swap3A_28 = arith.constant 0 : index
    %swap3A_29 = vector.load %arg7[%swap3A, %swap3A_28] : memref<1024x128xf32, #tpu.memory_space<vmem>>, vector<1024x128xf32>
    tpu.vector_store %arg7[%swap3A, %swap3A_28], %max3A_27 {strides = array<i32>} : memref<1024x128xf32, #tpu.memory_space<vmem>>, vector<1024x128xf32>,
    return
  }
  func.func @transform_0(%arg0: i32) -> (i32, i32) {
    %c0_i32 = arith.constant 0 : i32
    %c0_i32_0 = arith.constant 0 : i32
    return %arg0, %c0_i32 : i32, i32
  }
  func.func @transform_1(%arg0: i32) -> (i32, i32) {
    %add3A = arith.constant 10 : i32
    %add3A_0 = arith.addi %arg0, %add3A : i32
    %c0_i32 = arith.constant 0 : i32
    %c0_i32_1 = arith.constant 0 : i32
    return %add3A_0, %c0_i32 : i32, i32
  }
  func.func @transform_2(%arg0: i32) -> (i32, i32) {
    %c0_i32 = arith.constant 0 : i32
    %c0_i32_0 = arith.constant 0 : i32
    return %arg0, %c0_i32 : i32, i32
  }
  func.func @transform_3(%arg0: i32) -> (i32, i32) {
    %add3A = arith.constant 10 : i32
    %add3A_0 = arith.addi %arg0, %add3A : i32
    %c0_i32 = arith.constant 0 : i32
    %c0_i32_1 = arith.constant 0 : i32
    return %add3A_0, %c0_i32 : i32, i32
  }
  func.func @transform_4(%arg0: i32) -> (i32, i32) {
    %c0_i32 = arith.constant 0 : i32
    %c0_i32_0 = arith.constant 0 : i32
    return %arg0, %c0_i32 : i32, i32
  }
  func.func @transform_5(%arg0: i32) -> (i32, i32) {
    %c0_i32 = arith.constant 0 : i32
    %c0_i32_0 = arith.constant 0 : i32
    %c0_i32_1 = arith.constant 0 : i32
    return %c0_i32, %c0_i32_0 : i32, i32
  }
  func.func @transform_6(%arg0: i32) -> (i32, i32) {
    %c0_i32 = arith.constant 0 : i32
    %c0_i32_0 = arith.constant 0 : i32
    return %arg0, %c0_i32 : i32, i32
  }
}

module attributes {stable_mosaic.version = 14 : i64} {
  func.func @_comb_body(%arg0: i32, %arg1: memref<1024x128xf32, #tpu.memory_space<vmem>>, %arg2: memref<1024x128xf32, #tpu.memory_space<vmem>>, %arg3: memref<1024x1xf32, #tpu.memory_space<vmem>>, %arg4: memref<1024x1xf32, #tpu.memory_space<vmem>>, %arg5: memref<1024x128xf32, #tpu.memory_space<vmem>>, %arg6: memref<128x128xf32, #tpu.memory_space<vmem>>, %arg7: memref<1024x128xf32, #tpu.memory_space<vmem>>) attributes {dimension_semantics = [#tpu.dimension_semantics<arbitrary>], iteration_bounds = array<i64: 10>, scalar_prefetch = 0 : i64, scratch_operands = 0 : i64, tpu.core_type = #tpu.core_type<tc>, window_params = [{transform_indices = @transform_0, window_bounds = array<i64: 1024, 128>}, {transform_indices = @transform_1, window_bounds = array<i64: 1024, 128>}, {transform_indices = @transform_2, window_bounds = array<i64: 1024, 1>}, {transform_indices = @transform_3, window_bounds = array<i64: 1024, 1>}, {transform_indices = @transform_4, window_bounds = array<i64: 1024, 128>}, {pipeline_mode = #tpu.pipeline_mode<synchronous>, transform_indices = @transform_5, window_bounds = array<i64: 128, 128>}, {transform_indices = @transform_6, window_bounds = array<i64: 1024, 128>}]} {
    %get3A = arith.constant 0 : index
    %get3A_0 = arith.constant 0 : index
    %get3A_1 = vector.load %arg3[%get3A, %get3A_0] : memref<1024x1xf32, #tpu.memory_space<vmem>>, vector<1024x1xf32>
    %get3A_2 = arith.constant 0 : index
    %get3A_3 = arith.constant 0 : index
    %get3A_4 = vector.load %arg4[%get3A_2, %get3A_3] : memref<1024x1xf32, #tpu.memory_space<vmem>>, vector<1024x1xf32>
    %add3A = arith.addf %get3A_1, %get3A_4 : vector<1024x1xf32>
    %max3A = arith.constant 1.000000e+00 : f32
    %max3A_5 = vector.broadcast %max3A : f32 to vector<1024x1xf32>
    %max3A_6 = arith.maximumf %add3A, %max3A_5 : vector<1024x1xf32>
    %div3A = arith.constant 1.000000e+00 : f32
    %div3A_7 = vector.broadcast %div3A : f32 to vector<1024x1xf32>
    %div3A_8 = arith.divf %div3A_7, %max3A_6 : vector<1024x1xf32>
    %get3A_9 = arith.constant 0 : index
    %get3A_10 = arith.constant 0 : index
    %get3A_11 = vector.load %arg1[%get3A_9, %get3A_10] : memref<1024x128xf32, #tpu.memory_space<vmem>>, vector<1024x128xf32>
    %get3A_12 = arith.constant 0 : index
    %get3A_13 = arith.constant 0 : index
    %get3A_14 = vector.load %arg2[%get3A_12, %get3A_13] : memref<1024x128xf32, #tpu.memory_space<vmem>>, vector<1024x128xf32>
    %add3A_15 = arith.addf %get3A_11, %get3A_14 : vector<1024x128xf32>
    %mul3A = vector.broadcast %div3A_8 : vector<1024x1xf32> to vector<1024x128xf32>
    %mul3A_16 = arith.mulf %add3A_15, %mul3A : vector<1024x128xf32>
    %get3A_17 = arith.constant 0 : index
    %get3A_18 = arith.constant 0 : index
    %get3A_19 = vector.load %arg6[%get3A_17, %get3A_18] : memref<128x128xf32, #tpu.memory_space<vmem>>, vector<128x128xf32>
    %dot_general3A = arith.constant dense<0.000000e+00> : vector<1024x128xf32>
    %dot_general3A_20 = tpu.matmul %mul3A_16, %get3A_19, %dot_general3A {dimension_numbers = #tpu.dot_dimension_numbers<[1], [1], [0], [0], [0, 0, 1, 0], [], []>, precision = #tpu.contract_precision<fp32>, transpose_lhs_hint = false} : vector<1024x128xf32>, vector<128x128xf32>, vector<1024x128xf32> -> vector<1024x128xf32>
    %get3A_21 = arith.constant 0 : index
    %get3A_22 = arith.constant 0 : index
    %get3A_23 = vector.load %arg5[%get3A_21, %get3A_22] : memref<1024x128xf32, #tpu.memory_space<vmem>>, vector<1024x128xf32>
    %add3A_24 = arith.addf %dot_general3A_20, %get3A_23 : vector<1024x128xf32>
    %swap3A = arith.constant 0 : index
    %swap3A_25 = arith.constant 0 : index
    %swap3A_26 = vector.load %arg7[%swap3A, %swap3A_25] : memref<1024x128xf32, #tpu.memory_space<vmem>>, vector<1024x128xf32>
    tpu.vector_store %arg7[%swap3A, %swap3A_25], %add3A_24 {strides = array<i32>} : memref<1024x128xf32, #tpu.memory_space<vmem>>, vector<1024x128xf32>,
    return
  }
  func.func @transform_0(%arg0: i32) -> (i32, i32) {
    %c0_i32 = arith.constant 0 : i32
    %c0_i32_0 = arith.constant 0 : i32
    return %arg0, %c0_i32 : i32, i32
  }
  func.func @transform_1(%arg0: i32) -> (i32, i32) {
    %add3A = arith.constant 10 : i32
    %add3A_0 = arith.addi %arg0, %add3A : i32
    %c0_i32 = arith.constant 0 : i32
    %c0_i32_1 = arith.constant 0 : i32
    return %add3A_0, %c0_i32 : i32, i32
  }
  func.func @transform_2(%arg0: i32) -> (i32, i32) {
    %c0_i32 = arith.constant 0 : i32
    %c0_i32_0 = arith.constant 0 : i32
    return %arg0, %c0_i32 : i32, i32
  }
  func.func @transform_3(%arg0: i32) -> (i32, i32) {
    %add3A = arith.constant 10 : i32
    %add3A_0 = arith.addi %arg0, %add3A : i32
    %c0_i32 = arith.constant 0 : i32
    %c0_i32_1 = arith.constant 0 : i32
    return %add3A_0, %c0_i32 : i32, i32
  }
  func.func @transform_4(%arg0: i32) -> (i32, i32) {
    %c0_i32 = arith.constant 0 : i32
    %c0_i32_0 = arith.constant 0 : i32
    return %arg0, %c0_i32 : i32, i32
  }
  func.func @transform_5(%arg0: i32) -> (i32, i32) {
    %c0_i32 = arith.constant 0 : i32
    %c0_i32_0 = arith.constant 0 : i32
    %c0_i32_1 = arith.constant 0 : i32
    return %c0_i32, %c0_i32_0 : i32, i32
  }
  func.func @transform_6(%arg0: i32) -> (i32, i32) {
    %c0_i32 = arith.constant 0 : i32
    %c0_i32_0 = arith.constant 0 : i32
    return %arg0, %c0_i32 : i32, i32
  }
}

</mosaic_0001>

<sc_bundles>
// kernel: kernel.12.cloned.1.call-start
scs
__scs_entry_jumppad:
0x0: {  	(pc) =	sbr.rel $0x88, $3  }
0x1: {  	(tag) =	ssettag $0x0;
	lr =	simm.s32 $0x1  }
0x2: {  	[smem:$0x3F94] =	sst lr;
	_ =	strace $0xD0000000  }
0x3: {  	_ = 	snop  }
0x4: {  	_ = 	snop  }
0x5: {  	_ = 	snop  }
0x6: {  	_ = 	snop  }
0x7: {  	_ = 	snop  }
__scs_overlays_trampoline_lowered:
0x8: {  	[smem:$0x3FA3] =	sst s0  }
0x9: {  	[smem:$0x3FA4] =	sst s1  }
0xa: {  	[smem:$0x3FA5] =	sst s2  }
0xb: {  	[smem:$0x3FA6] =	sst s3  }
0xc: {  	[smem:$0x3FA7] =	sst s4  }
0xd: {  	[smem:$0x3FA8] =	sst s5  }
0xe: {  	[smem:$0x3FA9] =	sst s6  }
0xf: {  	[smem:$0x3FAA] =	sst s7  }
0x10: {  	[smem:$0x3FAB] =	sst s8  }
0x11: {  	[smem:$0x3FAC] =	sst s9;
	s0 =	simm.s32 @!p0 $0x0  }
0x12: {  	s1 =	sld [smem:$0x3F92];
	s0 =	simm.s32 @p0 $0x1  }
0x13: {  	[smem:$0x3FAD] =	sst s0;
	s0 =	simm.s32 @!p1 $0x0  }
0x14: {  	s2 =	sld [smem:$0x3F91];
	s0 =	simm.s32 @p1 $0x1  }
0x15: {  	[smem:$0x3FAE] =	sst s0;
	s0 =	simm.s32 @!p2 $0x0  }
0x16: {  	s3 =	sld [smem:$0x3FDB];
	s0 =	simm.s32 @p2 $0x1  }
0x17: {  	s4 =	simm.s32 $0x1BF5;
	[smem:$0x3FB0] =	sst s0  }
0x18: {  	s0 =	sld [smem:$0x3F93];
	_ =	swait.ge [sflag:s4], $0x0  }
0x19: {  	s7 =	sld [smem:$0x3F94]  }
0x1a: {  	s8 =	sadd.s32 $0xFFFFE003, lr  }
0x1b: {  	s9 =	sadd.s32 $0xFFFFFEF7, lr;
	s5 =	simm.s32 $0xFFFFFFFF;
	p2 =	slt.u32 s8, $0xFFFFF086  }
0x1c: {  	p1 =	slt.u32 s9, $0xF7A;
	s5 =	simm.s32 @!p2 $0x0  }
0x1d: {  	s5 =	simm.s32 @p1 $0x1;
	p0 =	seq.s32 s7, s2  }
0x1e: {  	s7 =	smul.u32 @!p0 $0xF7A, s2;
	p2 =	seq.s32 @!p0 s5, $0x0  }
0x1f: {  	s9 =	smul.u32 $0xF7A, s1;
	s8 =	simm.s32 @!p0 $0x1BF5;
	p2 =	por !p2, p0  }
0x20: {  	[sflag:s8] =	ssyncset.s32 @!p0 $0xFFFFF086;
	s6 =	sadd.s32 @!p0 s3, s7;
	s7 =	simm.s32 @!p0 $0x108  }
0x21: {  	s3 =	sadd.s32 s3, s9;
	s6 =	sadd.s32 @!p0 $0x88, s6;
	s7 =	simm.s32 @p2 $0x1082  }
0x22: {  	[simem:s7], [sflag:s8] =	dma.local @!p0 [hbm:s6], $0xF7A  }
0x23: {  	s9 =	sor.u32 $0xD0000000, s2;
	s6 =	simm.s32 $0x108;
	_ =	swait.ge @!p0 [sflag:s8], $0x0  }
0x24: {  	s3 =	sadd.s32 $0x88, s3;
	s6 =	simm.s32 @!p1 $0x1082;
	[sflag:s4] =	ssyncset.s32 $0xFFFFF086  }
0x25: {  	[simem:s6], [sflag:s4] =	dma.local [hbm:s3], $0xF7A  }
0x26: {  	[smem:$0x3F94] =	sst s1;
	(tag) =	ssettag s2;
	_ =	strace s9  }
0x27: {  	s1 =	sld [smem:$0x3FA4]  }
0x28: {  	s2 =	sld [smem:$0x3FA5]  }
0x29: {  	s4 =	sld [smem:$0x3FA7]  }
0x2a: {  	p0 =	seq.s32 s5, $0x0;
	s5 =	sld [smem:$0x3FA8]  }
0x2b: {  	s6 =	sld [smem:$0x3FA9]  }
0x2c: {  	s7 =	sld [smem:$0x3FAA]  }
0x2d: {  	s3 =	simm.s32 $0x108;
	s8 =	sld [smem:$0x3FAB]  }
0x2e: {  	s3 =	simm.s32 @!p0 $0x1082;
	s9 =	sld [smem:$0x3FAC]  }
0x2f: {  	lr =	sadd.s32 s0, s3;
	s0 =	sld [smem:$0x3FA3]  }
0x30: {  	s3 =	sld [smem:$0x3FA6]  }
0x31: {  	[smem:$0x3FAF] =	sst s10  }
0x32: {  	s10 =	sld [smem:$0x3FAD];
	_ =	sdelay $0x3  }
0x33: {  	p0 =	seq.s32 s10, $0x1;
	s10 =	sld [smem:$0x3FAF];
	_ =	sdelay $0x3  }
0x34: {  	[smem:$0x3FAF] =	sst s10  }
0x35: {  	s10 =	sld [smem:$0x3FAE];
	_ =	sdelay $0x3  }
0x36: {  	p1 =	seq.s32 s10, $0x1;
	s10 =	sld [smem:$0x3FAF];
	_ =	sdelay $0x3  }
0x37: {  	[smem:$0x3FAF] =	sst s10  }
0x38: {  	s10 =	sld [smem:$0x3FB0]  }
0x39: {  	_ = 	snop;
	(pc) =	sbr.ind lr, $3  }
0x3a: {  	_ = 	snop  }
0x3b: {  	_ = 	snop  }
0x3c: {  	p2 =	seq.s32 s10, $0x1;
	s10 =	sld [smem:$0x3FAF]  }
0x3d: {  	_ =	shalt  }
0x3e: {  	_ =	shalt  }
0x3f: {  	_ =	shalt  }
0x40: {  	_ =	shalt  }
0x41: {  	_ =	shalt  }
0x42: {  	_ =	shalt  }
0x43: {  	_ =	shalt  }
0x44: {  	_ =	shalt  }
0x45: {  	_ =	shalt  }
0x46: {  	_ =	shalt  }
0x47: {  	_ =	shalt  }
0x48: {  	_ =	shalt  }
0x49: {  	_ =	shalt  }
0x4a: {  	_ =	shalt  }
0x4b: {  	_ =	shalt  }
0x4c: {  	_ =	shalt  }
0x4d: {  	_ =	shalt  }
0x4e: {  	_ =	shalt  }
0x4f: {  	_ =	shalt  }
0x50: {  	_ =	shalt  }
0x51: {  	_ =	shalt  }
0x52: {  	_ =	shalt  }
0x53: {  	_ =	shalt  }
0x54: {  	_ =	shalt  }
0x55: {  	_ =	shalt  }
0x56: {  	_ =	shalt  }
0x57: {  	_ =	shalt  }
0x58: {  	_ =	shalt  }
0x59: {  	_ =	shalt  }
0x5a: {  	_ =	shalt  }
0x5b: {  	_ =	shalt  }
0x5c: {  	_ =	shalt  }
0x5d: {  	_ =	shalt  }
0x5e: {  	_ =	shalt  }
0x5f: {  	_ =	shalt  }
0x60: {  	_ =	shalt  }
0x61: {  	_ =	shalt  }
0x62: {  	_ =	shalt  }
0x63: {  	_ =	shalt  }
0x64: {  	_ =	shalt  }
0x65: {  	_ =	shalt  }
0x66: {  	_ =	shalt  }
0x67: {  	_ =	shalt  }
0x68: {  	_ =	shalt  }
0x69: {  	_ =	shalt  }
0x6a: {  	_ =	shalt  }
0x6b: {  	_ =	shalt  }
0x6c: {  	_ =	shalt  }
0x6d: {  	_ =	shalt  }
0x6e: {  	_ =	shalt  }
0x6f: {  	_ =	shalt  }
0x70: {  	_ =	shalt  }
0x71: {  	_ =	shalt  }
0x72: {  	_ =	shalt  }
0x73: {  	_ =	shalt  }
0x74: {  	_ =	shalt  }
0x75: {  	_ =	shalt  }
0x76: {  	_ =	shalt  }
0x77: {  	_ =	shalt  }
0x78: {  	_ =	shalt  }
0x79: {  	_ =	shalt  }
0x7a: {  	_ =	shalt  }
0x7b: {  	_ =	shalt  }
0x7c: {  	_ =	shalt  }
0x7d: {  	_ =	shalt  }
0x7e: {  	_ =	shalt  }
0x7f: {  	_ =	shalt  }
0x80: {  	_ =	shalt  }
0x81: {  	_ =	shalt  }
0x82: {  	_ =	shalt  }
0x83: {  	_ =	shalt  }
0x84: {  	_ =	shalt  }
0x85: {  	_ =	shalt  }
0x86: {  	_ =	shalt  }
0x87: {  	_ =	shalt  }
.Lfunc_end0:
.L_simem_size_0:
called_computation_lowered:
.L_overlay_start_0:
0x88: {  	s2 =	sld [smem:$0x3FD9]  }
0x89: {  	s3 =	sld [smem:$0x3FFE];
	_ =	sdelay $0x1  }
0x8a: {  	s1 =	srdreg.scid  }
0x8b: {  	s0 =	sand.u32 $0x1, s1  }
0x8c: {  	s17 =	sshll.u32 s0, $0xA;
	s2 =	sadd.s32 s3, s2  }
0x8d: {  	s2 =	sadd.s32 s2, s17  }
0x8e: {  	[smem:$0x3FBB] =	sst s2  }
0x8f: {  	_ = 	snop  }
0x90: {  	s2 =	sld [smem:$0x3FD0];
	(tm) =	ssettm $0x1  }
0x91: {  	s18 =	sld [smem:$0x3FFB];
	_ =	sdelay $0x3  }
0x92: {  	_ =	strace s18  }
0x93: {  	s3 =	sld [smem:$0x3FFC];
	_ =	sdelay $0x3  }
0x94: {  	_ =	strace s3  }
0x95: {  	s3 =	sld [smem:$0x3FFD];
	_ =	sdelay $0x3  }
0x96: {  	_ =	strace s3  }
0x97: {  	_ =	strace $0x8FFFFFFF  }
0x98: {  	s19 =	sld [smem:$0x3FDB];
	_ =	sdelay $0x1  }
0x99: {  	s4 =	simm.s32 $_scs_section_size  }
0x9a: {  	s5 =	simm.s32 $_size__tile_overlayer_lowered;
	s6 =	simm.s32 $_tile_overlayer_lowered  }
0x9b: {  	s22 =	simm.s32 $0x1BFF;
	s21 =	sshll.u32 s6, $0x1;
	s3 =	sadd.s32 s4, s19  }
0x9c: {  	s7 =	simm.s32 $0x0;
	s20 =	sshll.u32 s5, $0x1;
	s5 =	sadd.s32 s21, s3  }
0x9d: {  	[timem:s7], [sflag:s22] =	dma.local [hbm:s5], s20  }
0x9e: {  	_ =	swait.ge [sflag:s22], s20  }
0x9f: {  	s4 =	ssub.s32 $0x0, s20;
	[sflag:s22] =	ssyncset.done $0x0  }
0xa0: {  	[sflag:s22] =	ssyncadd.s32 s4;
	_ =	sdelay $0x1  }
0xa1: {  	s23 =	simm.s32 $0x1B8B  }
0xa2: {  	_ =	swait.ge [sflag:s23], $0x1  }
0xa3: {  	[sflag:s23] =	ssyncset.done $0x0  }
0xa4: {  	s25 =	simm.s32 $0x1B8E;
	s24 =	sld [smem:$0x3FFE];
	[sflag:s23] =	ssyncadd.s32 $0xFFFFFFFF  }
0xa5: {  	s26 =	simm.s32 $execute0_lowered;
	[smem:$0x3FD2] =	sst s25  }
0xa6: {  	s5 =	sshll.u32 s26, $0x1;
	_ =	strace $0x80000046;
	[dreg:$0x1] =	wrdreg $0xFFFFFFFF  }
0xa7: {  	s28 =	simm.s32 $_size_execute0_lowered;
	s3 =	sadd.s32 s3, s5;
	[dreg:$0x0] =	wrdreg $0x0  }
0xa8: {  	s5 =	sshll.u32 s28, $0x1;
	[dreg:$0x2] =	wrdreg s3  }
0xa9: {  	[dreg:$0x3] =	wrdreg s5  }
0xaa: {  	[dreg:$0x4] =	wrdreg $0xC0  }
0xab: {  	_ =	task [dreg:s7], $0x5FFFF  }
0xac: {  	[dreg:$0x1] =	wrdreg $0xFFFFFFFF  }
0xad: {  	[dreg:$0x0] =	wrdreg $0x60  }
0xae: {  	[dreg:$0x2] =	wrdreg s24  }
0xaf: {  	[dreg:$0x3] =	wrdreg s2  }
0xb0: {  	[dreg:$0x4] =	wrdreg $0xA5000  }
0xb1: {  	[dreg:$0x5] =	wrdreg $0x1E5000  }
0xb2: {  	[dreg:$0x6] =	wrdreg $0x9  }
0xb3: {  	_ =	task.clear_ibuf [dreg:s7], $0x7FFFF;
	_ =	strace $0x90000046  }
0xb4: {  	s29 =	simm.s32 $0x9;
	_ =	strace $0x80000048  }
0xb5: {  	_ =	swait.ge [sflag:s29], $0x1  }
0xb6: {  	[sflag:s29] =	ssyncadd.s32 $0xFFFFFFFF  }
0xb7: {  	_ =	strace $0x90000048  }
0xb8: {  	_ =	sfence  }
0xb9: {  	s30 =	sld [smem:$0x0];
	_ =	sdelay $0x2  }
0xba: {  	s31 =	sshll.u32 s1, $0xD;
	s1 =	sshrl.u32 s1, $0x2  }
0xbb: {  	s3 =	sand.u32 $0x4000, s31;
	s1 =	sadd.s32 s1, s30  }
0xbc: {  	s0 =	sor.u32 s3, s0;
	s1 =	sshll.u32 s1, $0x11  }
0xbd: {  	s0 =	sor.u32 s1, s0  }
0xbe: {  	s0 =	sadd.s32 $0x8F2B, s0  }
0xbf: {  	[sflag:s0] =	ssyncadd.remote.s32 $0x1  }
0xc0: {  	_ =	sfence.sel $0xFFFF  }
0xc1: {  	[dreg:$0x0] =	wrdreg $0xFFFFFFFF;
	(pc) =	sbr.abs _section_cstart, $3  }
0xc2: {  	[dreg:$0x1] =	wrdreg $0xFFFFFFFF  }
0xc3: {  	_ =	task.clear_ibuf [dreg:s7], $0x2FFFF;
	_ =	strace $0x9FFFFFFF  }
0xc4: {  	(tm) =	ssettm $0x7FFFFFFF  }
0xc5: {  	_ =	shalt  }
tec
execute0_lowered:
.L_overlay_start_1:
0x0: {  	(tag) =	ssettag $0x1  }
0x1: {  	s0 =	rddreg [dreg:$0x0]  }
0x2: {  	s1 =	rddreg [dreg:$0x1]  }
0x3: {  	s3 =	rddreg [dreg:$0x2];
	s2 =	srdreg.scid  }
0x4: {  	s13 =	stileid.u32;
	s4 =	rddreg [dreg:$0x3]  }
0x5: {  	s5 =	simm.s32 $0x0;
	s2 =	sand.u32 $0x1, s2;
	s10 =	smul.u32 $0x280, s13  }
0x6: {  	[smem:$0x7FF] =	sst s5;
	s7 =	sadd.s32 $0x4EF200, s0;
	s12 =	sshll.u32 s2, $0x4  }
0x7: {  	s6 =	smul.u32 $0x2800, s2;
	s2 =	ssub.s32 $0x2, s2;
	s12 =	sor.u32 s13, s12  }
0x8: {  	s8 =	sadd.s32 $0x3400, s0;
	s14 =	sshrl.u32 s2, $0x1;
	s15 =	smul.u32 $0x2710, s12  }
0x9: {  	_ =	strace $0x80000047;
	s2 =	ssub.s32 s2, s14;
	s12 =	smul.u32 $0x27100, s12  }
0xa: {  	s13 =	smul.u32 $0x50000, s13;
	s9 =	sadd.s32 s10, s6;
	s22 =	smax.u32 s2, $0x1  }
0xb: {  	s24 =	sshrl.u32 s15, $0x3;
	s31 =	sadd.s32 s7, s12;
	[dreg:$0x11] =	wrdreg s22  }
0xc: {  	s11 =	sshll.u32 s9, $0x4;
	s25 =	sadd.s32 s8, s24;
	[dreg:$0x7] =	wrdreg s31  }
0xd: {  	s11 =	sadd.s32 s11, s0;
	s28 =	sadd.s32 s1, s24;
	[dreg:$0x5] =	wrdreg s25  }
0xe: {  	s26 =	sadd.s32 s10, s4;
	s12 =	sadd.s32 $0x35C00, s11;
	[dreg:$0x6] =	wrdreg s28  }
0xf: {  	s23 =	sshrl.u32 s13, $0x2;
	s13 =	sadd.s32 $0x36100, s11;
	[dreg:$0x8] =	wrdreg s12  }
0x10: {  	s6 =	sadd.s32 $0xD200, s0;
	s16 =	sadd.s32 $0x36600, s11;
	[dreg:$0x9] =	wrdreg s13  }
0x11: {  	s9 =	sshrl.u32 s9, $0x3;
	s17 =	sadd.s32 $0x36B00, s11;
	[dreg:$0xa] =	wrdreg s16  }
0x12: {  	s0 =	sadd.s32 s9, s0;
	s18 =	sadd.s32 $0x37000, s11;
	[dreg:$0xb] =	wrdreg s17  }
0x13: {  	s9 =	sadd.s32 s23, s3;
	s19 =	sadd.s32 $0x37500, s11;
	[dreg:$0xc] =	wrdreg s18  }
0x14: {  	s14 =	sadd.s32 $0x50, s15;
	s20 =	sadd.s32 $0x37A00, s11;
	[dreg:$0xd] =	wrdreg s19  }
0x15: {  	s15 =	sadd.s32 $0xA0, s15;
	s21 =	sadd.s32 $0x37F00, s11;
	[dreg:$0xe] =	wrdreg s20  }
0x16: {  	s22 =	simm.s32 $0x1;
	s0 =	sadd.s32 $0x35200, s0;
	[dreg:$0xf] =	wrdreg s21  }
0x17: {  	s29 =	sadd.s32 $0x2800, s9;
	s23 =	sadd.s32 $0x7800, s9;
	[dreg:$0x10] =	wrdreg s0  }
0x18: {  	s30 =	sadd.s32 $0x5000, s9;
	s24 =	sadd.s32 $0xA000, s9;
	[dreg:$0x12] =	wrdreg s23  }
0x19: {  	s31 =	sadd.s32 $0x11800, s9;
	s11 =	simm.s32 $0x200;
	[dreg:$0x13] =	wrdreg s24  }
0x1a: {  	s25 =	sadd.s32 $0xC800, s9;
	s28 =	sadd.s32 $0xF000, s9;
	[dreg:$0x16] =	wrdreg s31  }
0x1b: {  	s12 =	simm.s32 $0x3;
	s13 =	simm.s32 $0x80;
	s16 =	simm.s32 $0x50  }
0x1c: {  	s17 =	simm.s32 $0x5200;
	s18 =	simm.s32 $0x100;
	s19 =	simm.s32 $0x180  }
0x1d: {  	s20 =	simm.s32 $0x2A00;
	s21 =	simm.s32 $0x7A00;
	[dreg:$0x14] =	wrdreg s25  }
0x1e: {  	v0 =	vimm.f32 $0.0e+00;
	v1 =	vimm.f32 $1.000000000e+00;
	s23 =	simm.s32 $0xA200;
	s24 =	simm.s32 $0x2;
	[dreg:$0x15] =	wrdreg s28  }
.LBB2_1:
0x1f: {  	s10 =	simm.s32 $0x0;
	s25 =	simm.s32 $0x200  }
.LBB2_2:
0x20: {  	p0 =	sne.s32 s25, $0x9E00;
	[tilespmem:s10+$0x270] =	vst v0  }
0x21: {  	[tilespmem:s10+$0x200] =	vst v0  }
0x22: {  	[tilespmem:s10+$0x210] =	vst v0  }
.Ltmp0:
0x23: {  	[tilespmem:s10+$0x220] =	vst v0;
	(pc) =	sbr.rel @p0 .LBB2_2-.Ltmp0, $4  }
0x24: {  	[tilespmem:s10+$0x230] =	vst v0  }
0x25: {  	[tilespmem:s10+$0x240] =	vst v0  }
0x26: {  	[tilespmem:s10+$0x250] =	vst v0  }
0x27: {  	[tilespmem:s10+$0x260] =	vst v0;
	s10 =	sshra.s32 s25, $0x2;
	s25 =	sadd.s32 $0x200, s25  }
0x28: {  	[tilespmem:s10+$0x270] =	vst v0  }
0x29: {  	[tilespmem:s10+$0x200] =	vst v0  }
0x2a: {  	[tilespmem:s10+$0x210] =	vst v0  }
0x2b: {  	[tilespmem:s10+$0x220] =	vst v0  }
0x2c: {  	[tilespmem:s10+$0x230] =	vst v0  }
0x2d: {  	[tilespmem:s10+$0x240] =	vst v0  }
0x2e: {  	[tilespmem:s10+$0x250] =	vst v0  }
0x2f: {  	[tilespmem:s10+$0x260] =	vst v0  }
0x30: {  	[spmem:s9] =	stream.linear.scatter [tilespmem:s11], [sflag:$0x3], $0x2800, $0x38;
	[tilespmem:$0x1E780] =	vst v63  }
0x31: {  	_ =	swait.ge [sflag:s12], $0x2800  }
0x32: {  	[sflag:s12] =	ssyncset.done $0x0  }
0x33: {  	[sflag:s12] =	ssyncadd.s32 $0xFFFFD800  }
0x34: {  	[spmem:s29] =	stream.linear.scatter [tilespmem:s11], [sflag:$0x3], $0x2800, $0x38;
	[tilespmem:$0x1E780] =	vst v63  }
0x35: {  	_ =	swait.ge [sflag:s12], $0x2800  }
0x36: {  	[sflag:s12] =	ssyncset.done $0x0  }
0x37: {  	[sflag:s12] =	ssyncadd.s32 $0xFFFFD800  }
0x38: {  	[spmem:s30] =	stream.linear.scatter [tilespmem:s11], [sflag:$0x3], $0x2800, $0x38;
	[tilespmem:$0x1E780] =	vst v63  }
0x39: {  	_ =	swait.ge [sflag:s12], $0x2800  }
0x3a: {  	[sflag:s12] =	ssyncset.done $0x0  }
0x3b: {  	s0 =	smov.u32 s30;
	s30 =	rddreg [dreg:$0x12];
	[sflag:s12] =	ssyncadd.s32 $0xFFFFD800  }
0x3c: {  	[spmem:s30] =	stream.linear.scatter [tilespmem:s11], [sflag:$0x3], $0x2800, $0x38;
	[tilespmem:$0x1E780] =	vst v63  }
0x3d: {  	_ =	swait.ge [sflag:s12], $0x2800  }
0x3e: {  	[sflag:s12] =	ssyncset.done $0x0  }
0x3f: {  	s25 =	rddreg [dreg:$0x13];
	[sflag:s12] =	ssyncadd.s32 $0xFFFFD800  }
0x40: {  	[spmem:s25] =	stream.linear.scatter [tilespmem:s11], [sflag:$0x3], $0x2800, $0x38;
	[tilespmem:$0x1E780] =	vst v63  }
0x41: {  	_ =	swait.ge [sflag:s12], $0x2800  }
0x42: {  	[sflag:s12] =	ssyncset.done $0x0  }
0x43: {  	s28 =	rddreg [dreg:$0x14];
	[sflag:s12] =	ssyncadd.s32 $0xFFFFD800  }
0x44: {  	[spmem:s28] =	stream.linear.scatter [tilespmem:s11], [sflag:$0x3], $0x2800, $0x38;
	[tilespmem:$0x1E780] =	vst v63  }
0x45: {  	_ =	swait.ge [sflag:s12], $0x2800  }
0x46: {  	[sflag:s12] =	ssyncset.done $0x0  }
0x47: {  	s2 =	smov.u32 s29;
	s29 =	rddreg [dreg:$0x15];
	[sflag:s12] =	ssyncadd.s32 $0xFFFFD800  }
0x48: {  	[spmem:s29] =	stream.linear.scatter [tilespmem:s11], [sflag:$0x3], $0x2800, $0x38;
	[tilespmem:$0x1E780] =	vst v63  }
0x49: {  	_ =	swait.ge [sflag:s12], $0x2800  }
0x4a: {  	[sflag:s12] =	ssyncset.done $0x0  }
0x4b: {  	s30 =	rddreg [dreg:$0x16];
	[sflag:s12] =	ssyncadd.s32 $0xFFFFD800  }
0x4c: {  	[spmem:s30] =	stream.linear.scatter [tilespmem:s11], [sflag:$0x3], $0x2800, $0x38;
	[tilespmem:$0x1E780] =	vst v63  }
0x4d: {  	_ =	swait.ge [sflag:s12], $0x2800  }
0x4e: {  	[sflag:s12] =	ssyncset.done $0x0  }
0x4f: {  	[sflag:s12] =	ssyncadd.s32 $0xFFFFD800  }
0x50: {  	[tilespmem:$0xA280] =	vst v0  }
0x51: {  	[tilespmem:$0xA290] =	vst v0  }
0x52: {  	[tilespmem:$0xA2A0] =	vst v0  }
0x53: {  	[tilespmem:$0xA2B0] =	vst v0  }
0x54: {  	[tilespmem:$0xA2C0] =	vst v0  }
0x55: {  	[tilespmem:$0xA2D0] =	vst v0  }
0x56: {  	[tilespmem:$0xA2E0] =	vst v0  }
0x57: {  	[tilespmem:$0xA2F0] =	vst v0  }
0x58: {  	[tilespmem:$0xA300] =	vst v0  }
0x59: {  	[tilespmem:$0xA310] =	vst v0  }
0x5a: {  	[tilespmem:$0xA320] =	vst v0  }
0x5b: {  	[tilespmem:$0xA330] =	vst v0  }
0x5c: {  	[tilespmem:$0xA340] =	vst v0  }
0x5d: {  	[tilespmem:$0xA350] =	vst v0  }
0x5e: {  	[tilespmem:$0xA360] =	vst v0  }
0x5f: {  	[tilespmem:$0xA370] =	vst v0  }
0x60: {  	[tilespmem:$0xA380] =	vst v0  }
0x61: {  	[tilespmem:$0xA390] =	vst v0  }
0x62: {  	[tilespmem:$0xA3A0] =	vst v0  }
0x63: {  	[tilespmem:$0xA3B0] =	vst v0  }
0x64: {  	[tilespmem:$0xA3C0] =	vst v0  }
0x65: {  	[tilespmem:$0xA3D0] =	vst v0  }
0x66: {  	[tilespmem:$0xA3E0] =	vst v0  }
0x67: {  	[tilespmem:$0xA3F0] =	vst v0  }
0x68: {  	[tilespmem:$0xA400] =	vst v0  }
0x69: {  	[tilespmem:$0xA410] =	vst v0  }
0x6a: {  	[tilespmem:$0xA420] =	vst v0  }
0x6b: {  	[tilespmem:$0xA430] =	vst v0  }
0x6c: {  	[tilespmem:$0xA440] =	vst v0  }
0x6d: {  	[tilespmem:$0xA450] =	vst v0  }
0x6e: {  	[tilespmem:$0xA460] =	vst v0  }
0x6f: {  	[tilespmem:$0xA470] =	vst v0  }
0x70: {  	[tilespmem:$0xA480] =	vst v0  }
0x71: {  	[tilespmem:$0xA490] =	vst v0  }
0x72: {  	[tilespmem:$0xA4A0] =	vst v0  }
0x73: {  	[tilespmem:$0xA4B0] =	vst v0  }
0x74: {  	[tilespmem:$0xA4C0] =	vst v0  }
0x75: {  	[tilespmem:$0xA4D0] =	vst v0  }
0x76: {  	[tilespmem:$0xA4E0] =	vst v0  }
0x77: {  	[tilespmem:$0xA4F0] =	vst v0  }
0x78: {  	[tilespmem:$0xA200] =	vst v1  }
0x79: {  	[tilespmem:$0xA210] =	vst v1  }
0x7a: {  	[tilespmem:$0xA220] =	vst v1  }
0x7b: {  	[tilespmem:$0xA230] =	vst v1  }
0x7c: {  	s25 =	simm.s32 $0xA280;
	[tilespmem:$0xA240] =	vst v1  }
0x7d: {  	[spmem:s26] =	stream.linear.scatter [tilespmem:s25], [sflag:$0x3], $0x280, $0x38;
	[tilespmem:$0x1E780] =	vst v63  }
0x7e: {  	_ =	swait.ge [sflag:s12], $0x280  }
0x7f: {  	[sflag:s12] =	ssyncset.done $0x0  }
0x80: {  	[sflag:s12] =	ssyncadd.s32 $0xFFFFFD80  }
0x81: {  	[bflag:$0x0] =	sbarrier.arrive $0xFFFF  }
0x82: {  	s25 =	simm.s32 $0x0;
	s28 =	rddreg [dreg:$0x5]  }
0x83: {  	[tilespmem:s25], [sflag:$0x3] =	stream.linear.gather [hbm4b:s28+s25], $0x50, $0x38;
	[tilespmem:$0x1E780] =	vst v63  }
0x84: {  	_ =	swait.ge [sflag:s12], $0x50  }
0x85: {  	[sflag:s12] =	ssyncset.done $0x0  }
0x86: {  	s29 =	rddreg [dreg:$0x6];
	[sflag:s12] =	ssyncadd.s32 $0xFFFFFFB0  }
0x87: {  	[tilespmem:s13], [sflag:$0x3] =	stream.linear.gather [hbm4b:s29+s25], $0x50, $0x38;
	[tilespmem:$0x1E780] =	vst v63  }
0x88: {  	_ =	swait.ge [sflag:s12], $0x50  }
0x89: {  	[sflag:s12] =	ssyncset.done $0x0  }
0x8a: {  	[sflag:s12] =	ssyncadd.s32 $0xFFFFFFB0  }
0x8b: {  	[tilespmem:s11], [sflag:$0x1] =	stream.indirect.gather [hbm4b:s6+s16], $0x80, s25, s16, $0xb8;
	[tilespmem:$0x1E780] =	vst v63  }
0x8c: {  	s31 =	smov.u32 s26;
	s10 =	simm.s32 $0x0;
	s30 =	rddreg [dreg:$0x7]  }
0x8d: {  	[tilespmem:s17], [sflag:$0x1] =	stream.linear.gather [hbm4b:s30+s25], $0x2800, $0x38;
	[tilespmem:$0x1E780] =	vst v63  }
.LBB2_4:
0x8e: {  	s26 =	smul.u32 $0xA0, s10;
	_ =	sdelay $0x1  }
0x8f: {  	s28 =	sadd.s32 s26, s14  }
0x90: {  	s29 =	sshrl.u32 s28, $0x3  }
0x91: {  	s30 =	sadd.s32 s8, s29  }
0x92: {  	[tilespmem:s18], [sflag:$0x3] =	stream.linear.gather [hbm4b:s30+s25], $0x50, $0x38;
	[tilespmem:$0x1E780] =	vst v63  }
0x93: {  	_ =	swait.ge [sflag:s12], $0x50  }
0x94: {  	[sflag:s12] =	ssyncset.done $0x0  }
0x95: {  	s29 =	sadd.s32 s1, s29;
	[sflag:s12] =	ssyncadd.s32 $0xFFFFFFB0  }
0x96: {  	[tilespmem:s19], [sflag:$0x3] =	stream.linear.gather [hbm4b:s29+s25], $0x50, $0x38;
	[tilespmem:$0x1E780] =	vst v63  }
0x97: {  	_ =	swait.ge [sflag:s12], $0x50  }
0x98: {  	[sflag:s12] =	ssyncset.done $0x0  }
0x99: {  	s28 =	sshll.u32 s28, $0x4;
	[sflag:s12] =	ssyncadd.s32 $0xFFFFFFB0  }
0x9a: {  	[tilespmem:s20], [sflag:$0x2] =	stream.indirect.gather [hbm4b:s6+s16], $0x80, s18, s16, $0xb8;
	[tilespmem:$0x1E780] =	vst v63  }
0x9b: {  	s28 =	sadd.s32 s7, s28  }
0x9c: {  	[tilespmem:s21], [sflag:$0x2] =	stream.linear.gather [hbm4b:s28+s25], $0x2800, $0x38;
	[tilespmem:$0x1E780] =	vst v63  }
0x9d: {  	_ =	swait.ge [sflag:s22], $0x2800  }
0x9e: {  	[sflag:s22] =	ssyncset.done $0x0  }
0x9f: {  	[sflag:s22] =	ssyncadd.s32 $0xFFFFD800  }
0xa0: {  	_ =	swait.ge [sflag:s22], $0x2800  }
0xa1: {  	[sflag:s22] =	ssyncset.done $0x0  }
0xa2: {  	s28 =	simm.s32 $0x0;
	[sflag:s22] =	ssyncadd.s32 $0xFFFFD800  }
0xa3: {  	v8 =	vld [tilespmem:s28+$0x5200]  }
0xa4: {  	v13 =	vld [tilespmem:s28+$0x5210]  }
0xa5: {  	v7 =	vld [tilespmem:s28+$0x5220]  }
0xa6: {  	v6 =	vld [tilespmem:s28+$0x5230]  }
0xa7: {  	v5 =	vld [tilespmem:s28+$0x5240]  }
0xa8: {  	v4 =	vld [tilespmem:s28+$0x5250]  }
0xa9: {  	v3 =	vld [tilespmem:s28+$0x5260]  }
0xaa: {  	v2 =	vld [tilespmem:s28+$0x5270]  }
0xab: {  	v14 =	vld [tilespmem:s28+$0x200]  }
0xac: {  	v15 =	vld [tilespmem:s28+$0x210]  }
0xad: {  	v12 =	vld [tilespmem:s28+$0x220]  }
0xae: {  	v11 =	vld [tilespmem:s28+$0x230]  }
0xaf: {  	v10 =	vld [tilespmem:s28+$0x240]  }
0xb0: {  	v9 =	vld [tilespmem:s28+$0x250];
	v14 =	vadd.f32 v8, v14  }
0xb1: {  	s29 =	simm.s32 $0x200;
	v13 =	vadd.f32 v13, v15;
	v8 =	vld [tilespmem:s28+$0x260]  }
.LBB2_5:
0xb2: {  	s30 =	sshra.s32 s29, $0x2;
	p0 =	sne.s32 s29, $0x9E00;
	v14 =	vmax.f32 v14, $0.0e+00;
	v7 =	vadd.f32 v7, v12;
	v12 =	vld [tilespmem:s28+$0x270]  }
0xb3: {  	v15 =	vld [tilespmem:s30+$0x5200];
	[tilespmem:s28+$0x200] =	vst v14;
	v13 =	vmax.f32 v13, $0.0e+00;
	v6 =	vadd.f32 v6, v11  }
0xb4: {  	v16 =	vld [tilespmem:s30+$0x5210];
	[tilespmem:s28+$0x210] =	vst v13;
	v11 =	vmax.f32 v7, $0.0e+00;
	v5 =	vadd.f32 v5, v10  }
0xb5: {  	v7 =	vld [tilespmem:s30+$0x5220];
	[tilespmem:s28+$0x220] =	vst v11;
	v10 =	vmax.f32 v6, $0.0e+00;
	v4 =	vadd.f32 v4, v9  }
0xb6: {  	v6 =	vld [tilespmem:s30+$0x5230];
	[tilespmem:s28+$0x230] =	vst v10;
	v9 =	vmax.f32 v5, $0.0e+00;
	v3 =	vadd.f32 v3, v8  }
0xb7: {  	v5 =	vld [tilespmem:s30+$0x5240];
	[tilespmem:s28+$0x240] =	vst v9;
	v8 =	vmax.f32 v4, $0.0e+00;
	v2 =	vadd.f32 v2, v12  }
0xb8: {  	v4 =	vld [tilespmem:s30+$0x5250];
	[tilespmem:s28+$0x250] =	vst v8;
	v8 =	vmax.f32 v3, $0.0e+00  }
0xb9: {  	v3 =	vld [tilespmem:s30+$0x5260];
	[tilespmem:s28+$0x260] =	vst v8;
	v8 =	vmax.f32 v2, $0.0e+00  }
0xba: {  	v2 =	vld [tilespmem:s30+$0x5270];
	[tilespmem:s28+$0x270] =	vst v8;
	s28 =	smov.u32 s30  }
0xbb: {  	v8 =	vld [tilespmem:s28+$0x200]  }
0xbc: {  	v13 =	vld [tilespmem:s28+$0x210]  }
.Ltmp1:
0xbd: {  	v12 =	vld [tilespmem:s28+$0x220];
	(pc) =	sbr.rel @p0 .LBB2_5-.Ltmp1, $4  }
0xbe: {  	v11 =	vld [tilespmem:s28+$0x230]  }
0xbf: {  	v10 =	vld [tilespmem:s28+$0x240]  }
0xc0: {  	v14 =	vadd.f32 v15, v8;
	v9 =	vld [tilespmem:s28+$0x250]  }
0xc1: {  	s29 =	sadd.s32 $0x200, s29;
	v13 =	vadd.f32 v16, v13;
	v8 =	vld [tilespmem:s28+$0x260]  }
0xc2: {  	v14 =	vmax.f32 v14, $0.0e+00;
	v7 =	vadd.f32 v7, v12;
	v12 =	vld [tilespmem:s28+$0x270]  }
0xc3: {  	[tilespmem:s28+$0x200] =	vst v14;
	v13 =	vmax.f32 v13, $0.0e+00;
	v6 =	vadd.f32 v6, v11  }
0xc4: {  	[tilespmem:s28+$0x210] =	vst v13;
	v7 =	vmax.f32 v7, $0.0e+00;
	v5 =	vadd.f32 v5, v10  }
0xc5: {  	[tilespmem:s28+$0x220] =	vst v7;
	v6 =	vmax.f32 v6, $0.0e+00;
	v4 =	vadd.f32 v4, v9  }
0xc6: {  	[tilespmem:s28+$0x230] =	vst v6;
	v5 =	vmax.f32 v5, $0.0e+00;
	v3 =	vadd.f32 v3, v8  }
0xc7: {  	[tilespmem:s28+$0x240] =	vst v5;
	v4 =	vmax.f32 v4, $0.0e+00;
	v2 =	vadd.f32 v2, v12  }
0xc8: {  	[tilespmem:s28+$0x250] =	vst v4;
	v3 =	vmax.f32 v3, $0.0e+00  }
0xc9: {  	[tilespmem:s28+$0x260] =	vst v3;
	v2 =	vmax.f32 v2, $0.0e+00  }
0xca: {  	[tilespmem:s28+$0x270] =	vst v2  }
0xcb: {  	[spmem:s3] =	stream.indirect.scatter.add.f32 [tilespmem:s11], [sflag:$0x3], $0x80, s13, s16, $0xb8;
	[tilespmem:$0x1E780] =	vst v63  }
0xcc: {  	_ =	swait.ge [sflag:s12], $0x2800  }
0xcd: {  	[sflag:s12] =	ssyncset.done $0x0  }
0xce: {  	[sflag:s12] =	ssyncadd.s32 $0xFFFFD800  }
0xcf: {  	[spmem:s4] =	stream.indirect.scatter.add.f32 [tilespmem:s23], [sflag:$0x3], $0x1, s13, s16, $0xb8;
	[tilespmem:$0x1E780] =	vst v63  }
0xd0: {  	s26 =	sadd.s32 s26, s15;
	_ =	swait.ge [sflag:s12], $0x50  }
0xd1: {  	s28 =	sshrl.u32 s26, $0x3;
	[sflag:s12] =	ssyncset.done $0x0  }
0xd2: {  	s30 =	simm.s32 $0x0;
	s29 =	sadd.s32 s8, s28;
	[sflag:s12] =	ssyncadd.s32 $0xFFFFFFB0  }
0xd3: {  	[tilespmem:s30], [sflag:$0x3] =	stream.linear.gather [hbm4b:s29+s30], $0x50, $0x38;
	[tilespmem:$0x1E780] =	vst v63  }
0xd4: {  	_ =	swait.ge [sflag:s12], $0x50  }
0xd5: {  	[sflag:s12] =	ssyncset.done $0x0  }
0xd6: {  	s28 =	sadd.s32 s1, s28;
	[sflag:s12] =	ssyncadd.s32 $0xFFFFFFB0  }
0xd7: {  	[tilespmem:s13], [sflag:$0x3] =	stream.linear.gather [hbm4b:s28+s30], $0x50, $0x38;
	[tilespmem:$0x1E780] =	vst v63  }
0xd8: {  	_ =	swait.ge [sflag:s12], $0x50  }
0xd9: {  	[sflag:s12] =	ssyncset.done $0x0  }
0xda: {  	s26 =	sshll.u32 s26, $0x4;
	[sflag:s12] =	ssyncadd.s32 $0xFFFFFFB0  }
0xdb: {  	[tilespmem:s11], [sflag:$0x1] =	stream.indirect.gather [hbm4b:s6+s16], $0x80, s30, s16, $0xb8;
	[tilespmem:$0x1E780] =	vst v63  }
0xdc: {  	s26 =	sadd.s32 s7, s26  }
0xdd: {  	[tilespmem:s17], [sflag:$0x1] =	stream.linear.gather [hbm4b:s26+s30], $0x2800, $0x38;
	[tilespmem:$0x1E780] =	vst v63  }
0xde: {  	_ =	swait.ge [sflag:s24], $0x2800  }
0xdf: {  	[sflag:s24] =	ssyncset.done $0x0  }
0xe0: {  	[sflag:s24] =	ssyncadd.s32 $0xFFFFD800  }
0xe1: {  	_ =	swait.ge [sflag:s24], $0x2800  }
0xe2: {  	[sflag:s24] =	ssyncset.done $0x0  }
0xe3: {  	s26 =	simm.s32 $0x0;
	[sflag:s24] =	ssyncadd.s32 $0xFFFFD800  }
0xe4: {  	v8 =	vld [tilespmem:s26+$0x7A00]  }
0xe5: {  	v13 =	vld [tilespmem:s26+$0x7A10]  }
0xe6: {  	v7 =	vld [tilespmem:s26+$0x7A20]  }
0xe7: {  	v6 =	vld [tilespmem:s26+$0x7A30]  }
0xe8: {  	v5 =	vld [tilespmem:s26+$0x7A40]  }
0xe9: {  	v4 =	vld [tilespmem:s26+$0x7A50]  }
0xea: {  	v3 =	vld [tilespmem:s26+$0x7A60]  }
0xeb: {  	v2 =	vld [tilespmem:s26+$0x7A70]  }
0xec: {  	v14 =	vld [tilespmem:s26+$0x2A00]  }
0xed: {  	v15 =	vld [tilespmem:s26+$0x2A10]  }
0xee: {  	v12 =	vld [tilespmem:s26+$0x2A20]  }
0xef: {  	v11 =	vld [tilespmem:s26+$0x2A30]  }
0xf0: {  	v10 =	vld [tilespmem:s26+$0x2A40]  }
0xf1: {  	v9 =	vld [tilespmem:s26+$0x2A50];
	v14 =	vadd.f32 v8, v14  }
0xf2: {  	s28 =	simm.s32 $0x200;
	v13 =	vadd.f32 v13, v15;
	v8 =	vld [tilespmem:s26+$0x2A60]  }
.LBB2_7:
0xf3: {  	s29 =	sshra.s32 s28, $0x2;
	p0 =	sne.s32 s28, $0x9E00;
	v14 =	vmax.f32 v14, $0.0e+00;
	v7 =	vadd.f32 v7, v12;
	v12 =	vld [tilespmem:s26+$0x2A70]  }
0xf4: {  	v15 =	vld [tilespmem:s29+$0x7A00];
	[tilespmem:s26+$0x2A00] =	vst v14;
	v13 =	vmax.f32 v13, $0.0e+00;
	v6 =	vadd.f32 v6, v11  }
0xf5: {  	v16 =	vld [tilespmem:s29+$0x7A10];
	[tilespmem:s26+$0x2A10] =	vst v13;
	v11 =	vmax.f32 v7, $0.0e+00;
	v5 =	vadd.f32 v5, v10  }
0xf6: {  	v7 =	vld [tilespmem:s29+$0x7A20];
	[tilespmem:s26+$0x2A20] =	vst v11;
	v10 =	vmax.f32 v6, $0.0e+00;
	v4 =	vadd.f32 v4, v9  }
0xf7: {  	v6 =	vld [tilespmem:s29+$0x7A30];
	[tilespmem:s26+$0x2A30] =	vst v10;
	v9 =	vmax.f32 v5, $0.0e+00;
	v3 =	vadd.f32 v3, v8  }
0xf8: {  	v5 =	vld [tilespmem:s29+$0x7A40];
	[tilespmem:s26+$0x2A40] =	vst v9;
	v8 =	vmax.f32 v4, $0.0e+00;
	v2 =	vadd.f32 v2, v12  }
0xf9: {  	v4 =	vld [tilespmem:s29+$0x7A50];
	[tilespmem:s26+$0x2A50] =	vst v8;
	v8 =	vmax.f32 v3, $0.0e+00  }
0xfa: {  	v3 =	vld [tilespmem:s29+$0x7A60];
	[tilespmem:s26+$0x2A60] =	vst v8;
	v8 =	vmax.f32 v2, $0.0e+00  }
0xfb: {  	v2 =	vld [tilespmem:s29+$0x7A70];
	[tilespmem:s26+$0x2A70] =	vst v8;
	s26 =	smov.u32 s29  }
0xfc: {  	v8 =	vld [tilespmem:s26+$0x2A00]  }
0xfd: {  	v13 =	vld [tilespmem:s26+$0x2A10]  }
.Ltmp2:
0xfe: {  	v12 =	vld [tilespmem:s26+$0x2A20];
	(pc) =	sbr.rel @p0 .LBB2_7-.Ltmp2, $4  }
0xff: {  	v11 =	vld [tilespmem:s26+$0x2A30]  }
0x100: {  	v10 =	vld [tilespmem:s26+$0x2A40]  }
0x101: {  	v14 =	vadd.f32 v15, v8;
	v9 =	vld [tilespmem:s26+$0x2A50]  }
0x102: {  	s28 =	sadd.s32 $0x200, s28;
	v13 =	vadd.f32 v16, v13;
	v8 =	vld [tilespmem:s26+$0x2A60]  }
0x103: {  	v14 =	vmax.f32 v14, $0.0e+00;
	v7 =	vadd.f32 v7, v12;
	v63 =	vld [tilespmem:s26+$0x2A70]  }
0x104: {  	[tilespmem:s26+$0x2A00] =	vst v14;
	v13 =	vmax.f32 v13, $0.0e+00;
	v6 =	vadd.f32 v6, v11  }
0x105: {  	[tilespmem:s26+$0x2A10] =	vst v13;
	v7 =	vmax.f32 v7, $0.0e+00;
	v5 =	vadd.f32 v5, v10  }
0x106: {  	[tilespmem:s26+$0x2A20] =	vst v7;
	v6 =	vmax.f32 v6, $0.0e+00;
	v4 =	vadd.f32 v4, v9  }
0x107: {  	[tilespmem:s26+$0x2A30] =	vst v6;
	v5 =	vmax.f32 v5, $0.0e+00;
	v3 =	vadd.f32 v3, v8  }
0x108: {  	[tilespmem:s26+$0x2A40] =	vst v5;
	v4 =	vmax.f32 v4, $0.0e+00;
	v2 =	vadd.f32 v2, v63  }
0x109: {  	[tilespmem:s26+$0x2A50] =	vst v4;
	v3 =	vmax.f32 v3, $0.0e+00  }
0x10a: {  	[tilespmem:s26+$0x2A60] =	vst v3;
	v2 =	vmax.f32 v2, $0.0e+00  }
0x10b: {  	[tilespmem:s26+$0x2A70] =	vst v2  }
0x10c: {  	[spmem:s3] =	stream.indirect.scatter.add.f32 [tilespmem:s20], [sflag:$0x3], $0x80, s19, s16, $0xb8;
	[tilespmem:$0x1E780] =	vst v63  }
0x10d: {  	s10 =	sadd.s32 $0x1, s10;
	_ =	swait.ge [sflag:s12], $0x2800  }
0x10e: {  	p0 =	sne.s32 s10, $0x3E;
	[sflag:s12] =	ssyncset.done $0x0  }
.Ltmp3:
0x10f: {  	[sflag:s12] =	ssyncadd.s32 $0xFFFFD800;
	(pc) =	sbr.rel @p0 .LBB2_4-.Ltmp3, $4  }
0x110: {  	[spmem:s4] =	stream.indirect.scatter.add.f32 [tilespmem:s23], [sflag:$0x3], $0x1, s19, s16, $0xb8;
	[tilespmem:$0x1E780] =	vst v63  }
0x111: {  	_ =	swait.ge [sflag:s12], $0x50  }
0x112: {  	[sflag:s12] =	ssyncset.done $0x0  }
0x113: {  	[sflag:s12] =	ssyncadd.s32 $0xFFFFFFB0  }
0x114: {  	_ =	swait.ge [sflag:s22], $0x2800  }
0x115: {  	[sflag:s22] =	ssyncset.done $0x0  }
0x116: {  	[sflag:s22] =	ssyncadd.s32 $0xFFFFD800  }
0x117: {  	_ =	swait.ge [sflag:s22], $0x2800  }
0x118: {  	[sflag:s22] =	ssyncset.done $0x0  }
0x119: {  	s10 =	simm.s32 $0x0;
	[sflag:s22] =	ssyncadd.s32 $0xFFFFD800  }
0x11a: {  	v8 =	vld [tilespmem:s10+$0x5200]  }
0x11b: {  	v13 =	vld [tilespmem:s10+$0x5210]  }
0x11c: {  	v7 =	vld [tilespmem:s10+$0x5220]  }
0x11d: {  	v6 =	vld [tilespmem:s10+$0x5230]  }
0x11e: {  	v5 =	vld [tilespmem:s10+$0x5240]  }
0x11f: {  	v4 =	vld [tilespmem:s10+$0x5250]  }
0x120: {  	v3 =	vld [tilespmem:s10+$0x5260]  }
0x121: {  	v2 =	vld [tilespmem:s10+$0x5270]  }
0x122: {  	v14 =	vld [tilespmem:s10+$0x200]  }
0x123: {  	v15 =	vld [tilespmem:s10+$0x210]  }
0x124: {  	v12 =	vld [tilespmem:s10+$0x220]  }
0x125: {  	v11 =	vld [tilespmem:s10+$0x230]  }
0x126: {  	v10 =	vld [tilespmem:s10+$0x240]  }
0x127: {  	v9 =	vld [tilespmem:s10+$0x250];
	v14 =	vadd.f32 v8, v14  }
0x128: {  	s25 =	simm.s32 $0x200;
	v13 =	vadd.f32 v13, v15;
	v8 =	vld [tilespmem:s10+$0x260]  }
.LBB2_10:
0x129: {  	s26 =	sshra.s32 s25, $0x2;
	p0 =	sne.s32 s25, $0x9E00;
	v14 =	vmax.f32 v14, $0.0e+00;
	v7 =	vadd.f32 v7, v12;
	v12 =	vld [tilespmem:s10+$0x270]  }
0x12a: {  	v15 =	vld [tilespmem:s26+$0x5200];
	[tilespmem:s10+$0x200] =	vst v14;
	v13 =	vmax.f32 v13, $0.0e+00;
	v6 =	vadd.f32 v6, v11  }
0x12b: {  	v16 =	vld [tilespmem:s26+$0x5210];
	[tilespmem:s10+$0x210] =	vst v13;
	v11 =	vmax.f32 v7, $0.0e+00;
	v5 =	vadd.f32 v5, v10  }
0x12c: {  	v7 =	vld [tilespmem:s26+$0x5220];
	[tilespmem:s10+$0x220] =	vst v11;
	v10 =	vmax.f32 v6, $0.0e+00;
	v4 =	vadd.f32 v4, v9  }
0x12d: {  	v6 =	vld [tilespmem:s26+$0x5230];
	[tilespmem:s10+$0x230] =	vst v10;
	v9 =	vmax.f32 v5, $0.0e+00;
	v3 =	vadd.f32 v3, v8  }
0x12e: {  	v5 =	vld [tilespmem:s26+$0x5240];
	[tilespmem:s10+$0x240] =	vst v9;
	v8 =	vmax.f32 v4, $0.0e+00;
	v2 =	vadd.f32 v2, v12  }
0x12f: {  	v4 =	vld [tilespmem:s26+$0x5250];
	[tilespmem:s10+$0x250] =	vst v8;
	v8 =	vmax.f32 v3, $0.0e+00  }
0x130: {  	v3 =	vld [tilespmem:s26+$0x5260];
	[tilespmem:s10+$0x260] =	vst v8;
	v8 =	vmax.f32 v2, $0.0e+00  }
0x131: {  	v2 =	vld [tilespmem:s26+$0x5270];
	[tilespmem:s10+$0x270] =	vst v8;
	s10 =	smov.u32 s26  }
0x132: {  	v8 =	vld [tilespmem:s10+$0x200]  }
0x133: {  	v13 =	vld [tilespmem:s10+$0x210]  }
.Ltmp4:
0x134: {  	v12 =	vld [tilespmem:s10+$0x220];
	(pc) =	sbr.rel @p0 .LBB2_10-.Ltmp4, $4  }
0x135: {  	v11 =	vld [tilespmem:s10+$0x230]  }
0x136: {  	v10 =	vld [tilespmem:s10+$0x240]  }
0x137: {  	v14 =	vadd.f32 v15, v8;
	v9 =	vld [tilespmem:s10+$0x250]  }
0x138: {  	s25 =	sadd.s32 $0x200, s25;
	v13 =	vadd.f32 v16, v13;
	v8 =	vld [tilespmem:s10+$0x260]  }
0x139: {  	v14 =	vmax.f32 v14, $0.0e+00;
	v7 =	vadd.f32 v7, v12;
	v63 =	vld [tilespmem:s10+$0x270]  }
0x13a: {  	[tilespmem:s10+$0x200] =	vst v14;
	v13 =	vmax.f32 v13, $0.0e+00;
	v6 =	vadd.f32 v6, v11  }
0x13b: {  	[tilespmem:s10+$0x210] =	vst v13;
	v7 =	vmax.f32 v7, $0.0e+00;
	v5 =	vadd.f32 v5, v10  }
0x13c: {  	[tilespmem:s10+$0x220] =	vst v7;
	v6 =	vmax.f32 v6, $0.0e+00;
	v4 =	vadd.f32 v4, v9  }
0x13d: {  	[tilespmem:s10+$0x230] =	vst v6;
	v5 =	vmax.f32 v5, $0.0e+00;
	v3 =	vadd.f32 v3, v8  }
0x13e: {  	[tilespmem:s10+$0x240] =	vst v5;
	v4 =	vmax.f32 v4, $0.0e+00;
	v2 =	vadd.f32 v2, v63  }
0x13f: {  	[tilespmem:s10+$0x250] =	vst v4;
	v3 =	vmax.f32 v3, $0.0e+00  }
0x140: {  	[tilespmem:s10+$0x260] =	vst v3;
	v2 =	vmax.f32 v2, $0.0e+00  }
0x141: {  	[tilespmem:s10+$0x270] =	vst v2  }
0x142: {  	[spmem:s3] =	stream.indirect.scatter.add.f32 [tilespmem:s11], [sflag:$0x3], $0x80, s13, s16, $0xb8;
	[tilespmem:$0x1E780] =	vst v63  }
0x143: {  	_ =	swait.ge [sflag:s12], $0x2800  }
0x144: {  	[sflag:s12] =	ssyncset.done $0x0  }
0x145: {  	[sflag:s12] =	ssyncadd.s32 $0xFFFFD800  }
0x146: {  	[spmem:s4] =	stream.indirect.scatter.add.f32 [tilespmem:s23], [sflag:$0x3], $0x1, s13, s16, $0xb8;
	[tilespmem:$0x1E780] =	vst v63  }
0x147: {  	_ =	swait.ge [sflag:s12], $0x50  }
0x148: {  	[sflag:s12] =	ssyncset.done $0x0  }
0x149: {  	s25 =	stileid.u32;
	[sflag:s12] =	ssyncadd.s32 $0xFFFFFFB0  }
0x14a: {  	s10 =	sshll.u32 s25, $0x6;
	[bflag:$0x0] =	sbarrier.arrive $0xFFFF  }
0x14b: {  	s25 =	sshrl.u32 s9, $0x3;
	s10 =	sor.u32 $0x1C03, s10;
	s26 =	rddreg [dreg:$0x8]  }
0x14c: {  	[hbm:s26], [sflag:s10] =	dma.local [spmem:s25], $0x500  }
0x14d: {  	_ =	swait.ge [sflag:s12], $0x500  }
0x14e: {  	[sflag:s12] =	ssyncset.done $0x0  }
0x14f: {  	s26 =	sshrl.u32 s2, $0x3;
	s28 =	rddreg [dreg:$0x9];
	[sflag:s12] =	ssyncadd.s32 $0xFFFFFB00  }
0x150: {  	[hbm:s28], [sflag:s10] =	dma.local [spmem:s26], $0x500  }
0x151: {  	_ =	swait.ge [sflag:s12], $0x500  }
0x152: {  	s29 =	smov.u32 s2;
	s30 =	smov.u32 s0;
	[sflag:s12] =	ssyncset.done $0x0  }
0x153: {  	s0 =	sshrl.u32 s0, $0x3;
	s2 =	rddreg [dreg:$0xa];
	[sflag:s12] =	ssyncadd.s32 $0xFFFFFB00  }
0x154: {  	[hbm:s2], [sflag:s10] =	dma.local [spmem:s0], $0x500  }
0x155: {  	_ =	swait.ge [sflag:s12], $0x500  }
0x156: {  	[sflag:s12] =	ssyncset.done $0x0;
	s28 =	rddreg [dreg:$0x12]  }
0x157: {  	s2 =	rddreg [dreg:$0xb];
	[sflag:s12] =	ssyncadd.s32 $0xFFFFFB00;
	s0 =	sshrl.u32 s28, $0x3  }
0x158: {  	[hbm:s2], [sflag:s10] =	dma.local [spmem:s0], $0x500  }
0x159: {  	_ =	swait.ge [sflag:s12], $0x500  }
0x15a: {  	[sflag:s12] =	ssyncset.done $0x0;
	s28 =	rddreg [dreg:$0x13]  }
0x15b: {  	s2 =	rddreg [dreg:$0xc];
	[sflag:s12] =	ssyncadd.s32 $0xFFFFFB00;
	s0 =	sshrl.u32 s28, $0x3  }
0x15c: {  	[hbm:s2], [sflag:s10] =	dma.local [spmem:s0], $0x500  }
0x15d: {  	_ =	swait.ge [sflag:s12], $0x500  }
0x15e: {  	[sflag:s12] =	ssyncset.done $0x0;
	s28 =	rddreg [dreg:$0x14]  }
0x15f: {  	s2 =	rddreg [dreg:$0xd];
	[sflag:s12] =	ssyncadd.s32 $0xFFFFFB00;
	s0 =	sshrl.u32 s28, $0x3  }
0x160: {  	[hbm:s2], [sflag:s10] =	dma.local [spmem:s0], $0x500  }
0x161: {  	_ =	swait.ge [sflag:s12], $0x500  }
0x162: {  	[sflag:s12] =	ssyncset.done $0x0;
	s28 =	rddreg [dreg:$0x15]  }
0x163: {  	s2 =	rddreg [dreg:$0xe];
	[sflag:s12] =	ssyncadd.s32 $0xFFFFFB00;
	s0 =	sshrl.u32 s28, $0x3  }
0x164: {  	[hbm:s2], [sflag:s10] =	dma.local [spmem:s0], $0x500  }
0x165: {  	_ =	swait.ge [sflag:s12], $0x500  }
0x166: {  	[sflag:s12] =	ssyncset.done $0x0;
	s26 =	rddreg [dreg:$0x16]  }
0x167: {  	s0 =	rddreg [dreg:$0xf];
	[sflag:s12] =	ssyncadd.s32 $0xFFFFFB00;
	s28 =	sshrl.u32 s26, $0x3  }
0x168: {  	[hbm:s0], [sflag:s10] =	dma.local [spmem:s28], $0x500  }
0x169: {  	_ =	swait.ge [sflag:s12], $0x500  }
0x16a: {  	[sflag:s12] =	ssyncset.done $0x0  }
0x16b: {  	s2 =	sshrl.u32 s31, $0x3;
	s28 =	rddreg [dreg:$0x10];
	[sflag:s12] =	ssyncadd.s32 $0xFFFFFB00  }
0x16c: {  	[hbm:s28], [sflag:s10] =	dma.local [spmem:s2], $0x50  }
0x16d: {  	_ =	swait.ge [sflag:s12], $0x50  }
0x16e: {  	s5 =	sadd.s32 $0x1, s5;
	s26 =	smov.u32 s31;
	s31 =	rddreg [dreg:$0x11]  }
0x16f: {  	p0 =	sne.s32 s5, s31  }
.Ltmp5:
0x170: {  	_ = 	snop;
	(pc) =	sbr.rel @p0 .LBB2_1-.Ltmp5, $3  }
0x171: {  	_ =	sdelay $0x1  }
0x172: {  	[sflag:s12] =	ssyncset.done $0x0  }
0x173: {  	[sflag:s12] =	ssyncadd.s32 $0xFFFFFFB0  }
0x174: {  	_ =	sfence.sel $0x180000  }
0x175: {  	[bflag:$0x0] =	sbarrier.arrive $0xFFFF  }
0x176: {  	_ =	strace $0x90000047  }
0x177: {  	s0 =	stileid.u32;
	[bflag:$0x2] =	sbarrier.arrive $0xFFFF  }
0x178: {  	p0 =	sne.s32 s0, $0x0;
	s0 =	rddreg [dreg:$0x4]  }
0x179: {  	s0 =	sadd.s32 @!p0 $0x100000, s0  }
0x17a: {  	[sflag:s0] =	ssyncadd.tile.s32 @!p0 $0x1;
	_ =	shalt  }
.Lfunc_end2:
_tile_overlayer_lowered:
.L_overlay_start_2:
0x17b: {  	(tag) =	ssettag $0x2  }
0x17c: {  	s0 =	rddreg [dreg:$0x0];
	s2 =	stileid.u32  }
0x17d: {  	s1 =	rddreg [dreg:$0x1];
	p0 =	sne.s32 s2, $0x0  }
0x17e: {  	s3 =	rddreg [dreg:$0x2];
	[bflag:$0x3] =	sbarrier.arrive $0xFFFF;
	s2 =	simm.s32 @!p0 $0x1C03  }
0x17f: {  	[timem:s3], [sflag:s2] =	dma.local @!p0 [hbm:s0], s1  }
0x180: {  	s0 =	simm.s32 @!p0 $0x3  }
0x181: {  	_ =	swait.ge @!p0 [sflag:s0], s1  }
0x182: {  	s1 =	ssub.s32 @!p0 $0x0, s1;
	[sflag:s0] =	ssyncset.done @!p0 $0x0  }
0x183: {  	[sflag:s0] =	ssyncadd.s32 @!p0 s1  }
0x184: {  	[bflag:$0x3] =	sbarrier.arrive $0xFFFF  }
0x185: {  	_ =	shalt  }

// kernel: kernel.15.cloned.1.call-start
scs
__scs_entry_jumppad:
0x0: {  	(pc) =	sbr.rel $0x88, $3  }
0x1: {  	(tag) =	ssettag $0x0;
	lr =	simm.s32 $0x1  }
0x2: {  	[smem:$0x3F94] =	sst lr;
	_ =	strace $0xD0000000  }
0x3: {  	_ = 	snop  }
0x4: {  	_ = 	snop  }
0x5: {  	_ = 	snop  }
0x6: {  	_ = 	snop  }
0x7: {  	_ = 	snop  }
__scs_overlays_trampoline_lowered:
0x8: {  	[smem:$0x3FA3] =	sst s0  }
0x9: {  	[smem:$0x3FA4] =	sst s1  }
0xa: {  	[smem:$0x3FA5] =	sst s2  }
0xb: {  	[smem:$0x3FA6] =	sst s3  }
0xc: {  	[smem:$0x3FA7] =	sst s4  }
0xd: {  	[smem:$0x3FA8] =	sst s5  }
0xe: {  	[smem:$0x3FA9] =	sst s6  }
0xf: {  	[smem:$0x3FAA] =	sst s7  }
0x10: {  	[smem:$0x3FAB] =	sst s8  }
0x11: {  	[smem:$0x3FAC] =	sst s9;
	s0 =	simm.s32 @!p0 $0x0  }
0x12: {  	s1 =	sld [smem:$0x3F92];
	s0 =	simm.s32 @p0 $0x1  }
0x13: {  	[smem:$0x3FAD] =	sst s0;
	s0 =	simm.s32 @!p1 $0x0  }
0x14: {  	s2 =	sld [smem:$0x3F91];
	s0 =	simm.s32 @p1 $0x1  }
0x15: {  	[smem:$0x3FAE] =	sst s0;
	s0 =	simm.s32 @!p2 $0x0  }
0x16: {  	s3 =	sld [smem:$0x3FDB];
	s0 =	simm.s32 @p2 $0x1  }
0x17: {  	s4 =	simm.s32 $0x1BF5;
	[smem:$0x3FB0] =	sst s0  }
0x18: {  	s0 =	sld [smem:$0x3F93];
	_ =	swait.ge [sflag:s4], $0x0  }
0x19: {  	s7 =	sld [smem:$0x3F94]  }
0x1a: {  	s8 =	sadd.s32 $0xFFFFE003, lr  }
0x1b: {  	s9 =	sadd.s32 $0xFFFFFEF7, lr;
	s5 =	simm.s32 $0xFFFFFFFF;
	p2 =	slt.u32 s8, $0xFFFFF086  }
0x1c: {  	p1 =	slt.u32 s9, $0xF7A;
	s5 =	simm.s32 @!p2 $0x0  }
0x1d: {  	s5 =	simm.s32 @p1 $0x1;
	p0 =	seq.s32 s7, s2  }
0x1e: {  	s7 =	smul.u32 @!p0 $0xF7A, s2;
	p2 =	seq.s32 @!p0 s5, $0x0  }
0x1f: {  	s9 =	smul.u32 $0xF7A, s1;
	s8 =	simm.s32 @!p0 $0x1BF5;
	p2 =	por !p2, p0  }
0x20: {  	[sflag:s8] =	ssyncset.s32 @!p0 $0xFFFFF086;
	s6 =	sadd.s32 @!p0 s3, s7;
	s7 =	simm.s32 @!p0 $0x108  }
0x21: {  	s3 =	sadd.s32 s3, s9;
	s6 =	sadd.s32 @!p0 $0x88, s6;
	s7 =	simm.s32 @p2 $0x1082  }
0x22: {  	[simem:s7], [sflag:s8] =	dma.local @!p0 [hbm:s6], $0xF7A  }
0x23: {  	s9 =	sor.u32 $0xD0000000, s2;
	s6 =	simm.s32 $0x108;
	_ =	swait.ge @!p0 [sflag:s8], $0x0  }
0x24: {  	s3 =	sadd.s32 $0x88, s3;
	s6 =	simm.s32 @!p1 $0x1082;
	[sflag:s4] =	ssyncset.s32 $0xFFFFF086  }
0x25: {  	[simem:s6], [sflag:s4] =	dma.local [hbm:s3], $0xF7A  }
0x26: {  	[smem:$0x3F94] =	sst s1;
	(tag) =	ssettag s2;
	_ =	strace s9  }
0x27: {  	s1 =	sld [smem:$0x3FA4]  }
0x28: {  	s2 =	sld [smem:$0x3FA5]  }
0x29: {  	s4 =	sld [smem:$0x3FA7]  }
0x2a: {  	p0 =	seq.s32 s5, $0x0;
	s5 =	sld [smem:$0x3FA8]  }
0x2b: {  	s6 =	sld [smem:$0x3FA9]  }
0x2c: {  	s7 =	sld [smem:$0x3FAA]  }
0x2d: {  	s3 =	simm.s32 $0x108;
	s8 =	sld [smem:$0x3FAB]  }
0x2e: {  	s3 =	simm.s32 @!p0 $0x1082;
	s9 =	sld [smem:$0x3FAC]  }
0x2f: {  	lr =	sadd.s32 s0, s3;
	s0 =	sld [smem:$0x3FA3]  }
0x30: {  	s3 =	sld [smem:$0x3FA6]  }
0x31: {  	[smem:$0x3FAF] =	sst s10  }
0x32: {  	s10 =	sld [smem:$0x3FAD];
	_ =	sdelay $0x3  }
0x33: {  	p0 =	seq.s32 s10, $0x1;
	s10 =	sld [smem:$0x3FAF];
	_ =	sdelay $0x3  }
0x34: {  	[smem:$0x3FAF] =	sst s10  }
0x35: {  	s10 =	sld [smem:$0x3FAE];
	_ =	sdelay $0x3  }
0x36: {  	p1 =	seq.s32 s10, $0x1;
	s10 =	sld [smem:$0x3FAF];
	_ =	sdelay $0x3  }
0x37: {  	[smem:$0x3FAF] =	sst s10  }
0x38: {  	s10 =	sld [smem:$0x3FB0]  }
0x39: {  	_ = 	snop;
	(pc) =	sbr.ind lr, $3  }
0x3a: {  	_ = 	snop  }
0x3b: {  	_ = 	snop  }
0x3c: {  	p2 =	seq.s32 s10, $0x1;
	s10 =	sld [smem:$0x3FAF]  }
0x3d: {  	_ =	shalt  }
0x3e: {  	_ =	shalt  }
0x3f: {  	_ =	shalt  }
0x40: {  	_ =	shalt  }
0x41: {  	_ =	shalt  }
0x42: {  	_ =	shalt  }
0x43: {  	_ =	shalt  }
0x44: {  	_ =	shalt  }
0x45: {  	_ =	shalt  }
0x46: {  	_ =	shalt  }
0x47: {  	_ =	shalt  }
0x48: {  	_ =	shalt  }
0x49: {  	_ =	shalt  }
0x4a: {  	_ =	shalt  }
0x4b: {  	_ =	shalt  }
0x4c: {  	_ =	shalt  }
0x4d: {  	_ =	shalt  }
0x4e: {  	_ =	shalt  }
0x4f: {  	_ =	shalt  }
0x50: {  	_ =	shalt  }
0x51: {  	_ =	shalt  }
0x52: {  	_ =	shalt  }
0x53: {  	_ =	shalt  }
0x54: {  	_ =	shalt  }
0x55: {  	_ =	shalt  }
0x56: {  	_ =	shalt  }
0x57: {  	_ =	shalt  }
0x58: {  	_ =	shalt  }
0x59: {  	_ =	shalt  }
0x5a: {  	_ =	shalt  }
0x5b: {  	_ =	shalt  }
0x5c: {  	_ =	shalt  }
0x5d: {  	_ =	shalt  }
0x5e: {  	_ =	shalt  }
0x5f: {  	_ =	shalt  }
0x60: {  	_ =	shalt  }
0x61: {  	_ =	shalt  }
0x62: {  	_ =	shalt  }
0x63: {  	_ =	shalt  }
0x64: {  	_ =	shalt  }
0x65: {  	_ =	shalt  }
0x66: {  	_ =	shalt  }
0x67: {  	_ =	shalt  }
0x68: {  	_ =	shalt  }
0x69: {  	_ =	shalt  }
0x6a: {  	_ =	shalt  }
0x6b: {  	_ =	shalt  }
0x6c: {  	_ =	shalt  }
0x6d: {  	_ =	shalt  }
0x6e: {  	_ =	shalt  }
0x6f: {  	_ =	shalt  }
0x70: {  	_ =	shalt  }
0x71: {  	_ =	shalt  }
0x72: {  	_ =	shalt  }
0x73: {  	_ =	shalt  }
0x74: {  	_ =	shalt  }
0x75: {  	_ =	shalt  }
0x76: {  	_ =	shalt  }
0x77: {  	_ =	shalt  }
0x78: {  	_ =	shalt  }
0x79: {  	_ =	shalt  }
0x7a: {  	_ =	shalt  }
0x7b: {  	_ =	shalt  }
0x7c: {  	_ =	shalt  }
0x7d: {  	_ =	shalt  }
0x7e: {  	_ =	shalt  }
0x7f: {  	_ =	shalt  }
0x80: {  	_ =	shalt  }
0x81: {  	_ =	shalt  }
0x82: {  	_ =	shalt  }
0x83: {  	_ =	shalt  }
0x84: {  	_ =	shalt  }
0x85: {  	_ =	shalt  }
0x86: {  	_ =	shalt  }
0x87: {  	_ =	shalt  }
.Lfunc_end0:
.L_simem_size_0:
called_computation.1_lowered:
.L_overlay_start_0:
0x88: {  	s2 =	sld [smem:$0x3FD9]  }
0x89: {  	s3 =	sld [smem:$0x3FFE];
	_ =	sdelay $0x1  }
0x8a: {  	s1 =	srdreg.scid  }
0x8b: {  	s0 =	sand.u32 $0x1, s1  }
0x8c: {  	s17 =	sshll.u32 s0, $0xA;
	s2 =	sadd.s32 s3, s2  }
0x8d: {  	s2 =	sadd.s32 s2, s17  }
0x8e: {  	[smem:$0x3FBB] =	sst s2  }
0x8f: {  	_ = 	snop  }
0x90: {  	s2 =	sld [smem:$0x3FD0];
	(tm) =	ssettm $0x1  }
0x91: {  	s18 =	sld [smem:$0x3FFB];
	_ =	sdelay $0x3  }
0x92: {  	_ =	strace s18  }
0x93: {  	s3 =	sld [smem:$0x3FFC];
	_ =	sdelay $0x3  }
0x94: {  	_ =	strace s3  }
0x95: {  	s3 =	sld [smem:$0x3FFD];
	_ =	sdelay $0x3  }
0x96: {  	_ =	strace s3  }
0x97: {  	_ =	strace $0x8FFFFFFF  }
0x98: {  	s19 =	sld [smem:$0x3FDB];
	_ =	sdelay $0x1  }
0x99: {  	s4 =	simm.s32 $_scs_section_size  }
0x9a: {  	s5 =	simm.s32 $_size__tile_overlayer_lowered;
	s6 =	simm.s32 $_tile_overlayer_lowered  }
0x9b: {  	s22 =	simm.s32 $0x1BFF;
	s21 =	sshll.u32 s6, $0x1;
	s3 =	sadd.s32 s4, s19  }
0x9c: {  	s7 =	simm.s32 $0x0;
	s20 =	sshll.u32 s5, $0x1;
	s5 =	sadd.s32 s21, s3  }
0x9d: {  	[timem:s7], [sflag:s22] =	dma.local [hbm:s5], s20  }
0x9e: {  	_ =	swait.ge [sflag:s22], s20  }
0x9f: {  	s4 =	ssub.s32 $0x0, s20;
	[sflag:s22] =	ssyncset.done $0x0  }
0xa0: {  	[sflag:s22] =	ssyncadd.s32 s4;
	_ =	sdelay $0x1  }
0xa1: {  	s23 =	simm.s32 $0x1B8B  }
0xa2: {  	_ =	swait.ge [sflag:s23], $0x1  }
0xa3: {  	[sflag:s23] =	ssyncset.done $0x0  }
0xa4: {  	s25 =	simm.s32 $0x1B8E;
	s24 =	sld [smem:$0x3FFE];
	[sflag:s23] =	ssyncadd.s32 $0xFFFFFFFF  }
0xa5: {  	s26 =	simm.s32 $execute0_lowered;
	[smem:$0x3FD2] =	sst s25  }
0xa6: {  	s5 =	sshll.u32 s26, $0x1;
	_ =	strace $0x80000049;
	[dreg:$0x1] =	wrdreg $0xFFFFFFFF  }
0xa7: {  	s28 =	simm.s32 $_size_execute0_lowered;
	s3 =	sadd.s32 s3, s5;
	[dreg:$0x0] =	wrdreg $0x0  }
0xa8: {  	s5 =	sshll.u32 s28, $0x1;
	[dreg:$0x2] =	wrdreg s3  }
0xa9: {  	[dreg:$0x3] =	wrdreg s5  }
0xaa: {  	[dreg:$0x4] =	wrdreg $0xC0  }
0xab: {  	_ =	task [dreg:s7], $0x5FFFF  }
0xac: {  	[dreg:$0x1] =	wrdreg $0xFFFFFFFF  }
0xad: {  	[dreg:$0x0] =	wrdreg $0x60  }
0xae: {  	[dreg:$0x2] =	wrdreg s24  }
0xaf: {  	[dreg:$0x3] =	wrdreg s2  }
0xb0: {  	[dreg:$0x4] =	wrdreg $0xA2000  }
0xb1: {  	[dreg:$0x5] =	wrdreg $0x9  }
0xb2: {  	_ =	task.clear_ibuf [dreg:s7], $0x6FFFF;
	_ =	strace $0x90000049  }
0xb3: {  	s29 =	simm.s32 $0x9;
	_ =	strace $0x8000004B  }
0xb4: {  	_ =	swait.ge [sflag:s29], $0x1  }
0xb5: {  	[sflag:s29] =	ssyncadd.s32 $0xFFFFFFFF  }
0xb6: {  	_ =	strace $0x9000004B  }
0xb7: {  	_ =	sfence  }
0xb8: {  	s30 =	sld [smem:$0x0];
	_ =	sdelay $0x2  }
0xb9: {  	s31 =	sshll.u32 s1, $0xD;
	s1 =	sshrl.u32 s1, $0x2  }
0xba: {  	s3 =	sand.u32 $0x4000, s31;
	s1 =	sadd.s32 s1, s30  }
0xbb: {  	s0 =	sor.u32 s3, s0;
	s1 =	sshll.u32 s1, $0x11  }
0xbc: {  	s0 =	sor.u32 s1, s0  }
0xbd: {  	s0 =	sadd.s32 $0x8F2B, s0  }
0xbe: {  	[sflag:s0] =	ssyncadd.remote.s32 $0x1  }
0xbf: {  	_ =	sfence.sel $0xFFFF  }
0xc0: {  	[dreg:$0x0] =	wrdreg $0xFFFFFFFF;
	(pc) =	sbr.abs _section_cstart, $3  }
0xc1: {  	[dreg:$0x1] =	wrdreg $0xFFFFFFFF  }
0xc2: {  	_ =	task.clear_ibuf [dreg:s7], $0x2FFFF;
	_ =	strace $0x9FFFFFFF  }
0xc3: {  	(tm) =	ssettm $0x7FFFFFFF  }
tec
execute0_lowered:
.L_overlay_start_1:
0x0: {  	(tag) =	ssettag $0x1  }
0x1: {  	s0 =	rddreg [dreg:$0x0]  }
0x2: {  	s2 =	rddreg [dreg:$0x1]  }
0x3: {  	s3 =	rddreg [dreg:$0x2]  }
0x4: {  	s1 =	srdreg.scid;
	s11 =	stileid.u32  }
0x5: {  	s4 =	simm.s32 $0x0;
	s31 =	simm.s32 $0x200;
	s1 =	sand.u32 $0x1, s1  }
0x6: {  	s7 =	smul.u32 $0x280, s11;
	[smem:$0x7FF] =	sst s4;
	s5 =	sadd.s32 $0xD200, s0  }
0x7: {  	s6 =	sadd.s32 $0x4EF200, s0;
	s9 =	smul.u32 $0x50000, s11;
	s23 =	sshll.u32 s1, $0x4  }
0x8: {  	s8 =	smul.u32 $0x2800, s1;
	s1 =	ssub.s32 $0x2, s1;
	s11 =	sor.u32 s11, s23  }
0x9: {  	_ =	strace $0x8000004A;
	s25 =	sshrl.u32 s1, $0x1;
	s12 =	smul.u32 $0x2710, s11  }
0xa: {  	s24 =	sshrl.u32 s9, $0x2;
	s1 =	ssub.s32 s1, s25;
	s13 =	smul.u32 $0x27100, s11  }
0xb: {  	s8 =	sadd.s32 s7, s8;
	s7 =	sadd.s32 $0x3400, s0;
	s22 =	smax.u32 s1, $0x1  }
0xc: {  	s26 =	sshrl.u32 s12, $0x3;
	s11 =	sadd.s32 s6, s13;
	[dreg:$0xf] =	wrdreg s22  }
0xd: {  	s10 =	sshll.u32 s8, $0x4;
	s28 =	sadd.s32 s7, s26;
	[dreg:$0x6] =	wrdreg s11  }
0xe: {  	s0 =	sadd.s32 s10, s0;
	s9 =	sadd.s32 s2, s26;
	[dreg:$0x4] =	wrdreg s28  }
0xf: {  	s8 =	sadd.s32 s24, s3;
	s13 =	sadd.s32 $0x35200, s0;
	[dreg:$0x5] =	wrdreg s9  }
0x10: {  	s1 =	simm.s32 $0x80;
	s14 =	sadd.s32 $0x35700, s0;
	[dreg:$0x7] =	wrdreg s13  }
0x11: {  	s23 =	sadd.s32 $0x2800, s8;
	s17 =	sadd.s32 $0x35C00, s0;
	[dreg:$0x8] =	wrdreg s14  }
0x12: {  	s24 =	sadd.s32 $0x5000, s8;
	s18 =	sadd.s32 $0x36100, s0;
	[dreg:$0x9] =	wrdreg s17  }
0x13: {  	s25 =	sadd.s32 $0x7800, s8;
	s19 =	sadd.s32 $0x36600, s0;
	[dreg:$0xa] =	wrdreg s18  }
0x14: {  	s15 =	sadd.s32 $0x50, s12;
	s20 =	sadd.s32 $0x36B00, s0;
	[dreg:$0xb] =	wrdreg s19  }
0x15: {  	s16 =	sadd.s32 $0xA0, s12;
	s21 =	sadd.s32 $0x37000, s0;
	[dreg:$0xc] =	wrdreg s20  }
0x16: {  	s29 =	sadd.s32 $0xF000, s8;
	s0 =	sadd.s32 $0x37500, s0;
	[dreg:$0xd] =	wrdreg s21  }
0x17: {  	s30 =	sadd.s32 $0x11800, s8;
	s26 =	sadd.s32 $0xA000, s8;
	[dreg:$0xe] =	wrdreg s0  }
0x18: {  	s12 =	simm.s32 $0x50;
	[dreg:$0x10] =	wrdreg s26;
	s28 =	sadd.s32 $0xC800, s8  }
0x19: {  	s0 =	simm.s32 $0x3;
	s13 =	simm.s32 $0x5200;
	s14 =	simm.s32 $0x100  }
0x1a: {  	s17 =	simm.s32 $0x180;
	s18 =	simm.s32 $0x2A00;
	s19 =	simm.s32 $0x7A00  }
0x1b: {  	v0 =	vimm.f32 $0.0e+00;
	s20 =	simm.s32 $0x1;
	s21 =	simm.s32 $0x2;
	[dreg:$0x11] =	wrdreg s28  }
.LBB2_1:
0x1c: {  	s9 =	simm.s32 $0x0;
	s22 =	simm.s32 $0x200  }
.LBB2_2:
0x1d: {  	p0 =	sne.s32 s22, $0x9E00;
	[tilespmem:s9+$0x270] =	vst v0  }
0x1e: {  	[tilespmem:s9+$0x200] =	vst v0  }
0x1f: {  	[tilespmem:s9+$0x210] =	vst v0  }
.Ltmp0:
0x20: {  	[tilespmem:s9+$0x220] =	vst v0;
	(pc) =	sbr.rel @p0 .LBB2_2-.Ltmp0, $4  }
0x21: {  	[tilespmem:s9+$0x230] =	vst v0  }
0x22: {  	[tilespmem:s9+$0x240] =	vst v0  }
0x23: {  	[tilespmem:s9+$0x250] =	vst v0  }
0x24: {  	[tilespmem:s9+$0x260] =	vst v0;
	s9 =	sshra.s32 s22, $0x2;
	s22 =	sadd.s32 $0x200, s22  }
0x25: {  	[tilespmem:s9+$0x270] =	vst v0  }
0x26: {  	[tilespmem:s9+$0x200] =	vst v0  }
0x27: {  	[tilespmem:s9+$0x210] =	vst v0  }
0x28: {  	[tilespmem:s9+$0x220] =	vst v0  }
0x29: {  	[tilespmem:s9+$0x230] =	vst v0  }
0x2a: {  	[tilespmem:s9+$0x240] =	vst v0  }
0x2b: {  	[tilespmem:s9+$0x250] =	vst v0  }
0x2c: {  	[tilespmem:s9+$0x260] =	vst v0  }
0x2d: {  	[spmem:s8] =	stream.linear.scatter [tilespmem:s31], [sflag:$0x3], $0x2800, $0x38;
	[tilespmem:$0x1E200] =	vst v63  }
0x2e: {  	_ =	swait.ge [sflag:s0], $0x2800  }
0x2f: {  	[sflag:s0] =	ssyncset.done $0x0  }
0x30: {  	[sflag:s0] =	ssyncadd.s32 $0xFFFFD800  }
0x31: {  	[spmem:s23] =	stream.linear.scatter [tilespmem:s31], [sflag:$0x3], $0x2800, $0x38;
	[tilespmem:$0x1E200] =	vst v63  }
0x32: {  	_ =	swait.ge [sflag:s0], $0x2800  }
0x33: {  	[sflag:s0] =	ssyncset.done $0x0  }
0x34: {  	[sflag:s0] =	ssyncadd.s32 $0xFFFFD800  }
0x35: {  	[spmem:s24] =	stream.linear.scatter [tilespmem:s31], [sflag:$0x3], $0x2800, $0x38;
	[tilespmem:$0x1E200] =	vst v63  }
0x36: {  	_ =	swait.ge [sflag:s0], $0x2800  }
0x37: {  	[sflag:s0] =	ssyncset.done $0x0  }
0x38: {  	[sflag:s0] =	ssyncadd.s32 $0xFFFFD800  }
0x39: {  	[spmem:s25] =	stream.linear.scatter [tilespmem:s31], [sflag:$0x3], $0x2800, $0x38;
	[tilespmem:$0x1E200] =	vst v63  }
0x3a: {  	_ =	swait.ge [sflag:s0], $0x2800  }
0x3b: {  	[sflag:s0] =	ssyncset.done $0x0  }
0x3c: {  	s10 =	rddreg [dreg:$0x10];
	[sflag:s0] =	ssyncadd.s32 $0xFFFFD800  }
0x3d: {  	[spmem:s10] =	stream.linear.scatter [tilespmem:s31], [sflag:$0x3], $0x2800, $0x38;
	[tilespmem:$0x1E200] =	vst v63  }
0x3e: {  	_ =	swait.ge [sflag:s0], $0x2800  }
0x3f: {  	[sflag:s0] =	ssyncset.done $0x0  }
0x40: {  	s22 =	rddreg [dreg:$0x11];
	[sflag:s0] =	ssyncadd.s32 $0xFFFFD800  }
0x41: {  	[spmem:s22] =	stream.linear.scatter [tilespmem:s31], [sflag:$0x3], $0x2800, $0x38;
	[tilespmem:$0x1E200] =	vst v63  }
0x42: {  	_ =	swait.ge [sflag:s0], $0x2800  }
0x43: {  	[sflag:s0] =	ssyncset.done $0x0  }
0x44: {  	[sflag:s0] =	ssyncadd.s32 $0xFFFFD800  }
0x45: {  	[spmem:s29] =	stream.linear.scatter [tilespmem:s31], [sflag:$0x3], $0x2800, $0x38;
	[tilespmem:$0x1E200] =	vst v63  }
0x46: {  	_ =	swait.ge [sflag:s0], $0x2800  }
0x47: {  	[sflag:s0] =	ssyncset.done $0x0  }
0x48: {  	[sflag:s0] =	ssyncadd.s32 $0xFFFFD800  }
0x49: {  	[spmem:s30] =	stream.linear.scatter [tilespmem:s31], [sflag:$0x3], $0x2800, $0x38;
	[tilespmem:$0x1E200] =	vst v63  }
0x4a: {  	_ =	swait.ge [sflag:s0], $0x2800  }
0x4b: {  	[sflag:s0] =	ssyncset.done $0x0  }
0x4c: {  	[sflag:s0] =	ssyncadd.s32 $0xFFFFD800  }
0x4d: {  	[bflag:$0x0] =	sbarrier.arrive $0xFFFF  }
0x4e: {  	s11 =	smov.u32 s23;
	s22 =	simm.s32 $0x0;
	s23 =	rddreg [dreg:$0x4]  }
0x4f: {  	[tilespmem:s22], [sflag:$0x3] =	stream.linear.gather [hbm4b:s23+s22], $0x50, $0x38;
	[tilespmem:$0x1E200] =	vst v63  }
0x50: {  	_ =	swait.ge [sflag:s0], $0x50  }
0x51: {  	[sflag:s0] =	ssyncset.done $0x0  }
0x52: {  	s26 =	smov.u32 s24;
	s24 =	rddreg [dreg:$0x5];
	[sflag:s0] =	ssyncadd.s32 $0xFFFFFFB0  }
0x53: {  	[tilespmem:s1], [sflag:$0x3] =	stream.linear.gather [hbm4b:s24+s22], $0x50, $0x38;
	[tilespmem:$0x1E200] =	vst v63  }
0x54: {  	_ =	swait.ge [sflag:s0], $0x50  }
0x55: {  	[sflag:s0] =	ssyncset.done $0x0  }
0x56: {  	[sflag:s0] =	ssyncadd.s32 $0xFFFFFFB0  }
0x57: {  	[tilespmem:s31], [sflag:$0x1] =	stream.indirect.gather [hbm4b:s5+s12], $0x80, s22, s12, $0xb8;
	[tilespmem:$0x1E200] =	vst v63  }
0x58: {  	s28 =	smov.u32 s25;
	s23 =	simm.s32 $0x0;
	s25 =	rddreg [dreg:$0x6]  }
0x59: {  	[tilespmem:s13], [sflag:$0x1] =	stream.linear.gather [hbm4b:s25+s22], $0x2800, $0x38;
	[tilespmem:$0x1E200] =	vst v63  }
.LBB2_4:
0x5a: {  	s24 =	smul.u32 $0xA0, s23;
	_ =	sdelay $0x1  }
0x5b: {  	s9 =	sadd.s32 s24, s15  }
0x5c: {  	s25 =	sshrl.u32 s9, $0x3  }
0x5d: {  	s10 =	sadd.s32 s7, s25  }
0x5e: {  	[tilespmem:s14], [sflag:$0x3] =	stream.linear.gather [hbm4b:s10+s22], $0x50, $0x38;
	[tilespmem:$0x1E200] =	vst v63  }
0x5f: {  	_ =	swait.ge [sflag:s0], $0x50  }
0x60: {  	[sflag:s0] =	ssyncset.done $0x0  }
0x61: {  	s25 =	sadd.s32 s2, s25;
	[sflag:s0] =	ssyncadd.s32 $0xFFFFFFB0  }
0x62: {  	[tilespmem:s17], [sflag:$0x3] =	stream.linear.gather [hbm4b:s25+s22], $0x50, $0x38;
	[tilespmem:$0x1E200] =	vst v63  }
0x63: {  	_ =	swait.ge [sflag:s0], $0x50  }
0x64: {  	[sflag:s0] =	ssyncset.done $0x0  }
0x65: {  	s9 =	sshll.u32 s9, $0x4;
	[sflag:s0] =	ssyncadd.s32 $0xFFFFFFB0  }
0x66: {  	[tilespmem:s18], [sflag:$0x2] =	stream.indirect.gather [hbm4b:s5+s12], $0x80, s14, s12, $0xb8;
	[tilespmem:$0x1E200] =	vst v63  }
0x67: {  	s9 =	sadd.s32 s6, s9  }
0x68: {  	[tilespmem:s19], [sflag:$0x2] =	stream.linear.gather [hbm4b:s9+s22], $0x2800, $0x38;
	[tilespmem:$0x1E200] =	vst v63  }
0x69: {  	_ =	swait.ge [sflag:s20], $0x2800  }
0x6a: {  	[sflag:s20] =	ssyncset.done $0x0  }
0x6b: {  	[sflag:s20] =	ssyncadd.s32 $0xFFFFD800  }
0x6c: {  	_ =	swait.ge [sflag:s20], $0x2800  }
0x6d: {  	[sflag:s20] =	ssyncset.done $0x0  }
0x6e: {  	s25 =	simm.s32 $0x0;
	[sflag:s20] =	ssyncadd.s32 $0xFFFFD800  }
0x6f: {  	v7 =	vld [tilespmem:s25+$0x5200]  }
0x70: {  	v12 =	vld [tilespmem:s25+$0x5210]  }
0x71: {  	v6 =	vld [tilespmem:s25+$0x5220]  }
0x72: {  	v5 =	vld [tilespmem:s25+$0x5230]  }
0x73: {  	v4 =	vld [tilespmem:s25+$0x5240]  }
0x74: {  	v3 =	vld [tilespmem:s25+$0x5250]  }
0x75: {  	v2 =	vld [tilespmem:s25+$0x5260]  }
0x76: {  	v1 =	vld [tilespmem:s25+$0x5270]  }
0x77: {  	v13 =	vld [tilespmem:s25+$0x200]  }
0x78: {  	v14 =	vld [tilespmem:s25+$0x210]  }
0x79: {  	v11 =	vld [tilespmem:s25+$0x220]  }
0x7a: {  	v10 =	vld [tilespmem:s25+$0x230]  }
0x7b: {  	v9 =	vld [tilespmem:s25+$0x240]  }
0x7c: {  	v8 =	vld [tilespmem:s25+$0x250];
	v13 =	vadd.f32 v7, v13  }
0x7d: {  	s9 =	simm.s32 $0x200;
	v12 =	vadd.f32 v12, v14;
	v7 =	vld [tilespmem:s25+$0x260]  }
.LBB2_5:
0x7e: {  	s10 =	sshra.s32 s9, $0x2;
	p0 =	sne.s32 s9, $0x9E00;
	v13 =	vmax.f32 v13, $0.0e+00;
	v6 =	vadd.f32 v6, v11;
	v11 =	vld [tilespmem:s25+$0x270]  }
0x7f: {  	v14 =	vld [tilespmem:s10+$0x5200];
	[tilespmem:s25+$0x200] =	vst v13;
	v12 =	vmax.f32 v12, $0.0e+00;
	v5 =	vadd.f32 v5, v10  }
0x80: {  	v15 =	vld [tilespmem:s10+$0x5210];
	[tilespmem:s25+$0x210] =	vst v12;
	v10 =	vmax.f32 v6, $0.0e+00;
	v4 =	vadd.f32 v4, v9  }
0x81: {  	v6 =	vld [tilespmem:s10+$0x5220];
	[tilespmem:s25+$0x220] =	vst v10;
	v9 =	vmax.f32 v5, $0.0e+00;
	v3 =	vadd.f32 v3, v8  }
0x82: {  	v5 =	vld [tilespmem:s10+$0x5230];
	[tilespmem:s25+$0x230] =	vst v9;
	v8 =	vmax.f32 v4, $0.0e+00;
	v2 =	vadd.f32 v2, v7  }
0x83: {  	v4 =	vld [tilespmem:s10+$0x5240];
	[tilespmem:s25+$0x240] =	vst v8;
	v7 =	vmax.f32 v3, $0.0e+00;
	v1 =	vadd.f32 v1, v11  }
0x84: {  	v3 =	vld [tilespmem:s10+$0x5250];
	[tilespmem:s25+$0x250] =	vst v7;
	v7 =	vmax.f32 v2, $0.0e+00  }
0x85: {  	v2 =	vld [tilespmem:s10+$0x5260];
	[tilespmem:s25+$0x260] =	vst v7;
	v7 =	vmax.f32 v1, $0.0e+00  }
0x86: {  	v1 =	vld [tilespmem:s10+$0x5270];
	[tilespmem:s25+$0x270] =	vst v7;
	s25 =	smov.u32 s10  }
0x87: {  	v7 =	vld [tilespmem:s25+$0x200]  }
0x88: {  	v12 =	vld [tilespmem:s25+$0x210]  }
.Ltmp1:
0x89: {  	v11 =	vld [tilespmem:s25+$0x220];
	(pc) =	sbr.rel @p0 .LBB2_5-.Ltmp1, $4  }
0x8a: {  	v10 =	vld [tilespmem:s25+$0x230]  }
0x8b: {  	v9 =	vld [tilespmem:s25+$0x240]  }
0x8c: {  	v13 =	vadd.f32 v14, v7;
	v8 =	vld [tilespmem:s25+$0x250]  }
0x8d: {  	s9 =	sadd.s32 $0x200, s9;
	v12 =	vadd.f32 v15, v12;
	v7 =	vld [tilespmem:s25+$0x260]  }
0x8e: {  	v13 =	vmax.f32 v13, $0.0e+00;
	v6 =	vadd.f32 v6, v11;
	v11 =	vld [tilespmem:s25+$0x270]  }
0x8f: {  	[tilespmem:s25+$0x200] =	vst v13;
	v12 =	vmax.f32 v12, $0.0e+00;
	v5 =	vadd.f32 v5, v10  }
0x90: {  	[tilespmem:s25+$0x210] =	vst v12;
	v6 =	vmax.f32 v6, $0.0e+00;
	v4 =	vadd.f32 v4, v9  }
0x91: {  	[tilespmem:s25+$0x220] =	vst v6;
	v5 =	vmax.f32 v5, $0.0e+00;
	v3 =	vadd.f32 v3, v8  }
0x92: {  	[tilespmem:s25+$0x230] =	vst v5;
	v4 =	vmax.f32 v4, $0.0e+00;
	v2 =	vadd.f32 v2, v7  }
0x93: {  	[tilespmem:s25+$0x240] =	vst v4;
	v3 =	vmax.f32 v3, $0.0e+00;
	v1 =	vadd.f32 v1, v11  }
0x94: {  	[tilespmem:s25+$0x250] =	vst v3;
	v2 =	vmax.f32 v2, $0.0e+00  }
0x95: {  	[tilespmem:s25+$0x260] =	vst v2;
	v1 =	vmax.f32 v1, $0.0e+00  }
0x96: {  	[tilespmem:s25+$0x270] =	vst v1  }
0x97: {  	[spmem:s3] =	stream.indirect.scatter.add.f32 [tilespmem:s31], [sflag:$0x3], $0x80, s1, s12, $0xb8;
	[tilespmem:$0x1E200] =	vst v63  }
0x98: {  	s9 =	sadd.s32 s24, s16;
	_ =	swait.ge [sflag:s0], $0x2800  }
0x99: {  	s10 =	sshrl.u32 s9, $0x3;
	[sflag:s0] =	ssyncset.done $0x0  }
0x9a: {  	s24 =	sadd.s32 s7, s10;
	s25 =	simm.s32 $0x0;
	[sflag:s0] =	ssyncadd.s32 $0xFFFFD800  }
0x9b: {  	[tilespmem:s25], [sflag:$0x3] =	stream.linear.gather [hbm4b:s24+s25], $0x50, $0x38;
	[tilespmem:$0x1E200] =	vst v63  }
0x9c: {  	_ =	swait.ge [sflag:s0], $0x50  }
0x9d: {  	[sflag:s0] =	ssyncset.done $0x0  }
0x9e: {  	s10 =	sadd.s32 s2, s10;
	[sflag:s0] =	ssyncadd.s32 $0xFFFFFFB0  }
0x9f: {  	[tilespmem:s1], [sflag:$0x3] =	stream.linear.gather [hbm4b:s10+s25], $0x50, $0x38;
	[tilespmem:$0x1E200] =	vst v63  }
0xa0: {  	_ =	swait.ge [sflag:s0], $0x50  }
0xa1: {  	[sflag:s0] =	ssyncset.done $0x0  }
0xa2: {  	s9 =	sshll.u32 s9, $0x4;
	[sflag:s0] =	ssyncadd.s32 $0xFFFFFFB0  }
0xa3: {  	[tilespmem:s31], [sflag:$0x1] =	stream.indirect.gather [hbm4b:s5+s12], $0x80, s25, s12, $0xb8;
	[tilespmem:$0x1E200] =	vst v63  }
0xa4: {  	s9 =	sadd.s32 s6, s9  }
0xa5: {  	[tilespmem:s13], [sflag:$0x1] =	stream.linear.gather [hbm4b:s9+s25], $0x2800, $0x38;
	[tilespmem:$0x1E200] =	vst v63  }
0xa6: {  	_ =	swait.ge [sflag:s21], $0x2800  }
0xa7: {  	[sflag:s21] =	ssyncset.done $0x0  }
0xa8: {  	[sflag:s21] =	ssyncadd.s32 $0xFFFFD800  }
0xa9: {  	_ =	swait.ge [sflag:s21], $0x2800  }
0xaa: {  	[sflag:s21] =	ssyncset.done $0x0  }
0xab: {  	s24 =	simm.s32 $0x0;
	[sflag:s21] =	ssyncadd.s32 $0xFFFFD800  }
0xac: {  	v7 =	vld [tilespmem:s24+$0x7A00]  }
0xad: {  	v12 =	vld [tilespmem:s24+$0x7A10]  }
0xae: {  	v6 =	vld [tilespmem:s24+$0x7A20]  }
0xaf: {  	v5 =	vld [tilespmem:s24+$0x7A30]  }
0xb0: {  	v4 =	vld [tilespmem:s24+$0x7A40]  }
0xb1: {  	v3 =	vld [tilespmem:s24+$0x7A50]  }
0xb2: {  	v2 =	vld [tilespmem:s24+$0x7A60]  }
0xb3: {  	v1 =	vld [tilespmem:s24+$0x7A70]  }
0xb4: {  	v13 =	vld [tilespmem:s24+$0x2A00]  }
0xb5: {  	v14 =	vld [tilespmem:s24+$0x2A10]  }
0xb6: {  	v11 =	vld [tilespmem:s24+$0x2A20]  }
0xb7: {  	v10 =	vld [tilespmem:s24+$0x2A30]  }
0xb8: {  	v9 =	vld [tilespmem:s24+$0x2A40]  }
0xb9: {  	v8 =	vld [tilespmem:s24+$0x2A50];
	v13 =	vadd.f32 v7, v13  }
0xba: {  	s9 =	simm.s32 $0x200;
	v12 =	vadd.f32 v12, v14;
	v7 =	vld [tilespmem:s24+$0x2A60]  }
.LBB2_7:
0xbb: {  	s10 =	sshra.s32 s9, $0x2;
	p0 =	sne.s32 s9, $0x9E00;
	v13 =	vmax.f32 v13, $0.0e+00;
	v6 =	vadd.f32 v6, v11;
	v11 =	vld [tilespmem:s24+$0x2A70]  }
0xbc: {  	v14 =	vld [tilespmem:s10+$0x7A00];
	[tilespmem:s24+$0x2A00] =	vst v13;
	v12 =	vmax.f32 v12, $0.0e+00;
	v5 =	vadd.f32 v5, v10  }
0xbd: {  	v15 =	vld [tilespmem:s10+$0x7A10];
	[tilespmem:s24+$0x2A10] =	vst v12;
	v10 =	vmax.f32 v6, $0.0e+00;
	v4 =	vadd.f32 v4, v9  }
0xbe: {  	v6 =	vld [tilespmem:s10+$0x7A20];
	[tilespmem:s24+$0x2A20] =	vst v10;
	v9 =	vmax.f32 v5, $0.0e+00;
	v3 =	vadd.f32 v3, v8  }
0xbf: {  	v5 =	vld [tilespmem:s10+$0x7A30];
	[tilespmem:s24+$0x2A30] =	vst v9;
	v8 =	vmax.f32 v4, $0.0e+00;
	v2 =	vadd.f32 v2, v7  }
0xc0: {  	v4 =	vld [tilespmem:s10+$0x7A40];
	[tilespmem:s24+$0x2A40] =	vst v8;
	v7 =	vmax.f32 v3, $0.0e+00;
	v1 =	vadd.f32 v1, v11  }
0xc1: {  	v3 =	vld [tilespmem:s10+$0x7A50];
	[tilespmem:s24+$0x2A50] =	vst v7;
	v7 =	vmax.f32 v2, $0.0e+00  }
0xc2: {  	v2 =	vld [tilespmem:s10+$0x7A60];
	[tilespmem:s24+$0x2A60] =	vst v7;
	v7 =	vmax.f32 v1, $0.0e+00  }
0xc3: {  	v1 =	vld [tilespmem:s10+$0x7A70];
	[tilespmem:s24+$0x2A70] =	vst v7;
	s24 =	smov.u32 s10  }
0xc4: {  	v7 =	vld [tilespmem:s24+$0x2A00]  }
0xc5: {  	v12 =	vld [tilespmem:s24+$0x2A10]  }
.Ltmp2:
0xc6: {  	v11 =	vld [tilespmem:s24+$0x2A20];
	(pc) =	sbr.rel @p0 .LBB2_7-.Ltmp2, $4  }
0xc7: {  	v10 =	vld [tilespmem:s24+$0x2A30]  }
0xc8: {  	v9 =	vld [tilespmem:s24+$0x2A40]  }
0xc9: {  	v13 =	vadd.f32 v14, v7;
	v8 =	vld [tilespmem:s24+$0x2A50]  }
0xca: {  	s9 =	sadd.s32 $0x200, s9;
	v12 =	vadd.f32 v15, v12;
	v7 =	vld [tilespmem:s24+$0x2A60]  }
0xcb: {  	v13 =	vmax.f32 v13, $0.0e+00;
	v6 =	vadd.f32 v6, v11;
	v63 =	vld [tilespmem:s24+$0x2A70]  }
0xcc: {  	[tilespmem:s24+$0x2A00] =	vst v13;
	v12 =	vmax.f32 v12, $0.0e+00;
	v5 =	vadd.f32 v5, v10  }
0xcd: {  	[tilespmem:s24+$0x2A10] =	vst v12;
	v6 =	vmax.f32 v6, $0.0e+00;
	v4 =	vadd.f32 v4, v9  }
0xce: {  	[tilespmem:s24+$0x2A20] =	vst v6;
	v5 =	vmax.f32 v5, $0.0e+00;
	v3 =	vadd.f32 v3, v8  }
0xcf: {  	[tilespmem:s24+$0x2A30] =	vst v5;
	v4 =	vmax.f32 v4, $0.0e+00;
	v2 =	vadd.f32 v2, v7  }
0xd0: {  	[tilespmem:s24+$0x2A40] =	vst v4;
	v3 =	vmax.f32 v3, $0.0e+00;
	v1 =	vadd.f32 v1, v63  }
0xd1: {  	s23 =	sadd.s32 $0x1, s23;
	[tilespmem:s24+$0x2A50] =	vst v3;
	v2 =	vmax.f32 v2, $0.0e+00  }
0xd2: {  	p0 =	sne.s32 s23, $0x3E;
	[tilespmem:s24+$0x2A60] =	vst v2;
	v1 =	vmax.f32 v1, $0.0e+00  }
.Ltmp3:
0xd3: {  	[tilespmem:s24+$0x2A70] =	vst v1;
	(pc) =	sbr.rel @p0 .LBB2_4-.Ltmp3, $4  }
0xd4: {  	[spmem:s3] =	stream.indirect.scatter.add.f32 [tilespmem:s18], [sflag:$0x3], $0x80, s17, s12, $0xb8;
	[tilespmem:$0x1E200] =	vst v63  }
0xd5: {  	_ =	swait.ge [sflag:s0], $0x2800  }
0xd6: {  	[sflag:s0] =	ssyncset.done $0x0  }
0xd7: {  	[sflag:s0] =	ssyncadd.s32 $0xFFFFD800  }
0xd8: {  	_ =	swait.ge [sflag:s20], $0x2800  }
0xd9: {  	[sflag:s20] =	ssyncset.done $0x0  }
0xda: {  	[sflag:s20] =	ssyncadd.s32 $0xFFFFD800  }
0xdb: {  	_ =	swait.ge [sflag:s20], $0x2800  }
0xdc: {  	[sflag:s20] =	ssyncset.done $0x0  }
0xdd: {  	s22 =	simm.s32 $0x0;
	[sflag:s20] =	ssyncadd.s32 $0xFFFFD800  }
0xde: {  	v7 =	vld [tilespmem:s22+$0x5200]  }
0xdf: {  	v12 =	vld [tilespmem:s22+$0x5210]  }
0xe0: {  	v6 =	vld [tilespmem:s22+$0x5220]  }
0xe1: {  	v5 =	vld [tilespmem:s22+$0x5230]  }
0xe2: {  	v4 =	vld [tilespmem:s22+$0x5240]  }
0xe3: {  	v3 =	vld [tilespmem:s22+$0x5250]  }
0xe4: {  	v2 =	vld [tilespmem:s22+$0x5260]  }
0xe5: {  	v1 =	vld [tilespmem:s22+$0x5270]  }
0xe6: {  	v13 =	vld [tilespmem:s22+$0x200]  }
0xe7: {  	v14 =	vld [tilespmem:s22+$0x210]  }
0xe8: {  	v11 =	vld [tilespmem:s22+$0x220]  }
0xe9: {  	v10 =	vld [tilespmem:s22+$0x230]  }
0xea: {  	v9 =	vld [tilespmem:s22+$0x240]  }
0xeb: {  	v8 =	vld [tilespmem:s22+$0x250];
	v13 =	vadd.f32 v7, v13  }
0xec: {  	s9 =	simm.s32 $0x200;
	v12 =	vadd.f32 v12, v14;
	v7 =	vld [tilespmem:s22+$0x260]  }
.LBB2_10:
0xed: {  	s10 =	sshra.s32 s9, $0x2;
	p0 =	sne.s32 s9, $0x9E00;
	v13 =	vmax.f32 v13, $0.0e+00;
	v6 =	vadd.f32 v6, v11;
	v11 =	vld [tilespmem:s22+$0x270]  }
0xee: {  	v14 =	vld [tilespmem:s10+$0x5200];
	[tilespmem:s22+$0x200] =	vst v13;
	v12 =	vmax.f32 v12, $0.0e+00;
	v5 =	vadd.f32 v5, v10  }
0xef: {  	v15 =	vld [tilespmem:s10+$0x5210];
	[tilespmem:s22+$0x210] =	vst v12;
	v10 =	vmax.f32 v6, $0.0e+00;
	v4 =	vadd.f32 v4, v9  }
0xf0: {  	v6 =	vld [tilespmem:s10+$0x5220];
	[tilespmem:s22+$0x220] =	vst v10;
	v9 =	vmax.f32 v5, $0.0e+00;
	v3 =	vadd.f32 v3, v8  }
0xf1: {  	v5 =	vld [tilespmem:s10+$0x5230];
	[tilespmem:s22+$0x230] =	vst v9;
	v8 =	vmax.f32 v4, $0.0e+00;
	v2 =	vadd.f32 v2, v7  }
0xf2: {  	v4 =	vld [tilespmem:s10+$0x5240];
	[tilespmem:s22+$0x240] =	vst v8;
	v7 =	vmax.f32 v3, $0.0e+00;
	v1 =	vadd.f32 v1, v11  }
0xf3: {  	v3 =	vld [tilespmem:s10+$0x5250];
	[tilespmem:s22+$0x250] =	vst v7;
	v7 =	vmax.f32 v2, $0.0e+00  }
0xf4: {  	v2 =	vld [tilespmem:s10+$0x5260];
	[tilespmem:s22+$0x260] =	vst v7;
	v7 =	vmax.f32 v1, $0.0e+00  }
0xf5: {  	v1 =	vld [tilespmem:s10+$0x5270];
	[tilespmem:s22+$0x270] =	vst v7;
	s22 =	smov.u32 s10  }
0xf6: {  	v7 =	vld [tilespmem:s22+$0x200]  }
0xf7: {  	v12 =	vld [tilespmem:s22+$0x210]  }
.Ltmp4:
0xf8: {  	v11 =	vld [tilespmem:s22+$0x220];
	(pc) =	sbr.rel @p0 .LBB2_10-.Ltmp4, $4  }
0xf9: {  	v10 =	vld [tilespmem:s22+$0x230]  }
0xfa: {  	v9 =	vld [tilespmem:s22+$0x240]  }
0xfb: {  	v13 =	vadd.f32 v14, v7;
	v8 =	vld [tilespmem:s22+$0x250]  }
0xfc: {  	s9 =	sadd.s32 $0x200, s9;
	v12 =	vadd.f32 v15, v12;
	v7 =	vld [tilespmem:s22+$0x260]  }
0xfd: {  	v13 =	vmax.f32 v13, $0.0e+00;
	v6 =	vadd.f32 v6, v11;
	v63 =	vld [tilespmem:s22+$0x270]  }
0xfe: {  	[tilespmem:s22+$0x200] =	vst v13;
	v12 =	vmax.f32 v12, $0.0e+00;
	v5 =	vadd.f32 v5, v10  }
0xff: {  	[tilespmem:s22+$0x210] =	vst v12;
	v6 =	vmax.f32 v6, $0.0e+00;
	v4 =	vadd.f32 v4, v9  }
0x100: {  	[tilespmem:s22+$0x220] =	vst v6;
	v5 =	vmax.f32 v5, $0.0e+00;
	v3 =	vadd.f32 v3, v8  }
0x101: {  	[tilespmem:s22+$0x230] =	vst v5;
	v4 =	vmax.f32 v4, $0.0e+00;
	v2 =	vadd.f32 v2, v7  }
0x102: {  	[tilespmem:s22+$0x240] =	vst v4;
	v3 =	vmax.f32 v3, $0.0e+00;
	v1 =	vadd.f32 v1, v63  }
0x103: {  	[tilespmem:s22+$0x250] =	vst v3;
	v2 =	vmax.f32 v2, $0.0e+00  }
0x104: {  	[tilespmem:s22+$0x260] =	vst v2;
	v1 =	vmax.f32 v1, $0.0e+00  }
0x105: {  	[tilespmem:s22+$0x270] =	vst v1  }
0x106: {  	[spmem:s3] =	stream.indirect.scatter.add.f32 [tilespmem:s31], [sflag:$0x3], $0x80, s1, s12, $0xb8;
	[tilespmem:$0x1E200] =	vst v63  }
0x107: {  	_ =	swait.ge [sflag:s0], $0x2800  }
0x108: {  	[sflag:s0] =	ssyncset.done $0x0  }
0x109: {  	s9 =	stileid.u32;
	[sflag:s0] =	ssyncadd.s32 $0xFFFFD800  }
0x10a: {  	s9 =	sshll.u32 s9, $0x6;
	[bflag:$0x0] =	sbarrier.arrive $0xFFFF  }
0x10b: {  	s10 =	sshrl.u32 s8, $0x3;
	s9 =	sor.u32 $0x1C03, s9;
	s25 =	rddreg [dreg:$0x7]  }
0x10c: {  	[hbm:s25], [sflag:s9] =	dma.local [spmem:s10], $0x500  }
0x10d: {  	_ =	swait.ge [sflag:s0], $0x500  }
0x10e: {  	[sflag:s0] =	ssyncset.done $0x0  }
0x10f: {  	s22 =	sshrl.u32 s11, $0x3;
	s24 =	rddreg [dreg:$0x8];
	[sflag:s0] =	ssyncadd.s32 $0xFFFFFB00  }
0x110: {  	[hbm:s24], [sflag:s9] =	dma.local [spmem:s22], $0x500  }
0x111: {  	_ =	swait.ge [sflag:s0], $0x500  }
0x112: {  	s25 =	sshrl.u32 s26, $0x3;
	[sflag:s0] =	ssyncset.done $0x0  }
0x113: {  	s24 =	smov.u32 s26;
	s26 =	rddreg [dreg:$0x9];
	[sflag:s0] =	ssyncadd.s32 $0xFFFFFB00  }
0x114: {  	[hbm:s26], [sflag:s9] =	dma.local [spmem:s25], $0x500  }
0x115: {  	_ =	swait.ge [sflag:s0], $0x500  }
0x116: {  	s23 =	smov.u32 s11;
	[sflag:s0] =	ssyncset.done $0x0  }
0x117: {  	s11 =	sshrl.u32 s28, $0x3;
	s22 =	rddreg [dreg:$0xa];
	[sflag:s0] =	ssyncadd.s32 $0xFFFFFB00  }
0x118: {  	[hbm:s22], [sflag:s9] =	dma.local [spmem:s11], $0x500  }
0x119: {  	_ =	swait.ge [sflag:s0], $0x500  }
0x11a: {  	s25 =	smov.u32 s28;
	[sflag:s0] =	ssyncset.done $0x0;
	s26 =	rddreg [dreg:$0x10]  }
0x11b: {  	s28 =	rddreg [dreg:$0xb];
	[sflag:s0] =	ssyncadd.s32 $0xFFFFFB00;
	s10 =	sshrl.u32 s26, $0x3  }
0x11c: {  	[hbm:s28], [sflag:s9] =	dma.local [spmem:s10], $0x500  }
0x11d: {  	_ =	swait.ge [sflag:s0], $0x500  }
0x11e: {  	[sflag:s0] =	ssyncset.done $0x0;
	s11 =	rddreg [dreg:$0x11]  }
0x11f: {  	s22 =	rddreg [dreg:$0xc];
	[sflag:s0] =	ssyncadd.s32 $0xFFFFFB00;
	s10 =	sshrl.u32 s11, $0x3  }
0x120: {  	[hbm:s22], [sflag:s9] =	dma.local [spmem:s10], $0x500  }
0x121: {  	_ =	swait.ge [sflag:s0], $0x500  }
0x122: {  	[sflag:s0] =	ssyncset.done $0x0  }
0x123: {  	s26 =	sshrl.u32 s29, $0x3;
	s28 =	rddreg [dreg:$0xd];
	[sflag:s0] =	ssyncadd.s32 $0xFFFFFB00  }
0x124: {  	[hbm:s28], [sflag:s9] =	dma.local [spmem:s26], $0x500  }
0x125: {  	_ =	swait.ge [sflag:s0], $0x500  }
0x126: {  	[sflag:s0] =	ssyncset.done $0x0  }
0x127: {  	s22 =	sshrl.u32 s30, $0x3;
	s26 =	rddreg [dreg:$0xe];
	[sflag:s0] =	ssyncadd.s32 $0xFFFFFB00  }
0x128: {  	[hbm:s26], [sflag:s9] =	dma.local [spmem:s22], $0x500  }
0x129: {  	_ =	swait.ge [sflag:s0], $0x500  }
0x12a: {  	s4 =	sadd.s32 $0x1, s4;
	s28 =	rddreg [dreg:$0xf]  }
0x12b: {  	p0 =	sne.s32 s4, s28  }
.Ltmp5:
0x12c: {  	_ = 	snop;
	(pc) =	sbr.rel @p0 .LBB2_1-.Ltmp5, $3  }
0x12d: {  	_ =	sdelay $0x1  }
0x12e: {  	[sflag:s0] =	ssyncset.done $0x0  }
0x12f: {  	[sflag:s0] =	ssyncadd.s32 $0xFFFFFB00  }
0x130: {  	_ =	sfence.sel $0x180000  }
0x131: {  	[bflag:$0x0] =	sbarrier.arrive $0xFFFF  }
0x132: {  	_ =	strace $0x9000004A  }
0x133: {  	s0 =	stileid.u32;
	[bflag:$0x2] =	sbarrier.arrive $0xFFFF  }
0x134: {  	p0 =	sne.s32 s0, $0x0;
	s0 =	rddreg [dreg:$0x3]  }
0x135: {  	s0 =	sadd.s32 @!p0 $0x100000, s0  }
0x136: {  	[sflag:s0] =	ssyncadd.tile.s32 @!p0 $0x1;
	_ =	shalt  }
.Lfunc_end2:
_tile_overlayer_lowered:
.L_overlay_start_2:
0x137: {  	(tag) =	ssettag $0x2  }
0x138: {  	s0 =	rddreg [dreg:$0x0];
	s2 =	stileid.u32  }
0x139: {  	s1 =	rddreg [dreg:$0x1];
	p0 =	sne.s32 s2, $0x0  }
0x13a: {  	s3 =	rddreg [dreg:$0x2];
	[bflag:$0x3] =	sbarrier.arrive $0xFFFF;
	s2 =	simm.s32 @!p0 $0x1C03  }
0x13b: {  	[timem:s3], [sflag:s2] =	dma.local @!p0 [hbm:s0], s1  }
0x13c: {  	s0 =	simm.s32 @!p0 $0x3  }
0x13d: {  	_ =	swait.ge @!p0 [sflag:s0], s1  }
0x13e: {  	s1 =	ssub.s32 @!p0 $0x0, s1;
	[sflag:s0] =	ssyncset.done @!p0 $0x0  }
0x13f: {  	[sflag:s0] =	ssyncadd.s32 @!p0 s1  }
0x140: {  	[bflag:$0x3] =	sbarrier.arrive $0xFFFF  }
0x141: {  	_ =	shalt  }

// kernel: kernel.18.cloned.1.call-start
scs
__scs_entry_jumppad:
0x0: {  	(pc) =	sbr.rel $0x88, $3  }
0x1: {  	(tag) =	ssettag $0x0;
	lr =	simm.s32 $0x1  }
0x2: {  	[smem:$0x3F94] =	sst lr;
	_ =	strace $0xD0000000  }
0x3: {  	_ = 	snop  }
0x4: {  	_ = 	snop  }
0x5: {  	_ = 	snop  }
0x6: {  	_ = 	snop  }
0x7: {  	_ = 	snop  }
__scs_overlays_trampoline_lowered:
0x8: {  	[smem:$0x3FA3] =	sst s0  }
0x9: {  	[smem:$0x3FA4] =	sst s1  }
0xa: {  	[smem:$0x3FA5] =	sst s2  }
0xb: {  	[smem:$0x3FA6] =	sst s3  }
0xc: {  	[smem:$0x3FA7] =	sst s4  }
0xd: {  	[smem:$0x3FA8] =	sst s5  }
0xe: {  	[smem:$0x3FA9] =	sst s6  }
0xf: {  	[smem:$0x3FAA] =	sst s7  }
0x10: {  	[smem:$0x3FAB] =	sst s8  }
0x11: {  	[smem:$0x3FAC] =	sst s9;
	s0 =	simm.s32 @!p0 $0x0  }
0x12: {  	s1 =	sld [smem:$0x3F92];
	s0 =	simm.s32 @p0 $0x1  }
0x13: {  	[smem:$0x3FAD] =	sst s0;
	s0 =	simm.s32 @!p1 $0x0  }
0x14: {  	s2 =	sld [smem:$0x3F91];
	s0 =	simm.s32 @p1 $0x1  }
0x15: {  	[smem:$0x3FAE] =	sst s0;
	s0 =	simm.s32 @!p2 $0x0  }
0x16: {  	s3 =	sld [smem:$0x3FDB];
	s0 =	simm.s32 @p2 $0x1  }
0x17: {  	s4 =	simm.s32 $0x1BF5;
	[smem:$0x3FB0] =	sst s0  }
0x18: {  	s0 =	sld [smem:$0x3F93];
	_ =	swait.ge [sflag:s4], $0x0  }
0x19: {  	s7 =	sld [smem:$0x3F94]  }
0x1a: {  	s8 =	sadd.s32 $0xFFFFE003, lr  }
0x1b: {  	s9 =	sadd.s32 $0xFFFFFEF7, lr;
	s5 =	simm.s32 $0xFFFFFFFF;
	p2 =	slt.u32 s8, $0xFFFFF086  }
0x1c: {  	p1 =	slt.u32 s9, $0xF7A;
	s5 =	simm.s32 @!p2 $0x0  }
0x1d: {  	s5 =	simm.s32 @p1 $0x1;
	p0 =	seq.s32 s7, s2  }
0x1e: {  	s7 =	smul.u32 @!p0 $0xF7A, s2;
	p2 =	seq.s32 @!p0 s5, $0x0  }
0x1f: {  	s9 =	smul.u32 $0xF7A, s1;
	s8 =	simm.s32 @!p0 $0x1BF5;
	p2 =	por !p2, p0  }
0x20: {  	[sflag:s8] =	ssyncset.s32 @!p0 $0xFFFFF086;
	s6 =	sadd.s32 @!p0 s3, s7;
	s7 =	simm.s32 @!p0 $0x108  }
0x21: {  	s3 =	sadd.s32 s3, s9;
	s6 =	sadd.s32 @!p0 $0x88, s6;
	s7 =	simm.s32 @p2 $0x1082  }
0x22: {  	[simem:s7], [sflag:s8] =	dma.local @!p0 [hbm:s6], $0xF7A  }
0x23: {  	s9 =	sor.u32 $0xD0000000, s2;
	s6 =	simm.s32 $0x108;
	_ =	swait.ge @!p0 [sflag:s8], $0x0  }
0x24: {  	s3 =	sadd.s32 $0x88, s3;
	s6 =	simm.s32 @!p1 $0x1082;
	[sflag:s4] =	ssyncset.s32 $0xFFFFF086  }
0x25: {  	[simem:s6], [sflag:s4] =	dma.local [hbm:s3], $0xF7A  }
0x26: {  	[smem:$0x3F94] =	sst s1;
	(tag) =	ssettag s2;
	_ =	strace s9  }
0x27: {  	s1 =	sld [smem:$0x3FA4]  }
0x28: {  	s2 =	sld [smem:$0x3FA5]  }
0x29: {  	s4 =	sld [smem:$0x3FA7]  }
0x2a: {  	p0 =	seq.s32 s5, $0x0;
	s5 =	sld [smem:$0x3FA8]  }
0x2b: {  	s6 =	sld [smem:$0x3FA9]  }
0x2c: {  	s7 =	sld [smem:$0x3FAA]  }
0x2d: {  	s3 =	simm.s32 $0x108;
	s8 =	sld [smem:$0x3FAB]  }
0x2e: {  	s3 =	simm.s32 @!p0 $0x1082;
	s9 =	sld [smem:$0x3FAC]  }
0x2f: {  	lr =	sadd.s32 s0, s3;
	s0 =	sld [smem:$0x3FA3]  }
0x30: {  	s3 =	sld [smem:$0x3FA6]  }
0x31: {  	[smem:$0x3FAF] =	sst s10  }
0x32: {  	s10 =	sld [smem:$0x3FAD];
	_ =	sdelay $0x3  }
0x33: {  	p0 =	seq.s32 s10, $0x1;
	s10 =	sld [smem:$0x3FAF];
	_ =	sdelay $0x3  }
0x34: {  	[smem:$0x3FAF] =	sst s10  }
0x35: {  	s10 =	sld [smem:$0x3FAE];
	_ =	sdelay $0x3  }
0x36: {  	p1 =	seq.s32 s10, $0x1;
	s10 =	sld [smem:$0x3FAF];
	_ =	sdelay $0x3  }
0x37: {  	[smem:$0x3FAF] =	sst s10  }
0x38: {  	s10 =	sld [smem:$0x3FB0]  }
0x39: {  	_ = 	snop;
	(pc) =	sbr.ind lr, $3  }
0x3a: {  	_ = 	snop  }
0x3b: {  	_ = 	snop  }
0x3c: {  	p2 =	seq.s32 s10, $0x1;
	s10 =	sld [smem:$0x3FAF]  }
0x3d: {  	_ =	shalt  }
0x3e: {  	_ =	shalt  }
0x3f: {  	_ =	shalt  }
0x40: {  	_ =	shalt  }
0x41: {  	_ =	shalt  }
0x42: {  	_ =	shalt  }
0x43: {  	_ =	shalt  }
0x44: {  	_ =	shalt  }
0x45: {  	_ =	shalt  }
0x46: {  	_ =	shalt  }
0x47: {  	_ =	shalt  }
0x48: {  	_ =	shalt  }
0x49: {  	_ =	shalt  }
0x4a: {  	_ =	shalt  }
0x4b: {  	_ =	shalt  }
0x4c: {  	_ =	shalt  }
0x4d: {  	_ =	shalt  }
0x4e: {  	_ =	shalt  }
0x4f: {  	_ =	shalt  }
0x50: {  	_ =	shalt  }
0x51: {  	_ =	shalt  }
0x52: {  	_ =	shalt  }
0x53: {  	_ =	shalt  }
0x54: {  	_ =	shalt  }
0x55: {  	_ =	shalt  }
0x56: {  	_ =	shalt  }
0x57: {  	_ =	shalt  }
0x58: {  	_ =	shalt  }
0x59: {  	_ =	shalt  }
0x5a: {  	_ =	shalt  }
0x5b: {  	_ =	shalt  }
0x5c: {  	_ =	shalt  }
0x5d: {  	_ =	shalt  }
0x5e: {  	_ =	shalt  }
0x5f: {  	_ =	shalt  }
0x60: {  	_ =	shalt  }
0x61: {  	_ =	shalt  }
0x62: {  	_ =	shalt  }
0x63: {  	_ =	shalt  }
0x64: {  	_ =	shalt  }
0x65: {  	_ =	shalt  }
0x66: {  	_ =	shalt  }
0x67: {  	_ =	shalt  }
0x68: {  	_ =	shalt  }
0x69: {  	_ =	shalt  }
0x6a: {  	_ =	shalt  }
0x6b: {  	_ =	shalt  }
0x6c: {  	_ =	shalt  }
0x6d: {  	_ =	shalt  }
0x6e: {  	_ =	shalt  }
0x6f: {  	_ =	shalt  }
0x70: {  	_ =	shalt  }
0x71: {  	_ =	shalt  }
0x72: {  	_ =	shalt  }
0x73: {  	_ =	shalt  }
0x74: {  	_ =	shalt  }
0x75: {  	_ =	shalt  }
0x76: {  	_ =	shalt  }
0x77: {  	_ =	shalt  }
0x78: {  	_ =	shalt  }
0x79: {  	_ =	shalt  }
0x7a: {  	_ =	shalt  }
0x7b: {  	_ =	shalt  }
0x7c: {  	_ =	shalt  }
0x7d: {  	_ =	shalt  }
0x7e: {  	_ =	shalt  }
0x7f: {  	_ =	shalt  }
0x80: {  	_ =	shalt  }
0x81: {  	_ =	shalt  }
0x82: {  	_ =	shalt  }
0x83: {  	_ =	shalt  }
0x84: {  	_ =	shalt  }
0x85: {  	_ =	shalt  }
0x86: {  	_ =	shalt  }
0x87: {  	_ =	shalt  }
.Lfunc_end0:
.L_simem_size_0:
called_computation.2_lowered:
.L_overlay_start_0:
0x88: {  	s2 =	sld [smem:$0x3FD9]  }
0x89: {  	s3 =	sld [smem:$0x3FFE];
	_ =	sdelay $0x1  }
0x8a: {  	s1 =	srdreg.scid  }
0x8b: {  	s0 =	sand.u32 $0x1, s1  }
0x8c: {  	s17 =	sshll.u32 s0, $0xA;
	s2 =	sadd.s32 s3, s2  }
0x8d: {  	s2 =	sadd.s32 s2, s17  }
0x8e: {  	[smem:$0x3FBB] =	sst s2  }
0x8f: {  	_ = 	snop  }
0x90: {  	s2 =	sld [smem:$0x3FD0];
	(tm) =	ssettm $0x1  }
0x91: {  	s18 =	sld [smem:$0x3FFB];
	_ =	sdelay $0x3  }
0x92: {  	_ =	strace s18  }
0x93: {  	s3 =	sld [smem:$0x3FFC];
	_ =	sdelay $0x3  }
0x94: {  	_ =	strace s3  }
0x95: {  	s3 =	sld [smem:$0x3FFD];
	_ =	sdelay $0x3  }
0x96: {  	_ =	strace s3  }
0x97: {  	_ =	strace $0x8FFFFFFF  }
0x98: {  	s19 =	sld [smem:$0x3FDB];
	_ =	sdelay $0x1  }
0x99: {  	s4 =	simm.s32 $_scs_section_size  }
0x9a: {  	s5 =	simm.s32 $_size__tile_overlayer_lowered;
	s6 =	simm.s32 $_tile_overlayer_lowered  }
0x9b: {  	s22 =	simm.s32 $0x1BFF;
	s21 =	sshll.u32 s6, $0x1;
	s3 =	sadd.s32 s4, s19  }
0x9c: {  	s7 =	simm.s32 $0x0;
	s20 =	sshll.u32 s5, $0x1;
	s5 =	sadd.s32 s21, s3  }
0x9d: {  	[timem:s7], [sflag:s22] =	dma.local [hbm:s5], s20  }
0x9e: {  	_ =	swait.ge [sflag:s22], s20  }
0x9f: {  	s4 =	ssub.s32 $0x0, s20;
	[sflag:s22] =	ssyncset.done $0x0  }
0xa0: {  	[sflag:s22] =	ssyncadd.s32 s4;
	_ =	sdelay $0x1  }
0xa1: {  	s23 =	simm.s32 $0x1B8B  }
0xa2: {  	_ =	swait.ge [sflag:s23], $0x1  }
0xa3: {  	[sflag:s23] =	ssyncset.done $0x0  }
0xa4: {  	s25 =	simm.s32 $0x1B8E;
	s24 =	sld [smem:$0x3FFE];
	[sflag:s23] =	ssyncadd.s32 $0xFFFFFFFF  }
0xa5: {  	s26 =	simm.s32 $execute0_lowered;
	[smem:$0x3FD2] =	sst s25  }
0xa6: {  	s5 =	sshll.u32 s26, $0x1;
	_ =	strace $0x8000004C;
	[dreg:$0x1] =	wrdreg $0xFFFFFFFF  }
0xa7: {  	s28 =	simm.s32 $_size_execute0_lowered;
	s3 =	sadd.s32 s3, s5;
	[dreg:$0x0] =	wrdreg $0x0  }
0xa8: {  	s5 =	sshll.u32 s28, $0x1;
	[dreg:$0x2] =	wrdreg s3  }
0xa9: {  	[dreg:$0x3] =	wrdreg s5  }
0xaa: {  	[dreg:$0x4] =	wrdreg $0xC0  }
0xab: {  	_ =	task [dreg:s7], $0x5FFFF  }
0xac: {  	[dreg:$0x1] =	wrdreg $0xFFFFFFFF  }
0xad: {  	[dreg:$0x0] =	wrdreg $0x60  }
0xae: {  	[dreg:$0x2] =	wrdreg s24  }
0xaf: {  	[dreg:$0x3] =	wrdreg s2  }
0xb0: {  	[dreg:$0x4] =	wrdreg $0xA2000  }
0xb1: {  	[dreg:$0x5] =	wrdreg $0x9  }
0xb2: {  	_ =	task.clear_ibuf [dreg:s7], $0x6FFFF;
	_ =	strace $0x9000004C  }
0xb3: {  	s29 =	simm.s32 $0x9;
	_ =	strace $0x8000004E  }
0xb4: {  	_ =	swait.ge [sflag:s29], $0x1  }
0xb5: {  	[sflag:s29] =	ssyncadd.s32 $0xFFFFFFFF  }
0xb6: {  	_ =	strace $0x9000004E  }
0xb7: {  	_ =	sfence  }
0xb8: {  	s30 =	sld [smem:$0x0];
	_ =	sdelay $0x2  }
0xb9: {  	s31 =	sshll.u32 s1, $0xD;
	s1 =	sshrl.u32 s1, $0x2  }
0xba: {  	s3 =	sand.u32 $0x4000, s31;
	s1 =	sadd.s32 s1, s30  }
0xbb: {  	s0 =	sor.u32 s3, s0;
	s1 =	sshll.u32 s1, $0x11  }
0xbc: {  	s0 =	sor.u32 s1, s0  }
0xbd: {  	s0 =	sadd.s32 $0x8F2B, s0  }
0xbe: {  	[sflag:s0] =	ssyncadd.remote.s32 $0x1  }
0xbf: {  	_ =	sfence.sel $0xFFFF  }
0xc0: {  	[dreg:$0x0] =	wrdreg $0xFFFFFFFF;
	(pc) =	sbr.abs _section_cstart, $3  }
0xc1: {  	[dreg:$0x1] =	wrdreg $0xFFFFFFFF  }
0xc2: {  	_ =	task.clear_ibuf [dreg:s7], $0x2FFFF;
	_ =	strace $0x9FFFFFFF  }
0xc3: {  	(tm) =	ssettm $0x7FFFFFFF  }
tec
execute0_lowered:
.L_overlay_start_1:
0x0: {  	(tag) =	ssettag $0x1  }
0x1: {  	s0 =	rddreg [dreg:$0x0]  }
0x2: {  	s2 =	rddreg [dreg:$0x1]  }
0x3: {  	s3 =	rddreg [dreg:$0x2]  }
0x4: {  	s1 =	srdreg.scid;
	s11 =	stileid.u32  }
0x5: {  	s4 =	simm.s32 $0x0;
	s31 =	simm.s32 $0x200;
	s1 =	sand.u32 $0x1, s1  }
0x6: {  	s7 =	smul.u32 $0x280, s11;
	[smem:$0x7FF] =	sst s4;
	s5 =	sadd.s32 $0xD200, s0  }
0x7: {  	s6 =	sadd.s32 $0x4EF200, s0;
	s9 =	smul.u32 $0x50000, s11;
	s23 =	sshll.u32 s1, $0x4  }
0x8: {  	s8 =	smul.u32 $0x2800, s1;
	s1 =	ssub.s32 $0x2, s1;
	s11 =	sor.u32 s11, s23  }
0x9: {  	_ =	strace $0x8000004D;
	s25 =	sshrl.u32 s1, $0x1;
	s12 =	smul.u32 $0x2710, s11  }
0xa: {  	s24 =	sshrl.u32 s9, $0x2;
	s1 =	ssub.s32 s1, s25;
	s13 =	smul.u32 $0x27100, s11  }
0xb: {  	s8 =	sadd.s32 s7, s8;
	s7 =	sadd.s32 $0x3400, s0;
	s22 =	smax.u32 s1, $0x1  }
0xc: {  	s26 =	sshrl.u32 s12, $0x3;
	s11 =	sadd.s32 s6, s13;
	[dreg:$0xf] =	wrdreg s22  }
0xd: {  	s10 =	sshll.u32 s8, $0x4;
	s28 =	sadd.s32 s7, s26;
	[dreg:$0x6] =	wrdreg s11  }
0xe: {  	s0 =	sadd.s32 s10, s0;
	s9 =	sadd.s32 s2, s26;
	[dreg:$0x4] =	wrdreg s28  }
0xf: {  	s8 =	sadd.s32 s24, s3;
	s13 =	sadd.s32 $0x35200, s0;
	[dreg:$0x5] =	wrdreg s9  }
0x10: {  	s1 =	simm.s32 $0x80;
	s14 =	sadd.s32 $0x35700, s0;
	[dreg:$0x7] =	wrdreg s13  }
0x11: {  	s23 =	sadd.s32 $0x2800, s8;
	s17 =	sadd.s32 $0x35C00, s0;
	[dreg:$0x8] =	wrdreg s14  }
0x12: {  	s24 =	sadd.s32 $0x5000, s8;
	s18 =	sadd.s32 $0x36100, s0;
	[dreg:$0x9] =	wrdreg s17  }
0x13: {  	s25 =	sadd.s32 $0x7800, s8;
	s19 =	sadd.s32 $0x36600, s0;
	[dreg:$0xa] =	wrdreg s18  }
0x14: {  	s15 =	sadd.s32 $0x50, s12;
	s20 =	sadd.s32 $0x36B00, s0;
	[dreg:$0xb] =	wrdreg s19  }
0x15: {  	s16 =	sadd.s32 $0xA0, s12;
	s21 =	sadd.s32 $0x37000, s0;
	[dreg:$0xc] =	wrdreg s20  }
0x16: {  	s29 =	sadd.s32 $0xF000, s8;
	s0 =	sadd.s32 $0x37500, s0;
	[dreg:$0xd] =	wrdreg s21  }
0x17: {  	s30 =	sadd.s32 $0x11800, s8;
	s26 =	sadd.s32 $0xA000, s8;
	[dreg:$0xe] =	wrdreg s0  }
0x18: {  	s12 =	simm.s32 $0x50;
	[dreg:$0x10] =	wrdreg s26;
	s28 =	sadd.s32 $0xC800, s8  }
0x19: {  	s0 =	simm.s32 $0x3;
	s13 =	simm.s32 $0x5200;
	s14 =	simm.s32 $0x100  }
0x1a: {  	s17 =	simm.s32 $0x180;
	s18 =	simm.s32 $0x2A00;
	s19 =	simm.s32 $0x7A00  }
0x1b: {  	v0 =	vimm.f32 $0.0e+00;
	s20 =	simm.s32 $0x1;
	s21 =	simm.s32 $0x2;
	[dreg:$0x11] =	wrdreg s28  }
.LBB2_1:
0x1c: {  	s9 =	simm.s32 $0x0;
	s22 =	simm.s32 $0x200  }
.LBB2_2:
0x1d: {  	p0 =	sne.s32 s22, $0x9E00;
	[tilespmem:s9+$0x270] =	vst v0  }
0x1e: {  	[tilespmem:s9+$0x200] =	vst v0  }
0x1f: {  	[tilespmem:s9+$0x210] =	vst v0  }
.Ltmp0:
0x20: {  	[tilespmem:s9+$0x220] =	vst v0;
	(pc) =	sbr.rel @p0 .LBB2_2-.Ltmp0, $4  }
0x21: {  	[tilespmem:s9+$0x230] =	vst v0  }
0x22: {  	[tilespmem:s9+$0x240] =	vst v0  }
0x23: {  	[tilespmem:s9+$0x250] =	vst v0  }
0x24: {  	[tilespmem:s9+$0x260] =	vst v0;
	s9 =	sshra.s32 s22, $0x2;
	s22 =	sadd.s32 $0x200, s22  }
0x25: {  	[tilespmem:s9+$0x270] =	vst v0  }
0x26: {  	[tilespmem:s9+$0x200] =	vst v0  }
0x27: {  	[tilespmem:s9+$0x210] =	vst v0  }
0x28: {  	[tilespmem:s9+$0x220] =	vst v0  }
0x29: {  	[tilespmem:s9+$0x230] =	vst v0  }
0x2a: {  	[tilespmem:s9+$0x240] =	vst v0  }
0x2b: {  	[tilespmem:s9+$0x250] =	vst v0  }
0x2c: {  	[tilespmem:s9+$0x260] =	vst v0  }
0x2d: {  	[spmem:s8] =	stream.linear.scatter [tilespmem:s31], [sflag:$0x3], $0x2800, $0x38;
	[tilespmem:$0x1E200] =	vst v63  }
0x2e: {  	_ =	swait.ge [sflag:s0], $0x2800  }
0x2f: {  	[sflag:s0] =	ssyncset.done $0x0  }
0x30: {  	[sflag:s0] =	ssyncadd.s32 $0xFFFFD800  }
0x31: {  	[spmem:s23] =	stream.linear.scatter [tilespmem:s31], [sflag:$0x3], $0x2800, $0x38;
	[tilespmem:$0x1E200] =	vst v63  }
0x32: {  	_ =	swait.ge [sflag:s0], $0x2800  }
0x33: {  	[sflag:s0] =	ssyncset.done $0x0  }
0x34: {  	[sflag:s0] =	ssyncadd.s32 $0xFFFFD800  }
0x35: {  	[spmem:s24] =	stream.linear.scatter [tilespmem:s31], [sflag:$0x3], $0x2800, $0x38;
	[tilespmem:$0x1E200] =	vst v63  }
0x36: {  	_ =	swait.ge [sflag:s0], $0x2800  }
0x37: {  	[sflag:s0] =	ssyncset.done $0x0  }
0x38: {  	[sflag:s0] =	ssyncadd.s32 $0xFFFFD800  }
0x39: {  	[spmem:s25] =	stream.linear.scatter [tilespmem:s31], [sflag:$0x3], $0x2800, $0x38;
	[tilespmem:$0x1E200] =	vst v63  }
0x3a: {  	_ =	swait.ge [sflag:s0], $0x2800  }
0x3b: {  	[sflag:s0] =	ssyncset.done $0x0  }
0x3c: {  	s10 =	rddreg [dreg:$0x10];
	[sflag:s0] =	ssyncadd.s32 $0xFFFFD800  }
0x3d: {  	[spmem:s10] =	stream.linear.scatter [tilespmem:s31], [sflag:$0x3], $0x2800, $0x38;
	[tilespmem:$0x1E200] =	vst v63  }
0x3e: {  	_ =	swait.ge [sflag:s0], $0x2800  }
0x3f: {  	[sflag:s0] =	ssyncset.done $0x0  }
0x40: {  	s22 =	rddreg [dreg:$0x11];
	[sflag:s0] =	ssyncadd.s32 $0xFFFFD800  }
0x41: {  	[spmem:s22] =	stream.linear.scatter [tilespmem:s31], [sflag:$0x3], $0x2800, $0x38;
	[tilespmem:$0x1E200] =	vst v63  }
0x42: {  	_ =	swait.ge [sflag:s0], $0x2800  }
0x43: {  	[sflag:s0] =	ssyncset.done $0x0  }
0x44: {  	[sflag:s0] =	ssyncadd.s32 $0xFFFFD800  }
0x45: {  	[spmem:s29] =	stream.linear.scatter [tilespmem:s31], [sflag:$0x3], $0x2800, $0x38;
	[tilespmem:$0x1E200] =	vst v63  }
0x46: {  	_ =	swait.ge [sflag:s0], $0x2800  }
0x47: {  	[sflag:s0] =	ssyncset.done $0x0  }
0x48: {  	[sflag:s0] =	ssyncadd.s32 $0xFFFFD800  }
0x49: {  	[spmem:s30] =	stream.linear.scatter [tilespmem:s31], [sflag:$0x3], $0x2800, $0x38;
	[tilespmem:$0x1E200] =	vst v63  }
0x4a: {  	_ =	swait.ge [sflag:s0], $0x2800  }
0x4b: {  	[sflag:s0] =	ssyncset.done $0x0  }
0x4c: {  	[sflag:s0] =	ssyncadd.s32 $0xFFFFD800  }
0x4d: {  	[bflag:$0x0] =	sbarrier.arrive $0xFFFF  }
0x4e: {  	s11 =	smov.u32 s23;
	s22 =	simm.s32 $0x0;
	s23 =	rddreg [dreg:$0x4]  }
0x4f: {  	[tilespmem:s22], [sflag:$0x3] =	stream.linear.gather [hbm4b:s23+s22], $0x50, $0x38;
	[tilespmem:$0x1E200] =	vst v63  }
0x50: {  	_ =	swait.ge [sflag:s0], $0x50  }
0x51: {  	[sflag:s0] =	ssyncset.done $0x0  }
0x52: {  	s26 =	smov.u32 s24;
	s24 =	rddreg [dreg:$0x5];
	[sflag:s0] =	ssyncadd.s32 $0xFFFFFFB0  }
0x53: {  	[tilespmem:s1], [sflag:$0x3] =	stream.linear.gather [hbm4b:s24+s22], $0x50, $0x38;
	[tilespmem:$0x1E200] =	vst v63  }
0x54: {  	_ =	swait.ge [sflag:s0], $0x50  }
0x55: {  	[sflag:s0] =	ssyncset.done $0x0  }
0x56: {  	[sflag:s0] =	ssyncadd.s32 $0xFFFFFFB0  }
0x57: {  	[tilespmem:s31], [sflag:$0x1] =	stream.indirect.gather [hbm4b:s5+s12], $0x80, s22, s12, $0xb8;
	[tilespmem:$0x1E200] =	vst v63  }
0x58: {  	s28 =	smov.u32 s25;
	s23 =	simm.s32 $0x0;
	s25 =	rddreg [dreg:$0x6]  }
0x59: {  	[tilespmem:s13], [sflag:$0x1] =	stream.linear.gather [hbm4b:s25+s22], $0x2800, $0x38;
	[tilespmem:$0x1E200] =	vst v63  }
.LBB2_4:
0x5a: {  	s24 =	smul.u32 $0xA0, s23;
	_ =	sdelay $0x1  }
0x5b: {  	s9 =	sadd.s32 s24, s15  }
0x5c: {  	s25 =	sshrl.u32 s9, $0x3  }
0x5d: {  	s10 =	sadd.s32 s7, s25  }
0x5e: {  	[tilespmem:s14], [sflag:$0x3] =	stream.linear.gather [hbm4b:s10+s22], $0x50, $0x38;
	[tilespmem:$0x1E200] =	vst v63  }
0x5f: {  	_ =	swait.ge [sflag:s0], $0x50  }
0x60: {  	[sflag:s0] =	ssyncset.done $0x0  }
0x61: {  	s25 =	sadd.s32 s2, s25;
	[sflag:s0] =	ssyncadd.s32 $0xFFFFFFB0  }
0x62: {  	[tilespmem:s17], [sflag:$0x3] =	stream.linear.gather [hbm4b:s25+s22], $0x50, $0x38;
	[tilespmem:$0x1E200] =	vst v63  }
0x63: {  	_ =	swait.ge [sflag:s0], $0x50  }
0x64: {  	[sflag:s0] =	ssyncset.done $0x0  }
0x65: {  	s9 =	sshll.u32 s9, $0x4;
	[sflag:s0] =	ssyncadd.s32 $0xFFFFFFB0  }
0x66: {  	[tilespmem:s18], [sflag:$0x2] =	stream.indirect.gather [hbm4b:s5+s12], $0x80, s14, s12, $0xb8;
	[tilespmem:$0x1E200] =	vst v63  }
0x67: {  	s9 =	sadd.s32 s6, s9  }
0x68: {  	[tilespmem:s19], [sflag:$0x2] =	stream.linear.gather [hbm4b:s9+s22], $0x2800, $0x38;
	[tilespmem:$0x1E200] =	vst v63  }
0x69: {  	_ =	swait.ge [sflag:s20], $0x2800  }
0x6a: {  	[sflag:s20] =	ssyncset.done $0x0  }
0x6b: {  	[sflag:s20] =	ssyncadd.s32 $0xFFFFD800  }
0x6c: {  	_ =	swait.ge [sflag:s20], $0x2800  }
0x6d: {  	[sflag:s20] =	ssyncset.done $0x0  }
0x6e: {  	s25 =	simm.s32 $0x0;
	[sflag:s20] =	ssyncadd.s32 $0xFFFFD800  }
0x6f: {  	v7 =	vld [tilespmem:s25+$0x5200]  }
0x70: {  	v12 =	vld [tilespmem:s25+$0x5210]  }
0x71: {  	v6 =	vld [tilespmem:s25+$0x5220]  }
0x72: {  	v5 =	vld [tilespmem:s25+$0x5230]  }
0x73: {  	v4 =	vld [tilespmem:s25+$0x5240]  }
0x74: {  	v3 =	vld [tilespmem:s25+$0x5250]  }
0x75: {  	v2 =	vld [tilespmem:s25+$0x5260]  }
0x76: {  	v1 =	vld [tilespmem:s25+$0x5270]  }
0x77: {  	v13 =	vld [tilespmem:s25+$0x200]  }
0x78: {  	v14 =	vld [tilespmem:s25+$0x210]  }
0x79: {  	v11 =	vld [tilespmem:s25+$0x220]  }
0x7a: {  	v10 =	vld [tilespmem:s25+$0x230]  }
0x7b: {  	v9 =	vld [tilespmem:s25+$0x240]  }
0x7c: {  	v8 =	vld [tilespmem:s25+$0x250];
	v13 =	vadd.f32 v7, v13  }
0x7d: {  	s9 =	simm.s32 $0x200;
	v12 =	vadd.f32 v12, v14;
	v7 =	vld [tilespmem:s25+$0x260]  }
.LBB2_5:
0x7e: {  	s10 =	sshra.s32 s9, $0x2;
	p0 =	sne.s32 s9, $0x9E00;
	v13 =	vmax.f32 v13, $0.0e+00;
	v6 =	vadd.f32 v6, v11;
	v11 =	vld [tilespmem:s25+$0x270]  }
0x7f: {  	v14 =	vld [tilespmem:s10+$0x5200];
	[tilespmem:s25+$0x200] =	vst v13;
	v12 =	vmax.f32 v12, $0.0e+00;
	v5 =	vadd.f32 v5, v10  }
0x80: {  	v15 =	vld [tilespmem:s10+$0x5210];
	[tilespmem:s25+$0x210] =	vst v12;
	v10 =	vmax.f32 v6, $0.0e+00;
	v4 =	vadd.f32 v4, v9  }
0x81: {  	v6 =	vld [tilespmem:s10+$0x5220];
	[tilespmem:s25+$0x220] =	vst v10;
	v9 =	vmax.f32 v5, $0.0e+00;
	v3 =	vadd.f32 v3, v8  }
0x82: {  	v5 =	vld [tilespmem:s10+$0x5230];
	[tilespmem:s25+$0x230] =	vst v9;
	v8 =	vmax.f32 v4, $0.0e+00;
	v2 =	vadd.f32 v2, v7  }
0x83: {  	v4 =	vld [tilespmem:s10+$0x5240];
	[tilespmem:s25+$0x240] =	vst v8;
	v7 =	vmax.f32 v3, $0.0e+00;
	v1 =	vadd.f32 v1, v11  }
0x84: {  	v3 =	vld [tilespmem:s10+$0x5250];
	[tilespmem:s25+$0x250] =	vst v7;
	v7 =	vmax.f32 v2, $0.0e+00  }
0x85: {  	v2 =	vld [tilespmem:s10+$0x5260];
	[tilespmem:s25+$0x260] =	vst v7;
	v7 =	vmax.f32 v1, $0.0e+00  }
0x86: {  	v1 =	vld [tilespmem:s10+$0x5270];
	[tilespmem:s25+$0x270] =	vst v7;
	s25 =	smov.u32 s10  }
0x87: {  	v7 =	vld [tilespmem:s25+$0x200]  }
0x88: {  	v12 =	vld [tilespmem:s25+$0x210]  }
.Ltmp1:
0x89: {  	v11 =	vld [tilespmem:s25+$0x220];
	(pc) =	sbr.rel @p0 .LBB2_5-.Ltmp1, $4  }
0x8a: {  	v10 =	vld [tilespmem:s25+$0x230]  }
0x8b: {  	v9 =	vld [tilespmem:s25+$0x240]  }
0x8c: {  	v13 =	vadd.f32 v14, v7;
	v8 =	vld [tilespmem:s25+$0x250]  }
0x8d: {  	s9 =	sadd.s32 $0x200, s9;
	v12 =	vadd.f32 v15, v12;
	v7 =	vld [tilespmem:s25+$0x260]  }
0x8e: {  	v13 =	vmax.f32 v13, $0.0e+00;
	v6 =	vadd.f32 v6, v11;
	v11 =	vld [tilespmem:s25+$0x270]  }
0x8f: {  	[tilespmem:s25+$0x200] =	vst v13;
	v12 =	vmax.f32 v12, $0.0e+00;
	v5 =	vadd.f32 v5, v10  }
0x90: {  	[tilespmem:s25+$0x210] =	vst v12;
	v6 =	vmax.f32 v6, $0.0e+00;
	v4 =	vadd.f32 v4, v9  }
0x91: {  	[tilespmem:s25+$0x220] =	vst v6;
	v5 =	vmax.f32 v5, $0.0e+00;
	v3 =	vadd.f32 v3, v8  }
0x92: {  	[tilespmem:s25+$0x230] =	vst v5;
	v4 =	vmax.f32 v4, $0.0e+00;
	v2 =	vadd.f32 v2, v7  }
0x93: {  	[tilespmem:s25+$0x240] =	vst v4;
	v3 =	vmax.f32 v3, $0.0e+00;
	v1 =	vadd.f32 v1, v11  }
0x94: {  	[tilespmem:s25+$0x250] =	vst v3;
	v2 =	vmax.f32 v2, $0.0e+00  }
0x95: {  	[tilespmem:s25+$0x260] =	vst v2;
	v1 =	vmax.f32 v1, $0.0e+00  }
0x96: {  	[tilespmem:s25+$0x270] =	vst v1  }
0x97: {  	[spmem:s3] =	stream.indirect.scatter.add.f32 [tilespmem:s31], [sflag:$0x3], $0x80, s1, s12, $0xb8;
	[tilespmem:$0x1E200] =	vst v63  }
0x98: {  	s9 =	sadd.s32 s24, s16;
	_ =	swait.ge [sflag:s0], $0x2800  }
0x99: {  	s10 =	sshrl.u32 s9, $0x3;
	[sflag:s0] =	ssyncset.done $0x0  }
0x9a: {  	s24 =	sadd.s32 s7, s10;
	s25 =	simm.s32 $0x0;
	[sflag:s0] =	ssyncadd.s32 $0xFFFFD800  }
0x9b: {  	[tilespmem:s25], [sflag:$0x3] =	stream.linear.gather [hbm4b:s24+s25], $0x50, $0x38;
	[tilespmem:$0x1E200] =	vst v63  }
0x9c: {  	_ =	swait.ge [sflag:s0], $0x50  }
0x9d: {  	[sflag:s0] =	ssyncset.done $0x0  }
0x9e: {  	s10 =	sadd.s32 s2, s10;
	[sflag:s0] =	ssyncadd.s32 $0xFFFFFFB0  }
0x9f: {  	[tilespmem:s1], [sflag:$0x3] =	stream.linear.gather [hbm4b:s10+s25], $0x50, $0x38;
	[tilespmem:$0x1E200] =	vst v63  }
0xa0: {  	_ =	swait.ge [sflag:s0], $0x50  }
0xa1: {  	[sflag:s0] =	ssyncset.done $0x0  }
0xa2: {  	s9 =	sshll.u32 s9, $0x4;
	[sflag:s0] =	ssyncadd.s32 $0xFFFFFFB0  }
0xa3: {  	[tilespmem:s31], [sflag:$0x1] =	stream.indirect.gather [hbm4b:s5+s12], $0x80, s25, s12, $0xb8;
	[tilespmem:$0x1E200] =	vst v63  }
0xa4: {  	s9 =	sadd.s32 s6, s9  }
0xa5: {  	[tilespmem:s13], [sflag:$0x1] =	stream.linear.gather [hbm4b:s9+s25], $0x2800, $0x38;
	[tilespmem:$0x1E200] =	vst v63  }
0xa6: {  	_ =	swait.ge [sflag:s21], $0x2800  }
0xa7: {  	[sflag:s21] =	ssyncset.done $0x0  }
0xa8: {  	[sflag:s21] =	ssyncadd.s32 $0xFFFFD800  }
0xa9: {  	_ =	swait.ge [sflag:s21], $0x2800  }
0xaa: {  	[sflag:s21] =	ssyncset.done $0x0  }
0xab: {  	s24 =	simm.s32 $0x0;
	[sflag:s21] =	ssyncadd.s32 $0xFFFFD800  }
0xac: {  	v7 =	vld [tilespmem:s24+$0x7A00]  }
0xad: {  	v12 =	vld [tilespmem:s24+$0x7A10]  }
0xae: {  	v6 =	vld [tilespmem:s24+$0x7A20]  }
0xaf: {  	v5 =	vld [tilespmem:s24+$0x7A30]  }
0xb0: {  	v4 =	vld [tilespmem:s24+$0x7A40]  }
0xb1: {  	v3 =	vld [tilespmem:s24+$0x7A50]  }
0xb2: {  	v2 =	vld [tilespmem:s24+$0x7A60]  }
0xb3: {  	v1 =	vld [tilespmem:s24+$0x7A70]  }
0xb4: {  	v13 =	vld [tilespmem:s24+$0x2A00]  }
0xb5: {  	v14 =	vld [tilespmem:s24+$0x2A10]  }
0xb6: {  	v11 =	vld [tilespmem:s24+$0x2A20]  }
0xb7: {  	v10 =	vld [tilespmem:s24+$0x2A30]  }
0xb8: {  	v9 =	vld [tilespmem:s24+$0x2A40]  }
0xb9: {  	v8 =	vld [tilespmem:s24+$0x2A50];
	v13 =	vadd.f32 v7, v13  }
0xba: {  	s9 =	simm.s32 $0x200;
	v12 =	vadd.f32 v12, v14;
	v7 =	vld [tilespmem:s24+$0x2A60]  }
.LBB2_7:
0xbb: {  	s10 =	sshra.s32 s9, $0x2;
	p0 =	sne.s32 s9, $0x9E00;
	v13 =	vmax.f32 v13, $0.0e+00;
	v6 =	vadd.f32 v6, v11;
	v11 =	vld [tilespmem:s24+$0x2A70]  }
0xbc: {  	v14 =	vld [tilespmem:s10+$0x7A00];
	[tilespmem:s24+$0x2A00] =	vst v13;
	v12 =	vmax.f32 v12, $0.0e+00;
	v5 =	vadd.f32 v5, v10  }
0xbd: {  	v15 =	vld [tilespmem:s10+$0x7A10];
	[tilespmem:s24+$0x2A10] =	vst v12;
	v10 =	vmax.f32 v6, $0.0e+00;
	v4 =	vadd.f32 v4, v9  }
0xbe: {  	v6 =	vld [tilespmem:s10+$0x7A20];
	[tilespmem:s24+$0x2A20] =	vst v10;
	v9 =	vmax.f32 v5, $0.0e+00;
	v3 =	vadd.f32 v3, v8  }
0xbf: {  	v5 =	vld [tilespmem:s10+$0x7A30];
	[tilespmem:s24+$0x2A30] =	vst v9;
	v8 =	vmax.f32 v4, $0.0e+00;
	v2 =	vadd.f32 v2, v7  }
0xc0: {  	v4 =	vld [tilespmem:s10+$0x7A40];
	[tilespmem:s24+$0x2A40] =	vst v8;
	v7 =	vmax.f32 v3, $0.0e+00;
	v1 =	vadd.f32 v1, v11  }
0xc1: {  	v3 =	vld [tilespmem:s10+$0x7A50];
	[tilespmem:s24+$0x2A50] =	vst v7;
	v7 =	vmax.f32 v2, $0.0e+00  }
0xc2: {  	v2 =	vld [tilespmem:s10+$0x7A60];
	[tilespmem:s24+$0x2A60] =	vst v7;
	v7 =	vmax.f32 v1, $0.0e+00  }
0xc3: {  	v1 =	vld [tilespmem:s10+$0x7A70];
	[tilespmem:s24+$0x2A70] =	vst v7;
	s24 =	smov.u32 s10  }
0xc4: {  	v7 =	vld [tilespmem:s24+$0x2A00]  }
0xc5: {  	v12 =	vld [tilespmem:s24+$0x2A10]  }
.Ltmp2:
0xc6: {  	v11 =	vld [tilespmem:s24+$0x2A20];
	(pc) =	sbr.rel @p0 .LBB2_7-.Ltmp2, $4  }
0xc7: {  	v10 =	vld [tilespmem:s24+$0x2A30]  }
0xc8: {  	v9 =	vld [tilespmem:s24+$0x2A40]  }
0xc9: {  	v13 =	vadd.f32 v14, v7;
	v8 =	vld [tilespmem:s24+$0x2A50]  }
0xca: {  	s9 =	sadd.s32 $0x200, s9;
	v12 =	vadd.f32 v15, v12;
	v7 =	vld [tilespmem:s24+$0x2A60]  }
0xcb: {  	v13 =	vmax.f32 v13, $0.0e+00;
	v6 =	vadd.f32 v6, v11;
	v63 =	vld [tilespmem:s24+$0x2A70]  }
0xcc: {  	[tilespmem:s24+$0x2A00] =	vst v13;
	v12 =	vmax.f32 v12, $0.0e+00;
	v5 =	vadd.f32 v5, v10  }
0xcd: {  	[tilespmem:s24+$0x2A10] =	vst v12;
	v6 =	vmax.f32 v6, $0.0e+00;
	v4 =	vadd.f32 v4, v9  }
0xce: {  	[tilespmem:s24+$0x2A20] =	vst v6;
	v5 =	vmax.f32 v5, $0.0e+00;
	v3 =	vadd.f32 v3, v8  }
0xcf: {  	[tilespmem:s24+$0x2A30] =	vst v5;
	v4 =	vmax.f32 v4, $0.0e+00;
	v2 =	vadd.f32 v2, v7  }
0xd0: {  	[tilespmem:s24+$0x2A40] =	vst v4;
	v3 =	vmax.f32 v3, $0.0e+00;
	v1 =	vadd.f32 v1, v63  }
0xd1: {  	s23 =	sadd.s32 $0x1, s23;
	[tilespmem:s24+$0x2A50] =	vst v3;
	v2 =	vmax.f32 v2, $0.0e+00  }
0xd2: {  	p0 =	sne.s32 s23, $0x3E;
	[tilespmem:s24+$0x2A60] =	vst v2;
	v1 =	vmax.f32 v1, $0.0e+00  }
.Ltmp3:
0xd3: {  	[tilespmem:s24+$0x2A70] =	vst v1;
	(pc) =	sbr.rel @p0 .LBB2_4-.Ltmp3, $4  }
0xd4: {  	[spmem:s3] =	stream.indirect.scatter.add.f32 [tilespmem:s18], [sflag:$0x3], $0x80, s17, s12, $0xb8;
	[tilespmem:$0x1E200] =	vst v63  }
0xd5: {  	_ =	swait.ge [sflag:s0], $0x2800  }
0xd6: {  	[sflag:s0] =	ssyncset.done $0x0  }
0xd7: {  	[sflag:s0] =	ssyncadd.s32 $0xFFFFD800  }
0xd8: {  	_ =	swait.ge [sflag:s20], $0x2800  }
0xd9: {  	[sflag:s20] =	ssyncset.done $0x0  }
0xda: {  	[sflag:s20] =	ssyncadd.s32 $0xFFFFD800  }
0xdb: {  	_ =	swait.ge [sflag:s20], $0x2800  }
0xdc: {  	[sflag:s20] =	ssyncset.done $0x0  }
0xdd: {  	s22 =	simm.s32 $0x0;
	[sflag:s20] =	ssyncadd.s32 $0xFFFFD800  }
0xde: {  	v7 =	vld [tilespmem:s22+$0x5200]  }
0xdf: {  	v12 =	vld [tilespmem:s22+$0x5210]  }
0xe0: {  	v6 =	vld [tilespmem:s22+$0x5220]  }
0xe1: {  	v5 =	vld [tilespmem:s22+$0x5230]  }
0xe2: {  	v4 =	vld [tilespmem:s22+$0x5240]  }
0xe3: {  	v3 =	vld [tilespmem:s22+$0x5250]  }
0xe4: {  	v2 =	vld [tilespmem:s22+$0x5260]  }
0xe5: {  	v1 =	vld [tilespmem:s22+$0x5270]  }
0xe6: {  	v13 =	vld [tilespmem:s22+$0x200]  }
0xe7: {  	v14 =	vld [tilespmem:s22+$0x210]  }
0xe8: {  	v11 =	vld [tilespmem:s22+$0x220]  }
0xe9: {  	v10 =	vld [tilespmem:s22+$0x230]  }
0xea: {  	v9 =	vld [tilespmem:s22+$0x240]  }
0xeb: {  	v8 =	vld [tilespmem:s22+$0x250];
	v13 =	vadd.f32 v7, v13  }
0xec: {  	s9 =	simm.s32 $0x200;
	v12 =	vadd.f32 v12, v14;
	v7 =	vld [tilespmem:s22+$0x260]  }
.LBB2_10:
0xed: {  	s10 =	sshra.s32 s9, $0x2;
	p0 =	sne.s32 s9, $0x9E00;
	v13 =	vmax.f32 v13, $0.0e+00;
	v6 =	vadd.f32 v6, v11;
	v11 =	vld [tilespmem:s22+$0x270]  }
0xee: {  	v14 =	vld [tilespmem:s10+$0x5200];
	[tilespmem:s22+$0x200] =	vst v13;
	v12 =	vmax.f32 v12, $0.0e+00;
	v5 =	vadd.f32 v5, v10  }
0xef: {  	v15 =	vld [tilespmem:s10+$0x5210];
	[tilespmem:s22+$0x210] =	vst v12;
	v10 =	vmax.f32 v6, $0.0e+00;
	v4 =	vadd.f32 v4, v9  }
0xf0: {  	v6 =	vld [tilespmem:s10+$0x5220];
	[tilespmem:s22+$0x220] =	vst v10;
	v9 =	vmax.f32 v5, $0.0e+00;
	v3 =	vadd.f32 v3, v8  }
0xf1: {  	v5 =	vld [tilespmem:s10+$0x5230];
	[tilespmem:s22+$0x230] =	vst v9;
	v8 =	vmax.f32 v4, $0.0e+00;
	v2 =	vadd.f32 v2, v7  }
0xf2: {  	v4 =	vld [tilespmem:s10+$0x5240];
	[tilespmem:s22+$0x240] =	vst v8;
	v7 =	vmax.f32 v3, $0.0e+00;
	v1 =	vadd.f32 v1, v11  }
0xf3: {  	v3 =	vld [tilespmem:s10+$0x5250];
	[tilespmem:s22+$0x250] =	vst v7;
	v7 =	vmax.f32 v2, $0.0e+00  }
0xf4: {  	v2 =	vld [tilespmem:s10+$0x5260];
	[tilespmem:s22+$0x260] =	vst v7;
	v7 =	vmax.f32 v1, $0.0e+00  }
0xf5: {  	v1 =	vld [tilespmem:s10+$0x5270];
	[tilespmem:s22+$0x270] =	vst v7;
	s22 =	smov.u32 s10  }
0xf6: {  	v7 =	vld [tilespmem:s22+$0x200]  }
0xf7: {  	v12 =	vld [tilespmem:s22+$0x210]  }
.Ltmp4:
0xf8: {  	v11 =	vld [tilespmem:s22+$0x220];
	(pc) =	sbr.rel @p0 .LBB2_10-.Ltmp4, $4  }
0xf9: {  	v10 =	vld [tilespmem:s22+$0x230]  }
0xfa: {  	v9 =	vld [tilespmem:s22+$0x240]  }
0xfb: {  	v13 =	vadd.f32 v14, v7;
	v8 =	vld [tilespmem:s22+$0x250]  }
0xfc: {  	s9 =	sadd.s32 $0x200, s9;
	v12 =	vadd.f32 v15, v12;
	v7 =	vld [tilespmem:s22+$0x260]  }
0xfd: {  	v13 =	vmax.f32 v13, $0.0e+00;
	v6 =	vadd.f32 v6, v11;
	v63 =	vld [tilespmem:s22+$0x270]  }
0xfe: {  	[tilespmem:s22+$0x200] =	vst v13;
	v12 =	vmax.f32 v12, $0.0e+00;
	v5 =	vadd.f32 v5, v10  }
0xff: {  	[tilespmem:s22+$0x210] =	vst v12;
	v6 =	vmax.f32 v6, $0.0e+00;
	v4 =	vadd.f32 v4, v9  }
0x100: {  	[tilespmem:s22+$0x220] =	vst v6;
	v5 =	vmax.f32 v5, $0.0e+00;
	v3 =	vadd.f32 v3, v8  }
0x101: {  	[tilespmem:s22+$0x230] =	vst v5;
	v4 =	vmax.f32 v4, $0.0e+00;
	v2 =	vadd.f32 v2, v7  }
0x102: {  	[tilespmem:s22+$0x240] =	vst v4;
	v3 =	vmax.f32 v3, $0.0e+00;
	v1 =	vadd.f32 v1, v63  }
0x103: {  	[tilespmem:s22+$0x250] =	vst v3;
	v2 =	vmax.f32 v2, $0.0e+00  }
0x104: {  	[tilespmem:s22+$0x260] =	vst v2;
	v1 =	vmax.f32 v1, $0.0e+00  }
0x105: {  	[tilespmem:s22+$0x270] =	vst v1  }
0x106: {  	[spmem:s3] =	stream.indirect.scatter.add.f32 [tilespmem:s31], [sflag:$0x3], $0x80, s1, s12, $0xb8;
	[tilespmem:$0x1E200] =	vst v63  }
0x107: {  	_ =	swait.ge [sflag:s0], $0x2800  }
0x108: {  	[sflag:s0] =	ssyncset.done $0x0  }
0x109: {  	s9 =	stileid.u32;
	[sflag:s0] =	ssyncadd.s32 $0xFFFFD800  }
0x10a: {  	s9 =	sshll.u32 s9, $0x6;
	[bflag:$0x0] =	sbarrier.arrive $0xFFFF  }
0x10b: {  	s10 =	sshrl.u32 s8, $0x3;
	s9 =	sor.u32 $0x1C03, s9;
	s25 =	rddreg [dreg:$0x7]  }
0x10c: {  	[hbm:s25], [sflag:s9] =	dma.local [spmem:s10], $0x500  }
0x10d: {  	_ =	swait.ge [sflag:s0], $0x500  }
0x10e: {  	[sflag:s0] =	ssyncset.done $0x0  }
0x10f: {  	s22 =	sshrl.u32 s11, $0x3;
	s24 =	rddreg [dreg:$0x8];
	[sflag:s0] =	ssyncadd.s32 $0xFFFFFB00  }
0x110: {  	[hbm:s24], [sflag:s9] =	dma.local [spmem:s22], $0x500  }
0x111: {  	_ =	swait.ge [sflag:s0], $0x500  }
0x112: {  	s25 =	sshrl.u32 s26, $0x3;
	[sflag:s0] =	ssyncset.done $0x0  }
0x113: {  	s24 =	smov.u32 s26;
	s26 =	rddreg [dreg:$0x9];
	[sflag:s0] =	ssyncadd.s32 $0xFFFFFB00  }
0x114: {  	[hbm:s26], [sflag:s9] =	dma.local [spmem:s25], $0x500  }
0x115: {  	_ =	swait.ge [sflag:s0], $0x500  }
0x116: {  	s23 =	smov.u32 s11;
	[sflag:s0] =	ssyncset.done $0x0  }
0x117: {  	s11 =	sshrl.u32 s28, $0x3;
	s22 =	rddreg [dreg:$0xa];
	[sflag:s0] =	ssyncadd.s32 $0xFFFFFB00  }
0x118: {  	[hbm:s22], [sflag:s9] =	dma.local [spmem:s11], $0x500  }
0x119: {  	_ =	swait.ge [sflag:s0], $0x500  }
0x11a: {  	s25 =	smov.u32 s28;
	[sflag:s0] =	ssyncset.done $0x0;
	s26 =	rddreg [dreg:$0x10]  }
0x11b: {  	s28 =	rddreg [dreg:$0xb];
	[sflag:s0] =	ssyncadd.s32 $0xFFFFFB00;
	s10 =	sshrl.u32 s26, $0x3  }
0x11c: {  	[hbm:s28], [sflag:s9] =	dma.local [spmem:s10], $0x500  }
0x11d: {  	_ =	swait.ge [sflag:s0], $0x500  }
0x11e: {  	[sflag:s0] =	ssyncset.done $0x0;
	s11 =	rddreg [dreg:$0x11]  }
0x11f: {  	s22 =	rddreg [dreg:$0xc];
	[sflag:s0] =	ssyncadd.s32 $0xFFFFFB00;
	s10 =	sshrl.u32 s11, $0x3  }
0x120: {  	[hbm:s22], [sflag:s9] =	dma.local [spmem:s10], $0x500  }
0x121: {  	_ =	swait.ge [sflag:s0], $0x500  }
0x122: {  	[sflag:s0] =	ssyncset.done $0x0  }
0x123: {  	s26 =	sshrl.u32 s29, $0x3;
	s28 =	rddreg [dreg:$0xd];
	[sflag:s0] =	ssyncadd.s32 $0xFFFFFB00  }
0x124: {  	[hbm:s28], [sflag:s9] =	dma.local [spmem:s26], $0x500  }
0x125: {  	_ =	swait.ge [sflag:s0], $0x500  }
0x126: {  	[sflag:s0] =	ssyncset.done $0x0  }
0x127: {  	s22 =	sshrl.u32 s30, $0x3;
	s26 =	rddreg [dreg:$0xe];
	[sflag:s0] =	ssyncadd.s32 $0xFFFFFB00  }
0x128: {  	[hbm:s26], [sflag:s9] =	dma.local [spmem:s22], $0x500  }
0x129: {  	_ =	swait.ge [sflag:s0], $0x500  }
0x12a: {  	s4 =	sadd.s32 $0x1, s4;
	s28 =	rddreg [dreg:$0xf]  }
0x12b: {  	p0 =	sne.s32 s4, s28  }
.Ltmp5:
0x12c: {  	_ = 	snop;
	(pc) =	sbr.rel @p0 .LBB2_1-.Ltmp5, $3  }
0x12d: {  	_ =	sdelay $0x1  }
0x12e: {  	[sflag:s0] =	ssyncset.done $0x0  }
0x12f: {  	[sflag:s0] =	ssyncadd.s32 $0xFFFFFB00  }
0x130: {  	_ =	sfence.sel $0x180000  }
0x131: {  	[bflag:$0x0] =	sbarrier.arrive $0xFFFF  }
0x132: {  	_ =	strace $0x9000004D  }
0x133: {  	s0 =	stileid.u32;
	[bflag:$0x2] =	sbarrier.arrive $0xFFFF  }
0x134: {  	p0 =	sne.s32 s0, $0x0;
	s0 =	rddreg [dreg:$0x3]  }
0x135: {  	s0 =	sadd.s32 @!p0 $0x100000, s0  }
0x136: {  	[sflag:s0] =	ssyncadd.tile.s32 @!p0 $0x1;
	_ =	shalt  }
.Lfunc_end2:
_tile_overlayer_lowered:
.L_overlay_start_2:
0x137: {  	(tag) =	ssettag $0x2  }
0x138: {  	s0 =	rddreg [dreg:$0x0];
	s2 =	stileid.u32  }
0x139: {  	s1 =	rddreg [dreg:$0x1];
	p0 =	sne.s32 s2, $0x0  }
0x13a: {  	s3 =	rddreg [dreg:$0x2];
	[bflag:$0x3] =	sbarrier.arrive $0xFFFF;
	s2 =	simm.s32 @!p0 $0x1C03  }
0x13b: {  	[timem:s3], [sflag:s2] =	dma.local @!p0 [hbm:s0], s1  }
0x13c: {  	s0 =	simm.s32 @!p0 $0x3  }
0x13d: {  	_ =	swait.ge @!p0 [sflag:s0], s1  }
0x13e: {  	s1 =	ssub.s32 @!p0 $0x0, s1;
	[sflag:s0] =	ssyncset.done @!p0 $0x0  }
0x13f: {  	[sflag:s0] =	ssyncadd.s32 @!p0 s1  }
0x140: {  	[bflag:$0x3] =	sbarrier.arrive $0xFFFF  }
0x141: {  	_ =	shalt  }

</sc_bundles>
